<compile_context>
chip_gen: v7x
topology: tpu7x:2x2x1
jax: 0.10.2.dev20260603
libtpu: 0.0.44.dev20260713+nightly
codegen_flags: <defaults>
</compile_context>

<pallas_src>
import functools

import jax
import jax.numpy as jnp
from jax import lax
from jax.experimental import pallas as pl
from jax.experimental.pallas import tpu as pltpu
from jax.experimental.pallas import tpu_sc as plsc

_PREC = lax.Precision.HIGHEST

_D = 128
_G = 64
_EB = 3200
_CB = 128
_NW = 32
_NS = 16


def _node_proj_body(h_ref, u_ref, gid_ref, ws_ref, bs_ref,
                    p_ref, ah_ref, eh_ref, dfh_ref, starts_ref,
                    stacc_ref, *, nblk):
    i = pl.program_id(0)

    @pl.when(i == 0)
    def _():
        stacc_ref[...] = jnp.zeros_like(stacc_ref)

    h = h_ref[...]
    u = u_ref[...]
    ah = jnp.dot(h, ws_ref[0], precision=_PREC) + bs_ref[0]
    cu = jnp.dot(u, ws_ref[2], precision=_PREC) + bs_ref[2]
    dh = jnp.dot(h, ws_ref[3], precision=_PREC) + bs_ref[3]
    eh = jnp.dot(h, ws_ref[4], precision=_PREC) + bs_ref[4]
    fu = jnp.dot(u, ws_ref[5], precision=_PREC) + bs_ref[5]
    gid = gid_ref[...]
    giota = lax.broadcasted_iota(jnp.int32, (1, _G), 1)
    oh = (gid == giota).astype(jnp.float32)
    cu_atom = jnp.dot(oh, cu, precision=_PREC)
    fu_atom = jnp.dot(oh, fu, precision=_PREC)
    p_ref[...] = ah + cu_atom
    ah_ref[...] = ah
    eh_ref[...] = eh
    dfh_ref[...] = dh + fu_atom
    lt = (gid < giota).astype(jnp.int32)
    le = (gid <= giota).astype(jnp.int32)
    stacc_ref[0:1, :] += jnp.sum(lt, axis=0, keepdims=True)
    stacc_ref[1:2, :] += jnp.sum(le, axis=0, keepdims=True)

    @pl.when(i == nblk - 1)
    def _():
        starts_ref[...] = stacc_ref[0:2, :]


_CB2 = 80


def _sc_gather_q_body(src_hbm, dst_hbm, p_hbm, ah_hbm,
                      q_hbm,
                      src_all, dst_all, bufp0, bufp1, bufa0, bufa1,
                      semp0, semp1, sema0, sema1, *, cb):
    E = src_hbm.shape[0]
    epw = E // _NW
    nch = epw // cb
    c = lax.axis_index("c")
    s = lax.axis_index("s")
    w = s * 2 + c
    base_w = w * epw
    bufp = (bufp0, bufp1)
    bufa = (bufa0, bufa1)
    semp = (semp0, semp1)
    sema = (sema0, sema1)

    pltpu.sync_copy(src_hbm.at[pl.ds(base_w, epw)], src_all)
    pltpu.sync_copy(dst_hbm.at[pl.ds(base_w, epw)], dst_all)

    def _issue(k, ci):
        isl = pl.ds(ci * cb, cb)
        pltpu.async_copy(p_hbm.at[src_all.at[isl]], bufp[k], semp[k])
        pltpu.async_copy(ah_hbm.at[dst_all.at[isl]], bufa[k], sema[k])

    def _wait(k, ci):
        isl = pl.ds(ci * cb, cb)
        pltpu.make_async_copy(p_hbm.at[src_all.at[isl]], bufp[k], semp[k]).wait()
        pltpu.make_async_copy(ah_hbm.at[dst_all.at[isl]], bufa[k], sema[k]).wait()

    _issue(0, 0)

    def trip(tt, carry):
        for pos in range(2):
            ci = 2 * tt + pos

            @pl.when(ci < nch)
            def _():
                @pl.when(ci + 1 < nch)
                def _():
                    _issue((pos + 1) % 2, ci + 1)

                _wait(pos, ci)

                def add_row(r, carry2):
                    for cc in range(_D // 16):
                        sl = pl.ds(cc * 16, 16)
                        bufp[pos][r, sl] = bufp[pos][r, sl] + bufa[pos][r, sl]
                    return carry2

                lax.fori_loop(0, cb, add_row, 0)
                pltpu.sync_copy(bufp[pos], q_hbm.at[pl.ds(base_w + ci * cb, cb)])

        return carry

    lax.fori_loop(0, (nch + 1) // 2, trip, 0)


def _sc_gather_r_body(src_hbm, eh_hbm, r_hbm,
                      src_all, bufe0, bufe1, seme0, seme1, *, cb):
    E = src_hbm.shape[0]
    epw = E // _NW
    nch = epw // cb
    c = lax.axis_index("c")
    s = lax.axis_index("s")
    w = s * 2 + c
    base_w = w * epw
    bufe = (bufe0, bufe1)
    seme = (seme0, seme1)

    pltpu.sync_copy(src_hbm.at[pl.ds(base_w, epw)], src_all)

    def _issue(k, ci):
        isl = pl.ds(ci * cb, cb)
        pltpu.async_copy(eh_hbm.at[src_all.at[isl]], bufe[k], seme[k])

    def _wait(k, ci):
        isl = pl.ds(ci * cb, cb)
        pltpu.make_async_copy(eh_hbm.at[src_all.at[isl]], bufe[k], seme[k]).wait()

    _issue(0, 0)

    def trip(tt, carry):
        for pos in range(2):
            ci = 2 * tt + pos

            @pl.when(ci < nch)
            def _():
                @pl.when(ci + 1 < nch)
                def _():
                    _issue((pos + 1) % 2, ci + 1)

                _wait(pos, ci)
                pltpu.sync_copy(bufe[pos], r_hbm.at[pl.ds(base_w + ci * cb, cb)])

        return carry

    lax.fori_loop(0, (nch + 1) // 2, trip, 0)


def _edge_pass1_body(e_ref, q_ref, ws_ref, bs_ref, g_ref, b_ref, prev_ref,
                     pre_ref, ac_ref, acc_ref, *, nblk, E, finalize):
    i = pl.program_id(0)

    @pl.when(i == 0)
    def _():
        acc_ref[...] = jnp.zeros_like(acc_ref)
        acc_ref[0:2, :] = prev_ref[...]

    pre = jnp.dot(e_ref[...], ws_ref[1], precision=_PREC) + bs_ref[1] + q_ref[...]
    pre_ref[...] = pre
    acc_ref[0:1, :] += jnp.sum(pre, axis=0, keepdims=True)
    acc_ref[1:2, :] += jnp.sum(pre * pre, axis=0, keepdims=True)

    @pl.when(i == nblk - 1)
    def _():
        if finalize:
            m = acc_ref[0:1, :] / E
            v = acc_ref[1:2, :] / E - m * m
            a = g_ref[1:2, :] * lax.rsqrt(v + 1e-5)
            ac_ref[0:1, :] = a
            ac_ref[1:2, :] = b_ref[1:2, :] - m * a
        else:
            ac_ref[...] = acc_ref[0:2, :]


def _edge_pass2_impl(pre_ref, e_ref, r_ref, dst_ref, ac_ref, st_ref,
                     sgp_ref, cntp_ref,
                     enew_ref, v_ref, sg_ref, cnte_ref,
                     sgacc_ref, cntacc_ref, *, nblk):
    i = pl.program_id(0)

    @pl.when(i == 0)
    def _():
        sgacc_ref[...] = sgp_ref[...]
        cntacc_ref[...] = jnp.zeros_like(cntacc_ref)
        cntacc_ref[0:1, :] = cntp_ref[...]

    a = ac_ref[0:1, :]
    c = ac_ref[1:2, :]
    en = e_ref[...] + jnp.maximum(pre_ref[...] * a + c, 0.0)
    enew_ref[...] = en
    sig = 1.0 / (1.0 + jnp.exp(-en))
    v_ref[:, 0:_D] = sig * r_ref[...]
    v_ref[:, _D:2 * _D] = sig
    dstb = dst_ref[...]
    ge0 = (dstb >= st_ref[0:1, :]).astype(jnp.float32)
    ge1 = (dstb >= st_ref[1:2, :]).astype(jnp.float32)
    oh = ge0 - ge1
    dn = (((0,), (0,)), ((), ()))
    sgacc_ref[...] += lax.dot_general(oh, en, dn, precision=_PREC)
    cntacc_ref[0:1, :] += jnp.sum(oh, axis=0, keepdims=True)

    @pl.when(i == nblk - 1)
    def _():
        sg_ref[...] = sgacc_ref[...]
        cnte_ref[...] = cntacc_ref[0:1, :]


def _edge_pass2_a(pre_ref, e_ref, r_ref, dst_ref, ac_ref, st_ref,
                  sgp_ref, cntp_ref, enew_ref, v_ref, sg_ref, cnte_ref,
                  sgacc_ref, cntacc_ref, *, nblk):
    _edge_pass2_impl(pre_ref, e_ref, r_ref, dst_ref, ac_ref, st_ref,
                     sgp_ref, cntp_ref, enew_ref, v_ref, sg_ref, cnte_ref,
                     sgacc_ref, cntacc_ref, nblk=nblk)


def _edge_pass2_b(pre_ref, e_ref, r_ref, dst_ref, ac_ref, st_ref,
                  sgp_ref, cntp_ref, enew_alias_ref,
                  enew_ref, v_ref, sg_ref, cnte_ref,
                  sgacc_ref, cntacc_ref, *, nblk):
    del enew_alias_ref
    _edge_pass2_impl(pre_ref, e_ref, r_ref, dst_ref, ac_ref, st_ref,
                     sgp_ref, cntp_ref, enew_ref, v_ref, sg_ref, cnte_ref,
                     sgacc_ref, cntacc_ref, nblk=nblk)


def _sc_scatter_body(vv_hbm, dst_hbm, nd_hbm, dst_v, zbuf_idx, vbuf, vbufb,
                     zbuf, acc, semi0, semi1, semv0, semv1):
    semi = (semi0, semi1)
    semv = (semv0, semv1)
    E = dst_hbm.shape[0]
    N = nd_hbm.shape[0]
    nchunks = E // _CB
    ntiles = N // 8
    tiles_per_sub = ntiles // _NS
    rem = ntiles - tiles_per_sub * _NS
    zrows = zbuf.shape[0]
    nz = (tiles_per_sub * 8) // zrows
    c = lax.axis_index("c")
    s = lax.axis_index("s")
    t0 = s * tiles_per_sub + jnp.minimum(s, rem)
    extra = s < rem
    r0 = t0 * 8

    def zrow(r, carry):
        for cc in range(_D // 16):
            zbuf[r, pl.ds(cc * 16, 16)] = jnp.zeros((16,), jnp.float32)
        return carry

    lax.fori_loop(0, zrows, zrow, 0)

    def zcp(j, carry):
        pltpu.sync_copy(zbuf, acc.at[pl.ds(r0 + j * zrows, zrows)])
        return carry

    lax.fori_loop(0, nz, zcp, 0)

    @pl.when(extra)
    def _():
        pltpu.sync_copy(zbuf.at[pl.ds(0, 8)], acc.at[pl.ds(r0 + nz * zrows, 8)])

    plsc.subcore_barrier()

    eps = E // _NS
    nch = eps // _CB2
    base_s = s * eps
    dst_v2 = (dst_v, zbuf_idx)
    vbuf2 = (vbuf, vbufb)

    def _issue(k, ci):
        b = base_s + ci * _CB2
        pltpu.async_copy(dst_hbm.at[pl.ds(b, _CB2)], dst_v2[k], semi[k])
        pltpu.async_copy(vv_hbm.at[pl.ds(b, _CB2), pl.ds(c * _D, _D)],
                         vbuf2[k], semv[k])

    def _wait(k, ci):
        b = base_s + ci * _CB2
        pltpu.make_async_copy(dst_hbm.at[pl.ds(b, _CB2)], dst_v2[k], semi[k]).wait()
        pltpu.make_async_copy(vv_hbm.at[pl.ds(b, _CB2), pl.ds(c * _D, _D)],
                              vbuf2[k], semv[k]).wait()

    _issue(0, 0)

    def trip(tt, carry):
        for pos in range(2):
            ci = 2 * tt + pos

            @pl.when(ci < nch)
            def _():
                @pl.when(ci + 1 < nch)
                def _():
                    _issue((pos + 1) % 2, ci + 1)

                _wait(pos, ci)
                pltpu.sync_copy(vbuf2[pos], acc.at[dst_v2[pos]], add=True)

        return carry

    lax.fori_loop(0, (nch + 1) // 2, trip, 0)
    plsc.subcore_barrier()

    def dump(j, carry):
        rr = r0 + j * zrows
        pltpu.sync_copy(acc.at[pl.ds(rr, zrows)],
                        nd_hbm.at[pl.ds(rr, zrows), pl.ds(c * _D, _D)])
        return carry

    lax.fori_loop(0, nz, dump, 0)

    @pl.when(extra)
    def _():
        rr = r0 + nz * zrows
        pltpu.sync_copy(acc.at[pl.ds(rr, 8)],
                        nd_hbm.at[pl.ds(rr, 8), pl.ds(c * _D, _D)])


def _node_pass1_body(nda_ref, ndb_ref, dfh_ref, g_ref, b_ref,
                     hpre_ref, ac_ref, acc_ref, *, nblk, N):
    i = pl.program_id(0)

    @pl.when(i == 0)
    def _():
        acc_ref[...] = jnp.zeros_like(acc_ref)

    num = nda_ref[:, 0:_D] + ndb_ref[:, 0:_D]
    den = nda_ref[:, _D:2 * _D] + ndb_ref[:, _D:2 * _D]
    hpre = dfh_ref[...] + num / (den + 1e-6)
    hpre_ref[...] = hpre
    acc_ref[0:1, :] += jnp.sum(hpre, axis=0, keepdims=True)
    acc_ref[1:2, :] += jnp.sum(hpre * hpre, axis=0, keepdims=True)

    @pl.when(i == nblk - 1)
    def _():
        m = acc_ref[0:1, :] / N
        v = acc_ref[1:2, :] / N - m * m
        a = g_ref[0:1, :] * lax.rsqrt(v + 1e-5)
        ac_ref[0:1, :] = a
        ac_ref[1:2, :] = b_ref[0:1, :] - m * a


def _node_pass2_body(hpre_ref, h_ref, gid_ref, ac_ref,
                     u_ref, sg_ref, cnte_ref, ws_ref, bs_ref, g_ref, b_ref,
                     hn_ref, un_ref, shacc_ref, cntacc_ref, *, nblk, E, G):
    i = pl.program_id(0)

    @pl.when(i == 0)
    def _():
        shacc_ref[...] = jnp.zeros_like(shacc_ref)
        cntacc_ref[...] = jnp.zeros_like(cntacc_ref)

    a = ac_ref[0:1, :]
    c = ac_ref[1:2, :]
    hn = h_ref[...] + jnp.maximum(hpre_ref[...] * a + c, 0.0)
    hn_ref[...] = hn
    gid = gid_ref[...]
    oh = (gid == lax.broadcasted_iota(jnp.int32, (1, _G), 1)).astype(jnp.float32)
    dn = (((0,), (0,)), ((), ()))
    shacc_ref[...] += lax.dot_general(oh, hn, dn, precision=_PREC)
    cntacc_ref[...] += lax.dot_general(oh, jnp.ones_like(hn), dn, precision=_PREC)

    @pl.when(i == nblk - 1)
    def _():
        u = u_ref[...]
        cntn = cntacc_ref[...]
        mean_gh = (jnp.dot(shacc_ref[...], ws_ref[6], precision=_PREC)
                   + cntn * bs_ref[6]) / jnp.maximum(cntn, 1.0)
        mean_he = (jnp.dot(sg_ref[...], ws_ref[7], precision=_PREC)
                   + cnte_ref[...] * bs_ref[7]) / E
        upre = (mean_gh + mean_he
                + jnp.dot(u, ws_ref[8], precision=_PREC) + bs_ref[8])
        m = jnp.sum(upre, axis=0, keepdims=True) / G
        v = jnp.sum(upre * upre, axis=0, keepdims=True) / G - m * m
        un_ref[...] = u + jnp.maximum(
            (upre - m) * lax.rsqrt(v + 1e-5) * g_ref[2:3, :] + b_ref[2:3, :], 0.0)


def kernel(h, e, u, Ws, bs, bn_gamma, bn_beta, edge_index, graph_ids):
    N, D = h.shape
    E = e.shape[0]
    G = u.shape[0]
    assert D == _D and G == _G and E % _EB == 0 and E % _CB == 0

    src = edge_index[0]
    dst = edge_index[1]
    gid2 = graph_ids.reshape(N, 1)
    dst2 = dst.reshape(E, 1)
    f32 = jnp.float32

    NB = 2000
    nnblk = N // NB
    p_, ah_, eh_, dfh_, starts_ = pl.pallas_call(
        functools.partial(_node_proj_body, nblk=nnblk),
        grid=(nnblk,),
        in_specs=[
            pl.BlockSpec((NB, D), lambda i: (i, 0)),
            pl.BlockSpec((G, D), lambda i: (0, 0)),
            pl.BlockSpec((NB, 1), lambda i: (i, 0)),
            pl.BlockSpec((9, D, D), lambda i: (0, 0, 0)),
            pl.BlockSpec((9, D), lambda i: (0, 0)),
        ],
        out_specs=(
            pl.BlockSpec((NB, D), lambda i: (i, 0)),
            pl.BlockSpec((NB, D), lambda i: (i, 0)),
            pl.BlockSpec((NB, D), lambda i: (i, 0)),
            pl.BlockSpec((NB, D), lambda i: (i, 0)),
            pl.BlockSpec((2, G), lambda i: (0, 0)),
        ),
        out_shape=(
            jax.ShapeDtypeStruct((N, D), f32),
            jax.ShapeDtypeStruct((N, D), f32),
            jax.ShapeDtypeStruct((N, D), f32),
            jax.ShapeDtypeStruct((N, D), f32),
            jax.ShapeDtypeStruct((2, G), jnp.int32),
        ),
        scratch_shapes=[pltpu.VMEM((8, G), jnp.int32)],
    )(h, u, gid2, Ws, bs)

    mesh = plsc.VectorSubcoreMesh(core_axis_name="c", subcore_axis_name="s")
    nblk = E // _EB
    nhalf = nblk // 2
    Eh2 = E // 2
    epwh = Eh2 // _NW
    cbh = 40
    gq_scratch = [
        pltpu.VMEM((epwh,), jnp.int32),
        pltpu.VMEM((epwh,), jnp.int32),
        pltpu.VMEM((cbh, D), f32),
        pltpu.VMEM((cbh, D), f32),
        pltpu.VMEM((cbh, D), f32),
        pltpu.VMEM((cbh, D), f32),
        pltpu.SemaphoreType.DMA,
        pltpu.SemaphoreType.DMA,
        pltpu.SemaphoreType.DMA,
        pltpu.SemaphoreType.DMA,
    ]
    gr_scratch = [
        pltpu.VMEM((epwh,), jnp.int32),
        pltpu.VMEM((cbh, D), f32),
        pltpu.VMEM((cbh, D), f32),
        pltpu.SemaphoreType.DMA,
        pltpu.SemaphoreType.DMA,
    ]
    gq_kernel = pl.kernel(
        functools.partial(_sc_gather_q_body, cb=cbh),
        out_type=jax.ShapeDtypeStruct((Eh2, D), f32),
        mesh=mesh,
        scratch_types=gq_scratch,
    )
    gr_kernel = pl.kernel(
        functools.partial(_sc_gather_r_body, cb=cbh),
        out_type=jax.ShapeDtypeStruct((Eh2, D), f32),
        mesh=mesh,
        scratch_types=gr_scratch,
    )
    q0_ = gq_kernel(src[:Eh2], dst[:Eh2], p_, ah_)
    q1_ = gq_kernel(src[Eh2:], dst[Eh2:], p_, ah_)
    r0_ = gr_kernel(src[:Eh2], eh_)
    r1_ = gr_kernel(src[Eh2:], eh_)

    p1_specs_small = [
        pl.BlockSpec((9, D, D), lambda i: (0, 0, 0)),
        pl.BlockSpec((9, D), lambda i: (0, 0)),
        pl.BlockSpec((3, D), lambda i: (0, 0)),
        pl.BlockSpec((3, D), lambda i: (0, 0)),
        pl.BlockSpec((2, D), lambda i: (0, 0)),
    ]
    p1_out = (
        pl.BlockSpec((_EB, D), lambda i: (i, 0)),
        pl.BlockSpec((2, D), lambda i: (0, 0)),
    )
    p1_shape = (
        jax.ShapeDtypeStruct((Eh2, D), f32),
        jax.ShapeDtypeStruct((2, D), f32),
    )
    pre0_, sumsA_ = pl.pallas_call(
        functools.partial(_edge_pass1_body, nblk=nhalf, E=float(E),
                          finalize=False),
        grid=(nhalf,),
        in_specs=[pl.BlockSpec((_EB, D), lambda i: (i, 0)),
                  pl.BlockSpec((_EB, D), lambda i: (i, 0))] + p1_specs_small,
        out_specs=p1_out,
        out_shape=p1_shape,
        scratch_shapes=[pltpu.VMEM((8, D), f32)],
    )(e, q0_, Ws, bs, bn_gamma, bn_beta, jnp.zeros((2, D), f32))
    pre1_, ac_ = pl.pallas_call(
        functools.partial(_edge_pass1_body, nblk=nhalf, E=float(E),
                          finalize=True),
        grid=(nhalf,),
        in_specs=[pl.BlockSpec((_EB, D), lambda i: (i + nhalf, 0)),
                  pl.BlockSpec((_EB, D), lambda i: (i, 0))] + p1_specs_small,
        out_specs=p1_out,
        out_shape=p1_shape,
        scratch_shapes=[pltpu.VMEM((8, D), f32)],
    )(e, q1_, Ws, bs, bn_gamma, bn_beta, sumsA_)

    stf = starts_
    sg0 = jnp.zeros((G, D), f32)
    cnt0 = jnp.zeros((1, G), f32)
    eb_spec = pl.BlockSpec((_EB, D), lambda i: (i, 0))
    eb_spec_off = pl.BlockSpec((_EB, D), lambda i: (i + nhalf, 0))
    common_small = [
        pl.BlockSpec((2, D), lambda i: (0, 0)),
        pl.BlockSpec((2, G), lambda i: (0, 0)),
        pl.BlockSpec((G, D), lambda i: (0, 0)),
        pl.BlockSpec((1, G), lambda i: (0, 0)),
    ]
    out_specs_half = (
        pl.BlockSpec((_EB, 2 * D), lambda i: (i, 0)),
        pl.BlockSpec((G, D), lambda i: (0, 0)),
        pl.BlockSpec((1, G), lambda i: (0, 0)),
    )
    out_shape_half = (
        jax.ShapeDtypeStruct((Eh2, 2 * D), f32),
        jax.ShapeDtypeStruct((G, D), f32),
        jax.ShapeDtypeStruct((1, G), f32),
    )
    enewA_, v0_, sgA_, cntA_ = pl.pallas_call(
        functools.partial(_edge_pass2_a, nblk=nhalf),
        grid=(nhalf,),
        in_specs=[eb_spec, eb_spec, eb_spec,
                  pl.BlockSpec((_EB, 1), lambda i: (i, 0))] + common_small,
        out_specs=(pl.BlockSpec((_EB, D), lambda i: (i, 0)),) + out_specs_half,
        out_shape=(jax.ShapeDtypeStruct((E, D), f32),) + out_shape_half,
        scratch_shapes=[pltpu.VMEM((G, D), f32), pltpu.VMEM((8, G), f32)],
    )(pre0_, e, r0_, dst2, ac_, stf, sg0, cnt0)

    scatter_scratch = [
        pltpu.VMEM((_CB2,), jnp.int32),
        pltpu.VMEM((_CB2,), jnp.int32),
        pltpu.VMEM((_CB2, D), f32),
        pltpu.VMEM((_CB2, D), f32),
        pltpu.VMEM((104, D), f32),
        pltpu.VMEM_SHARED((N, D), f32),
        pltpu.SemaphoreType.DMA,
        pltpu.SemaphoreType.DMA,
        pltpu.SemaphoreType.DMA,
        pltpu.SemaphoreType.DMA,
    ]
    ndA_ = pl.kernel(
        _sc_scatter_body,
        out_type=jax.ShapeDtypeStruct((N, 2 * D), f32),
        mesh=mesh,
        scratch_types=scatter_scratch,
    )(v0_, dst[:Eh2])

    enew_, v1_, sg_, cnte_ = pl.pallas_call(
        functools.partial(_edge_pass2_b, nblk=nhalf),
        grid=(nhalf,),
        in_specs=[eb_spec, eb_spec_off, eb_spec,
                  pl.BlockSpec((_EB, 1), lambda i: (i + nhalf, 0))]
                 + common_small
                 + [pl.BlockSpec(memory_space=pl.ANY)],
        out_specs=(pl.BlockSpec((_EB, D), lambda i: (i + nhalf, 0)),)
                  + out_specs_half,
        out_shape=(jax.ShapeDtypeStruct((E, D), f32),) + out_shape_half,
        input_output_aliases={8: 0},
        scratch_shapes=[pltpu.VMEM((G, D), f32), pltpu.VMEM((8, G), f32)],
    )(pre1_, e, r1_, dst2, ac_, stf, sgA_, cntA_, enewA_)
    cnte_t = cnte_.reshape(G, 1)

    ndB_ = pl.kernel(
        _sc_scatter_body,
        out_type=jax.ShapeDtypeStruct((N, 2 * D), f32),
        mesh=mesh,
        scratch_types=scatter_scratch,
    )(v1_, dst[Eh2:])

    hpre_, ac0_ = pl.pallas_call(
        functools.partial(_node_pass1_body, nblk=nnblk, N=float(N)),
        grid=(nnblk,),
        in_specs=[
            pl.BlockSpec((NB, 2 * D), lambda i: (i, 0)),
            pl.BlockSpec((NB, 2 * D), lambda i: (i, 0)),
            pl.BlockSpec((NB, D), lambda i: (i, 0)),
            pl.BlockSpec((3, D), lambda i: (0, 0)),
            pl.BlockSpec((3, D), lambda i: (0, 0)),
        ],
        out_specs=(
            pl.BlockSpec((NB, D), lambda i: (i, 0)),
            pl.BlockSpec((2, D), lambda i: (0, 0)),
        ),
        out_shape=(
            jax.ShapeDtypeStruct((N, D), f32),
            jax.ShapeDtypeStruct((2, D), f32),
        ),
        scratch_shapes=[pltpu.VMEM((8, D), f32)],
    )(ndA_, ndB_, dfh_, bn_gamma, bn_beta)

    hn_, un_ = pl.pallas_call(
        functools.partial(_node_pass2_body, nblk=nnblk, E=float(E), G=float(G)),
        grid=(nnblk,),
        in_specs=[
            pl.BlockSpec((NB, D), lambda i: (i, 0)),
            pl.BlockSpec((NB, D), lambda i: (i, 0)),
            pl.BlockSpec((NB, 1), lambda i: (i, 0)),
            pl.BlockSpec((2, D), lambda i: (0, 0)),
            pl.BlockSpec((G, D), lambda i: (0, 0)),
            pl.BlockSpec((G, D), lambda i: (0, 0)),
            pl.BlockSpec((G, 1), lambda i: (0, 0)),
            pl.BlockSpec((9, D, D), lambda i: (0, 0, 0)),
            pl.BlockSpec((9, D), lambda i: (0, 0)),
            pl.BlockSpec((3, D), lambda i: (0, 0)),
            pl.BlockSpec((3, D), lambda i: (0, 0)),
        ],
        out_specs=(
            pl.BlockSpec((NB, D), lambda i: (i, 0)),
            pl.BlockSpec((G, D), lambda i: (0, 0)),
        ),
        out_shape=(
            jax.ShapeDtypeStruct((N, D), f32),
            jax.ShapeDtypeStruct((G, D), f32),
        ),
        scratch_shapes=[pltpu.VMEM((G, D), f32), pltpu.VMEM((G, D), f32)],
    )(hpre_, h, gid2, ac0_, u, sg_, cnte_t, Ws, bs, bn_gamma, bn_beta)

    return (hn_, enew_, un_)

# --- scband reference (transcript-rebuilt; emitter-appended) ---
"""Pipeline reference for scband-gated-gcnconv-58969900974273 (READ-ONLY COPY).

The authoritative reference and input builder live on the scoring server;
editing this copy changes nothing except your own understanding.
"""

import jax, jax.numpy as jnp
import numpy as np

N = 10000
E = 320000
G = 64
D = 128


def setup_inputs(seed: int = 0) -> dict:
    key = jax.random.key(seed)
    k = jax.random.split(key, 8)
    h = jax.random.normal(k[0], (N, D), dtype=jnp.float32)
    e = jax.random.normal(k[1], (E, D), dtype=jnp.float32)
    u = jax.random.normal(k[2], (G, D), dtype=jnp.float32)
    edge_index = jax.random.randint(k[3], (2, E), 0, N)
    graph_ids = jnp.sort(jax.random.randint(k[4], (N,), 0, G))
    # 9 linear layers (MLP with num_fc_layers=1 == single Linear): A,B,C,D,E,F,G,H,I stacked
    Ws = jax.random.normal(k[5], (9, D, D), dtype=jnp.float32) * (1.0 / np.sqrt(D))
    bs = jnp.zeros((9, D), dtype=jnp.float32)
    # BatchNorm1d params for h, e, u (index 0=h, 1=e, 2=u)
    bn_gamma = jnp.ones((3, D), dtype=jnp.float32)
    bn_beta = jnp.zeros((3, D), dtype=jnp.float32)
    return {"h": h, "e": e, "u": u, "Ws": Ws, "bs": bs,
            "bn_gamma": bn_gamma, "bn_beta": bn_beta,
            "edge_index": edge_index, "graph_ids": graph_ids}


def _bn(x, g, b):
    m = jnp.mean(x, axis=0)
    v = jnp.var(x, axis=0)
    return (x - m) / jnp.sqrt(v + 1e-5) * g + b


def reference(h, e, u, Ws, bs, bn_gamma, bn_beta, edge_index, graph_ids):
    src = edge_index[0]
    dst = edge_index[1]

    def lin(x, i):
        return x @ Ws[i] + bs[i]

    # A,B,C projections
    Ah = lin(h, 0)
    Be = lin(e, 1)
    Cu = lin(u, 2)
    # g2a: each atom receives Cu from its (single) global node
    Cu_atom = Cu[graph_ids]
    # edge update: e = Ah_src + Ah_dst + Be + Cu_src
    e_new = Ah[src] + Ah[dst] + Be + Cu_atom[src]
    e_new = _bn(e_new, bn_gamma[1], bn_beta[1])
    e_new = jax.nn.relu(e_new)
    e_new = e + e_new  # residual (in_size == out_size)

    # gated aggregation at dst atoms
    Eh = lin(h, 4)
    sig = jax.nn.sigmoid(e_new)
    num = jax.ops.segment_sum(sig * Eh[src], dst, num_segments=N)
    den = jax.ops.segment_sum(sig, dst, num_segments=N)
    h1 = num / (den + 1e-6)

    # g2a with F
    Fu = lin(u, 5)
    h2 = Fu[graph_ids]

    h_new = lin(h, 3) + h1 + h2
    h_new = _bn(h_new, bn_gamma[0], bn_beta[0])
    h_new = jax.nn.relu(h_new)
    h_new = h + h_new  # residual

    # global update
    Gh = lin(h_new, 6)
    He = lin(e_new, 7)
    He_atom = jax.ops.segment_sum(He, dst, num_segments=N)
    He_glob = jax.ops.segment_sum(He_atom, graph_ids, num_segments=G)
    mean_He = He_glob / float(E)
    counts = jax.ops.segment_sum(jnp.ones((N, 1), jnp.float32), graph_ids, num_segments=G)
    mean_Gh = jax.ops.segment_sum(Gh, graph_ids, num_segments=G) / jnp.maximum(counts, 1.0)

    u_new = mean_Gh + mean_He + lin(u, 8)
    u_new = _bn(u_new, bn_gamma[2], bn_beta[2])
    u_new = jax.nn.relu(u_new)
    u_new = u + u_new  # residual

    return (h_new, e_new, u_new)

if __name__ == "__main__":
    import jax
    _d = setup_inputs()
    print(jax.jit(kernel)(*tuple(_d.values())))

</pallas_src>

<mosaic_0001>
#map = affine_map<(d0, d1) -> (0)>
#map1 = affine_map<(d0, d1) -> (0, 0)>
module attributes {stable_mosaic.version = 14 : i64} {
  func.func @_sc_gather_q_body(%arg0: i32, %arg1: i32, %arg2: memref<160000xi32, #tpu.memory_space<hbm>>, %arg3: memref<160000xi32, #tpu.memory_space<hbm>>, %arg4: memref<10000x128xf32, #tpu.memory_space<hbm>>, %arg5: memref<10000x128xf32, #tpu.memory_space<hbm>>, %arg6: memref<160000x128xf32, #tpu.memory_space<hbm>>, %arg7: memref<5000xi32, #tpu.memory_space<vmem>>, %arg8: memref<5000xi32, #tpu.memory_space<vmem>>, %arg9: memref<40x128xf32, #tpu.memory_space<vmem>>, %arg10: memref<40x128xf32, #tpu.memory_space<vmem>>, %arg11: memref<40x128xf32, #tpu.memory_space<vmem>>, %arg12: memref<40x128xf32, #tpu.memory_space<vmem>>, %arg13: memref<!tpu.dma_semaphore, #tpu.memory_space<semaphore_mem>>, %arg14: memref<!tpu.dma_semaphore, #tpu.memory_space<semaphore_mem>>, %arg15: memref<!tpu.dma_semaphore, #tpu.memory_space<semaphore_mem>>, %arg16: memref<!tpu.dma_semaphore, #tpu.memory_space<semaphore_mem>>) attributes {dimension_semantics = [#tpu.dimension_semantics<core_parallel>, #tpu.dimension_semantics<subcore_parallel>], iteration_bounds = array<i64: 2, 16>, scalar_prefetch = 0 : i64, scratch_operands = 10 : i64, tpu.core_type = #tpu.core_type<sc_vector_subcore>, window_params = [{transform_indices = #map}, {transform_indices = #map}, {transform_indices = #map1}, {transform_indices = #map1}, {transform_indices = #map1}]} {
    %mul3A = arith.constant 2 : i32
    %mul3A_0 = arith.muli %arg1, %mul3A : i32
    %add3A = arith.addi %mul3A_0, %arg0 : i32
    %mul3A_1 = arith.constant 5000 : i32
    %mul3A_2 = arith.muli %add3A, %mul3A_1 : i32
    "tpu.region"() ({
      %run_scoped3A = tpu.sem_alloc : memref<!tpu.dma_semaphore, #tpu.memory_space<semaphore_mem>>
      %dma_start3A_17 = tpu.memref_slice %arg2[%mul3A_2] : memref<160000xi32, #tpu.memory_space<hbm>> -> memref<5000xi32, #tpu.memory_space<hbm>>
      %dma_start3A_18 = tpu.memref_slice %arg2[%mul3A_2] : memref<160000xi32, #tpu.memory_space<hbm>> -> memref<5000xi32, #tpu.memory_space<hbm>>
      tpu.enqueue_dma source(%dma_start3A_18 : memref<5000xi32, #tpu.memory_space<hbm>>) target(%arg7 : memref<5000xi32, #tpu.memory_space<vmem>>) target_semaphore(%run_scoped3A : memref<!tpu.dma_semaphore, #tpu.memory_space<semaphore_mem>>)
      %dma_wait3A = tpu.memref_slice %arg2[%mul3A_2] : memref<160000xi32, #tpu.memory_space<hbm>> -> memref<5000xi32, #tpu.memory_space<hbm>>
      %dma_wait3A_19 = tpu.memref_slice %arg2[%mul3A_2] : memref<160000xi32, #tpu.memory_space<hbm>> -> memref<5000xi32, #tpu.memory_space<hbm>>
      tpu.wait_dma2 semaphore(%run_scoped3A : memref<!tpu.dma_semaphore, #tpu.memory_space<semaphore_mem>>) src(%dma_wait3A_19 : memref<5000xi32, #tpu.memory_space<hbm>>) dst(%arg7 : memref<5000xi32, #tpu.memory_space<vmem>>)
      tpu.yield
    }) : () -> ()
    "tpu.region"() ({
      %run_scoped3A = tpu.sem_alloc : memref<!tpu.dma_semaphore, #tpu.memory_space<semaphore_mem>>
      %dma_start3A_17 = tpu.memref_slice %arg3[%mul3A_2] : memref<160000xi32, #tpu.memory_space<hbm>> -> memref<5000xi32, #tpu.memory_space<hbm>>
      %dma_start3A_18 = tpu.memref_slice %arg3[%mul3A_2] : memref<160000xi32, #tpu.memory_space<hbm>> -> memref<5000xi32, #tpu.memory_space<hbm>>
      tpu.enqueue_dma source(%dma_start3A_18 : memref<5000xi32, #tpu.memory_space<hbm>>) target(%arg8 : memref<5000xi32, #tpu.memory_space<vmem>>) target_semaphore(%run_scoped3A : memref<!tpu.dma_semaphore, #tpu.memory_space<semaphore_mem>>)
      %dma_wait3A = tpu.memref_slice %arg3[%mul3A_2] : memref<160000xi32, #tpu.memory_space<hbm>> -> memref<5000xi32, #tpu.memory_space<hbm>>
      %dma_wait3A_19 = tpu.memref_slice %arg3[%mul3A_2] : memref<160000xi32, #tpu.memory_space<hbm>> -> memref<5000xi32, #tpu.memory_space<hbm>>
      tpu.wait_dma2 semaphore(%run_scoped3A : memref<!tpu.dma_semaphore, #tpu.memory_space<semaphore_mem>>) src(%dma_wait3A_19 : memref<5000xi32, #tpu.memory_space<hbm>>) dst(%arg8 : memref<5000xi32, #tpu.memory_space<vmem>>)
      tpu.yield
    }) : () -> ()
    %dma_start3A = arith.constant 0 : i32
    %dma_start3A_3 = tpu.memref_slice %arg7[%dma_start3A] : memref<5000xi32, #tpu.memory_space<vmem>> -> memref<40xi32, #tpu.memory_space<vmem>>
    %dma_start3A_4 = arith.constant 0 : i32
    %dma_start3A_5 = arith.constant 0 : i32
    %dma_start3A_6 = tpu.memref_slice %arg4[%dma_start3A_4, %dma_start3A_5] : memref<10000x128xf32, #tpu.memory_space<hbm>> -> memref<10000x128xf32, #tpu.memory_space<hbm>>
    tpu.enqueue_indirect_dma source(%dma_start3A_6 : memref<10000x128xf32, #tpu.memory_space<hbm>>) target(%arg9 : memref<40x128xf32, #tpu.memory_space<vmem>>) offsets(%dma_start3A_3 : memref<40xi32, #tpu.memory_space<vmem>>) semaphore(%arg13 : memref<!tpu.dma_semaphore, #tpu.memory_space<semaphore_mem>>)
    %dma_start3A_7 = arith.constant 0 : i32
    %dma_start3A_8 = tpu.memref_slice %arg8[%dma_start3A_7] : memref<5000xi32, #tpu.memory_space<vmem>> -> memref<40xi32, #tpu.memory_space<vmem>>
    %dma_start3A_9 = arith.constant 0 : i32
    %dma_start3A_10 = arith.constant 0 : i32
    %dma_start3A_11 = tpu.memref_slice %arg5[%dma_start3A_9, %dma_start3A_10] : memref<10000x128xf32, #tpu.memory_space<hbm>> -> memref<10000x128xf32, #tpu.memory_space<hbm>>
    tpu.enqueue_indirect_dma source(%dma_start3A_11 : memref<10000x128xf32, #tpu.memory_space<hbm>>) target(%arg11 : memref<40x128xf32, #tpu.memory_space<vmem>>) offsets(%dma_start3A_8 : memref<40xi32, #tpu.memory_space<vmem>>) semaphore(%arg15 : memref<!tpu.dma_semaphore, #tpu.memory_space<semaphore_mem>>)
    %scan3A = arith.constant 0 : i32
    %scan3A_12 = arith.constant 0 : i32
    %scan3A_13 = arith.constant 63 : i32
    %scan3A_14 = arith.addi %scan3A_12, %scan3A_13 : i32
    %scan3A_15 = arith.constant 1 : i32
    scf.for %scan3A_17 = %scan3A_12 to %scan3A_14 step %scan3A_15  : i32 {
      %mul3A_18 = arith.constant 2 : i32
      %mul3A_19 = arith.muli %mul3A_18, %scan3A_17 : i32
      %add3A_20 = arith.constant 0 : i32
      %add3A_21 = arith.addi %mul3A_19, %add3A_20 : i32
      %lt3A = arith.constant 125 : i32
      %lt3A_22 = arith.cmpi slt, %add3A_21, %lt3A : i32
      %convert_element_type3A = arith.extui %lt3A_22 : i1 to i32
      %cond3A = arith.constant 0 : i32
      %cond3A_23 = arith.cmpi ne, %convert_element_type3A, %cond3A : i32
      scf.if %cond3A_23 {
        %add3A_33 = arith.constant 1 : i32
        %add3A_34 = arith.addi %add3A_21, %add3A_33 : i32
        %lt3A_35 = arith.constant 125 : i32
        %lt3A_36 = arith.cmpi slt, %add3A_34, %lt3A_35 : i32
        %convert_element_type3A_37 = arith.extui %lt3A_36 : i1 to i32
        %cond3A_38 = arith.constant 0 : i32
        %cond3A_39 = arith.cmpi ne, %convert_element_type3A_37, %cond3A_38 : i32
        scf.if %cond3A_39 {
          %add3A_58 = arith.constant 1 : i32
          %add3A_59 = arith.addi %add3A_21, %add3A_58 : i32
          %mul3A_60 = arith.constant 40 : i32
          %mul3A_61 = arith.muli %add3A_59, %mul3A_60 : i32
          %dma_start3A_62 = tpu.memref_slice %arg7[%mul3A_61] : memref<5000xi32, #tpu.memory_space<vmem>> -> memref<40xi32, #tpu.memory_space<vmem>>
          %dma_start3A_63 = arith.constant 0 : i32
          %dma_start3A_64 = arith.constant 0 : i32
          %dma_start3A_65 = tpu.memref_slice %arg4[%dma_start3A_63, %dma_start3A_64] : memref<10000x128xf32, #tpu.memory_space<hbm>> -> memref<10000x128xf32, #tpu.memory_space<hbm>>
          tpu.enqueue_indirect_dma source(%dma_start3A_65 : memref<10000x128xf32, #tpu.memory_space<hbm>>) target(%arg10 : memref<40x128xf32, #tpu.memory_space<vmem>>) offsets(%dma_start3A_62 : memref<40xi32, #tpu.memory_space<vmem>>) semaphore(%arg14 : memref<!tpu.dma_semaphore, #tpu.memory_space<semaphore_mem>>)
          %dma_start3A_66 = tpu.memref_slice %arg8[%mul3A_61] : memref<5000xi32, #tpu.memory_space<vmem>> -> memref<40xi32, #tpu.memory_space<vmem>>
          %dma_start3A_67 = arith.constant 0 : i32
          %dma_start3A_68 = arith.constant 0 : i32
          %dma_start3A_69 = tpu.memref_slice %arg5[%dma_start3A_67, %dma_start3A_68] : memref<10000x128xf32, #tpu.memory_space<hbm>> -> memref<10000x128xf32, #tpu.memory_space<hbm>>
          tpu.enqueue_indirect_dma source(%dma_start3A_69 : memref<10000x128xf32, #tpu.memory_space<hbm>>) target(%arg12 : memref<40x128xf32, #tpu.memory_space<vmem>>) offsets(%dma_start3A_66 : memref<40xi32, #tpu.memory_space<vmem>>) semaphore(%arg16 : memref<!tpu.dma_semaphore, #tpu.memory_space<semaphore_mem>>)
        } else {
        }
        %mul3A_40 = arith.constant 40 : i32
        %mul3A_41 = arith.muli %add3A_21, %mul3A_40 : i32
        %dma_wait3A = tpu.memref_slice %arg7[%mul3A_41] : memref<5000xi32, #tpu.memory_space<vmem>> -> memref<40xi32, #tpu.memory_space<vmem>>
        %dma_wait3A_42 = arith.constant 0 : i32
        %dma_wait3A_43 = arith.constant 0 : i32
        %dma_wait3A_44 = tpu.memref_slice %arg4[%dma_wait3A_42, %dma_wait3A_43] : memref<10000x128xf32, #tpu.memory_space<hbm>> -> memref<10000x128xf32, #tpu.memory_space<hbm>>
        tpu.wait_indirect_dma semaphore(%arg13 : memref<!tpu.dma_semaphore, #tpu.memory_space<semaphore_mem>>) src(%dma_wait3A_44 : memref<10000x128xf32, #tpu.memory_space<hbm>>) dst(%arg9 : memref<40x128xf32, #tpu.memory_space<vmem>>)
        %dma_wait3A_45 = tpu.memref_slice %arg8[%mul3A_41] : memref<5000xi32, #tpu.memory_space<vmem>> -> memref<40xi32, #tpu.memory_space<vmem>>
        %dma_wait3A_46 = arith.constant 0 : i32
        %dma_wait3A_47 = arith.constant 0 : i32
        %dma_wait3A_48 = tpu.memref_slice %arg5[%dma_wait3A_46, %dma_wait3A_47] : memref<10000x128xf32, #tpu.memory_space<hbm>> -> memref<10000x128xf32, #tpu.memory_space<hbm>>
        tpu.wait_indirect_dma semaphore(%arg15 : memref<!tpu.dma_semaphore, #tpu.memory_space<semaphore_mem>>) src(%dma_wait3A_48 : memref<10000x128xf32, #tpu.memory_space<hbm>>) dst(%arg11 : memref<40x128xf32, #tpu.memory_space<vmem>>)
        %scan3A_49 = arith.constant 0 : i32
        %scan3A_50 = arith.constant 0 : i32
        %scan3A_51 = arith.constant 40 : i32
        %scan3A_52 = arith.addi %scan3A_50, %scan3A_51 : i32
        %scan3A_53 = arith.constant 1 : i32
        scf.for %scan3A_58 = %scan3A_50 to %scan3A_52 step %scan3A_53  : i32 {
          %get3A = arith.index_cast %scan3A_58 : i32 to index
          %get3A_59 = arith.constant 0 : index
          %get3A_60 = tpu.vector_load %arg9[%get3A, %get3A_59] {strides = array<i32>} : memref<40x128xf32, #tpu.memory_space<vmem>>, vector<1x16xf32>,
          %get3A_61 = vector.shape_cast %get3A_60 : vector<1x16xf32> to vector<16xf32>
          %get3A_62 = arith.index_cast %scan3A_58 : i32 to index
          %get3A_63 = arith.constant 0 : index
          %get3A_64 = tpu.vector_load %arg11[%get3A_62, %get3A_63] {strides = array<i32>} : memref<40x128xf32, #tpu.memory_space<vmem>>, vector<1x16xf32>,
          %get3A_65 = vector.shape_cast %get3A_64 : vector<1x16xf32> to vector<16xf32>
          %add3A_66 = arith.addf %get3A_61, %get3A_65 : vector<16xf32>
          %swap3A = arith.index_cast %scan3A_58 : i32 to index
          %swap3A_67 = arith.constant 0 : index
          %swap3A_68 = tpu.vector_load %arg9[%swap3A, %swap3A_67] {strides = array<i32>} : memref<40x128xf32, #tpu.memory_space<vmem>>, vector<1x16xf32>,
          %swap3A_69 = vector.shape_cast %swap3A_68 : vector<1x16xf32> to vector<16xf32>
          %swap3A_70 = vector.shape_cast %add3A_66 : vector<16xf32> to vector<1x16xf32>
          tpu.vector_store %arg9[%swap3A, %swap3A_67], %swap3A_70 {strides = array<i32>} : memref<40x128xf32, #tpu.memory_space<vmem>>, vector<1x16xf32>,
          %get3A_71 = arith.index_cast %scan3A_58 : i32 to index
          %get3A_72 = arith.constant 16 : index
          %get3A_73 = tpu.vector_load %arg9[%get3A_71, %get3A_72] {strides = array<i32>} : memref<40x128xf32, #tpu.memory_space<vmem>>, vector<1x16xf32>,
          %get3A_74 = vector.shape_cast %get3A_73 : vector<1x16xf32> to vector<16xf32>
          %get3A_75 = arith.index_cast %scan3A_58 : i32 to index
          %get3A_76 = arith.constant 16 : index
          %get3A_77 = tpu.vector_load %arg11[%get3A_75, %get3A_76] {strides = array<i32>} : memref<40x128xf32, #tpu.memory_space<vmem>>, vector<1x16xf32>,
          %get3A_78 = vector.shape_cast %get3A_77 : vector<1x16xf32> to vector<16xf32>
          %add3A_79 = arith.addf %get3A_74, %get3A_78 : vector<16xf32>
          %swap3A_80 = arith.index_cast %scan3A_58 : i32 to index
          %swap3A_81 = arith.constant 16 : index
          %swap3A_82 = tpu.vector_load %arg9[%swap3A_80, %swap3A_81] {strides = array<i32>} : memref<40x128xf32, #tpu.memory_space<vmem>>, vector<1x16xf32>,
          %swap3A_83 = vector.shape_cast %swap3A_82 : vector<1x16xf32> to vector<16xf32>
          %swap3A_84 = vector.shape_cast %add3A_79 : vector<16xf32> to vector<1x16xf32>
          tpu.vector_store %arg9[%swap3A_80, %swap3A_81], %swap3A_84 {strides = array<i32>} : memref<40x128xf32, #tpu.memory_space<vmem>>, vector<1x16xf32>,
          %get3A_85 = arith.index_cast %scan3A_58 : i32 to index
          %get3A_86 = arith.constant 32 : index
          %get3A_87 = tpu.vector_load %arg9[%get3A_85, %get3A_86] {strides = array<i32>} : memref<40x128xf32, #tpu.memory_space<vmem>>, vector<1x16xf32>,
          %get3A_88 = vector.shape_cast %get3A_87 : vector<1x16xf32> to vector<16xf32>
          %get3A_89 = arith.index_cast %scan3A_58 : i32 to index
          %get3A_90 = arith.constant 32 : index
          %get3A_91 = tpu.vector_load %arg11[%get3A_89, %get3A_90] {strides = array<i32>} : memref<40x128xf32, #tpu.memory_space<vmem>>, vector<1x16xf32>,
          %get3A_92 = vector.shape_cast %get3A_91 : vector<1x16xf32> to vector<16xf32>
          %add3A_93 = arith.addf %get3A_88, %get3A_92 : vector<16xf32>
          %swap3A_94 = arith.index_cast %scan3A_58 : i32 to index
          %swap3A_95 = arith.constant 32 : index
          %swap3A_96 = tpu.vector_load %arg9[%swap3A_94, %swap3A_95] {strides = array<i32>} : memref<40x128xf32, #tpu.memory_space<vmem>>, vector<1x16xf32>,
          %swap3A_97 = vector.shape_cast %swap3A_96 : vector<1x16xf32> to vector<16xf32>
          %swap3A_98 = vector.shape_cast %add3A_93 : vector<16xf32> to vector<1x16xf32>
          tpu.vector_store %arg9[%swap3A_94, %swap3A_95], %swap3A_98 {strides = array<i32>} : memref<40x128xf32, #tpu.memory_space<vmem>>, vector<1x16xf32>,
          %get3A_99 = arith.index_cast %scan3A_58 : i32 to index
          %get3A_100 = arith.constant 48 : index
          %get3A_101 = tpu.vector_load %arg9[%get3A_99, %get3A_100] {strides = array<i32>} : memref<40x128xf32, #tpu.memory_space<vmem>>, vector<1x16xf32>,
          %get3A_102 = vector.shape_cast %get3A_101 : vector<1x16xf32> to vector<16xf32>
          %get3A_103 = arith.index_cast %scan3A_58 : i32 to index
          %get3A_104 = arith.constant 48 : index
          %get3A_105 = tpu.vector_load %arg11[%get3A_103, %get3A_104] {strides = array<i32>} : memref<40x128xf32, #tpu.memory_space<vmem>>, vector<1x16xf32>,
          %get3A_106 = vector.shape_cast %get3A_105 : vector<1x16xf32> to vector<16xf32>
          %add3A_107 = arith.addf %get3A_102, %get3A_106 : vector<16xf32>
          %swap3A_108 = arith.index_cast %scan3A_58 : i32 to index
          %swap3A_109 = arith.constant 48 : index
          %swap3A_110 = tpu.vector_load %arg9[%swap3A_108, %swap3A_109] {strides = array<i32>} : memref<40x128xf32, #tpu.memory_space<vmem>>, vector<1x16xf32>,
          %swap3A_111 = vector.shape_cast %swap3A_110 : vector<1x16xf32> to vector<16xf32>
          %swap3A_112 = vector.shape_cast %add3A_107 : vector<16xf32> to vector<1x16xf32>
          tpu.vector_store %arg9[%swap3A_108, %swap3A_109], %swap3A_112 {strides = array<i32>} : memref<40x128xf32, #tpu.memory_space<vmem>>, vector<1x16xf32>,
          %get3A_113 = arith.index_cast %scan3A_58 : i32 to index
          %get3A_114 = arith.constant 64 : index
          %get3A_115 = tpu.vector_load %arg9[%get3A_113, %get3A_114] {strides = array<i32>} : memref<40x128xf32, #tpu.memory_space<vmem>>, vector<1x16xf32>,
          %get3A_116 = vector.shape_cast %get3A_115 : vector<1x16xf32> to vector<16xf32>
          %get3A_117 = arith.index_cast %scan3A_58 : i32 to index
          %get3A_118 = arith.constant 64 : index
          %get3A_119 = tpu.vector_load %arg11[%get3A_117, %get3A_118] {strides = array<i32>} : memref<40x128xf32, #tpu.memory_space<vmem>>, vector<1x16xf32>,
          %get3A_120 = vector.shape_cast %get3A_119 : vector<1x16xf32> to vector<16xf32>
          %add3A_121 = arith.addf %get3A_116, %get3A_120 : vector<16xf32>
          %swap3A_122 = arith.index_cast %scan3A_58 : i32 to index
          %swap3A_123 = arith.constant 64 : index
          %swap3A_124 = tpu.vector_load %arg9[%swap3A_122, %swap3A_123] {strides = array<i32>} : memref<40x128xf32, #tpu.memory_space<vmem>>, vector<1x16xf32>,
          %swap3A_125 = vector.shape_cast %swap3A_124 : vector<1x16xf32> to vector<16xf32>
          %swap3A_126 = vector.shape_cast %add3A_121 : vector<16xf32> to vector<1x16xf32>
          tpu.vector_store %arg9[%swap3A_122, %swap3A_123], %swap3A_126 {strides = array<i32>} : memref<40x128xf32, #tpu.memory_space<vmem>>, vector<1x16xf32>,
          %get3A_127 = arith.index_cast %scan3A_58 : i32 to index
          %get3A_128 = arith.constant 80 : index
          %get3A_129 = tpu.vector_load %arg9[%get3A_127, %get3A_128] {strides = array<i32>} : memref<40x128xf32, #tpu.memory_space<vmem>>, vector<1x16xf32>,
          %get3A_130 = vector.shape_cast %get3A_129 : vector<1x16xf32> to vector<16xf32>
          %get3A_131 = arith.index_cast %scan3A_58 : i32 to index
          %get3A_132 = arith.constant 80 : index
          %get3A_133 = tpu.vector_load %arg11[%get3A_131, %get3A_132] {strides = array<i32>} : memref<40x128xf32, #tpu.memory_space<vmem>>, vector<1x16xf32>,
          %get3A_134 = vector.shape_cast %get3A_133 : vector<1x16xf32> to vector<16xf32>
          %add3A_135 = arith.addf %get3A_130, %get3A_134 : vector<16xf32>
          %swap3A_136 = arith.index_cast %scan3A_58 : i32 to index
          %swap3A_137 = arith.constant 80 : index
          %swap3A_138 = tpu.vector_load %arg9[%swap3A_136, %swap3A_137] {strides = array<i32>} : memref<40x128xf32, #tpu.memory_space<vmem>>, vector<1x16xf32>,
          %swap3A_139 = vector.shape_cast %swap3A_138 : vector<1x16xf32> to vector<16xf32>
          %swap3A_140 = vector.shape_cast %add3A_135 : vector<16xf32> to vector<1x16xf32>
          tpu.vector_store %arg9[%swap3A_136, %swap3A_137], %swap3A_140 {strides = array<i32>} : memref<40x128xf32, #tpu.memory_space<vmem>>, vector<1x16xf32>,
          %get3A_141 = arith.index_cast %scan3A_58 : i32 to index
          %get3A_142 = arith.constant 96 : index
          %get3A_143 = tpu.vector_load %arg9[%get3A_141, %get3A_142] {strides = array<i32>} : memref<40x128xf32, #tpu.memory_space<vmem>>, vector<1x16xf32>,
          %get3A_144 = vector.shape_cast %get3A_143 : vector<1x16xf32> to vector<16xf32>
          %get3A_145 = arith.index_cast %scan3A_58 : i32 to index
          %get3A_146 = arith.constant 96 : index
          %get3A_147 = tpu.vector_load %arg11[%get3A_145, %get3A_146] {strides = array<i32>} : memref<40x128xf32, #tpu.memory_space<vmem>>, vector<1x16xf32>,
          %get3A_148 = vector.shape_cast %get3A_147 : vector<1x16xf32> to vector<16xf32>
          %add3A_149 = arith.addf %get3A_144, %get3A_148 : vector<16xf32>
          %swap3A_150 = arith.index_cast %scan3A_58 : i32 to index
          %swap3A_151 = arith.constant 96 : index
          %swap3A_152 = tpu.vector_load %arg9[%swap3A_150, %swap3A_151] {strides = array<i32>} : memref<40x128xf32, #tpu.memory_space<vmem>>, vector<1x16xf32>,
          %swap3A_153 = vector.shape_cast %swap3A_152 : vector<1x16xf32> to vector<16xf32>
          %swap3A_154 = vector.shape_cast %add3A_149 : vector<16xf32> to vector<1x16xf32>
          tpu.vector_store %arg9[%swap3A_150, %swap3A_151], %swap3A_154 {strides = array<i32>} : memref<40x128xf32, #tpu.memory_space<vmem>>, vector<1x16xf32>,
          %get3A_155 = arith.index_cast %scan3A_58 : i32 to index
          %get3A_156 = arith.constant 112 : index
          %get3A_157 = tpu.vector_load %arg9[%get3A_155, %get3A_156] {strides = array<i32>} : memref<40x128xf32, #tpu.memory_space<vmem>>, vector<1x16xf32>,
          %get3A_158 = vector.shape_cast %get3A_157 : vector<1x16xf32> to vector<16xf32>
          %get3A_159 = arith.index_cast %scan3A_58 : i32 to index
          %get3A_160 = arith.constant 112 : index
          %get3A_161 = tpu.vector_load %arg11[%get3A_159, %get3A_160] {strides = array<i32>} : memref<40x128xf32, #tpu.memory_space<vmem>>, vector<1x16xf32>,
          %get3A_162 = vector.shape_cast %get3A_161 : vector<1x16xf32> to vector<16xf32>
          %add3A_163 = arith.addf %get3A_158, %get3A_162 : vector<16xf32>
          %swap3A_164 = arith.index_cast %scan3A_58 : i32 to index
          %swap3A_165 = arith.constant 112 : index
          %swap3A_166 = tpu.vector_load %arg9[%swap3A_164, %swap3A_165] {strides = array<i32>} : memref<40x128xf32, #tpu.memory_space<vmem>>, vector<1x16xf32>,
          %swap3A_167 = vector.shape_cast %swap3A_166 : vector<1x16xf32> to vector<16xf32>
          %swap3A_168 = vector.shape_cast %add3A_163 : vector<16xf32> to vector<1x16xf32>
          tpu.vector_store %arg9[%swap3A_164, %swap3A_165], %swap3A_168 {strides = array<i32>} : memref<40x128xf32, #tpu.memory_space<vmem>>, vector<1x16xf32>,
        }
        %scan3A_54 = arith.constant 40 : i32
        %mul3A_55 = arith.constant 40 : i32
        %mul3A_56 = arith.muli %add3A_21, %mul3A_55 : i32
        %add3A_57 = arith.addi %mul3A_2, %mul3A_56 : i32
        "tpu.region"() ({
          %run_scoped3A = tpu.sem_alloc : memref<!tpu.dma_semaphore, #tpu.memory_space<semaphore_mem>>
          %dma_start3A_58 = arith.constant 0 : i32
          %dma_start3A_59 = tpu.memref_slice %arg6[%add3A_57, %dma_start3A_58] : memref<160000x128xf32, #tpu.memory_space<hbm>> -> memref<40x128xf32, #tpu.memory_space<hbm>>
          %dma_start3A_60 = arith.constant 0 : i32
          %dma_start3A_61 = tpu.memref_slice %arg6[%add3A_57, %dma_start3A_60] : memref<160000x128xf32, #tpu.memory_space<hbm>> -> memref<40x128xf32, #tpu.memory_space<hbm>>
          tpu.enqueue_dma source(%arg9 : memref<40x128xf32, #tpu.memory_space<vmem>>) target(%dma_start3A_61 : memref<40x128xf32, #tpu.memory_space<hbm>>) target_semaphore(%run_scoped3A : memref<!tpu.dma_semaphore, #tpu.memory_space<semaphore_mem>>)
          %dma_wait3A_62 = arith.constant 0 : i32
          %dma_wait3A_63 = tpu.memref_slice %arg6[%add3A_57, %dma_wait3A_62] : memref<160000x128xf32, #tpu.memory_space<hbm>> -> memref<40x128xf32, #tpu.memory_space<hbm>>
          %dma_wait3A_64 = arith.constant 0 : i32
          %dma_wait3A_65 = tpu.memref_slice %arg6[%add3A_57, %dma_wait3A_64] : memref<160000x128xf32, #tpu.memory_space<hbm>> -> memref<40x128xf32, #tpu.memory_space<hbm>>
          tpu.wait_dma2 semaphore(%run_scoped3A : memref<!tpu.dma_semaphore, #tpu.memory_space<semaphore_mem>>) src(%arg9 : memref<40x128xf32, #tpu.memory_space<vmem>>) dst(%dma_wait3A_65 : memref<40x128xf32, #tpu.memory_space<hbm>>)
          tpu.yield
        }) : () -> ()
      } else {
      }
      %mul3A_24 = arith.constant 2 : i32
      %mul3A_25 = arith.muli %mul3A_24, %scan3A_17 : i32
      %add3A_26 = arith.constant 1 : i32
      %add3A_27 = arith.addi %mul3A_25, %add3A_26 : i32
      %lt3A_28 = arith.constant 125 : i32
      %lt3A_29 = arith.cmpi slt, %add3A_27, %lt3A_28 : i32
      %convert_element_type3A_30 = arith.extui %lt3A_29 : i1 to i32
      %cond3A_31 = arith.constant 0 : i32
      %cond3A_32 = arith.cmpi ne, %convert_element_type3A_30, %cond3A_31 : i32
      scf.if %cond3A_32 {
        %add3A_33 = arith.constant 1 : i32
        %add3A_34 = arith.addi %add3A_27, %add3A_33 : i32
        %lt3A_35 = arith.constant 125 : i32
        %lt3A_36 = arith.cmpi slt, %add3A_34, %lt3A_35 : i32
        %convert_element_type3A_37 = arith.extui %lt3A_36 : i1 to i32
        %cond3A_38 = arith.constant 0 : i32
        %cond3A_39 = arith.cmpi ne, %convert_element_type3A_37, %cond3A_38 : i32
        scf.if %cond3A_39 {
          %add3A_58 = arith.constant 1 : i32
          %add3A_59 = arith.addi %add3A_27, %add3A_58 : i32
          %mul3A_60 = arith.constant 40 : i32
          %mul3A_61 = arith.muli %add3A_59, %mul3A_60 : i32
          %dma_start3A_62 = tpu.memref_slice %arg7[%mul3A_61] : memref<5000xi32, #tpu.memory_space<vmem>> -> memref<40xi32, #tpu.memory_space<vmem>>
          %dma_start3A_63 = arith.constant 0 : i32
          %dma_start3A_64 = arith.constant 0 : i32
          %dma_start3A_65 = tpu.memref_slice %arg4[%dma_start3A_63, %dma_start3A_64] : memref<10000x128xf32, #tpu.memory_space<hbm>> -> memref<10000x128xf32, #tpu.memory_space<hbm>>
          tpu.enqueue_indirect_dma source(%dma_start3A_65 : memref<10000x128xf32, #tpu.memory_space<hbm>>) target(%arg9 : memref<40x128xf32, #tpu.memory_space<vmem>>) offsets(%dma_start3A_62 : memref<40xi32, #tpu.memory_space<vmem>>) semaphore(%arg13 : memref<!tpu.dma_semaphore, #tpu.memory_space<semaphore_mem>>)
          %dma_start3A_66 = tpu.memref_slice %arg8[%mul3A_61] : memref<5000xi32, #tpu.memory_space<vmem>> -> memref<40xi32, #tpu.memory_space<vmem>>
          %dma_start3A_67 = arith.constant 0 : i32
          %dma_start3A_68 = arith.constant 0 : i32
          %dma_start3A_69 = tpu.memref_slice %arg5[%dma_start3A_67, %dma_start3A_68] : memref<10000x128xf32, #tpu.memory_space<hbm>> -> memref<10000x128xf32, #tpu.memory_space<hbm>>
          tpu.enqueue_indirect_dma source(%dma_start3A_69 : memref<10000x128xf32, #tpu.memory_space<hbm>>) target(%arg11 : memref<40x128xf32, #tpu.memory_space<vmem>>) offsets(%dma_start3A_66 : memref<40xi32, #tpu.memory_space<vmem>>) semaphore(%arg15 : memref<!tpu.dma_semaphore, #tpu.memory_space<semaphore_mem>>)
        } else {
        }
        %mul3A_40 = arith.constant 40 : i32
        %mul3A_41 = arith.muli %add3A_27, %mul3A_40 : i32
        %dma_wait3A = tpu.memref_slice %arg7[%mul3A_41] : memref<5000xi32, #tpu.memory_space<vmem>> -> memref<40xi32, #tpu.memory_space<vmem>>
        %dma_wait3A_42 = arith.constant 0 : i32
        %dma_wait3A_43 = arith.constant 0 : i32
        %dma_wait3A_44 = tpu.memref_slice %arg4[%dma_wait3A_42, %dma_wait3A_43] : memref<10000x128xf32, #tpu.memory_space<hbm>> -> memref<10000x128xf32, #tpu.memory_space<hbm>>
        tpu.wait_indirect_dma semaphore(%arg14 : memref<!tpu.dma_semaphore, #tpu.memory_space<semaphore_mem>>) src(%dma_wait3A_44 : memref<10000x128xf32, #tpu.memory_space<hbm>>) dst(%arg10 : memref<40x128xf32, #tpu.memory_space<vmem>>)
        %dma_wait3A_45 = tpu.memref_slice %arg8[%mul3A_41] : memref<5000xi32, #tpu.memory_space<vmem>> -> memref<40xi32, #tpu.memory_space<vmem>>
        %dma_wait3A_46 = arith.constant 0 : i32
        %dma_wait3A_47 = arith.constant 0 : i32
        %dma_wait3A_48 = tpu.memref_slice %arg5[%dma_wait3A_46, %dma_wait3A_47] : memref<10000x128xf32, #tpu.memory_space<hbm>> -> memref<10000x128xf32, #tpu.memory_space<hbm>>
        tpu.wait_indirect_dma semaphore(%arg16 : memref<!tpu.dma_semaphore, #tpu.memory_space<semaphore_mem>>) src(%dma_wait3A_48 : memref<10000x128xf32, #tpu.memory_space<hbm>>) dst(%arg12 : memref<40x128xf32, #tpu.memory_space<vmem>>)
        %scan3A_49 = arith.constant 0 : i32
        %scan3A_50 = arith.constant 0 : i32
        %scan3A_51 = arith.constant 40 : i32
        %scan3A_52 = arith.addi %scan3A_50, %scan3A_51 : i32
        %scan3A_53 = arith.constant 1 : i32
        scf.for %scan3A_58 = %scan3A_50 to %scan3A_52 step %scan3A_53  : i32 {
          %get3A = arith.index_cast %scan3A_58 : i32 to index
          %get3A_59 = arith.constant 0 : index
          %get3A_60 = tpu.vector_load %arg10[%get3A, %get3A_59] {strides = array<i32>} : memref<40x128xf32, #tpu.memory_space<vmem>>, vector<1x16xf32>,
          %get3A_61 = vector.shape_cast %get3A_60 : vector<1x16xf32> to vector<16xf32>
          %get3A_62 = arith.index_cast %scan3A_58 : i32 to index
          %get3A_63 = arith.constant 0 : index
          %get3A_64 = tpu.vector_load %arg12[%get3A_62, %get3A_63] {strides = array<i32>} : memref<40x128xf32, #tpu.memory_space<vmem>>, vector<1x16xf32>,
          %get3A_65 = vector.shape_cast %get3A_64 : vector<1x16xf32> to vector<16xf32>
          %add3A_66 = arith.addf %get3A_61, %get3A_65 : vector<16xf32>
          %swap3A = arith.index_cast %scan3A_58 : i32 to index
          %swap3A_67 = arith.constant 0 : index
          %swap3A_68 = tpu.vector_load %arg10[%swap3A, %swap3A_67] {strides = array<i32>} : memref<40x128xf32, #tpu.memory_space<vmem>>, vector<1x16xf32>,
          %swap3A_69 = vector.shape_cast %swap3A_68 : vector<1x16xf32> to vector<16xf32>
          %swap3A_70 = vector.shape_cast %add3A_66 : vector<16xf32> to vector<1x16xf32>
          tpu.vector_store %arg10[%swap3A, %swap3A_67], %swap3A_70 {strides = array<i32>} : memref<40x128xf32, #tpu.memory_space<vmem>>, vector<1x16xf32>,
          %get3A_71 = arith.index_cast %scan3A_58 : i32 to index
          %get3A_72 = arith.constant 16 : index
          %get3A_73 = tpu.vector_load %arg10[%get3A_71, %get3A_72] {strides = array<i32>} : memref<40x128xf32, #tpu.memory_space<vmem>>, vector<1x16xf32>,
          %get3A_74 = vector.shape_cast %get3A_73 : vector<1x16xf32> to vector<16xf32>
          %get3A_75 = arith.index_cast %scan3A_58 : i32 to index
          %get3A_76 = arith.constant 16 : index
          %get3A_77 = tpu.vector_load %arg12[%get3A_75, %get3A_76] {strides = array<i32>} : memref<40x128xf32, #tpu.memory_space<vmem>>, vector<1x16xf32>,
          %get3A_78 = vector.shape_cast %get3A_77 : vector<1x16xf32> to vector<16xf32>
          %add3A_79 = arith.addf %get3A_74, %get3A_78 : vector<16xf32>
          %swap3A_80 = arith.index_cast %scan3A_58 : i32 to index
          %swap3A_81 = arith.constant 16 : index
          %swap3A_82 = tpu.vector_load %arg10[%swap3A_80, %swap3A_81] {strides = array<i32>} : memref<40x128xf32, #tpu.memory_space<vmem>>, vector<1x16xf32>,
          %swap3A_83 = vector.shape_cast %swap3A_82 : vector<1x16xf32> to vector<16xf32>
          %swap3A_84 = vector.shape_cast %add3A_79 : vector<16xf32> to vector<1x16xf32>
          tpu.vector_store %arg10[%swap3A_80, %swap3A_81], %swap3A_84 {strides = array<i32>} : memref<40x128xf32, #tpu.memory_space<vmem>>, vector<1x16xf32>,
          %get3A_85 = arith.index_cast %scan3A_58 : i32 to index
          %get3A_86 = arith.constant 32 : index
          %get3A_87 = tpu.vector_load %arg10[%get3A_85, %get3A_86] {strides = array<i32>} : memref<40x128xf32, #tpu.memory_space<vmem>>, vector<1x16xf32>,
          %get3A_88 = vector.shape_cast %get3A_87 : vector<1x16xf32> to vector<16xf32>
          %get3A_89 = arith.index_cast %scan3A_58 : i32 to index
          %get3A_90 = arith.constant 32 : index
          %get3A_91 = tpu.vector_load %arg12[%get3A_89, %get3A_90] {strides = array<i32>} : memref<40x128xf32, #tpu.memory_space<vmem>>, vector<1x16xf32>,
          %get3A_92 = vector.shape_cast %get3A_91 : vector<1x16xf32> to vector<16xf32>
          %add3A_93 = arith.addf %get3A_88, %get3A_92 : vector<16xf32>
          %swap3A_94 = arith.index_cast %scan3A_58 : i32 to index
          %swap3A_95 = arith.constant 32 : index
          %swap3A_96 = tpu.vector_load %arg10[%swap3A_94, %swap3A_95] {strides = array<i32>} : memref<40x128xf32, #tpu.memory_space<vmem>>, vector<1x16xf32>,
          %swap3A_97 = vector.shape_cast %swap3A_96 : vector<1x16xf32> to vector<16xf32>
          %swap3A_98 = vector.shape_cast %add3A_93 : vector<16xf32> to vector<1x16xf32>
          tpu.vector_store %arg10[%swap3A_94, %swap3A_95], %swap3A_98 {strides = array<i32>} : memref<40x128xf32, #tpu.memory_space<vmem>>, vector<1x16xf32>,
          %get3A_99 = arith.index_cast %scan3A_58 : i32 to index
          %get3A_100 = arith.constant 48 : index
          %get3A_101 = tpu.vector_load %arg10[%get3A_99, %get3A_100] {strides = array<i32>} : memref<40x128xf32, #tpu.memory_space<vmem>>, vector<1x16xf32>,
          %get3A_102 = vector.shape_cast %get3A_101 : vector<1x16xf32> to vector<16xf32>
          %get3A_103 = arith.index_cast %scan3A_58 : i32 to index
          %get3A_104 = arith.constant 48 : index
          %get3A_105 = tpu.vector_load %arg12[%get3A_103, %get3A_104] {strides = array<i32>} : memref<40x128xf32, #tpu.memory_space<vmem>>, vector<1x16xf32>,
          %get3A_106 = vector.shape_cast %get3A_105 : vector<1x16xf32> to vector<16xf32>
          %add3A_107 = arith.addf %get3A_102, %get3A_106 : vector<16xf32>
          %swap3A_108 = arith.index_cast %scan3A_58 : i32 to index
          %swap3A_109 = arith.constant 48 : index
          %swap3A_110 = tpu.vector_load %arg10[%swap3A_108, %swap3A_109] {strides = array<i32>} : memref<40x128xf32, #tpu.memory_space<vmem>>, vector<1x16xf32>,
          %swap3A_111 = vector.shape_cast %swap3A_110 : vector<1x16xf32> to vector<16xf32>
          %swap3A_112 = vector.shape_cast %add3A_107 : vector<16xf32> to vector<1x16xf32>
          tpu.vector_store %arg10[%swap3A_108, %swap3A_109], %swap3A_112 {strides = array<i32>} : memref<40x128xf32, #tpu.memory_space<vmem>>, vector<1x16xf32>,
          %get3A_113 = arith.index_cast %scan3A_58 : i32 to index
          %get3A_114 = arith.constant 64 : index
          %get3A_115 = tpu.vector_load %arg10[%get3A_113, %get3A_114] {strides = array<i32>} : memref<40x128xf32, #tpu.memory_space<vmem>>, vector<1x16xf32>,
          %get3A_116 = vector.shape_cast %get3A_115 : vector<1x16xf32> to vector<16xf32>
          %get3A_117 = arith.index_cast %scan3A_58 : i32 to index
          %get3A_118 = arith.constant 64 : index
          %get3A_119 = tpu.vector_load %arg12[%get3A_117, %get3A_118] {strides = array<i32>} : memref<40x128xf32, #tpu.memory_space<vmem>>, vector<1x16xf32>,
          %get3A_120 = vector.shape_cast %get3A_119 : vector<1x16xf32> to vector<16xf32>
          %add3A_121 = arith.addf %get3A_116, %get3A_120 : vector<16xf32>
          %swap3A_122 = arith.index_cast %scan3A_58 : i32 to index
          %swap3A_123 = arith.constant 64 : index
          %swap3A_124 = tpu.vector_load %arg10[%swap3A_122, %swap3A_123] {strides = array<i32>} : memref<40x128xf32, #tpu.memory_space<vmem>>, vector<1x16xf32>,
          %swap3A_125 = vector.shape_cast %swap3A_124 : vector<1x16xf32> to vector<16xf32>
          %swap3A_126 = vector.shape_cast %add3A_121 : vector<16xf32> to vector<1x16xf32>
          tpu.vector_store %arg10[%swap3A_122, %swap3A_123], %swap3A_126 {strides = array<i32>} : memref<40x128xf32, #tpu.memory_space<vmem>>, vector<1x16xf32>,
          %get3A_127 = arith.index_cast %scan3A_58 : i32 to index
          %get3A_128 = arith.constant 80 : index
          %get3A_129 = tpu.vector_load %arg10[%get3A_127, %get3A_128] {strides = array<i32>} : memref<40x128xf32, #tpu.memory_space<vmem>>, vector<1x16xf32>,
          %get3A_130 = vector.shape_cast %get3A_129 : vector<1x16xf32> to vector<16xf32>
          %get3A_131 = arith.index_cast %scan3A_58 : i32 to index
          %get3A_132 = arith.constant 80 : index
          %get3A_133 = tpu.vector_load %arg12[%get3A_131, %get3A_132] {strides = array<i32>} : memref<40x128xf32, #tpu.memory_space<vmem>>, vector<1x16xf32>,
          %get3A_134 = vector.shape_cast %get3A_133 : vector<1x16xf32> to vector<16xf32>
          %add3A_135 = arith.addf %get3A_130, %get3A_134 : vector<16xf32>
          %swap3A_136 = arith.index_cast %scan3A_58 : i32 to index
          %swap3A_137 = arith.constant 80 : index
          %swap3A_138 = tpu.vector_load %arg10[%swap3A_136, %swap3A_137] {strides = array<i32>} : memref<40x128xf32, #tpu.memory_space<vmem>>, vector<1x16xf32>,
          %swap3A_139 = vector.shape_cast %swap3A_138 : vector<1x16xf32> to vector<16xf32>
          %swap3A_140 = vector.shape_cast %add3A_135 : vector<16xf32> to vector<1x16xf32>
          tpu.vector_store %arg10[%swap3A_136, %swap3A_137], %swap3A_140 {strides = array<i32>} : memref<40x128xf32, #tpu.memory_space<vmem>>, vector<1x16xf32>,
          %get3A_141 = arith.index_cast %scan3A_58 : i32 to index
          %get3A_142 = arith.constant 96 : index
          %get3A_143 = tpu.vector_load %arg10[%get3A_141, %get3A_142] {strides = array<i32>} : memref<40x128xf32, #tpu.memory_space<vmem>>, vector<1x16xf32>,
          %get3A_144 = vector.shape_cast %get3A_143 : vector<1x16xf32> to vector<16xf32>
          %get3A_145 = arith.index_cast %scan3A_58 : i32 to index
          %get3A_146 = arith.constant 96 : index
          %get3A_147 = tpu.vector_load %arg12[%get3A_145, %get3A_146] {strides = array<i32>} : memref<40x128xf32, #tpu.memory_space<vmem>>, vector<1x16xf32>,
          %get3A_148 = vector.shape_cast %get3A_147 : vector<1x16xf32> to vector<16xf32>
          %add3A_149 = arith.addf %get3A_144, %get3A_148 : vector<16xf32>
          %swap3A_150 = arith.index_cast %scan3A_58 : i32 to index
          %swap3A_151 = arith.constant 96 : index
          %swap3A_152 = tpu.vector_load %arg10[%swap3A_150, %swap3A_151] {strides = array<i32>} : memref<40x128xf32, #tpu.memory_space<vmem>>, vector<1x16xf32>,
          %swap3A_153 = vector.shape_cast %swap3A_152 : vector<1x16xf32> to vector<16xf32>
          %swap3A_154 = vector.shape_cast %add3A_149 : vector<16xf32> to vector<1x16xf32>
          tpu.vector_store %arg10[%swap3A_150, %swap3A_151], %swap3A_154 {strides = array<i32>} : memref<40x128xf32, #tpu.memory_space<vmem>>, vector<1x16xf32>,
          %get3A_155 = arith.index_cast %scan3A_58 : i32 to index
          %get3A_156 = arith.constant 112 : index
          %get3A_157 = tpu.vector_load %arg10[%get3A_155, %get3A_156] {strides = array<i32>} : memref<40x128xf32, #tpu.memory_space<vmem>>, vector<1x16xf32>,
          %get3A_158 = vector.shape_cast %get3A_157 : vector<1x16xf32> to vector<16xf32>
          %get3A_159 = arith.index_cast %scan3A_58 : i32 to index
          %get3A_160 = arith.constant 112 : index
          %get3A_161 = tpu.vector_load %arg12[%get3A_159, %get3A_160] {strides = array<i32>} : memref<40x128xf32, #tpu.memory_space<vmem>>, vector<1x16xf32>,
          %get3A_162 = vector.shape_cast %get3A_161 : vector<1x16xf32> to vector<16xf32>
          %add3A_163 = arith.addf %get3A_158, %get3A_162 : vector<16xf32>
          %swap3A_164 = arith.index_cast %scan3A_58 : i32 to index
          %swap3A_165 = arith.constant 112 : index
          %swap3A_166 = tpu.vector_load %arg10[%swap3A_164, %swap3A_165] {strides = array<i32>} : memref<40x128xf32, #tpu.memory_space<vmem>>, vector<1x16xf32>,
          %swap3A_167 = vector.shape_cast %swap3A_166 : vector<1x16xf32> to vector<16xf32>
          %swap3A_168 = vector.shape_cast %add3A_163 : vector<16xf32> to vector<1x16xf32>
          tpu.vector_store %arg10[%swap3A_164, %swap3A_165], %swap3A_168 {strides = array<i32>} : memref<40x128xf32, #tpu.memory_space<vmem>>, vector<1x16xf32>,
        }
        %scan3A_54 = arith.constant 40 : i32
        %mul3A_55 = arith.constant 40 : i32
        %mul3A_56 = arith.muli %add3A_27, %mul3A_55 : i32
        %add3A_57 = arith.addi %mul3A_2, %mul3A_56 : i32
        "tpu.region"() ({
          %run_scoped3A = tpu.sem_alloc : memref<!tpu.dma_semaphore, #tpu.memory_space<semaphore_mem>>
          %dma_start3A_58 = arith.constant 0 : i32
          %dma_start3A_59 = tpu.memref_slice %arg6[%add3A_57, %dma_start3A_58] : memref<160000x128xf32, #tpu.memory_space<hbm>> -> memref<40x128xf32, #tpu.memory_space<hbm>>
          %dma_start3A_60 = arith.constant 0 : i32
          %dma_start3A_61 = tpu.memref_slice %arg6[%add3A_57, %dma_start3A_60] : memref<160000x128xf32, #tpu.memory_space<hbm>> -> memref<40x128xf32, #tpu.memory_space<hbm>>
          tpu.enqueue_dma source(%arg10 : memref<40x128xf32, #tpu.memory_space<vmem>>) target(%dma_start3A_61 : memref<40x128xf32, #tpu.memory_space<hbm>>) target_semaphore(%run_scoped3A : memref<!tpu.dma_semaphore, #tpu.memory_space<semaphore_mem>>)
          %dma_wait3A_62 = arith.constant 0 : i32
          %dma_wait3A_63 = tpu.memref_slice %arg6[%add3A_57, %dma_wait3A_62] : memref<160000x128xf32, #tpu.memory_space<hbm>> -> memref<40x128xf32, #tpu.memory_space<hbm>>
          %dma_wait3A_64 = arith.constant 0 : i32
          %dma_wait3A_65 = tpu.memref_slice %arg6[%add3A_57, %dma_wait3A_64] : memref<160000x128xf32, #tpu.memory_space<hbm>> -> memref<40x128xf32, #tpu.memory_space<hbm>>
          tpu.wait_dma2 semaphore(%run_scoped3A : memref<!tpu.dma_semaphore, #tpu.memory_space<semaphore_mem>>) src(%arg10 : memref<40x128xf32, #tpu.memory_space<vmem>>) dst(%dma_wait3A_65 : memref<40x128xf32, #tpu.memory_space<hbm>>)
          tpu.yield
        }) : () -> ()
      } else {
      }
    }
    %scan3A_16 = arith.constant 63 : i32
    return
  }
}

#map = affine_map<(d0, d1) -> (0)>
#map1 = affine_map<(d0, d1) -> (0, 0)>
module attributes {stable_mosaic.version = 14 : i64} {
  func.func @_sc_gather_r_body(%arg0: i32, %arg1: i32, %arg2: memref<160000xi32, #tpu.memory_space<hbm>>, %arg3: memref<10000x128xf32, #tpu.memory_space<hbm>>, %arg4: memref<160000x128xf32, #tpu.memory_space<hbm>>, %arg5: memref<5000xi32, #tpu.memory_space<vmem>>, %arg6: memref<40x128xf32, #tpu.memory_space<vmem>>, %arg7: memref<40x128xf32, #tpu.memory_space<vmem>>, %arg8: memref<!tpu.dma_semaphore, #tpu.memory_space<semaphore_mem>>, %arg9: memref<!tpu.dma_semaphore, #tpu.memory_space<semaphore_mem>>) attributes {dimension_semantics = [#tpu.dimension_semantics<core_parallel>, #tpu.dimension_semantics<subcore_parallel>], iteration_bounds = array<i64: 2, 16>, scalar_prefetch = 0 : i64, scratch_operands = 5 : i64, tpu.core_type = #tpu.core_type<sc_vector_subcore>, window_params = [{transform_indices = #map}, {transform_indices = #map1}, {transform_indices = #map1}]} {
    %mul3A = arith.constant 2 : i32
    %mul3A_0 = arith.muli %arg1, %mul3A : i32
    %add3A = arith.addi %mul3A_0, %arg0 : i32
    %mul3A_1 = arith.constant 5000 : i32
    %mul3A_2 = arith.muli %add3A, %mul3A_1 : i32
    "tpu.region"() ({
      %run_scoped3A = tpu.sem_alloc : memref<!tpu.dma_semaphore, #tpu.memory_space<semaphore_mem>>
      %dma_start3A_12 = tpu.memref_slice %arg2[%mul3A_2] : memref<160000xi32, #tpu.memory_space<hbm>> -> memref<5000xi32, #tpu.memory_space<hbm>>
      %dma_start3A_13 = tpu.memref_slice %arg2[%mul3A_2] : memref<160000xi32, #tpu.memory_space<hbm>> -> memref<5000xi32, #tpu.memory_space<hbm>>
      tpu.enqueue_dma source(%dma_start3A_13 : memref<5000xi32, #tpu.memory_space<hbm>>) target(%arg5 : memref<5000xi32, #tpu.memory_space<vmem>>) target_semaphore(%run_scoped3A : memref<!tpu.dma_semaphore, #tpu.memory_space<semaphore_mem>>)
      %dma_wait3A = tpu.memref_slice %arg2[%mul3A_2] : memref<160000xi32, #tpu.memory_space<hbm>> -> memref<5000xi32, #tpu.memory_space<hbm>>
      %dma_wait3A_14 = tpu.memref_slice %arg2[%mul3A_2] : memref<160000xi32, #tpu.memory_space<hbm>> -> memref<5000xi32, #tpu.memory_space<hbm>>
      tpu.wait_dma2 semaphore(%run_scoped3A : memref<!tpu.dma_semaphore, #tpu.memory_space<semaphore_mem>>) src(%dma_wait3A_14 : memref<5000xi32, #tpu.memory_space<hbm>>) dst(%arg5 : memref<5000xi32, #tpu.memory_space<vmem>>)
      tpu.yield
    }) : () -> ()
    %dma_start3A = arith.constant 0 : i32
    %dma_start3A_3 = tpu.memref_slice %arg5[%dma_start3A] : memref<5000xi32, #tpu.memory_space<vmem>> -> memref<40xi32, #tpu.memory_space<vmem>>
    %dma_start3A_4 = arith.constant 0 : i32
    %dma_start3A_5 = arith.constant 0 : i32
    %dma_start3A_6 = tpu.memref_slice %arg3[%dma_start3A_4, %dma_start3A_5] : memref<10000x128xf32, #tpu.memory_space<hbm>> -> memref<10000x128xf32, #tpu.memory_space<hbm>>
    tpu.enqueue_indirect_dma source(%dma_start3A_6 : memref<10000x128xf32, #tpu.memory_space<hbm>>) target(%arg6 : memref<40x128xf32, #tpu.memory_space<vmem>>) offsets(%dma_start3A_3 : memref<40xi32, #tpu.memory_space<vmem>>) semaphore(%arg8 : memref<!tpu.dma_semaphore, #tpu.memory_space<semaphore_mem>>)
    %scan3A = arith.constant 0 : i32
    %scan3A_7 = arith.constant 0 : i32
    %scan3A_8 = arith.constant 63 : i32
    %scan3A_9 = arith.addi %scan3A_7, %scan3A_8 : i32
    %scan3A_10 = arith.constant 1 : i32
    scf.for %scan3A_12 = %scan3A_7 to %scan3A_9 step %scan3A_10  : i32 {
      %mul3A_13 = arith.constant 2 : i32
      %mul3A_14 = arith.muli %mul3A_13, %scan3A_12 : i32
      %add3A_15 = arith.constant 0 : i32
      %add3A_16 = arith.addi %mul3A_14, %add3A_15 : i32
      %lt3A = arith.constant 125 : i32
      %lt3A_17 = arith.cmpi slt, %add3A_16, %lt3A : i32
      %convert_element_type3A = arith.extui %lt3A_17 : i1 to i32
      %cond3A = arith.constant 0 : i32
      %cond3A_18 = arith.cmpi ne, %convert_element_type3A, %cond3A : i32
      scf.if %cond3A_18 {
        %add3A_28 = arith.constant 1 : i32
        %add3A_29 = arith.addi %add3A_16, %add3A_28 : i32
        %lt3A_30 = arith.constant 125 : i32
        %lt3A_31 = arith.cmpi slt, %add3A_29, %lt3A_30 : i32
        %convert_element_type3A_32 = arith.extui %lt3A_31 : i1 to i32
        %cond3A_33 = arith.constant 0 : i32
        %cond3A_34 = arith.cmpi ne, %convert_element_type3A_32, %cond3A_33 : i32
        scf.if %cond3A_34 {
          %add3A_43 = arith.constant 1 : i32
          %add3A_44 = arith.addi %add3A_16, %add3A_43 : i32
          %mul3A_45 = arith.constant 40 : i32
          %mul3A_46 = arith.muli %add3A_44, %mul3A_45 : i32
          %dma_start3A_47 = tpu.memref_slice %arg5[%mul3A_46] : memref<5000xi32, #tpu.memory_space<vmem>> -> memref<40xi32, #tpu.memory_space<vmem>>
          %dma_start3A_48 = arith.constant 0 : i32
          %dma_start3A_49 = arith.constant 0 : i32
          %dma_start3A_50 = tpu.memref_slice %arg3[%dma_start3A_48, %dma_start3A_49] : memref<10000x128xf32, #tpu.memory_space<hbm>> -> memref<10000x128xf32, #tpu.memory_space<hbm>>
          tpu.enqueue_indirect_dma source(%dma_start3A_50 : memref<10000x128xf32, #tpu.memory_space<hbm>>) target(%arg7 : memref<40x128xf32, #tpu.memory_space<vmem>>) offsets(%dma_start3A_47 : memref<40xi32, #tpu.memory_space<vmem>>) semaphore(%arg9 : memref<!tpu.dma_semaphore, #tpu.memory_space<semaphore_mem>>)
        } else {
        }
        %mul3A_35 = arith.constant 40 : i32
        %mul3A_36 = arith.muli %add3A_16, %mul3A_35 : i32
        %dma_wait3A = tpu.memref_slice %arg5[%mul3A_36] : memref<5000xi32, #tpu.memory_space<vmem>> -> memref<40xi32, #tpu.memory_space<vmem>>
        %dma_wait3A_37 = arith.constant 0 : i32
        %dma_wait3A_38 = arith.constant 0 : i32
        %dma_wait3A_39 = tpu.memref_slice %arg3[%dma_wait3A_37, %dma_wait3A_38] : memref<10000x128xf32, #tpu.memory_space<hbm>> -> memref<10000x128xf32, #tpu.memory_space<hbm>>
        tpu.wait_indirect_dma semaphore(%arg8 : memref<!tpu.dma_semaphore, #tpu.memory_space<semaphore_mem>>) src(%dma_wait3A_39 : memref<10000x128xf32, #tpu.memory_space<hbm>>) dst(%arg6 : memref<40x128xf32, #tpu.memory_space<vmem>>)
        %mul3A_40 = arith.constant 40 : i32
        %mul3A_41 = arith.muli %add3A_16, %mul3A_40 : i32
        %add3A_42 = arith.addi %mul3A_2, %mul3A_41 : i32
        "tpu.region"() ({
          %run_scoped3A = tpu.sem_alloc : memref<!tpu.dma_semaphore, #tpu.memory_space<semaphore_mem>>
          %dma_start3A_43 = arith.constant 0 : i32
          %dma_start3A_44 = tpu.memref_slice %arg4[%add3A_42, %dma_start3A_43] : memref<160000x128xf32, #tpu.memory_space<hbm>> -> memref<40x128xf32, #tpu.memory_space<hbm>>
          %dma_start3A_45 = arith.constant 0 : i32
          %dma_start3A_46 = tpu.memref_slice %arg4[%add3A_42, %dma_start3A_45] : memref<160000x128xf32, #tpu.memory_space<hbm>> -> memref<40x128xf32, #tpu.memory_space<hbm>>
          tpu.enqueue_dma source(%arg6 : memref<40x128xf32, #tpu.memory_space<vmem>>) target(%dma_start3A_46 : memref<40x128xf32, #tpu.memory_space<hbm>>) target_semaphore(%run_scoped3A : memref<!tpu.dma_semaphore, #tpu.memory_space<semaphore_mem>>)
          %dma_wait3A_47 = arith.constant 0 : i32
          %dma_wait3A_48 = tpu.memref_slice %arg4[%add3A_42, %dma_wait3A_47] : memref<160000x128xf32, #tpu.memory_space<hbm>> -> memref<40x128xf32, #tpu.memory_space<hbm>>
          %dma_wait3A_49 = arith.constant 0 : i32
          %dma_wait3A_50 = tpu.memref_slice %arg4[%add3A_42, %dma_wait3A_49] : memref<160000x128xf32, #tpu.memory_space<hbm>> -> memref<40x128xf32, #tpu.memory_space<hbm>>
          tpu.wait_dma2 semaphore(%run_scoped3A : memref<!tpu.dma_semaphore, #tpu.memory_space<semaphore_mem>>) src(%arg6 : memref<40x128xf32, #tpu.memory_space<vmem>>) dst(%dma_wait3A_50 : memref<40x128xf32, #tpu.memory_space<hbm>>)
          tpu.yield
        }) : () -> ()
      } else {
      }
      %mul3A_19 = arith.constant 2 : i32
      %mul3A_20 = arith.muli %mul3A_19, %scan3A_12 : i32
      %add3A_21 = arith.constant 1 : i32
      %add3A_22 = arith.addi %mul3A_20, %add3A_21 : i32
      %lt3A_23 = arith.constant 125 : i32
      %lt3A_24 = arith.cmpi slt, %add3A_22, %lt3A_23 : i32
      %convert_element_type3A_25 = arith.extui %lt3A_24 : i1 to i32
      %cond3A_26 = arith.constant 0 : i32
      %cond3A_27 = arith.cmpi ne, %convert_element_type3A_25, %cond3A_26 : i32
      scf.if %cond3A_27 {
        %add3A_28 = arith.constant 1 : i32
        %add3A_29 = arith.addi %add3A_22, %add3A_28 : i32
        %lt3A_30 = arith.constant 125 : i32
        %lt3A_31 = arith.cmpi slt, %add3A_29, %lt3A_30 : i32
        %convert_element_type3A_32 = arith.extui %lt3A_31 : i1 to i32
        %cond3A_33 = arith.constant 0 : i32
        %cond3A_34 = arith.cmpi ne, %convert_element_type3A_32, %cond3A_33 : i32
        scf.if %cond3A_34 {
          %add3A_43 = arith.constant 1 : i32
          %add3A_44 = arith.addi %add3A_22, %add3A_43 : i32
          %mul3A_45 = arith.constant 40 : i32
          %mul3A_46 = arith.muli %add3A_44, %mul3A_45 : i32
          %dma_start3A_47 = tpu.memref_slice %arg5[%mul3A_46] : memref<5000xi32, #tpu.memory_space<vmem>> -> memref<40xi32, #tpu.memory_space<vmem>>
          %dma_start3A_48 = arith.constant 0 : i32
          %dma_start3A_49 = arith.constant 0 : i32
          %dma_start3A_50 = tpu.memref_slice %arg3[%dma_start3A_48, %dma_start3A_49] : memref<10000x128xf32, #tpu.memory_space<hbm>> -> memref<10000x128xf32, #tpu.memory_space<hbm>>
          tpu.enqueue_indirect_dma source(%dma_start3A_50 : memref<10000x128xf32, #tpu.memory_space<hbm>>) target(%arg6 : memref<40x128xf32, #tpu.memory_space<vmem>>) offsets(%dma_start3A_47 : memref<40xi32, #tpu.memory_space<vmem>>) semaphore(%arg8 : memref<!tpu.dma_semaphore, #tpu.memory_space<semaphore_mem>>)
        } else {
        }
        %mul3A_35 = arith.constant 40 : i32
        %mul3A_36 = arith.muli %add3A_22, %mul3A_35 : i32
        %dma_wait3A = tpu.memref_slice %arg5[%mul3A_36] : memref<5000xi32, #tpu.memory_space<vmem>> -> memref<40xi32, #tpu.memory_space<vmem>>
        %dma_wait3A_37 = arith.constant 0 : i32
        %dma_wait3A_38 = arith.constant 0 : i32
        %dma_wait3A_39 = tpu.memref_slice %arg3[%dma_wait3A_37, %dma_wait3A_38] : memref<10000x128xf32, #tpu.memory_space<hbm>> -> memref<10000x128xf32, #tpu.memory_space<hbm>>
        tpu.wait_indirect_dma semaphore(%arg9 : memref<!tpu.dma_semaphore, #tpu.memory_space<semaphore_mem>>) src(%dma_wait3A_39 : memref<10000x128xf32, #tpu.memory_space<hbm>>) dst(%arg7 : memref<40x128xf32, #tpu.memory_space<vmem>>)
        %mul3A_40 = arith.constant 40 : i32
        %mul3A_41 = arith.muli %add3A_22, %mul3A_40 : i32
        %add3A_42 = arith.addi %mul3A_2, %mul3A_41 : i32
        "tpu.region"() ({
          %run_scoped3A = tpu.sem_alloc : memref<!tpu.dma_semaphore, #tpu.memory_space<semaphore_mem>>
          %dma_start3A_43 = arith.constant 0 : i32
          %dma_start3A_44 = tpu.memref_slice %arg4[%add3A_42, %dma_start3A_43] : memref<160000x128xf32, #tpu.memory_space<hbm>> -> memref<40x128xf32, #tpu.memory_space<hbm>>
          %dma_start3A_45 = arith.constant 0 : i32
          %dma_start3A_46 = tpu.memref_slice %arg4[%add3A_42, %dma_start3A_45] : memref<160000x128xf32, #tpu.memory_space<hbm>> -> memref<40x128xf32, #tpu.memory_space<hbm>>
          tpu.enqueue_dma source(%arg7 : memref<40x128xf32, #tpu.memory_space<vmem>>) target(%dma_start3A_46 : memref<40x128xf32, #tpu.memory_space<hbm>>) target_semaphore(%run_scoped3A : memref<!tpu.dma_semaphore, #tpu.memory_space<semaphore_mem>>)
          %dma_wait3A_47 = arith.constant 0 : i32
          %dma_wait3A_48 = tpu.memref_slice %arg4[%add3A_42, %dma_wait3A_47] : memref<160000x128xf32, #tpu.memory_space<hbm>> -> memref<40x128xf32, #tpu.memory_space<hbm>>
          %dma_wait3A_49 = arith.constant 0 : i32
          %dma_wait3A_50 = tpu.memref_slice %arg4[%add3A_42, %dma_wait3A_49] : memref<160000x128xf32, #tpu.memory_space<hbm>> -> memref<40x128xf32, #tpu.memory_space<hbm>>
          tpu.wait_dma2 semaphore(%run_scoped3A : memref<!tpu.dma_semaphore, #tpu.memory_space<semaphore_mem>>) src(%arg7 : memref<40x128xf32, #tpu.memory_space<vmem>>) dst(%dma_wait3A_50 : memref<40x128xf32, #tpu.memory_space<hbm>>)
          tpu.yield
        }) : () -> ()
      } else {
      }
    }
    %scan3A_11 = arith.constant 63 : i32
    return
  }
}

#map = affine_map<(d0, d1) -> (0)>
#map1 = affine_map<(d0, d1) -> (0, 0)>
module attributes {stable_mosaic.version = 14 : i64} {
  func.func @_sc_gather_q_body(%arg0: i32, %arg1: i32, %arg2: memref<160000xi32, #tpu.memory_space<hbm>>, %arg3: memref<160000xi32, #tpu.memory_space<hbm>>, %arg4: memref<10000x128xf32, #tpu.memory_space<hbm>>, %arg5: memref<10000x128xf32, #tpu.memory_space<hbm>>, %arg6: memref<160000x128xf32, #tpu.memory_space<hbm>>, %arg7: memref<5000xi32, #tpu.memory_space<vmem>>, %arg8: memref<5000xi32, #tpu.memory_space<vmem>>, %arg9: memref<40x128xf32, #tpu.memory_space<vmem>>, %arg10: memref<40x128xf32, #tpu.memory_space<vmem>>, %arg11: memref<40x128xf32, #tpu.memory_space<vmem>>, %arg12: memref<40x128xf32, #tpu.memory_space<vmem>>, %arg13: memref<!tpu.dma_semaphore, #tpu.memory_space<semaphore_mem>>, %arg14: memref<!tpu.dma_semaphore, #tpu.memory_space<semaphore_mem>>, %arg15: memref<!tpu.dma_semaphore, #tpu.memory_space<semaphore_mem>>, %arg16: memref<!tpu.dma_semaphore, #tpu.memory_space<semaphore_mem>>) attributes {dimension_semantics = [#tpu.dimension_semantics<core_parallel>, #tpu.dimension_semantics<subcore_parallel>], iteration_bounds = array<i64: 2, 16>, scalar_prefetch = 0 : i64, scratch_operands = 10 : i64, tpu.core_type = #tpu.core_type<sc_vector_subcore>, window_params = [{transform_indices = #map}, {transform_indices = #map}, {transform_indices = #map1}, {transform_indices = #map1}, {transform_indices = #map1}]} {
    %mul3A = arith.constant 2 : i32
    %mul3A_0 = arith.muli %arg1, %mul3A : i32
    %add3A = arith.addi %mul3A_0, %arg0 : i32
    %mul3A_1 = arith.constant 5000 : i32
    %mul3A_2 = arith.muli %add3A, %mul3A_1 : i32
    "tpu.region"() ({
      %run_scoped3A = tpu.sem_alloc : memref<!tpu.dma_semaphore, #tpu.memory_space<semaphore_mem>>
      %dma_start3A_17 = tpu.memref_slice %arg2[%mul3A_2] : memref<160000xi32, #tpu.memory_space<hbm>> -> memref<5000xi32, #tpu.memory_space<hbm>>
      %dma_start3A_18 = tpu.memref_slice %arg2[%mul3A_2] : memref<160000xi32, #tpu.memory_space<hbm>> -> memref<5000xi32, #tpu.memory_space<hbm>>
      tpu.enqueue_dma source(%dma_start3A_18 : memref<5000xi32, #tpu.memory_space<hbm>>) target(%arg7 : memref<5000xi32, #tpu.memory_space<vmem>>) target_semaphore(%run_scoped3A : memref<!tpu.dma_semaphore, #tpu.memory_space<semaphore_mem>>)
      %dma_wait3A = tpu.memref_slice %arg2[%mul3A_2] : memref<160000xi32, #tpu.memory_space<hbm>> -> memref<5000xi32, #tpu.memory_space<hbm>>
      %dma_wait3A_19 = tpu.memref_slice %arg2[%mul3A_2] : memref<160000xi32, #tpu.memory_space<hbm>> -> memref<5000xi32, #tpu.memory_space<hbm>>
      tpu.wait_dma2 semaphore(%run_scoped3A : memref<!tpu.dma_semaphore, #tpu.memory_space<semaphore_mem>>) src(%dma_wait3A_19 : memref<5000xi32, #tpu.memory_space<hbm>>) dst(%arg7 : memref<5000xi32, #tpu.memory_space<vmem>>)
      tpu.yield
    }) : () -> ()
    "tpu.region"() ({
      %run_scoped3A = tpu.sem_alloc : memref<!tpu.dma_semaphore, #tpu.memory_space<semaphore_mem>>
      %dma_start3A_17 = tpu.memref_slice %arg3[%mul3A_2] : memref<160000xi32, #tpu.memory_space<hbm>> -> memref<5000xi32, #tpu.memory_space<hbm>>
      %dma_start3A_18 = tpu.memref_slice %arg3[%mul3A_2] : memref<160000xi32, #tpu.memory_space<hbm>> -> memref<5000xi32, #tpu.memory_space<hbm>>
      tpu.enqueue_dma source(%dma_start3A_18 : memref<5000xi32, #tpu.memory_space<hbm>>) target(%arg8 : memref<5000xi32, #tpu.memory_space<vmem>>) target_semaphore(%run_scoped3A : memref<!tpu.dma_semaphore, #tpu.memory_space<semaphore_mem>>)
      %dma_wait3A = tpu.memref_slice %arg3[%mul3A_2] : memref<160000xi32, #tpu.memory_space<hbm>> -> memref<5000xi32, #tpu.memory_space<hbm>>
      %dma_wait3A_19 = tpu.memref_slice %arg3[%mul3A_2] : memref<160000xi32, #tpu.memory_space<hbm>> -> memref<5000xi32, #tpu.memory_space<hbm>>
      tpu.wait_dma2 semaphore(%run_scoped3A : memref<!tpu.dma_semaphore, #tpu.memory_space<semaphore_mem>>) src(%dma_wait3A_19 : memref<5000xi32, #tpu.memory_space<hbm>>) dst(%arg8 : memref<5000xi32, #tpu.memory_space<vmem>>)
      tpu.yield
    }) : () -> ()
    %dma_start3A = arith.constant 0 : i32
    %dma_start3A_3 = tpu.memref_slice %arg7[%dma_start3A] : memref<5000xi32, #tpu.memory_space<vmem>> -> memref<40xi32, #tpu.memory_space<vmem>>
    %dma_start3A_4 = arith.constant 0 : i32
    %dma_start3A_5 = arith.constant 0 : i32
    %dma_start3A_6 = tpu.memref_slice %arg4[%dma_start3A_4, %dma_start3A_5] : memref<10000x128xf32, #tpu.memory_space<hbm>> -> memref<10000x128xf32, #tpu.memory_space<hbm>>
    tpu.enqueue_indirect_dma source(%dma_start3A_6 : memref<10000x128xf32, #tpu.memory_space<hbm>>) target(%arg9 : memref<40x128xf32, #tpu.memory_space<vmem>>) offsets(%dma_start3A_3 : memref<40xi32, #tpu.memory_space<vmem>>) semaphore(%arg13 : memref<!tpu.dma_semaphore, #tpu.memory_space<semaphore_mem>>)
    %dma_start3A_7 = arith.constant 0 : i32
    %dma_start3A_8 = tpu.memref_slice %arg8[%dma_start3A_7] : memref<5000xi32, #tpu.memory_space<vmem>> -> memref<40xi32, #tpu.memory_space<vmem>>
    %dma_start3A_9 = arith.constant 0 : i32
    %dma_start3A_10 = arith.constant 0 : i32
    %dma_start3A_11 = tpu.memref_slice %arg5[%dma_start3A_9, %dma_start3A_10] : memref<10000x128xf32, #tpu.memory_space<hbm>> -> memref<10000x128xf32, #tpu.memory_space<hbm>>
    tpu.enqueue_indirect_dma source(%dma_start3A_11 : memref<10000x128xf32, #tpu.memory_space<hbm>>) target(%arg11 : memref<40x128xf32, #tpu.memory_space<vmem>>) offsets(%dma_start3A_8 : memref<40xi32, #tpu.memory_space<vmem>>) semaphore(%arg15 : memref<!tpu.dma_semaphore, #tpu.memory_space<semaphore_mem>>)
    %scan3A = arith.constant 0 : i32
    %scan3A_12 = arith.constant 0 : i32
    %scan3A_13 = arith.constant 63 : i32
    %scan3A_14 = arith.addi %scan3A_12, %scan3A_13 : i32
    %scan3A_15 = arith.constant 1 : i32
    scf.for %scan3A_17 = %scan3A_12 to %scan3A_14 step %scan3A_15  : i32 {
      %mul3A_18 = arith.constant 2 : i32
      %mul3A_19 = arith.muli %mul3A_18, %scan3A_17 : i32
      %add3A_20 = arith.constant 0 : i32
      %add3A_21 = arith.addi %mul3A_19, %add3A_20 : i32
      %lt3A = arith.constant 125 : i32
      %lt3A_22 = arith.cmpi slt, %add3A_21, %lt3A : i32
      %convert_element_type3A = arith.extui %lt3A_22 : i1 to i32
      %cond3A = arith.constant 0 : i32
      %cond3A_23 = arith.cmpi ne, %convert_element_type3A, %cond3A : i32
      scf.if %cond3A_23 {
        %add3A_33 = arith.constant 1 : i32
        %add3A_34 = arith.addi %add3A_21, %add3A_33 : i32
        %lt3A_35 = arith.constant 125 : i32
        %lt3A_36 = arith.cmpi slt, %add3A_34, %lt3A_35 : i32
        %convert_element_type3A_37 = arith.extui %lt3A_36 : i1 to i32
        %cond3A_38 = arith.constant 0 : i32
        %cond3A_39 = arith.cmpi ne, %convert_element_type3A_37, %cond3A_38 : i32
        scf.if %cond3A_39 {
          %add3A_58 = arith.constant 1 : i32
          %add3A_59 = arith.addi %add3A_21, %add3A_58 : i32
          %mul3A_60 = arith.constant 40 : i32
          %mul3A_61 = arith.muli %add3A_59, %mul3A_60 : i32
          %dma_start3A_62 = tpu.memref_slice %arg7[%mul3A_61] : memref<5000xi32, #tpu.memory_space<vmem>> -> memref<40xi32, #tpu.memory_space<vmem>>
          %dma_start3A_63 = arith.constant 0 : i32
          %dma_start3A_64 = arith.constant 0 : i32
          %dma_start3A_65 = tpu.memref_slice %arg4[%dma_start3A_63, %dma_start3A_64] : memref<10000x128xf32, #tpu.memory_space<hbm>> -> memref<10000x128xf32, #tpu.memory_space<hbm>>
          tpu.enqueue_indirect_dma source(%dma_start3A_65 : memref<10000x128xf32, #tpu.memory_space<hbm>>) target(%arg10 : memref<40x128xf32, #tpu.memory_space<vmem>>) offsets(%dma_start3A_62 : memref<40xi32, #tpu.memory_space<vmem>>) semaphore(%arg14 : memref<!tpu.dma_semaphore, #tpu.memory_space<semaphore_mem>>)
          %dma_start3A_66 = tpu.memref_slice %arg8[%mul3A_61] : memref<5000xi32, #tpu.memory_space<vmem>> -> memref<40xi32, #tpu.memory_space<vmem>>
          %dma_start3A_67 = arith.constant 0 : i32
          %dma_start3A_68 = arith.constant 0 : i32
          %dma_start3A_69 = tpu.memref_slice %arg5[%dma_start3A_67, %dma_start3A_68] : memref<10000x128xf32, #tpu.memory_space<hbm>> -> memref<10000x128xf32, #tpu.memory_space<hbm>>
          tpu.enqueue_indirect_dma source(%dma_start3A_69 : memref<10000x128xf32, #tpu.memory_space<hbm>>) target(%arg12 : memref<40x128xf32, #tpu.memory_space<vmem>>) offsets(%dma_start3A_66 : memref<40xi32, #tpu.memory_space<vmem>>) semaphore(%arg16 : memref<!tpu.dma_semaphore, #tpu.memory_space<semaphore_mem>>)
        } else {
        }
        %mul3A_40 = arith.constant 40 : i32
        %mul3A_41 = arith.muli %add3A_21, %mul3A_40 : i32
        %dma_wait3A = tpu.memref_slice %arg7[%mul3A_41] : memref<5000xi32, #tpu.memory_space<vmem>> -> memref<40xi32, #tpu.memory_space<vmem>>
        %dma_wait3A_42 = arith.constant 0 : i32
        %dma_wait3A_43 = arith.constant 0 : i32
        %dma_wait3A_44 = tpu.memref_slice %arg4[%dma_wait3A_42, %dma_wait3A_43] : memref<10000x128xf32, #tpu.memory_space<hbm>> -> memref<10000x128xf32, #tpu.memory_space<hbm>>
        tpu.wait_indirect_dma semaphore(%arg13 : memref<!tpu.dma_semaphore, #tpu.memory_space<semaphore_mem>>) src(%dma_wait3A_44 : memref<10000x128xf32, #tpu.memory_space<hbm>>) dst(%arg9 : memref<40x128xf32, #tpu.memory_space<vmem>>)
        %dma_wait3A_45 = tpu.memref_slice %arg8[%mul3A_41] : memref<5000xi32, #tpu.memory_space<vmem>> -> memref<40xi32, #tpu.memory_space<vmem>>
        %dma_wait3A_46 = arith.constant 0 : i32
        %dma_wait3A_47 = arith.constant 0 : i32
        %dma_wait3A_48 = tpu.memref_slice %arg5[%dma_wait3A_46, %dma_wait3A_47] : memref<10000x128xf32, #tpu.memory_space<hbm>> -> memref<10000x128xf32, #tpu.memory_space<hbm>>
        tpu.wait_indirect_dma semaphore(%arg15 : memref<!tpu.dma_semaphore, #tpu.memory_space<semaphore_mem>>) src(%dma_wait3A_48 : memref<10000x128xf32, #tpu.memory_space<hbm>>) dst(%arg11 : memref<40x128xf32, #tpu.memory_space<vmem>>)
        %scan3A_49 = arith.constant 0 : i32
        %scan3A_50 = arith.constant 0 : i32
        %scan3A_51 = arith.constant 40 : i32
        %scan3A_52 = arith.addi %scan3A_50, %scan3A_51 : i32
        %scan3A_53 = arith.constant 1 : i32
        scf.for %scan3A_58 = %scan3A_50 to %scan3A_52 step %scan3A_53  : i32 {
          %get3A = arith.index_cast %scan3A_58 : i32 to index
          %get3A_59 = arith.constant 0 : index
          %get3A_60 = tpu.vector_load %arg9[%get3A, %get3A_59] {strides = array<i32>} : memref<40x128xf32, #tpu.memory_space<vmem>>, vector<1x16xf32>,
          %get3A_61 = vector.shape_cast %get3A_60 : vector<1x16xf32> to vector<16xf32>
          %get3A_62 = arith.index_cast %scan3A_58 : i32 to index
          %get3A_63 = arith.constant 0 : index
          %get3A_64 = tpu.vector_load %arg11[%get3A_62, %get3A_63] {strides = array<i32>} : memref<40x128xf32, #tpu.memory_space<vmem>>, vector<1x16xf32>,
          %get3A_65 = vector.shape_cast %get3A_64 : vector<1x16xf32> to vector<16xf32>
          %add3A_66 = arith.addf %get3A_61, %get3A_65 : vector<16xf32>
          %swap3A = arith.index_cast %scan3A_58 : i32 to index
          %swap3A_67 = arith.constant 0 : index
          %swap3A_68 = tpu.vector_load %arg9[%swap3A, %swap3A_67] {strides = array<i32>} : memref<40x128xf32, #tpu.memory_space<vmem>>, vector<1x16xf32>,
          %swap3A_69 = vector.shape_cast %swap3A_68 : vector<1x16xf32> to vector<16xf32>
          %swap3A_70 = vector.shape_cast %add3A_66 : vector<16xf32> to vector<1x16xf32>
          tpu.vector_store %arg9[%swap3A, %swap3A_67], %swap3A_70 {strides = array<i32>} : memref<40x128xf32, #tpu.memory_space<vmem>>, vector<1x16xf32>,
          %get3A_71 = arith.index_cast %scan3A_58 : i32 to index
          %get3A_72 = arith.constant 16 : index
          %get3A_73 = tpu.vector_load %arg9[%get3A_71, %get3A_72] {strides = array<i32>} : memref<40x128xf32, #tpu.memory_space<vmem>>, vector<1x16xf32>,
          %get3A_74 = vector.shape_cast %get3A_73 : vector<1x16xf32> to vector<16xf32>
          %get3A_75 = arith.index_cast %scan3A_58 : i32 to index
          %get3A_76 = arith.constant 16 : index
          %get3A_77 = tpu.vector_load %arg11[%get3A_75, %get3A_76] {strides = array<i32>} : memref<40x128xf32, #tpu.memory_space<vmem>>, vector<1x16xf32>,
          %get3A_78 = vector.shape_cast %get3A_77 : vector<1x16xf32> to vector<16xf32>
          %add3A_79 = arith.addf %get3A_74, %get3A_78 : vector<16xf32>
          %swap3A_80 = arith.index_cast %scan3A_58 : i32 to index
          %swap3A_81 = arith.constant 16 : index
          %swap3A_82 = tpu.vector_load %arg9[%swap3A_80, %swap3A_81] {strides = array<i32>} : memref<40x128xf32, #tpu.memory_space<vmem>>, vector<1x16xf32>,
          %swap3A_83 = vector.shape_cast %swap3A_82 : vector<1x16xf32> to vector<16xf32>
          %swap3A_84 = vector.shape_cast %add3A_79 : vector<16xf32> to vector<1x16xf32>
          tpu.vector_store %arg9[%swap3A_80, %swap3A_81], %swap3A_84 {strides = array<i32>} : memref<40x128xf32, #tpu.memory_space<vmem>>, vector<1x16xf32>,
          %get3A_85 = arith.index_cast %scan3A_58 : i32 to index
          %get3A_86 = arith.constant 32 : index
          %get3A_87 = tpu.vector_load %arg9[%get3A_85, %get3A_86] {strides = array<i32>} : memref<40x128xf32, #tpu.memory_space<vmem>>, vector<1x16xf32>,
          %get3A_88 = vector.shape_cast %get3A_87 : vector<1x16xf32> to vector<16xf32>
          %get3A_89 = arith.index_cast %scan3A_58 : i32 to index
          %get3A_90 = arith.constant 32 : index
          %get3A_91 = tpu.vector_load %arg11[%get3A_89, %get3A_90] {strides = array<i32>} : memref<40x128xf32, #tpu.memory_space<vmem>>, vector<1x16xf32>,
          %get3A_92 = vector.shape_cast %get3A_91 : vector<1x16xf32> to vector<16xf32>
          %add3A_93 = arith.addf %get3A_88, %get3A_92 : vector<16xf32>
          %swap3A_94 = arith.index_cast %scan3A_58 : i32 to index
          %swap3A_95 = arith.constant 32 : index
          %swap3A_96 = tpu.vector_load %arg9[%swap3A_94, %swap3A_95] {strides = array<i32>} : memref<40x128xf32, #tpu.memory_space<vmem>>, vector<1x16xf32>,
          %swap3A_97 = vector.shape_cast %swap3A_96 : vector<1x16xf32> to vector<16xf32>
          %swap3A_98 = vector.shape_cast %add3A_93 : vector<16xf32> to vector<1x16xf32>
          tpu.vector_store %arg9[%swap3A_94, %swap3A_95], %swap3A_98 {strides = array<i32>} : memref<40x128xf32, #tpu.memory_space<vmem>>, vector<1x16xf32>,
          %get3A_99 = arith.index_cast %scan3A_58 : i32 to index
          %get3A_100 = arith.constant 48 : index
          %get3A_101 = tpu.vector_load %arg9[%get3A_99, %get3A_100] {strides = array<i32>} : memref<40x128xf32, #tpu.memory_space<vmem>>, vector<1x16xf32>,
          %get3A_102 = vector.shape_cast %get3A_101 : vector<1x16xf32> to vector<16xf32>
          %get3A_103 = arith.index_cast %scan3A_58 : i32 to index
          %get3A_104 = arith.constant 48 : index
          %get3A_105 = tpu.vector_load %arg11[%get3A_103, %get3A_104] {strides = array<i32>} : memref<40x128xf32, #tpu.memory_space<vmem>>, vector<1x16xf32>,
          %get3A_106 = vector.shape_cast %get3A_105 : vector<1x16xf32> to vector<16xf32>
          %add3A_107 = arith.addf %get3A_102, %get3A_106 : vector<16xf32>
          %swap3A_108 = arith.index_cast %scan3A_58 : i32 to index
          %swap3A_109 = arith.constant 48 : index
          %swap3A_110 = tpu.vector_load %arg9[%swap3A_108, %swap3A_109] {strides = array<i32>} : memref<40x128xf32, #tpu.memory_space<vmem>>, vector<1x16xf32>,
          %swap3A_111 = vector.shape_cast %swap3A_110 : vector<1x16xf32> to vector<16xf32>
          %swap3A_112 = vector.shape_cast %add3A_107 : vector<16xf32> to vector<1x16xf32>
          tpu.vector_store %arg9[%swap3A_108, %swap3A_109], %swap3A_112 {strides = array<i32>} : memref<40x128xf32, #tpu.memory_space<vmem>>, vector<1x16xf32>,
          %get3A_113 = arith.index_cast %scan3A_58 : i32 to index
          %get3A_114 = arith.constant 64 : index
          %get3A_115 = tpu.vector_load %arg9[%get3A_113, %get3A_114] {strides = array<i32>} : memref<40x128xf32, #tpu.memory_space<vmem>>, vector<1x16xf32>,
          %get3A_116 = vector.shape_cast %get3A_115 : vector<1x16xf32> to vector<16xf32>
          %get3A_117 = arith.index_cast %scan3A_58 : i32 to index
          %get3A_118 = arith.constant 64 : index
          %get3A_119 = tpu.vector_load %arg11[%get3A_117, %get3A_118] {strides = array<i32>} : memref<40x128xf32, #tpu.memory_space<vmem>>, vector<1x16xf32>,
          %get3A_120 = vector.shape_cast %get3A_119 : vector<1x16xf32> to vector<16xf32>
          %add3A_121 = arith.addf %get3A_116, %get3A_120 : vector<16xf32>
          %swap3A_122 = arith.index_cast %scan3A_58 : i32 to index
          %swap3A_123 = arith.constant 64 : index
          %swap3A_124 = tpu.vector_load %arg9[%swap3A_122, %swap3A_123] {strides = array<i32>} : memref<40x128xf32, #tpu.memory_space<vmem>>, vector<1x16xf32>,
          %swap3A_125 = vector.shape_cast %swap3A_124 : vector<1x16xf32> to vector<16xf32>
          %swap3A_126 = vector.shape_cast %add3A_121 : vector<16xf32> to vector<1x16xf32>
          tpu.vector_store %arg9[%swap3A_122, %swap3A_123], %swap3A_126 {strides = array<i32>} : memref<40x128xf32, #tpu.memory_space<vmem>>, vector<1x16xf32>,
          %get3A_127 = arith.index_cast %scan3A_58 : i32 to index
          %get3A_128 = arith.constant 80 : index
          %get3A_129 = tpu.vector_load %arg9[%get3A_127, %get3A_128] {strides = array<i32>} : memref<40x128xf32, #tpu.memory_space<vmem>>, vector<1x16xf32>,
          %get3A_130 = vector.shape_cast %get3A_129 : vector<1x16xf32> to vector<16xf32>
          %get3A_131 = arith.index_cast %scan3A_58 : i32 to index
          %get3A_132 = arith.constant 80 : index
          %get3A_133 = tpu.vector_load %arg11[%get3A_131, %get3A_132] {strides = array<i32>} : memref<40x128xf32, #tpu.memory_space<vmem>>, vector<1x16xf32>,
          %get3A_134 = vector.shape_cast %get3A_133 : vector<1x16xf32> to vector<16xf32>
          %add3A_135 = arith.addf %get3A_130, %get3A_134 : vector<16xf32>
          %swap3A_136 = arith.index_cast %scan3A_58 : i32 to index
          %swap3A_137 = arith.constant 80 : index
          %swap3A_138 = tpu.vector_load %arg9[%swap3A_136, %swap3A_137] {strides = array<i32>} : memref<40x128xf32, #tpu.memory_space<vmem>>, vector<1x16xf32>,
          %swap3A_139 = vector.shape_cast %swap3A_138 : vector<1x16xf32> to vector<16xf32>
          %swap3A_140 = vector.shape_cast %add3A_135 : vector<16xf32> to vector<1x16xf32>
          tpu.vector_store %arg9[%swap3A_136, %swap3A_137], %swap3A_140 {strides = array<i32>} : memref<40x128xf32, #tpu.memory_space<vmem>>, vector<1x16xf32>,
          %get3A_141 = arith.index_cast %scan3A_58 : i32 to index
          %get3A_142 = arith.constant 96 : index
          %get3A_143 = tpu.vector_load %arg9[%get3A_141, %get3A_142] {strides = array<i32>} : memref<40x128xf32, #tpu.memory_space<vmem>>, vector<1x16xf32>,
          %get3A_144 = vector.shape_cast %get3A_143 : vector<1x16xf32> to vector<16xf32>
          %get3A_145 = arith.index_cast %scan3A_58 : i32 to index
          %get3A_146 = arith.constant 96 : index
          %get3A_147 = tpu.vector_load %arg11[%get3A_145, %get3A_146] {strides = array<i32>} : memref<40x128xf32, #tpu.memory_space<vmem>>, vector<1x16xf32>,
          %get3A_148 = vector.shape_cast %get3A_147 : vector<1x16xf32> to vector<16xf32>
          %add3A_149 = arith.addf %get3A_144, %get3A_148 : vector<16xf32>
          %swap3A_150 = arith.index_cast %scan3A_58 : i32 to index
          %swap3A_151 = arith.constant 96 : index
          %swap3A_152 = tpu.vector_load %arg9[%swap3A_150, %swap3A_151] {strides = array<i32>} : memref<40x128xf32, #tpu.memory_space<vmem>>, vector<1x16xf32>,
          %swap3A_153 = vector.shape_cast %swap3A_152 : vector<1x16xf32> to vector<16xf32>
          %swap3A_154 = vector.shape_cast %add3A_149 : vector<16xf32> to vector<1x16xf32>
          tpu.vector_store %arg9[%swap3A_150, %swap3A_151], %swap3A_154 {strides = array<i32>} : memref<40x128xf32, #tpu.memory_space<vmem>>, vector<1x16xf32>,
          %get3A_155 = arith.index_cast %scan3A_58 : i32 to index
          %get3A_156 = arith.constant 112 : index
          %get3A_157 = tpu.vector_load %arg9[%get3A_155, %get3A_156] {strides = array<i32>} : memref<40x128xf32, #tpu.memory_space<vmem>>, vector<1x16xf32>,
          %get3A_158 = vector.shape_cast %get3A_157 : vector<1x16xf32> to vector<16xf32>
          %get3A_159 = arith.index_cast %scan3A_58 : i32 to index
          %get3A_160 = arith.constant 112 : index
          %get3A_161 = tpu.vector_load %arg11[%get3A_159, %get3A_160] {strides = array<i32>} : memref<40x128xf32, #tpu.memory_space<vmem>>, vector<1x16xf32>,
          %get3A_162 = vector.shape_cast %get3A_161 : vector<1x16xf32> to vector<16xf32>
          %add3A_163 = arith.addf %get3A_158, %get3A_162 : vector<16xf32>
          %swap3A_164 = arith.index_cast %scan3A_58 : i32 to index
          %swap3A_165 = arith.constant 112 : index
          %swap3A_166 = tpu.vector_load %arg9[%swap3A_164, %swap3A_165] {strides = array<i32>} : memref<40x128xf32, #tpu.memory_space<vmem>>, vector<1x16xf32>,
          %swap3A_167 = vector.shape_cast %swap3A_166 : vector<1x16xf32> to vector<16xf32>
          %swap3A_168 = vector.shape_cast %add3A_163 : vector<16xf32> to vector<1x16xf32>
          tpu.vector_store %arg9[%swap3A_164, %swap3A_165], %swap3A_168 {strides = array<i32>} : memref<40x128xf32, #tpu.memory_space<vmem>>, vector<1x16xf32>,
        }
        %scan3A_54 = arith.constant 40 : i32
        %mul3A_55 = arith.constant 40 : i32
        %mul3A_56 = arith.muli %add3A_21, %mul3A_55 : i32
        %add3A_57 = arith.addi %mul3A_2, %mul3A_56 : i32
        "tpu.region"() ({
          %run_scoped3A = tpu.sem_alloc : memref<!tpu.dma_semaphore, #tpu.memory_space<semaphore_mem>>
          %dma_start3A_58 = arith.constant 0 : i32
          %dma_start3A_59 = tpu.memref_slice %arg6[%add3A_57, %dma_start3A_58] : memref<160000x128xf32, #tpu.memory_space<hbm>> -> memref<40x128xf32, #tpu.memory_space<hbm>>
          %dma_start3A_60 = arith.constant 0 : i32
          %dma_start3A_61 = tpu.memref_slice %arg6[%add3A_57, %dma_start3A_60] : memref<160000x128xf32, #tpu.memory_space<hbm>> -> memref<40x128xf32, #tpu.memory_space<hbm>>
          tpu.enqueue_dma source(%arg9 : memref<40x128xf32, #tpu.memory_space<vmem>>) target(%dma_start3A_61 : memref<40x128xf32, #tpu.memory_space<hbm>>) target_semaphore(%run_scoped3A : memref<!tpu.dma_semaphore, #tpu.memory_space<semaphore_mem>>)
          %dma_wait3A_62 = arith.constant 0 : i32
          %dma_wait3A_63 = tpu.memref_slice %arg6[%add3A_57, %dma_wait3A_62] : memref<160000x128xf32, #tpu.memory_space<hbm>> -> memref<40x128xf32, #tpu.memory_space<hbm>>
          %dma_wait3A_64 = arith.constant 0 : i32
          %dma_wait3A_65 = tpu.memref_slice %arg6[%add3A_57, %dma_wait3A_64] : memref<160000x128xf32, #tpu.memory_space<hbm>> -> memref<40x128xf32, #tpu.memory_space<hbm>>
          tpu.wait_dma2 semaphore(%run_scoped3A : memref<!tpu.dma_semaphore, #tpu.memory_space<semaphore_mem>>) src(%arg9 : memref<40x128xf32, #tpu.memory_space<vmem>>) dst(%dma_wait3A_65 : memref<40x128xf32, #tpu.memory_space<hbm>>)
          tpu.yield
        }) : () -> ()
      } else {
      }
      %mul3A_24 = arith.constant 2 : i32
      %mul3A_25 = arith.muli %mul3A_24, %scan3A_17 : i32
      %add3A_26 = arith.constant 1 : i32
      %add3A_27 = arith.addi %mul3A_25, %add3A_26 : i32
      %lt3A_28 = arith.constant 125 : i32
      %lt3A_29 = arith.cmpi slt, %add3A_27, %lt3A_28 : i32
      %convert_element_type3A_30 = arith.extui %lt3A_29 : i1 to i32
      %cond3A_31 = arith.constant 0 : i32
      %cond3A_32 = arith.cmpi ne, %convert_element_type3A_30, %cond3A_31 : i32
      scf.if %cond3A_32 {
        %add3A_33 = arith.constant 1 : i32
        %add3A_34 = arith.addi %add3A_27, %add3A_33 : i32
        %lt3A_35 = arith.constant 125 : i32
        %lt3A_36 = arith.cmpi slt, %add3A_34, %lt3A_35 : i32
        %convert_element_type3A_37 = arith.extui %lt3A_36 : i1 to i32
        %cond3A_38 = arith.constant 0 : i32
        %cond3A_39 = arith.cmpi ne, %convert_element_type3A_37, %cond3A_38 : i32
        scf.if %cond3A_39 {
          %add3A_58 = arith.constant 1 : i32
          %add3A_59 = arith.addi %add3A_27, %add3A_58 : i32
          %mul3A_60 = arith.constant 40 : i32
          %mul3A_61 = arith.muli %add3A_59, %mul3A_60 : i32
          %dma_start3A_62 = tpu.memref_slice %arg7[%mul3A_61] : memref<5000xi32, #tpu.memory_space<vmem>> -> memref<40xi32, #tpu.memory_space<vmem>>
          %dma_start3A_63 = arith.constant 0 : i32
          %dma_start3A_64 = arith.constant 0 : i32
          %dma_start3A_65 = tpu.memref_slice %arg4[%dma_start3A_63, %dma_start3A_64] : memref<10000x128xf32, #tpu.memory_space<hbm>> -> memref<10000x128xf32, #tpu.memory_space<hbm>>
          tpu.enqueue_indirect_dma source(%dma_start3A_65 : memref<10000x128xf32, #tpu.memory_space<hbm>>) target(%arg9 : memref<40x128xf32, #tpu.memory_space<vmem>>) offsets(%dma_start3A_62 : memref<40xi32, #tpu.memory_space<vmem>>) semaphore(%arg13 : memref<!tpu.dma_semaphore, #tpu.memory_space<semaphore_mem>>)
          %dma_start3A_66 = tpu.memref_slice %arg8[%mul3A_61] : memref<5000xi32, #tpu.memory_space<vmem>> -> memref<40xi32, #tpu.memory_space<vmem>>
          %dma_start3A_67 = arith.constant 0 : i32
          %dma_start3A_68 = arith.constant 0 : i32
          %dma_start3A_69 = tpu.memref_slice %arg5[%dma_start3A_67, %dma_start3A_68] : memref<10000x128xf32, #tpu.memory_space<hbm>> -> memref<10000x128xf32, #tpu.memory_space<hbm>>
          tpu.enqueue_indirect_dma source(%dma_start3A_69 : memref<10000x128xf32, #tpu.memory_space<hbm>>) target(%arg11 : memref<40x128xf32, #tpu.memory_space<vmem>>) offsets(%dma_start3A_66 : memref<40xi32, #tpu.memory_space<vmem>>) semaphore(%arg15 : memref<!tpu.dma_semaphore, #tpu.memory_space<semaphore_mem>>)
        } else {
        }
        %mul3A_40 = arith.constant 40 : i32
        %mul3A_41 = arith.muli %add3A_27, %mul3A_40 : i32
        %dma_wait3A = tpu.memref_slice %arg7[%mul3A_41] : memref<5000xi32, #tpu.memory_space<vmem>> -> memref<40xi32, #tpu.memory_space<vmem>>
        %dma_wait3A_42 = arith.constant 0 : i32
        %dma_wait3A_43 = arith.constant 0 : i32
        %dma_wait3A_44 = tpu.memref_slice %arg4[%dma_wait3A_42, %dma_wait3A_43] : memref<10000x128xf32, #tpu.memory_space<hbm>> -> memref<10000x128xf32, #tpu.memory_space<hbm>>
        tpu.wait_indirect_dma semaphore(%arg14 : memref<!tpu.dma_semaphore, #tpu.memory_space<semaphore_mem>>) src(%dma_wait3A_44 : memref<10000x128xf32, #tpu.memory_space<hbm>>) dst(%arg10 : memref<40x128xf32, #tpu.memory_space<vmem>>)
        %dma_wait3A_45 = tpu.memref_slice %arg8[%mul3A_41] : memref<5000xi32, #tpu.memory_space<vmem>> -> memref<40xi32, #tpu.memory_space<vmem>>
        %dma_wait3A_46 = arith.constant 0 : i32
        %dma_wait3A_47 = arith.constant 0 : i32
        %dma_wait3A_48 = tpu.memref_slice %arg5[%dma_wait3A_46, %dma_wait3A_47] : memref<10000x128xf32, #tpu.memory_space<hbm>> -> memref<10000x128xf32, #tpu.memory_space<hbm>>
        tpu.wait_indirect_dma semaphore(%arg16 : memref<!tpu.dma_semaphore, #tpu.memory_space<semaphore_mem>>) src(%dma_wait3A_48 : memref<10000x128xf32, #tpu.memory_space<hbm>>) dst(%arg12 : memref<40x128xf32, #tpu.memory_space<vmem>>)
        %scan3A_49 = arith.constant 0 : i32
        %scan3A_50 = arith.constant 0 : i32
        %scan3A_51 = arith.constant 40 : i32
        %scan3A_52 = arith.addi %scan3A_50, %scan3A_51 : i32
        %scan3A_53 = arith.constant 1 : i32
        scf.for %scan3A_58 = %scan3A_50 to %scan3A_52 step %scan3A_53  : i32 {
          %get3A = arith.index_cast %scan3A_58 : i32 to index
          %get3A_59 = arith.constant 0 : index
          %get3A_60 = tpu.vector_load %arg10[%get3A, %get3A_59] {strides = array<i32>} : memref<40x128xf32, #tpu.memory_space<vmem>>, vector<1x16xf32>,
          %get3A_61 = vector.shape_cast %get3A_60 : vector<1x16xf32> to vector<16xf32>
          %get3A_62 = arith.index_cast %scan3A_58 : i32 to index
          %get3A_63 = arith.constant 0 : index
          %get3A_64 = tpu.vector_load %arg12[%get3A_62, %get3A_63] {strides = array<i32>} : memref<40x128xf32, #tpu.memory_space<vmem>>, vector<1x16xf32>,
          %get3A_65 = vector.shape_cast %get3A_64 : vector<1x16xf32> to vector<16xf32>
          %add3A_66 = arith.addf %get3A_61, %get3A_65 : vector<16xf32>
          %swap3A = arith.index_cast %scan3A_58 : i32 to index
          %swap3A_67 = arith.constant 0 : index
          %swap3A_68 = tpu.vector_load %arg10[%swap3A, %swap3A_67] {strides = array<i32>} : memref<40x128xf32, #tpu.memory_space<vmem>>, vector<1x16xf32>,
          %swap3A_69 = vector.shape_cast %swap3A_68 : vector<1x16xf32> to vector<16xf32>
          %swap3A_70 = vector.shape_cast %add3A_66 : vector<16xf32> to vector<1x16xf32>
          tpu.vector_store %arg10[%swap3A, %swap3A_67], %swap3A_70 {strides = array<i32>} : memref<40x128xf32, #tpu.memory_space<vmem>>, vector<1x16xf32>,
          %get3A_71 = arith.index_cast %scan3A_58 : i32 to index
          %get3A_72 = arith.constant 16 : index
          %get3A_73 = tpu.vector_load %arg10[%get3A_71, %get3A_72] {strides = array<i32>} : memref<40x128xf32, #tpu.memory_space<vmem>>, vector<1x16xf32>,
          %get3A_74 = vector.shape_cast %get3A_73 : vector<1x16xf32> to vector<16xf32>
          %get3A_75 = arith.index_cast %scan3A_58 : i32 to index
          %get3A_76 = arith.constant 16 : index
          %get3A_77 = tpu.vector_load %arg12[%get3A_75, %get3A_76] {strides = array<i32>} : memref<40x128xf32, #tpu.memory_space<vmem>>, vector<1x16xf32>,
          %get3A_78 = vector.shape_cast %get3A_77 : vector<1x16xf32> to vector<16xf32>
          %add3A_79 = arith.addf %get3A_74, %get3A_78 : vector<16xf32>
          %swap3A_80 = arith.index_cast %scan3A_58 : i32 to index
          %swap3A_81 = arith.constant 16 : index
          %swap3A_82 = tpu.vector_load %arg10[%swap3A_80, %swap3A_81] {strides = array<i32>} : memref<40x128xf32, #tpu.memory_space<vmem>>, vector<1x16xf32>,
          %swap3A_83 = vector.shape_cast %swap3A_82 : vector<1x16xf32> to vector<16xf32>
          %swap3A_84 = vector.shape_cast %add3A_79 : vector<16xf32> to vector<1x16xf32>
          tpu.vector_store %arg10[%swap3A_80, %swap3A_81], %swap3A_84 {strides = array<i32>} : memref<40x128xf32, #tpu.memory_space<vmem>>, vector<1x16xf32>,
          %get3A_85 = arith.index_cast %scan3A_58 : i32 to index
          %get3A_86 = arith.constant 32 : index
          %get3A_87 = tpu.vector_load %arg10[%get3A_85, %get3A_86] {strides = array<i32>} : memref<40x128xf32, #tpu.memory_space<vmem>>, vector<1x16xf32>,
          %get3A_88 = vector.shape_cast %get3A_87 : vector<1x16xf32> to vector<16xf32>
          %get3A_89 = arith.index_cast %scan3A_58 : i32 to index
          %get3A_90 = arith.constant 32 : index
          %get3A_91 = tpu.vector_load %arg12[%get3A_89, %get3A_90] {strides = array<i32>} : memref<40x128xf32, #tpu.memory_space<vmem>>, vector<1x16xf32>,
          %get3A_92 = vector.shape_cast %get3A_91 : vector<1x16xf32> to vector<16xf32>
          %add3A_93 = arith.addf %get3A_88, %get3A_92 : vector<16xf32>
          %swap3A_94 = arith.index_cast %scan3A_58 : i32 to index
          %swap3A_95 = arith.constant 32 : index
          %swap3A_96 = tpu.vector_load %arg10[%swap3A_94, %swap3A_95] {strides = array<i32>} : memref<40x128xf32, #tpu.memory_space<vmem>>, vector<1x16xf32>,
          %swap3A_97 = vector.shape_cast %swap3A_96 : vector<1x16xf32> to vector<16xf32>
          %swap3A_98 = vector.shape_cast %add3A_93 : vector<16xf32> to vector<1x16xf32>
          tpu.vector_store %arg10[%swap3A_94, %swap3A_95], %swap3A_98 {strides = array<i32>} : memref<40x128xf32, #tpu.memory_space<vmem>>, vector<1x16xf32>,
          %get3A_99 = arith.index_cast %scan3A_58 : i32 to index
          %get3A_100 = arith.constant 48 : index
          %get3A_101 = tpu.vector_load %arg10[%get3A_99, %get3A_100] {strides = array<i32>} : memref<40x128xf32, #tpu.memory_space<vmem>>, vector<1x16xf32>,
          %get3A_102 = vector.shape_cast %get3A_101 : vector<1x16xf32> to vector<16xf32>
          %get3A_103 = arith.index_cast %scan3A_58 : i32 to index
          %get3A_104 = arith.constant 48 : index
          %get3A_105 = tpu.vector_load %arg12[%get3A_103, %get3A_104] {strides = array<i32>} : memref<40x128xf32, #tpu.memory_space<vmem>>, vector<1x16xf32>,
          %get3A_106 = vector.shape_cast %get3A_105 : vector<1x16xf32> to vector<16xf32>
          %add3A_107 = arith.addf %get3A_102, %get3A_106 : vector<16xf32>
          %swap3A_108 = arith.index_cast %scan3A_58 : i32 to index
          %swap3A_109 = arith.constant 48 : index
          %swap3A_110 = tpu.vector_load %arg10[%swap3A_108, %swap3A_109] {strides = array<i32>} : memref<40x128xf32, #tpu.memory_space<vmem>>, vector<1x16xf32>,
          %swap3A_111 = vector.shape_cast %swap3A_110 : vector<1x16xf32> to vector<16xf32>
          %swap3A_112 = vector.shape_cast %add3A_107 : vector<16xf32> to vector<1x16xf32>
          tpu.vector_store %arg10[%swap3A_108, %swap3A_109], %swap3A_112 {strides = array<i32>} : memref<40x128xf32, #tpu.memory_space<vmem>>, vector<1x16xf32>,
          %get3A_113 = arith.index_cast %scan3A_58 : i32 to index
          %get3A_114 = arith.constant 64 : index
          %get3A_115 = tpu.vector_load %arg10[%get3A_113, %get3A_114] {strides = array<i32>} : memref<40x128xf32, #tpu.memory_space<vmem>>, vector<1x16xf32>,
          %get3A_116 = vector.shape_cast %get3A_115 : vector<1x16xf32> to vector<16xf32>
          %get3A_117 = arith.index_cast %scan3A_58 : i32 to index
          %get3A_118 = arith.constant 64 : index
          %get3A_119 = tpu.vector_load %arg12[%get3A_117, %get3A_118] {strides = array<i32>} : memref<40x128xf32, #tpu.memory_space<vmem>>, vector<1x16xf32>,
          %get3A_120 = vector.shape_cast %get3A_119 : vector<1x16xf32> to vector<16xf32>
          %add3A_121 = arith.addf %get3A_116, %get3A_120 : vector<16xf32>
          %swap3A_122 = arith.index_cast %scan3A_58 : i32 to index
          %swap3A_123 = arith.constant 64 : index
          %swap3A_124 = tpu.vector_load %arg10[%swap3A_122, %swap3A_123] {strides = array<i32>} : memref<40x128xf32, #tpu.memory_space<vmem>>, vector<1x16xf32>,
          %swap3A_125 = vector.shape_cast %swap3A_124 : vector<1x16xf32> to vector<16xf32>
          %swap3A_126 = vector.shape_cast %add3A_121 : vector<16xf32> to vector<1x16xf32>
          tpu.vector_store %arg10[%swap3A_122, %swap3A_123], %swap3A_126 {strides = array<i32>} : memref<40x128xf32, #tpu.memory_space<vmem>>, vector<1x16xf32>,
          %get3A_127 = arith.index_cast %scan3A_58 : i32 to index
          %get3A_128 = arith.constant 80 : index
          %get3A_129 = tpu.vector_load %arg10[%get3A_127, %get3A_128] {strides = array<i32>} : memref<40x128xf32, #tpu.memory_space<vmem>>, vector<1x16xf32>,
          %get3A_130 = vector.shape_cast %get3A_129 : vector<1x16xf32> to vector<16xf32>
          %get3A_131 = arith.index_cast %scan3A_58 : i32 to index
          %get3A_132 = arith.constant 80 : index
          %get3A_133 = tpu.vector_load %arg12[%get3A_131, %get3A_132] {strides = array<i32>} : memref<40x128xf32, #tpu.memory_space<vmem>>, vector<1x16xf32>,
          %get3A_134 = vector.shape_cast %get3A_133 : vector<1x16xf32> to vector<16xf32>
          %add3A_135 = arith.addf %get3A_130, %get3A_134 : vector<16xf32>
          %swap3A_136 = arith.index_cast %scan3A_58 : i32 to index
          %swap3A_137 = arith.constant 80 : index
          %swap3A_138 = tpu.vector_load %arg10[%swap3A_136, %swap3A_137] {strides = array<i32>} : memref<40x128xf32, #tpu.memory_space<vmem>>, vector<1x16xf32>,
          %swap3A_139 = vector.shape_cast %swap3A_138 : vector<1x16xf32> to vector<16xf32>
          %swap3A_140 = vector.shape_cast %add3A_135 : vector<16xf32> to vector<1x16xf32>
          tpu.vector_store %arg10[%swap3A_136, %swap3A_137], %swap3A_140 {strides = array<i32>} : memref<40x128xf32, #tpu.memory_space<vmem>>, vector<1x16xf32>,
          %get3A_141 = arith.index_cast %scan3A_58 : i32 to index
          %get3A_142 = arith.constant 96 : index
          %get3A_143 = tpu.vector_load %arg10[%get3A_141, %get3A_142] {strides = array<i32>} : memref<40x128xf32, #tpu.memory_space<vmem>>, vector<1x16xf32>,
          %get3A_144 = vector.shape_cast %get3A_143 : vector<1x16xf32> to vector<16xf32>
          %get3A_145 = arith.index_cast %scan3A_58 : i32 to index
          %get3A_146 = arith.constant 96 : index
          %get3A_147 = tpu.vector_load %arg12[%get3A_145, %get3A_146] {strides = array<i32>} : memref<40x128xf32, #tpu.memory_space<vmem>>, vector<1x16xf32>,
          %get3A_148 = vector.shape_cast %get3A_147 : vector<1x16xf32> to vector<16xf32>
          %add3A_149 = arith.addf %get3A_144, %get3A_148 : vector<16xf32>
          %swap3A_150 = arith.index_cast %scan3A_58 : i32 to index
          %swap3A_151 = arith.constant 96 : index
          %swap3A_152 = tpu.vector_load %arg10[%swap3A_150, %swap3A_151] {strides = array<i32>} : memref<40x128xf32, #tpu.memory_space<vmem>>, vector<1x16xf32>,
          %swap3A_153 = vector.shape_cast %swap3A_152 : vector<1x16xf32> to vector<16xf32>
          %swap3A_154 = vector.shape_cast %add3A_149 : vector<16xf32> to vector<1x16xf32>
          tpu.vector_store %arg10[%swap3A_150, %swap3A_151], %swap3A_154 {strides = array<i32>} : memref<40x128xf32, #tpu.memory_space<vmem>>, vector<1x16xf32>,
          %get3A_155 = arith.index_cast %scan3A_58 : i32 to index
          %get3A_156 = arith.constant 112 : index
          %get3A_157 = tpu.vector_load %arg10[%get3A_155, %get3A_156] {strides = array<i32>} : memref<40x128xf32, #tpu.memory_space<vmem>>, vector<1x16xf32>,
          %get3A_158 = vector.shape_cast %get3A_157 : vector<1x16xf32> to vector<16xf32>
          %get3A_159 = arith.index_cast %scan3A_58 : i32 to index
          %get3A_160 = arith.constant 112 : index
          %get3A_161 = tpu.vector_load %arg12[%get3A_159, %get3A_160] {strides = array<i32>} : memref<40x128xf32, #tpu.memory_space<vmem>>, vector<1x16xf32>,
          %get3A_162 = vector.shape_cast %get3A_161 : vector<1x16xf32> to vector<16xf32>
          %add3A_163 = arith.addf %get3A_158, %get3A_162 : vector<16xf32>
          %swap3A_164 = arith.index_cast %scan3A_58 : i32 to index
          %swap3A_165 = arith.constant 112 : index
          %swap3A_166 = tpu.vector_load %arg10[%swap3A_164, %swap3A_165] {strides = array<i32>} : memref<40x128xf32, #tpu.memory_space<vmem>>, vector<1x16xf32>,
          %swap3A_167 = vector.shape_cast %swap3A_166 : vector<1x16xf32> to vector<16xf32>
          %swap3A_168 = vector.shape_cast %add3A_163 : vector<16xf32> to vector<1x16xf32>
          tpu.vector_store %arg10[%swap3A_164, %swap3A_165], %swap3A_168 {strides = array<i32>} : memref<40x128xf32, #tpu.memory_space<vmem>>, vector<1x16xf32>,
        }
        %scan3A_54 = arith.constant 40 : i32
        %mul3A_55 = arith.constant 40 : i32
        %mul3A_56 = arith.muli %add3A_27, %mul3A_55 : i32
        %add3A_57 = arith.addi %mul3A_2, %mul3A_56 : i32
        "tpu.region"() ({
          %run_scoped3A = tpu.sem_alloc : memref<!tpu.dma_semaphore, #tpu.memory_space<semaphore_mem>>
          %dma_start3A_58 = arith.constant 0 : i32
          %dma_start3A_59 = tpu.memref_slice %arg6[%add3A_57, %dma_start3A_58] : memref<160000x128xf32, #tpu.memory_space<hbm>> -> memref<40x128xf32, #tpu.memory_space<hbm>>
          %dma_start3A_60 = arith.constant 0 : i32
          %dma_start3A_61 = tpu.memref_slice %arg6[%add3A_57, %dma_start3A_60] : memref<160000x128xf32, #tpu.memory_space<hbm>> -> memref<40x128xf32, #tpu.memory_space<hbm>>
          tpu.enqueue_dma source(%arg10 : memref<40x128xf32, #tpu.memory_space<vmem>>) target(%dma_start3A_61 : memref<40x128xf32, #tpu.memory_space<hbm>>) target_semaphore(%run_scoped3A : memref<!tpu.dma_semaphore, #tpu.memory_space<semaphore_mem>>)
          %dma_wait3A_62 = arith.constant 0 : i32
          %dma_wait3A_63 = tpu.memref_slice %arg6[%add3A_57, %dma_wait3A_62] : memref<160000x128xf32, #tpu.memory_space<hbm>> -> memref<40x128xf32, #tpu.memory_space<hbm>>
          %dma_wait3A_64 = arith.constant 0 : i32
          %dma_wait3A_65 = tpu.memref_slice %arg6[%add3A_57, %dma_wait3A_64] : memref<160000x128xf32, #tpu.memory_space<hbm>> -> memref<40x128xf32, #tpu.memory_space<hbm>>
          tpu.wait_dma2 semaphore(%run_scoped3A : memref<!tpu.dma_semaphore, #tpu.memory_space<semaphore_mem>>) src(%arg10 : memref<40x128xf32, #tpu.memory_space<vmem>>) dst(%dma_wait3A_65 : memref<40x128xf32, #tpu.memory_space<hbm>>)
          tpu.yield
        }) : () -> ()
      } else {
      }
    }
    %scan3A_16 = arith.constant 63 : i32
    return
  }
}

#map = affine_map<(d0, d1) -> (0)>
#map1 = affine_map<(d0, d1) -> (0, 0)>
module attributes {stable_mosaic.version = 14 : i64} {
  func.func @_sc_gather_r_body(%arg0: i32, %arg1: i32, %arg2: memref<160000xi32, #tpu.memory_space<hbm>>, %arg3: memref<10000x128xf32, #tpu.memory_space<hbm>>, %arg4: memref<160000x128xf32, #tpu.memory_space<hbm>>, %arg5: memref<5000xi32, #tpu.memory_space<vmem>>, %arg6: memref<40x128xf32, #tpu.memory_space<vmem>>, %arg7: memref<40x128xf32, #tpu.memory_space<vmem>>, %arg8: memref<!tpu.dma_semaphore, #tpu.memory_space<semaphore_mem>>, %arg9: memref<!tpu.dma_semaphore, #tpu.memory_space<semaphore_mem>>) attributes {dimension_semantics = [#tpu.dimension_semantics<core_parallel>, #tpu.dimension_semantics<subcore_parallel>], iteration_bounds = array<i64: 2, 16>, scalar_prefetch = 0 : i64, scratch_operands = 5 : i64, tpu.core_type = #tpu.core_type<sc_vector_subcore>, window_params = [{transform_indices = #map}, {transform_indices = #map1}, {transform_indices = #map1}]} {
    %mul3A = arith.constant 2 : i32
    %mul3A_0 = arith.muli %arg1, %mul3A : i32
    %add3A = arith.addi %mul3A_0, %arg0 : i32
    %mul3A_1 = arith.constant 5000 : i32
    %mul3A_2 = arith.muli %add3A, %mul3A_1 : i32
    "tpu.region"() ({
      %run_scoped3A = tpu.sem_alloc : memref<!tpu.dma_semaphore, #tpu.memory_space<semaphore_mem>>
      %dma_start3A_12 = tpu.memref_slice %arg2[%mul3A_2] : memref<160000xi32, #tpu.memory_space<hbm>> -> memref<5000xi32, #tpu.memory_space<hbm>>
      %dma_start3A_13 = tpu.memref_slice %arg2[%mul3A_2] : memref<160000xi32, #tpu.memory_space<hbm>> -> memref<5000xi32, #tpu.memory_space<hbm>>
      tpu.enqueue_dma source(%dma_start3A_13 : memref<5000xi32, #tpu.memory_space<hbm>>) target(%arg5 : memref<5000xi32, #tpu.memory_space<vmem>>) target_semaphore(%run_scoped3A : memref<!tpu.dma_semaphore, #tpu.memory_space<semaphore_mem>>)
      %dma_wait3A = tpu.memref_slice %arg2[%mul3A_2] : memref<160000xi32, #tpu.memory_space<hbm>> -> memref<5000xi32, #tpu.memory_space<hbm>>
      %dma_wait3A_14 = tpu.memref_slice %arg2[%mul3A_2] : memref<160000xi32, #tpu.memory_space<hbm>> -> memref<5000xi32, #tpu.memory_space<hbm>>
      tpu.wait_dma2 semaphore(%run_scoped3A : memref<!tpu.dma_semaphore, #tpu.memory_space<semaphore_mem>>) src(%dma_wait3A_14 : memref<5000xi32, #tpu.memory_space<hbm>>) dst(%arg5 : memref<5000xi32, #tpu.memory_space<vmem>>)
      tpu.yield
    }) : () -> ()
    %dma_start3A = arith.constant 0 : i32
    %dma_start3A_3 = tpu.memref_slice %arg5[%dma_start3A] : memref<5000xi32, #tpu.memory_space<vmem>> -> memref<40xi32, #tpu.memory_space<vmem>>
    %dma_start3A_4 = arith.constant 0 : i32
    %dma_start3A_5 = arith.constant 0 : i32
    %dma_start3A_6 = tpu.memref_slice %arg3[%dma_start3A_4, %dma_start3A_5] : memref<10000x128xf32, #tpu.memory_space<hbm>> -> memref<10000x128xf32, #tpu.memory_space<hbm>>
    tpu.enqueue_indirect_dma source(%dma_start3A_6 : memref<10000x128xf32, #tpu.memory_space<hbm>>) target(%arg6 : memref<40x128xf32, #tpu.memory_space<vmem>>) offsets(%dma_start3A_3 : memref<40xi32, #tpu.memory_space<vmem>>) semaphore(%arg8 : memref<!tpu.dma_semaphore, #tpu.memory_space<semaphore_mem>>)
    %scan3A = arith.constant 0 : i32
    %scan3A_7 = arith.constant 0 : i32
    %scan3A_8 = arith.constant 63 : i32
    %scan3A_9 = arith.addi %scan3A_7, %scan3A_8 : i32
    %scan3A_10 = arith.constant 1 : i32
    scf.for %scan3A_12 = %scan3A_7 to %scan3A_9 step %scan3A_10  : i32 {
      %mul3A_13 = arith.constant 2 : i32
      %mul3A_14 = arith.muli %mul3A_13, %scan3A_12 : i32
      %add3A_15 = arith.constant 0 : i32
      %add3A_16 = arith.addi %mul3A_14, %add3A_15 : i32
      %lt3A = arith.constant 125 : i32
      %lt3A_17 = arith.cmpi slt, %add3A_16, %lt3A : i32
      %convert_element_type3A = arith.extui %lt3A_17 : i1 to i32
      %cond3A = arith.constant 0 : i32
      %cond3A_18 = arith.cmpi ne, %convert_element_type3A, %cond3A : i32
      scf.if %cond3A_18 {
        %add3A_28 = arith.constant 1 : i32
        %add3A_29 = arith.addi %add3A_16, %add3A_28 : i32
        %lt3A_30 = arith.constant 125 : i32
        %lt3A_31 = arith.cmpi slt, %add3A_29, %lt3A_30 : i32
        %convert_element_type3A_32 = arith.extui %lt3A_31 : i1 to i32
        %cond3A_33 = arith.constant 0 : i32
        %cond3A_34 = arith.cmpi ne, %convert_element_type3A_32, %cond3A_33 : i32
        scf.if %cond3A_34 {
          %add3A_43 = arith.constant 1 : i32
          %add3A_44 = arith.addi %add3A_16, %add3A_43 : i32
          %mul3A_45 = arith.constant 40 : i32
          %mul3A_46 = arith.muli %add3A_44, %mul3A_45 : i32
          %dma_start3A_47 = tpu.memref_slice %arg5[%mul3A_46] : memref<5000xi32, #tpu.memory_space<vmem>> -> memref<40xi32, #tpu.memory_space<vmem>>
          %dma_start3A_48 = arith.constant 0 : i32
          %dma_start3A_49 = arith.constant 0 : i32
          %dma_start3A_50 = tpu.memref_slice %arg3[%dma_start3A_48, %dma_start3A_49] : memref<10000x128xf32, #tpu.memory_space<hbm>> -> memref<10000x128xf32, #tpu.memory_space<hbm>>
          tpu.enqueue_indirect_dma source(%dma_start3A_50 : memref<10000x128xf32, #tpu.memory_space<hbm>>) target(%arg7 : memref<40x128xf32, #tpu.memory_space<vmem>>) offsets(%dma_start3A_47 : memref<40xi32, #tpu.memory_space<vmem>>) semaphore(%arg9 : memref<!tpu.dma_semaphore, #tpu.memory_space<semaphore_mem>>)
        } else {
        }
        %mul3A_35 = arith.constant 40 : i32
        %mul3A_36 = arith.muli %add3A_16, %mul3A_35 : i32
        %dma_wait3A = tpu.memref_slice %arg5[%mul3A_36] : memref<5000xi32, #tpu.memory_space<vmem>> -> memref<40xi32, #tpu.memory_space<vmem>>
        %dma_wait3A_37 = arith.constant 0 : i32
        %dma_wait3A_38 = arith.constant 0 : i32
        %dma_wait3A_39 = tpu.memref_slice %arg3[%dma_wait3A_37, %dma_wait3A_38] : memref<10000x128xf32, #tpu.memory_space<hbm>> -> memref<10000x128xf32, #tpu.memory_space<hbm>>
        tpu.wait_indirect_dma semaphore(%arg8 : memref<!tpu.dma_semaphore, #tpu.memory_space<semaphore_mem>>) src(%dma_wait3A_39 : memref<10000x128xf32, #tpu.memory_space<hbm>>) dst(%arg6 : memref<40x128xf32, #tpu.memory_space<vmem>>)
        %mul3A_40 = arith.constant 40 : i32
        %mul3A_41 = arith.muli %add3A_16, %mul3A_40 : i32
        %add3A_42 = arith.addi %mul3A_2, %mul3A_41 : i32
        "tpu.region"() ({
          %run_scoped3A = tpu.sem_alloc : memref<!tpu.dma_semaphore, #tpu.memory_space<semaphore_mem>>
          %dma_start3A_43 = arith.constant 0 : i32
          %dma_start3A_44 = tpu.memref_slice %arg4[%add3A_42, %dma_start3A_43] : memref<160000x128xf32, #tpu.memory_space<hbm>> -> memref<40x128xf32, #tpu.memory_space<hbm>>
          %dma_start3A_45 = arith.constant 0 : i32
          %dma_start3A_46 = tpu.memref_slice %arg4[%add3A_42, %dma_start3A_45] : memref<160000x128xf32, #tpu.memory_space<hbm>> -> memref<40x128xf32, #tpu.memory_space<hbm>>
          tpu.enqueue_dma source(%arg6 : memref<40x128xf32, #tpu.memory_space<vmem>>) target(%dma_start3A_46 : memref<40x128xf32, #tpu.memory_space<hbm>>) target_semaphore(%run_scoped3A : memref<!tpu.dma_semaphore, #tpu.memory_space<semaphore_mem>>)
          %dma_wait3A_47 = arith.constant 0 : i32
          %dma_wait3A_48 = tpu.memref_slice %arg4[%add3A_42, %dma_wait3A_47] : memref<160000x128xf32, #tpu.memory_space<hbm>> -> memref<40x128xf32, #tpu.memory_space<hbm>>
          %dma_wait3A_49 = arith.constant 0 : i32
          %dma_wait3A_50 = tpu.memref_slice %arg4[%add3A_42, %dma_wait3A_49] : memref<160000x128xf32, #tpu.memory_space<hbm>> -> memref<40x128xf32, #tpu.memory_space<hbm>>
          tpu.wait_dma2 semaphore(%run_scoped3A : memref<!tpu.dma_semaphore, #tpu.memory_space<semaphore_mem>>) src(%arg6 : memref<40x128xf32, #tpu.memory_space<vmem>>) dst(%dma_wait3A_50 : memref<40x128xf32, #tpu.memory_space<hbm>>)
          tpu.yield
        }) : () -> ()
      } else {
      }
      %mul3A_19 = arith.constant 2 : i32
      %mul3A_20 = arith.muli %mul3A_19, %scan3A_12 : i32
      %add3A_21 = arith.constant 1 : i32
      %add3A_22 = arith.addi %mul3A_20, %add3A_21 : i32
      %lt3A_23 = arith.constant 125 : i32
      %lt3A_24 = arith.cmpi slt, %add3A_22, %lt3A_23 : i32
      %convert_element_type3A_25 = arith.extui %lt3A_24 : i1 to i32
      %cond3A_26 = arith.constant 0 : i32
      %cond3A_27 = arith.cmpi ne, %convert_element_type3A_25, %cond3A_26 : i32
      scf.if %cond3A_27 {
        %add3A_28 = arith.constant 1 : i32
        %add3A_29 = arith.addi %add3A_22, %add3A_28 : i32
        %lt3A_30 = arith.constant 125 : i32
        %lt3A_31 = arith.cmpi slt, %add3A_29, %lt3A_30 : i32
        %convert_element_type3A_32 = arith.extui %lt3A_31 : i1 to i32
        %cond3A_33 = arith.constant 0 : i32
        %cond3A_34 = arith.cmpi ne, %convert_element_type3A_32, %cond3A_33 : i32
        scf.if %cond3A_34 {
          %add3A_43 = arith.constant 1 : i32
          %add3A_44 = arith.addi %add3A_22, %add3A_43 : i32
          %mul3A_45 = arith.constant 40 : i32
          %mul3A_46 = arith.muli %add3A_44, %mul3A_45 : i32
          %dma_start3A_47 = tpu.memref_slice %arg5[%mul3A_46] : memref<5000xi32, #tpu.memory_space<vmem>> -> memref<40xi32, #tpu.memory_space<vmem>>
          %dma_start3A_48 = arith.constant 0 : i32
          %dma_start3A_49 = arith.constant 0 : i32
          %dma_start3A_50 = tpu.memref_slice %arg3[%dma_start3A_48, %dma_start3A_49] : memref<10000x128xf32, #tpu.memory_space<hbm>> -> memref<10000x128xf32, #tpu.memory_space<hbm>>
          tpu.enqueue_indirect_dma source(%dma_start3A_50 : memref<10000x128xf32, #tpu.memory_space<hbm>>) target(%arg6 : memref<40x128xf32, #tpu.memory_space<vmem>>) offsets(%dma_start3A_47 : memref<40xi32, #tpu.memory_space<vmem>>) semaphore(%arg8 : memref<!tpu.dma_semaphore, #tpu.memory_space<semaphore_mem>>)
        } else {
        }
        %mul3A_35 = arith.constant 40 : i32
        %mul3A_36 = arith.muli %add3A_22, %mul3A_35 : i32
        %dma_wait3A = tpu.memref_slice %arg5[%mul3A_36] : memref<5000xi32, #tpu.memory_space<vmem>> -> memref<40xi32, #tpu.memory_space<vmem>>
        %dma_wait3A_37 = arith.constant 0 : i32
        %dma_wait3A_38 = arith.constant 0 : i32
        %dma_wait3A_39 = tpu.memref_slice %arg3[%dma_wait3A_37, %dma_wait3A_38] : memref<10000x128xf32, #tpu.memory_space<hbm>> -> memref<10000x128xf32, #tpu.memory_space<hbm>>
        tpu.wait_indirect_dma semaphore(%arg9 : memref<!tpu.dma_semaphore, #tpu.memory_space<semaphore_mem>>) src(%dma_wait3A_39 : memref<10000x128xf32, #tpu.memory_space<hbm>>) dst(%arg7 : memref<40x128xf32, #tpu.memory_space<vmem>>)
        %mul3A_40 = arith.constant 40 : i32
        %mul3A_41 = arith.muli %add3A_22, %mul3A_40 : i32
        %add3A_42 = arith.addi %mul3A_2, %mul3A_41 : i32
        "tpu.region"() ({
          %run_scoped3A = tpu.sem_alloc : memref<!tpu.dma_semaphore, #tpu.memory_space<semaphore_mem>>
          %dma_start3A_43 = arith.constant 0 : i32
          %dma_start3A_44 = tpu.memref_slice %arg4[%add3A_42, %dma_start3A_43] : memref<160000x128xf32, #tpu.memory_space<hbm>> -> memref<40x128xf32, #tpu.memory_space<hbm>>
          %dma_start3A_45 = arith.constant 0 : i32
          %dma_start3A_46 = tpu.memref_slice %arg4[%add3A_42, %dma_start3A_45] : memref<160000x128xf32, #tpu.memory_space<hbm>> -> memref<40x128xf32, #tpu.memory_space<hbm>>
          tpu.enqueue_dma source(%arg7 : memref<40x128xf32, #tpu.memory_space<vmem>>) target(%dma_start3A_46 : memref<40x128xf32, #tpu.memory_space<hbm>>) target_semaphore(%run_scoped3A : memref<!tpu.dma_semaphore, #tpu.memory_space<semaphore_mem>>)
          %dma_wait3A_47 = arith.constant 0 : i32
          %dma_wait3A_48 = tpu.memref_slice %arg4[%add3A_42, %dma_wait3A_47] : memref<160000x128xf32, #tpu.memory_space<hbm>> -> memref<40x128xf32, #tpu.memory_space<hbm>>
          %dma_wait3A_49 = arith.constant 0 : i32
          %dma_wait3A_50 = tpu.memref_slice %arg4[%add3A_42, %dma_wait3A_49] : memref<160000x128xf32, #tpu.memory_space<hbm>> -> memref<40x128xf32, #tpu.memory_space<hbm>>
          tpu.wait_dma2 semaphore(%run_scoped3A : memref<!tpu.dma_semaphore, #tpu.memory_space<semaphore_mem>>) src(%arg7 : memref<40x128xf32, #tpu.memory_space<vmem>>) dst(%dma_wait3A_50 : memref<40x128xf32, #tpu.memory_space<hbm>>)
          tpu.yield
        }) : () -> ()
      } else {
      }
    }
    %scan3A_11 = arith.constant 63 : i32
    return
  }
}

#map = affine_map<(d0, d1) -> (0, 0)>
#map1 = affine_map<(d0, d1) -> (0)>
module attributes {stable_mosaic.version = 14 : i64} {
  func.func @_sc_scatter_body(%arg0: i32, %arg1: i32, %arg2: memref<160000x256xf32, #tpu.memory_space<hbm>>, %arg3: memref<160000xi32, #tpu.memory_space<hbm>>, %arg4: memref<10000x256xf32, #tpu.memory_space<hbm>>, %arg5: memref<80xi32, #tpu.memory_space<vmem>>, %arg6: memref<80xi32, #tpu.memory_space<vmem>>, %arg7: memref<80x128xf32, #tpu.memory_space<vmem>>, %arg8: memref<80x128xf32, #tpu.memory_space<vmem>>, %arg9: memref<104x128xf32, #tpu.memory_space<vmem>>, %arg10: memref<10000x128xf32, #tpu.memory_space<vmem_shared>>, %arg11: memref<!tpu.dma_semaphore, #tpu.memory_space<semaphore_mem>>, %arg12: memref<!tpu.dma_semaphore, #tpu.memory_space<semaphore_mem>>, %arg13: memref<!tpu.dma_semaphore, #tpu.memory_space<semaphore_mem>>, %arg14: memref<!tpu.dma_semaphore, #tpu.memory_space<semaphore_mem>>) attributes {dimension_semantics = [#tpu.dimension_semantics<core_parallel>, #tpu.dimension_semantics<subcore_parallel>], iteration_bounds = array<i64: 2, 16>, scalar_prefetch = 0 : i64, scratch_operands = 10 : i64, tpu.core_type = #tpu.core_type<sc_vector_subcore>, window_params = [{transform_indices = #map}, {transform_indices = #map1}, {transform_indices = #map}]} {
    %mul3A = arith.constant 78 : i32
    %mul3A_0 = arith.muli %arg1, %mul3A : i32
    %min3A = arith.constant 2 : i32
    %min3A_1 = arith.minsi %arg1, %min3A : i32
    %add3A = arith.addi %mul3A_0, %min3A_1 : i32
    %lt3A = arith.constant 2 : i32
    %lt3A_2 = arith.cmpi slt, %arg1, %lt3A : i32
    %mul3A_3 = arith.constant 8 : i32
    %mul3A_4 = arith.muli %add3A, %mul3A_3 : i32
    %scan3A = arith.constant 0 : i32
    %scan3A_5 = arith.constant 0 : i32
    %scan3A_6 = arith.constant 104 : i32
    %scan3A_7 = arith.addi %scan3A_5, %scan3A_6 : i32
    %scan3A_8 = arith.constant 1 : i32
    scf.for %scan3A_42 = %scan3A_5 to %scan3A_7 step %scan3A_8  : i32 {
      %broadcast_in_dim3A = arith.constant 0.000000e+00 : f32
      %broadcast_in_dim3A_43 = vector.broadcast %broadcast_in_dim3A : f32 to vector<16xf32>
      %swap3A = arith.index_cast %scan3A_42 : i32 to index
      %swap3A_44 = arith.constant 0 : index
      %swap3A_45 = tpu.vector_load %arg9[%swap3A, %swap3A_44] {strides = array<i32>} : memref<104x128xf32, #tpu.memory_space<vmem>>, vector<1x16xf32>,
      %swap3A_46 = vector.shape_cast %swap3A_45 : vector<1x16xf32> to vector<16xf32>
      %swap3A_47 = vector.shape_cast %broadcast_in_dim3A_43 : vector<16xf32> to vector<1x16xf32>
      tpu.vector_store %arg9[%swap3A, %swap3A_44], %swap3A_47 {strides = array<i32>} : memref<104x128xf32, #tpu.memory_space<vmem>>, vector<1x16xf32>,
      %broadcast_in_dim3A_48 = arith.constant 0.000000e+00 : f32
      %broadcast_in_dim3A_49 = vector.broadcast %broadcast_in_dim3A_48 : f32 to vector<16xf32>
      %swap3A_50 = arith.index_cast %scan3A_42 : i32 to index
      %swap3A_51 = arith.constant 16 : index
      %swap3A_52 = tpu.vector_load %arg9[%swap3A_50, %swap3A_51] {strides = array<i32>} : memref<104x128xf32, #tpu.memory_space<vmem>>, vector<1x16xf32>,
      %swap3A_53 = vector.shape_cast %swap3A_52 : vector<1x16xf32> to vector<16xf32>
      %swap3A_54 = vector.shape_cast %broadcast_in_dim3A_49 : vector<16xf32> to vector<1x16xf32>
      tpu.vector_store %arg9[%swap3A_50, %swap3A_51], %swap3A_54 {strides = array<i32>} : memref<104x128xf32, #tpu.memory_space<vmem>>, vector<1x16xf32>,
      %broadcast_in_dim3A_55 = arith.constant 0.000000e+00 : f32
      %broadcast_in_dim3A_56 = vector.broadcast %broadcast_in_dim3A_55 : f32 to vector<16xf32>
      %swap3A_57 = arith.index_cast %scan3A_42 : i32 to index
      %swap3A_58 = arith.constant 32 : index
      %swap3A_59 = tpu.vector_load %arg9[%swap3A_57, %swap3A_58] {strides = array<i32>} : memref<104x128xf32, #tpu.memory_space<vmem>>, vector<1x16xf32>,
      %swap3A_60 = vector.shape_cast %swap3A_59 : vector<1x16xf32> to vector<16xf32>
      %swap3A_61 = vector.shape_cast %broadcast_in_dim3A_56 : vector<16xf32> to vector<1x16xf32>
      tpu.vector_store %arg9[%swap3A_57, %swap3A_58], %swap3A_61 {strides = array<i32>} : memref<104x128xf32, #tpu.memory_space<vmem>>, vector<1x16xf32>,
      %broadcast_in_dim3A_62 = arith.constant 0.000000e+00 : f32
      %broadcast_in_dim3A_63 = vector.broadcast %broadcast_in_dim3A_62 : f32 to vector<16xf32>
      %swap3A_64 = arith.index_cast %scan3A_42 : i32 to index
      %swap3A_65 = arith.constant 48 : index
      %swap3A_66 = tpu.vector_load %arg9[%swap3A_64, %swap3A_65] {strides = array<i32>} : memref<104x128xf32, #tpu.memory_space<vmem>>, vector<1x16xf32>,
      %swap3A_67 = vector.shape_cast %swap3A_66 : vector<1x16xf32> to vector<16xf32>
      %swap3A_68 = vector.shape_cast %broadcast_in_dim3A_63 : vector<16xf32> to vector<1x16xf32>
      tpu.vector_store %arg9[%swap3A_64, %swap3A_65], %swap3A_68 {strides = array<i32>} : memref<104x128xf32, #tpu.memory_space<vmem>>, vector<1x16xf32>,
      %broadcast_in_dim3A_69 = arith.constant 0.000000e+00 : f32
      %broadcast_in_dim3A_70 = vector.broadcast %broadcast_in_dim3A_69 : f32 to vector<16xf32>
      %swap3A_71 = arith.index_cast %scan3A_42 : i32 to index
      %swap3A_72 = arith.constant 64 : index
      %swap3A_73 = tpu.vector_load %arg9[%swap3A_71, %swap3A_72] {strides = array<i32>} : memref<104x128xf32, #tpu.memory_space<vmem>>, vector<1x16xf32>,
      %swap3A_74 = vector.shape_cast %swap3A_73 : vector<1x16xf32> to vector<16xf32>
      %swap3A_75 = vector.shape_cast %broadcast_in_dim3A_70 : vector<16xf32> to vector<1x16xf32>
      tpu.vector_store %arg9[%swap3A_71, %swap3A_72], %swap3A_75 {strides = array<i32>} : memref<104x128xf32, #tpu.memory_space<vmem>>, vector<1x16xf32>,
      %broadcast_in_dim3A_76 = arith.constant 0.000000e+00 : f32
      %broadcast_in_dim3A_77 = vector.broadcast %broadcast_in_dim3A_76 : f32 to vector<16xf32>
      %swap3A_78 = arith.index_cast %scan3A_42 : i32 to index
      %swap3A_79 = arith.constant 80 : index
      %swap3A_80 = tpu.vector_load %arg9[%swap3A_78, %swap3A_79] {strides = array<i32>} : memref<104x128xf32, #tpu.memory_space<vmem>>, vector<1x16xf32>,
      %swap3A_81 = vector.shape_cast %swap3A_80 : vector<1x16xf32> to vector<16xf32>
      %swap3A_82 = vector.shape_cast %broadcast_in_dim3A_77 : vector<16xf32> to vector<1x16xf32>
      tpu.vector_store %arg9[%swap3A_78, %swap3A_79], %swap3A_82 {strides = array<i32>} : memref<104x128xf32, #tpu.memory_space<vmem>>, vector<1x16xf32>,
      %broadcast_in_dim3A_83 = arith.constant 0.000000e+00 : f32
      %broadcast_in_dim3A_84 = vector.broadcast %broadcast_in_dim3A_83 : f32 to vector<16xf32>
      %swap3A_85 = arith.index_cast %scan3A_42 : i32 to index
      %swap3A_86 = arith.constant 96 : index
      %swap3A_87 = tpu.vector_load %arg9[%swap3A_85, %swap3A_86] {strides = array<i32>} : memref<104x128xf32, #tpu.memory_space<vmem>>, vector<1x16xf32>,
      %swap3A_88 = vector.shape_cast %swap3A_87 : vector<1x16xf32> to vector<16xf32>
      %swap3A_89 = vector.shape_cast %broadcast_in_dim3A_84 : vector<16xf32> to vector<1x16xf32>
      tpu.vector_store %arg9[%swap3A_85, %swap3A_86], %swap3A_89 {strides = array<i32>} : memref<104x128xf32, #tpu.memory_space<vmem>>, vector<1x16xf32>,
      %broadcast_in_dim3A_90 = arith.constant 0.000000e+00 : f32
      %broadcast_in_dim3A_91 = vector.broadcast %broadcast_in_dim3A_90 : f32 to vector<16xf32>
      %swap3A_92 = arith.index_cast %scan3A_42 : i32 to index
      %swap3A_93 = arith.constant 112 : index
      %swap3A_94 = tpu.vector_load %arg9[%swap3A_92, %swap3A_93] {strides = array<i32>} : memref<104x128xf32, #tpu.memory_space<vmem>>, vector<1x16xf32>,
      %swap3A_95 = vector.shape_cast %swap3A_94 : vector<1x16xf32> to vector<16xf32>
      %swap3A_96 = vector.shape_cast %broadcast_in_dim3A_91 : vector<16xf32> to vector<1x16xf32>
      tpu.vector_store %arg9[%swap3A_92, %swap3A_93], %swap3A_96 {strides = array<i32>} : memref<104x128xf32, #tpu.memory_space<vmem>>, vector<1x16xf32>,
    }
    %scan3A_9 = arith.constant 104 : i32
    %scan3A_10 = arith.constant 0 : i32
    %scan3A_11 = arith.constant 0 : i32
    %scan3A_12 = arith.constant 6 : i32
    %scan3A_13 = arith.addi %scan3A_11, %scan3A_12 : i32
    %scan3A_14 = arith.constant 1 : i32
    scf.for %scan3A_42 = %scan3A_11 to %scan3A_13 step %scan3A_14  : i32 {
      %mul3A_43 = arith.constant 104 : i32
      %mul3A_44 = arith.muli %scan3A_42, %mul3A_43 : i32
      %add3A_45 = arith.addi %mul3A_4, %mul3A_44 : i32
      "tpu.region"() ({
        %run_scoped3A = tpu.sem_alloc : memref<!tpu.dma_semaphore, #tpu.memory_space<semaphore_mem>>
        %dma_start3A_46 = arith.constant 0 : i32
        %dma_start3A_47 = tpu.memref_slice %arg10[%add3A_45, %dma_start3A_46] : memref<10000x128xf32, #tpu.memory_space<vmem_shared>> -> memref<104x128xf32, #tpu.memory_space<vmem_shared>>
        %dma_start3A_48 = arith.constant 0 : i32
        %dma_start3A_49 = tpu.memref_slice %arg10[%add3A_45, %dma_start3A_48] : memref<10000x128xf32, #tpu.memory_space<vmem_shared>> -> memref<104x128xf32, #tpu.memory_space<vmem_shared>>
        tpu.enqueue_dma source(%arg9 : memref<104x128xf32, #tpu.memory_space<vmem>>) target(%dma_start3A_49 : memref<104x128xf32, #tpu.memory_space<vmem_shared>>) target_semaphore(%run_scoped3A : memref<!tpu.dma_semaphore, #tpu.memory_space<semaphore_mem>>)
        %dma_wait3A = arith.constant 0 : i32
        %dma_wait3A_50 = tpu.memref_slice %arg10[%add3A_45, %dma_wait3A] : memref<10000x128xf32, #tpu.memory_space<vmem_shared>> -> memref<104x128xf32, #tpu.memory_space<vmem_shared>>
        %dma_wait3A_51 = arith.constant 0 : i32
        %dma_wait3A_52 = tpu.memref_slice %arg10[%add3A_45, %dma_wait3A_51] : memref<10000x128xf32, #tpu.memory_space<vmem_shared>> -> memref<104x128xf32, #tpu.memory_space<vmem_shared>>
        tpu.wait_dma2 semaphore(%run_scoped3A : memref<!tpu.dma_semaphore, #tpu.memory_space<semaphore_mem>>) src(%arg9 : memref<104x128xf32, #tpu.memory_space<vmem>>) dst(%dma_wait3A_52 : memref<104x128xf32, #tpu.memory_space<vmem_shared>>)
        tpu.yield
      }) : () -> ()
    }
    %scan3A_15 = arith.constant 6 : i32
    %convert_element_type3A = arith.extui %lt3A_2 : i1 to i32
    %cond3A = arith.constant 0 : i32
    %cond3A_16 = arith.cmpi ne, %convert_element_type3A, %cond3A : i32
    scf.if %cond3A_16 {
      %add3A_42 = arith.constant 624 : i32
      %add3A_43 = arith.addi %mul3A_4, %add3A_42 : i32
      "tpu.region"() ({
        %run_scoped3A = tpu.sem_alloc : memref<!tpu.dma_semaphore, #tpu.memory_space<semaphore_mem>>
        %dma_start3A_44 = arith.constant 0 : i32
        %dma_start3A_45 = arith.constant 0 : i32
        %dma_start3A_46 = tpu.memref_slice %arg9[%dma_start3A_44, %dma_start3A_45] : memref<104x128xf32, #tpu.memory_space<vmem>> -> memref<8x128xf32, #tpu.memory_space<vmem>>
        %dma_start3A_47 = arith.constant 0 : i32
        %dma_start3A_48 = tpu.memref_slice %arg10[%add3A_43, %dma_start3A_47] : memref<10000x128xf32, #tpu.memory_space<vmem_shared>> -> memref<8x128xf32, #tpu.memory_space<vmem_shared>>
        %dma_start3A_49 = arith.constant 0 : i32
        %dma_start3A_50 = tpu.memref_slice %arg10[%add3A_43, %dma_start3A_49] : memref<10000x128xf32, #tpu.memory_space<vmem_shared>> -> memref<8x128xf32, #tpu.memory_space<vmem_shared>>
        %dma_start3A_51 = arith.constant 0 : i32
        %dma_start3A_52 = arith.constant 0 : i32
        %dma_start3A_53 = tpu.memref_slice %arg9[%dma_start3A_51, %dma_start3A_52] : memref<104x128xf32, #tpu.memory_space<vmem>> -> memref<8x128xf32, #tpu.memory_space<vmem>>
        tpu.enqueue_dma source(%dma_start3A_53 : memref<8x128xf32, #tpu.memory_space<vmem>>) target(%dma_start3A_50 : memref<8x128xf32, #tpu.memory_space<vmem_shared>>) target_semaphore(%run_scoped3A : memref<!tpu.dma_semaphore, #tpu.memory_space<semaphore_mem>>)
        %dma_wait3A = arith.constant 0 : i32
        %dma_wait3A_54 = arith.constant 0 : i32
        %dma_wait3A_55 = tpu.memref_slice %arg9[%dma_wait3A, %dma_wait3A_54] : memref<104x128xf32, #tpu.memory_space<vmem>> -> memref<8x128xf32, #tpu.memory_space<vmem>>
        %dma_wait3A_56 = arith.constant 0 : i32
        %dma_wait3A_57 = tpu.memref_slice %arg10[%add3A_43, %dma_wait3A_56] : memref<10000x128xf32, #tpu.memory_space<vmem_shared>> -> memref<8x128xf32, #tpu.memory_space<vmem_shared>>
        %dma_wait3A_58 = arith.constant 0 : i32
        %dma_wait3A_59 = tpu.memref_slice %arg10[%add3A_43, %dma_wait3A_58] : memref<10000x128xf32, #tpu.memory_space<vmem_shared>> -> memref<8x128xf32, #tpu.memory_space<vmem_shared>>
        %dma_wait3A_60 = arith.constant 0 : i32
        %dma_wait3A_61 = arith.constant 0 : i32
        %dma_wait3A_62 = tpu.memref_slice %arg9[%dma_wait3A_60, %dma_wait3A_61] : memref<104x128xf32, #tpu.memory_space<vmem>> -> memref<8x128xf32, #tpu.memory_space<vmem>>
        tpu.wait_dma2 semaphore(%run_scoped3A : memref<!tpu.dma_semaphore, #tpu.memory_space<semaphore_mem>>) src(%dma_wait3A_62 : memref<8x128xf32, #tpu.memory_space<vmem>>) dst(%dma_wait3A_59 : memref<8x128xf32, #tpu.memory_space<vmem_shared>>)
        tpu.yield
      }) : () -> ()
    } else {
    }
    %barrier3A = arith.constant 0 : index
    tpu.barrier barrier_id(%barrier3A)
    %mul3A_17 = arith.constant 10000 : i32
    %mul3A_18 = arith.muli %arg1, %mul3A_17 : i32
    %add3A_19 = arith.constant 0 : i32
    %add3A_20 = arith.addi %mul3A_18, %add3A_19 : i32
    %dma_start3A = tpu.memref_slice %arg3[%add3A_20] : memref<160000xi32, #tpu.memory_space<hbm>> -> memref<80xi32, #tpu.memory_space<hbm>>
    %dma_start3A_21 = tpu.memref_slice %arg3[%add3A_20] : memref<160000xi32, #tpu.memory_space<hbm>> -> memref<80xi32, #tpu.memory_space<hbm>>
    tpu.enqueue_dma source(%dma_start3A_21 : memref<80xi32, #tpu.memory_space<hbm>>) target(%arg5 : memref<80xi32, #tpu.memory_space<vmem>>) target_semaphore(%arg11 : memref<!tpu.dma_semaphore, #tpu.memory_space<semaphore_mem>>)
    %mul3A_22 = arith.constant 128 : i32
    %mul3A_23 = arith.muli %arg0, %mul3A_22 : i32
    %dma_start3A_24 = tpu.memref_slice %arg2[%add3A_20, %mul3A_23] : memref<160000x256xf32, #tpu.memory_space<hbm>> -> memref<80x128xf32, #tpu.memory_space<hbm>>
    %dma_start3A_25 = tpu.memref_slice %arg2[%add3A_20, %mul3A_23] : memref<160000x256xf32, #tpu.memory_space<hbm>> -> memref<80x128xf32, #tpu.memory_space<hbm>>
    tpu.enqueue_dma source(%dma_start3A_25 : memref<80x128xf32, #tpu.memory_space<hbm>>) target(%arg7 : memref<80x128xf32, #tpu.memory_space<vmem>>) target_semaphore(%arg13 : memref<!tpu.dma_semaphore, #tpu.memory_space<semaphore_mem>>)
    %scan3A_26 = arith.constant 0 : i32
    %scan3A_27 = arith.constant 0 : i32
    %scan3A_28 = arith.constant 63 : i32
    %scan3A_29 = arith.addi %scan3A_27, %scan3A_28 : i32
    %scan3A_30 = arith.constant 1 : i32
    scf.for %scan3A_42 = %scan3A_27 to %scan3A_29 step %scan3A_30  : i32 {
      %mul3A_43 = arith.constant 2 : i32
      %mul3A_44 = arith.muli %mul3A_43, %scan3A_42 : i32
      %add3A_45 = arith.constant 0 : i32
      %add3A_46 = arith.addi %mul3A_44, %add3A_45 : i32
      %lt3A_47 = arith.constant 125 : i32
      %lt3A_48 = arith.cmpi slt, %add3A_46, %lt3A_47 : i32
      %convert_element_type3A_49 = arith.extui %lt3A_48 : i1 to i32
      %cond3A_50 = arith.constant 0 : i32
      %cond3A_51 = arith.cmpi ne, %convert_element_type3A_49, %cond3A_50 : i32
      scf.if %cond3A_51 {
        %add3A_61 = arith.constant 1 : i32
        %add3A_62 = arith.addi %add3A_46, %add3A_61 : i32
        %lt3A_63 = arith.constant 125 : i32
        %lt3A_64 = arith.cmpi slt, %add3A_62, %lt3A_63 : i32
        %convert_element_type3A_65 = arith.extui %lt3A_64 : i1 to i32
        %cond3A_66 = arith.constant 0 : i32
        %cond3A_67 = arith.cmpi ne, %convert_element_type3A_65, %cond3A_66 : i32
        scf.if %cond3A_67 {
          %add3A_76 = arith.constant 1 : i32
          %add3A_77 = arith.addi %add3A_46, %add3A_76 : i32
          %mul3A_78 = arith.constant 80 : i32
          %mul3A_79 = arith.muli %add3A_77, %mul3A_78 : i32
          %add3A_80 = arith.addi %mul3A_18, %mul3A_79 : i32
          %dma_start3A_81 = tpu.memref_slice %arg3[%add3A_80] : memref<160000xi32, #tpu.memory_space<hbm>> -> memref<80xi32, #tpu.memory_space<hbm>>
          %dma_start3A_82 = tpu.memref_slice %arg3[%add3A_80] : memref<160000xi32, #tpu.memory_space<hbm>> -> memref<80xi32, #tpu.memory_space<hbm>>
          tpu.enqueue_dma source(%dma_start3A_82 : memref<80xi32, #tpu.memory_space<hbm>>) target(%arg6 : memref<80xi32, #tpu.memory_space<vmem>>) target_semaphore(%arg12 : memref<!tpu.dma_semaphore, #tpu.memory_space<semaphore_mem>>)
          %mul3A_83 = arith.constant 128 : i32
          %mul3A_84 = arith.muli %arg0, %mul3A_83 : i32
          %dma_start3A_85 = tpu.memref_slice %arg2[%add3A_80, %mul3A_84] : memref<160000x256xf32, #tpu.memory_space<hbm>> -> memref<80x128xf32, #tpu.memory_space<hbm>>
          %dma_start3A_86 = tpu.memref_slice %arg2[%add3A_80, %mul3A_84] : memref<160000x256xf32, #tpu.memory_space<hbm>> -> memref<80x128xf32, #tpu.memory_space<hbm>>
          tpu.enqueue_dma source(%dma_start3A_86 : memref<80x128xf32, #tpu.memory_space<hbm>>) target(%arg8 : memref<80x128xf32, #tpu.memory_space<vmem>>) target_semaphore(%arg14 : memref<!tpu.dma_semaphore, #tpu.memory_space<semaphore_mem>>)
        } else {
        }
        %mul3A_68 = arith.constant 80 : i32
        %mul3A_69 = arith.muli %add3A_46, %mul3A_68 : i32
        %add3A_70 = arith.addi %mul3A_18, %mul3A_69 : i32
        %dma_wait3A = tpu.memref_slice %arg3[%add3A_70] : memref<160000xi32, #tpu.memory_space<hbm>> -> memref<80xi32, #tpu.memory_space<hbm>>
        %dma_wait3A_71 = tpu.memref_slice %arg3[%add3A_70] : memref<160000xi32, #tpu.memory_space<hbm>> -> memref<80xi32, #tpu.memory_space<hbm>>
        tpu.wait_dma2 semaphore(%arg11 : memref<!tpu.dma_semaphore, #tpu.memory_space<semaphore_mem>>) src(%dma_wait3A_71 : memref<80xi32, #tpu.memory_space<hbm>>) dst(%arg5 : memref<80xi32, #tpu.memory_space<vmem>>)
        %mul3A_72 = arith.constant 128 : i32
        %mul3A_73 = arith.muli %arg0, %mul3A_72 : i32
        %dma_wait3A_74 = tpu.memref_slice %arg2[%add3A_70, %mul3A_73] : memref<160000x256xf32, #tpu.memory_space<hbm>> -> memref<80x128xf32, #tpu.memory_space<hbm>>
        %dma_wait3A_75 = tpu.memref_slice %arg2[%add3A_70, %mul3A_73] : memref<160000x256xf32, #tpu.memory_space<hbm>> -> memref<80x128xf32, #tpu.memory_space<hbm>>
        tpu.wait_dma2 semaphore(%arg13 : memref<!tpu.dma_semaphore, #tpu.memory_space<semaphore_mem>>) src(%dma_wait3A_75 : memref<80x128xf32, #tpu.memory_space<hbm>>) dst(%arg7 : memref<80x128xf32, #tpu.memory_space<vmem>>)
        "tpu.region"() ({
          %run_scoped3A = tpu.sem_alloc : memref<!tpu.dma_semaphore, #tpu.memory_space<semaphore_mem>>
          %dma_start3A_76 = arith.constant 0 : i32
          %dma_start3A_77 = arith.constant 0 : i32
          %dma_start3A_78 = tpu.memref_slice %arg10[%dma_start3A_76, %dma_start3A_77] : memref<10000x128xf32, #tpu.memory_space<vmem_shared>> -> memref<10000x128xf32, #tpu.memory_space<vmem_shared>>
          tpu.enqueue_indirect_dma source(%arg7 : memref<80x128xf32, #tpu.memory_space<vmem>>) target(%dma_start3A_78 : memref<10000x128xf32, #tpu.memory_space<vmem_shared>>) offsets(%arg5 : memref<80xi32, #tpu.memory_space<vmem>>) semaphore(%run_scoped3A : memref<!tpu.dma_semaphore, #tpu.memory_space<semaphore_mem>>) {add = true}
          %dma_wait3A_79 = arith.constant 0 : i32
          %dma_wait3A_80 = arith.constant 0 : i32
          %dma_wait3A_81 = tpu.memref_slice %arg10[%dma_wait3A_79, %dma_wait3A_80] : memref<10000x128xf32, #tpu.memory_space<vmem_shared>> -> memref<10000x128xf32, #tpu.memory_space<vmem_shared>>
          tpu.wait_indirect_dma semaphore(%run_scoped3A : memref<!tpu.dma_semaphore, #tpu.memory_space<semaphore_mem>>) src(%arg7 : memref<80x128xf32, #tpu.memory_space<vmem>>) dst(%dma_wait3A_81 : memref<10000x128xf32, #tpu.memory_space<vmem_shared>>)
          tpu.yield
        }) : () -> ()
      } else {
      }
      %mul3A_52 = arith.constant 2 : i32
      %mul3A_53 = arith.muli %mul3A_52, %scan3A_42 : i32
      %add3A_54 = arith.constant 1 : i32
      %add3A_55 = arith.addi %mul3A_53, %add3A_54 : i32
      %lt3A_56 = arith.constant 125 : i32
      %lt3A_57 = arith.cmpi slt, %add3A_55, %lt3A_56 : i32
      %convert_element_type3A_58 = arith.extui %lt3A_57 : i1 to i32
      %cond3A_59 = arith.constant 0 : i32
      %cond3A_60 = arith.cmpi ne, %convert_element_type3A_58, %cond3A_59 : i32
      scf.if %cond3A_60 {
        %add3A_61 = arith.constant 1 : i32
        %add3A_62 = arith.addi %add3A_55, %add3A_61 : i32
        %lt3A_63 = arith.constant 125 : i32
        %lt3A_64 = arith.cmpi slt, %add3A_62, %lt3A_63 : i32
        %convert_element_type3A_65 = arith.extui %lt3A_64 : i1 to i32
        %cond3A_66 = arith.constant 0 : i32
        %cond3A_67 = arith.cmpi ne, %convert_element_type3A_65, %cond3A_66 : i32
        scf.if %cond3A_67 {
          %add3A_76 = arith.constant 1 : i32
          %add3A_77 = arith.addi %add3A_55, %add3A_76 : i32
          %mul3A_78 = arith.constant 80 : i32
          %mul3A_79 = arith.muli %add3A_77, %mul3A_78 : i32
          %add3A_80 = arith.addi %mul3A_18, %mul3A_79 : i32
          %dma_start3A_81 = tpu.memref_slice %arg3[%add3A_80] : memref<160000xi32, #tpu.memory_space<hbm>> -> memref<80xi32, #tpu.memory_space<hbm>>
          %dma_start3A_82 = tpu.memref_slice %arg3[%add3A_80] : memref<160000xi32, #tpu.memory_space<hbm>> -> memref<80xi32, #tpu.memory_space<hbm>>
          tpu.enqueue_dma source(%dma_start3A_82 : memref<80xi32, #tpu.memory_space<hbm>>) target(%arg5 : memref<80xi32, #tpu.memory_space<vmem>>) target_semaphore(%arg11 : memref<!tpu.dma_semaphore, #tpu.memory_space<semaphore_mem>>)
          %mul3A_83 = arith.constant 128 : i32
          %mul3A_84 = arith.muli %arg0, %mul3A_83 : i32
          %dma_start3A_85 = tpu.memref_slice %arg2[%add3A_80, %mul3A_84] : memref<160000x256xf32, #tpu.memory_space<hbm>> -> memref<80x128xf32, #tpu.memory_space<hbm>>
          %dma_start3A_86 = tpu.memref_slice %arg2[%add3A_80, %mul3A_84] : memref<160000x256xf32, #tpu.memory_space<hbm>> -> memref<80x128xf32, #tpu.memory_space<hbm>>
          tpu.enqueue_dma source(%dma_start3A_86 : memref<80x128xf32, #tpu.memory_space<hbm>>) target(%arg7 : memref<80x128xf32, #tpu.memory_space<vmem>>) target_semaphore(%arg13 : memref<!tpu.dma_semaphore, #tpu.memory_space<semaphore_mem>>)
        } else {
        }
        %mul3A_68 = arith.constant 80 : i32
        %mul3A_69 = arith.muli %add3A_55, %mul3A_68 : i32
        %add3A_70 = arith.addi %mul3A_18, %mul3A_69 : i32
        %dma_wait3A = tpu.memref_slice %arg3[%add3A_70] : memref<160000xi32, #tpu.memory_space<hbm>> -> memref<80xi32, #tpu.memory_space<hbm>>
        %dma_wait3A_71 = tpu.memref_slice %arg3[%add3A_70] : memref<160000xi32, #tpu.memory_space<hbm>> -> memref<80xi32, #tpu.memory_space<hbm>>
        tpu.wait_dma2 semaphore(%arg12 : memref<!tpu.dma_semaphore, #tpu.memory_space<semaphore_mem>>) src(%dma_wait3A_71 : memref<80xi32, #tpu.memory_space<hbm>>) dst(%arg6 : memref<80xi32, #tpu.memory_space<vmem>>)
        %mul3A_72 = arith.constant 128 : i32
        %mul3A_73 = arith.muli %arg0, %mul3A_72 : i32
        %dma_wait3A_74 = tpu.memref_slice %arg2[%add3A_70, %mul3A_73] : memref<160000x256xf32, #tpu.memory_space<hbm>> -> memref<80x128xf32, #tpu.memory_space<hbm>>
        %dma_wait3A_75 = tpu.memref_slice %arg2[%add3A_70, %mul3A_73] : memref<160000x256xf32, #tpu.memory_space<hbm>> -> memref<80x128xf32, #tpu.memory_space<hbm>>
        tpu.wait_dma2 semaphore(%arg14 : memref<!tpu.dma_semaphore, #tpu.memory_space<semaphore_mem>>) src(%dma_wait3A_75 : memref<80x128xf32, #tpu.memory_space<hbm>>) dst(%arg8 : memref<80x128xf32, #tpu.memory_space<vmem>>)
        "tpu.region"() ({
          %run_scoped3A = tpu.sem_alloc : memref<!tpu.dma_semaphore, #tpu.memory_space<semaphore_mem>>
          %dma_start3A_76 = arith.constant 0 : i32
          %dma_start3A_77 = arith.constant 0 : i32
          %dma_start3A_78 = tpu.memref_slice %arg10[%dma_start3A_76, %dma_start3A_77] : memref<10000x128xf32, #tpu.memory_space<vmem_shared>> -> memref<10000x128xf32, #tpu.memory_space<vmem_shared>>
          tpu.enqueue_indirect_dma source(%arg8 : memref<80x128xf32, #tpu.memory_space<vmem>>) target(%dma_start3A_78 : memref<10000x128xf32, #tpu.memory_space<vmem_shared>>) offsets(%arg6 : memref<80xi32, #tpu.memory_space<vmem>>) semaphore(%run_scoped3A : memref<!tpu.dma_semaphore, #tpu.memory_space<semaphore_mem>>) {add = true}
          %dma_wait3A_79 = arith.constant 0 : i32
          %dma_wait3A_80 = arith.constant 0 : i32
          %dma_wait3A_81 = tpu.memref_slice %arg10[%dma_wait3A_79, %dma_wait3A_80] : memref<10000x128xf32, #tpu.memory_space<vmem_shared>> -> memref<10000x128xf32, #tpu.memory_space<vmem_shared>>
          tpu.wait_indirect_dma semaphore(%run_scoped3A : memref<!tpu.dma_semaphore, #tpu.memory_space<semaphore_mem>>) src(%arg8 : memref<80x128xf32, #tpu.memory_space<vmem>>) dst(%dma_wait3A_81 : memref<10000x128xf32, #tpu.memory_space<vmem_shared>>)
          tpu.yield
        }) : () -> ()
      } else {
      }
    }
    %scan3A_31 = arith.constant 63 : i32
    %barrier3A_32 = arith.constant 0 : index
    tpu.barrier barrier_id(%barrier3A_32)
    %scan3A_33 = arith.constant 0 : i32
    %scan3A_34 = arith.constant 0 : i32
    %scan3A_35 = arith.constant 6 : i32
    %scan3A_36 = arith.addi %scan3A_34, %scan3A_35 : i32
    %scan3A_37 = arith.constant 1 : i32
    scf.for %scan3A_42 = %scan3A_34 to %scan3A_36 step %scan3A_37  : i32 {
      %mul3A_43 = arith.constant 104 : i32
      %mul3A_44 = arith.muli %scan3A_42, %mul3A_43 : i32
      %add3A_45 = arith.addi %mul3A_4, %mul3A_44 : i32
      %mul3A_46 = arith.constant 128 : i32
      %mul3A_47 = arith.muli %arg0, %mul3A_46 : i32
      "tpu.region"() ({
        %run_scoped3A = tpu.sem_alloc : memref<!tpu.dma_semaphore, #tpu.memory_space<semaphore_mem>>
        %dma_start3A_48 = tpu.memref_slice %arg4[%add3A_45, %mul3A_47] : memref<10000x256xf32, #tpu.memory_space<hbm>> -> memref<104x128xf32, #tpu.memory_space<hbm>>
        %dma_start3A_49 = arith.constant 0 : i32
        %dma_start3A_50 = tpu.memref_slice %arg10[%add3A_45, %dma_start3A_49] : memref<10000x128xf32, #tpu.memory_space<vmem_shared>> -> memref<104x128xf32, #tpu.memory_space<vmem_shared>>
        tpu.enqueue_dma source(%dma_start3A_50 : memref<104x128xf32, #tpu.memory_space<vmem_shared>>) target(%dma_start3A_48 : memref<104x128xf32, #tpu.memory_space<hbm>>) target_semaphore(%run_scoped3A : memref<!tpu.dma_semaphore, #tpu.memory_space<semaphore_mem>>)
        %dma_wait3A = tpu.memref_slice %arg4[%add3A_45, %mul3A_47] : memref<10000x256xf32, #tpu.memory_space<hbm>> -> memref<104x128xf32, #tpu.memory_space<hbm>>
        %dma_wait3A_51 = arith.constant 0 : i32
        %dma_wait3A_52 = tpu.memref_slice %arg10[%add3A_45, %dma_wait3A_51] : memref<10000x128xf32, #tpu.memory_space<vmem_shared>> -> memref<104x128xf32, #tpu.memory_space<vmem_shared>>
        tpu.wait_dma2 semaphore(%run_scoped3A : memref<!tpu.dma_semaphore, #tpu.memory_space<semaphore_mem>>) src(%dma_wait3A_52 : memref<104x128xf32, #tpu.memory_space<vmem_shared>>) dst(%dma_wait3A : memref<104x128xf32, #tpu.memory_space<hbm>>)
        tpu.yield
      }) : () -> ()
    }
    %scan3A_38 = arith.constant 6 : i32
    %convert_element_type3A_39 = arith.extui %lt3A_2 : i1 to i32
    %cond3A_40 = arith.constant 0 : i32
    %cond3A_41 = arith.cmpi ne, %convert_element_type3A_39, %cond3A_40 : i32
    scf.if %cond3A_41 {
      %add3A_42 = arith.constant 624 : i32
      %add3A_43 = arith.addi %mul3A_4, %add3A_42 : i32
      %mul3A_44 = arith.constant 128 : i32
      %mul3A_45 = arith.muli %arg0, %mul3A_44 : i32
      "tpu.region"() ({
        %run_scoped3A = tpu.sem_alloc : memref<!tpu.dma_semaphore, #tpu.memory_space<semaphore_mem>>
        %dma_start3A_46 = tpu.memref_slice %arg4[%add3A_43, %mul3A_45] : memref<10000x256xf32, #tpu.memory_space<hbm>> -> memref<8x128xf32, #tpu.memory_space<hbm>>
        %dma_start3A_47 = arith.constant 0 : i32
        %dma_start3A_48 = tpu.memref_slice %arg10[%add3A_43, %dma_start3A_47] : memref<10000x128xf32, #tpu.memory_space<vmem_shared>> -> memref<8x128xf32, #tpu.memory_space<vmem_shared>>
        tpu.enqueue_dma source(%dma_start3A_48 : memref<8x128xf32, #tpu.memory_space<vmem_shared>>) target(%dma_start3A_46 : memref<8x128xf32, #tpu.memory_space<hbm>>) target_semaphore(%run_scoped3A : memref<!tpu.dma_semaphore, #tpu.memory_space<semaphore_mem>>)
        %dma_wait3A = tpu.memref_slice %arg4[%add3A_43, %mul3A_45] : memref<10000x256xf32, #tpu.memory_space<hbm>> -> memref<8x128xf32, #tpu.memory_space<hbm>>
        %dma_wait3A_49 = arith.constant 0 : i32
        %dma_wait3A_50 = tpu.memref_slice %arg10[%add3A_43, %dma_wait3A_49] : memref<10000x128xf32, #tpu.memory_space<vmem_shared>> -> memref<8x128xf32, #tpu.memory_space<vmem_shared>>
        tpu.wait_dma2 semaphore(%run_scoped3A : memref<!tpu.dma_semaphore, #tpu.memory_space<semaphore_mem>>) src(%dma_wait3A_50 : memref<8x128xf32, #tpu.memory_space<vmem_shared>>) dst(%dma_wait3A : memref<8x128xf32, #tpu.memory_space<hbm>>)
        tpu.yield
      }) : () -> ()
    } else {
    }
    return
  }
}

#map = affine_map<(d0, d1) -> (0, 0)>
#map1 = affine_map<(d0, d1) -> (0)>
module attributes {stable_mosaic.version = 14 : i64} {
  func.func @_sc_scatter_body(%arg0: i32, %arg1: i32, %arg2: memref<160000x256xf32, #tpu.memory_space<hbm>>, %arg3: memref<160000xi32, #tpu.memory_space<hbm>>, %arg4: memref<10000x256xf32, #tpu.memory_space<hbm>>, %arg5: memref<80xi32, #tpu.memory_space<vmem>>, %arg6: memref<80xi32, #tpu.memory_space<vmem>>, %arg7: memref<80x128xf32, #tpu.memory_space<vmem>>, %arg8: memref<80x128xf32, #tpu.memory_space<vmem>>, %arg9: memref<104x128xf32, #tpu.memory_space<vmem>>, %arg10: memref<10000x128xf32, #tpu.memory_space<vmem_shared>>, %arg11: memref<!tpu.dma_semaphore, #tpu.memory_space<semaphore_mem>>, %arg12: memref<!tpu.dma_semaphore, #tpu.memory_space<semaphore_mem>>, %arg13: memref<!tpu.dma_semaphore, #tpu.memory_space<semaphore_mem>>, %arg14: memref<!tpu.dma_semaphore, #tpu.memory_space<semaphore_mem>>) attributes {dimension_semantics = [#tpu.dimension_semantics<core_parallel>, #tpu.dimension_semantics<subcore_parallel>], iteration_bounds = array<i64: 2, 16>, scalar_prefetch = 0 : i64, scratch_operands = 10 : i64, tpu.core_type = #tpu.core_type<sc_vector_subcore>, window_params = [{transform_indices = #map}, {transform_indices = #map1}, {transform_indices = #map}]} {
    %mul3A = arith.constant 78 : i32
    %mul3A_0 = arith.muli %arg1, %mul3A : i32
    %min3A = arith.constant 2 : i32
    %min3A_1 = arith.minsi %arg1, %min3A : i32
    %add3A = arith.addi %mul3A_0, %min3A_1 : i32
    %lt3A = arith.constant 2 : i32
    %lt3A_2 = arith.cmpi slt, %arg1, %lt3A : i32
    %mul3A_3 = arith.constant 8 : i32
    %mul3A_4 = arith.muli %add3A, %mul3A_3 : i32
    %scan3A = arith.constant 0 : i32
    %scan3A_5 = arith.constant 0 : i32
    %scan3A_6 = arith.constant 104 : i32
    %scan3A_7 = arith.addi %scan3A_5, %scan3A_6 : i32
    %scan3A_8 = arith.constant 1 : i32
    scf.for %scan3A_42 = %scan3A_5 to %scan3A_7 step %scan3A_8  : i32 {
      %broadcast_in_dim3A = arith.constant 0.000000e+00 : f32
      %broadcast_in_dim3A_43 = vector.broadcast %broadcast_in_dim3A : f32 to vector<16xf32>
      %swap3A = arith.index_cast %scan3A_42 : i32 to index
      %swap3A_44 = arith.constant 0 : index
      %swap3A_45 = tpu.vector_load %arg9[%swap3A, %swap3A_44] {strides = array<i32>} : memref<104x128xf32, #tpu.memory_space<vmem>>, vector<1x16xf32>,
      %swap3A_46 = vector.shape_cast %swap3A_45 : vector<1x16xf32> to vector<16xf32>
      %swap3A_47 = vector.shape_cast %broadcast_in_dim3A_43 : vector<16xf32> to vector<1x16xf32>
      tpu.vector_store %arg9[%swap3A, %swap3A_44], %swap3A_47 {strides = array<i32>} : memref<104x128xf32, #tpu.memory_space<vmem>>, vector<1x16xf32>,
      %broadcast_in_dim3A_48 = arith.constant 0.000000e+00 : f32
      %broadcast_in_dim3A_49 = vector.broadcast %broadcast_in_dim3A_48 : f32 to vector<16xf32>
      %swap3A_50 = arith.index_cast %scan3A_42 : i32 to index
      %swap3A_51 = arith.constant 16 : index
      %swap3A_52 = tpu.vector_load %arg9[%swap3A_50, %swap3A_51] {strides = array<i32>} : memref<104x128xf32, #tpu.memory_space<vmem>>, vector<1x16xf32>,
      %swap3A_53 = vector.shape_cast %swap3A_52 : vector<1x16xf32> to vector<16xf32>
      %swap3A_54 = vector.shape_cast %broadcast_in_dim3A_49 : vector<16xf32> to vector<1x16xf32>
      tpu.vector_store %arg9[%swap3A_50, %swap3A_51], %swap3A_54 {strides = array<i32>} : memref<104x128xf32, #tpu.memory_space<vmem>>, vector<1x16xf32>,
      %broadcast_in_dim3A_55 = arith.constant 0.000000e+00 : f32
      %broadcast_in_dim3A_56 = vector.broadcast %broadcast_in_dim3A_55 : f32 to vector<16xf32>
      %swap3A_57 = arith.index_cast %scan3A_42 : i32 to index
      %swap3A_58 = arith.constant 32 : index
      %swap3A_59 = tpu.vector_load %arg9[%swap3A_57, %swap3A_58] {strides = array<i32>} : memref<104x128xf32, #tpu.memory_space<vmem>>, vector<1x16xf32>,
      %swap3A_60 = vector.shape_cast %swap3A_59 : vector<1x16xf32> to vector<16xf32>
      %swap3A_61 = vector.shape_cast %broadcast_in_dim3A_56 : vector<16xf32> to vector<1x16xf32>
      tpu.vector_store %arg9[%swap3A_57, %swap3A_58], %swap3A_61 {strides = array<i32>} : memref<104x128xf32, #tpu.memory_space<vmem>>, vector<1x16xf32>,
      %broadcast_in_dim3A_62 = arith.constant 0.000000e+00 : f32
      %broadcast_in_dim3A_63 = vector.broadcast %broadcast_in_dim3A_62 : f32 to vector<16xf32>
      %swap3A_64 = arith.index_cast %scan3A_42 : i32 to index
      %swap3A_65 = arith.constant 48 : index
      %swap3A_66 = tpu.vector_load %arg9[%swap3A_64, %swap3A_65] {strides = array<i32>} : memref<104x128xf32, #tpu.memory_space<vmem>>, vector<1x16xf32>,
      %swap3A_67 = vector.shape_cast %swap3A_66 : vector<1x16xf32> to vector<16xf32>
      %swap3A_68 = vector.shape_cast %broadcast_in_dim3A_63 : vector<16xf32> to vector<1x16xf32>
      tpu.vector_store %arg9[%swap3A_64, %swap3A_65], %swap3A_68 {strides = array<i32>} : memref<104x128xf32, #tpu.memory_space<vmem>>, vector<1x16xf32>,
      %broadcast_in_dim3A_69 = arith.constant 0.000000e+00 : f32
      %broadcast_in_dim3A_70 = vector.broadcast %broadcast_in_dim3A_69 : f32 to vector<16xf32>
      %swap3A_71 = arith.index_cast %scan3A_42 : i32 to index
      %swap3A_72 = arith.constant 64 : index
      %swap3A_73 = tpu.vector_load %arg9[%swap3A_71, %swap3A_72] {strides = array<i32>} : memref<104x128xf32, #tpu.memory_space<vmem>>, vector<1x16xf32>,
      %swap3A_74 = vector.shape_cast %swap3A_73 : vector<1x16xf32> to vector<16xf32>
      %swap3A_75 = vector.shape_cast %broadcast_in_dim3A_70 : vector<16xf32> to vector<1x16xf32>
      tpu.vector_store %arg9[%swap3A_71, %swap3A_72], %swap3A_75 {strides = array<i32>} : memref<104x128xf32, #tpu.memory_space<vmem>>, vector<1x16xf32>,
      %broadcast_in_dim3A_76 = arith.constant 0.000000e+00 : f32
      %broadcast_in_dim3A_77 = vector.broadcast %broadcast_in_dim3A_76 : f32 to vector<16xf32>
      %swap3A_78 = arith.index_cast %scan3A_42 : i32 to index
      %swap3A_79 = arith.constant 80 : index
      %swap3A_80 = tpu.vector_load %arg9[%swap3A_78, %swap3A_79] {strides = array<i32>} : memref<104x128xf32, #tpu.memory_space<vmem>>, vector<1x16xf32>,
      %swap3A_81 = vector.shape_cast %swap3A_80 : vector<1x16xf32> to vector<16xf32>
      %swap3A_82 = vector.shape_cast %broadcast_in_dim3A_77 : vector<16xf32> to vector<1x16xf32>
      tpu.vector_store %arg9[%swap3A_78, %swap3A_79], %swap3A_82 {strides = array<i32>} : memref<104x128xf32, #tpu.memory_space<vmem>>, vector<1x16xf32>,
      %broadcast_in_dim3A_83 = arith.constant 0.000000e+00 : f32
      %broadcast_in_dim3A_84 = vector.broadcast %broadcast_in_dim3A_83 : f32 to vector<16xf32>
      %swap3A_85 = arith.index_cast %scan3A_42 : i32 to index
      %swap3A_86 = arith.constant 96 : index
      %swap3A_87 = tpu.vector_load %arg9[%swap3A_85, %swap3A_86] {strides = array<i32>} : memref<104x128xf32, #tpu.memory_space<vmem>>, vector<1x16xf32>,
      %swap3A_88 = vector.shape_cast %swap3A_87 : vector<1x16xf32> to vector<16xf32>
      %swap3A_89 = vector.shape_cast %broadcast_in_dim3A_84 : vector<16xf32> to vector<1x16xf32>
      tpu.vector_store %arg9[%swap3A_85, %swap3A_86], %swap3A_89 {strides = array<i32>} : memref<104x128xf32, #tpu.memory_space<vmem>>, vector<1x16xf32>,
      %broadcast_in_dim3A_90 = arith.constant 0.000000e+00 : f32
      %broadcast_in_dim3A_91 = vector.broadcast %broadcast_in_dim3A_90 : f32 to vector<16xf32>
      %swap3A_92 = arith.index_cast %scan3A_42 : i32 to index
      %swap3A_93 = arith.constant 112 : index
      %swap3A_94 = tpu.vector_load %arg9[%swap3A_92, %swap3A_93] {strides = array<i32>} : memref<104x128xf32, #tpu.memory_space<vmem>>, vector<1x16xf32>,
      %swap3A_95 = vector.shape_cast %swap3A_94 : vector<1x16xf32> to vector<16xf32>
      %swap3A_96 = vector.shape_cast %broadcast_in_dim3A_91 : vector<16xf32> to vector<1x16xf32>
      tpu.vector_store %arg9[%swap3A_92, %swap3A_93], %swap3A_96 {strides = array<i32>} : memref<104x128xf32, #tpu.memory_space<vmem>>, vector<1x16xf32>,
    }
    %scan3A_9 = arith.constant 104 : i32
    %scan3A_10 = arith.constant 0 : i32
    %scan3A_11 = arith.constant 0 : i32
    %scan3A_12 = arith.constant 6 : i32
    %scan3A_13 = arith.addi %scan3A_11, %scan3A_12 : i32
    %scan3A_14 = arith.constant 1 : i32
    scf.for %scan3A_42 = %scan3A_11 to %scan3A_13 step %scan3A_14  : i32 {
      %mul3A_43 = arith.constant 104 : i32
      %mul3A_44 = arith.muli %scan3A_42, %mul3A_43 : i32
      %add3A_45 = arith.addi %mul3A_4, %mul3A_44 : i32
      "tpu.region"() ({
        %run_scoped3A = tpu.sem_alloc : memref<!tpu.dma_semaphore, #tpu.memory_space<semaphore_mem>>
        %dma_start3A_46 = arith.constant 0 : i32
        %dma_start3A_47 = tpu.memref_slice %arg10[%add3A_45, %dma_start3A_46] : memref<10000x128xf32, #tpu.memory_space<vmem_shared>> -> memref<104x128xf32, #tpu.memory_space<vmem_shared>>
        %dma_start3A_48 = arith.constant 0 : i32
        %dma_start3A_49 = tpu.memref_slice %arg10[%add3A_45, %dma_start3A_48] : memref<10000x128xf32, #tpu.memory_space<vmem_shared>> -> memref<104x128xf32, #tpu.memory_space<vmem_shared>>
        tpu.enqueue_dma source(%arg9 : memref<104x128xf32, #tpu.memory_space<vmem>>) target(%dma_start3A_49 : memref<104x128xf32, #tpu.memory_space<vmem_shared>>) target_semaphore(%run_scoped3A : memref<!tpu.dma_semaphore, #tpu.memory_space<semaphore_mem>>)
        %dma_wait3A = arith.constant 0 : i32
        %dma_wait3A_50 = tpu.memref_slice %arg10[%add3A_45, %dma_wait3A] : memref<10000x128xf32, #tpu.memory_space<vmem_shared>> -> memref<104x128xf32, #tpu.memory_space<vmem_shared>>
        %dma_wait3A_51 = arith.constant 0 : i32
        %dma_wait3A_52 = tpu.memref_slice %arg10[%add3A_45, %dma_wait3A_51] : memref<10000x128xf32, #tpu.memory_space<vmem_shared>> -> memref<104x128xf32, #tpu.memory_space<vmem_shared>>
        tpu.wait_dma2 semaphore(%run_scoped3A : memref<!tpu.dma_semaphore, #tpu.memory_space<semaphore_mem>>) src(%arg9 : memref<104x128xf32, #tpu.memory_space<vmem>>) dst(%dma_wait3A_52 : memref<104x128xf32, #tpu.memory_space<vmem_shared>>)
        tpu.yield
      }) : () -> ()
    }
    %scan3A_15 = arith.constant 6 : i32
    %convert_element_type3A = arith.extui %lt3A_2 : i1 to i32
    %cond3A = arith.constant 0 : i32
    %cond3A_16 = arith.cmpi ne, %convert_element_type3A, %cond3A : i32
    scf.if %cond3A_16 {
      %add3A_42 = arith.constant 624 : i32
      %add3A_43 = arith.addi %mul3A_4, %add3A_42 : i32
      "tpu.region"() ({
        %run_scoped3A = tpu.sem_alloc : memref<!tpu.dma_semaphore, #tpu.memory_space<semaphore_mem>>
        %dma_start3A_44 = arith.constant 0 : i32
        %dma_start3A_45 = arith.constant 0 : i32
        %dma_start3A_46 = tpu.memref_slice %arg9[%dma_start3A_44, %dma_start3A_45] : memref<104x128xf32, #tpu.memory_space<vmem>> -> memref<8x128xf32, #tpu.memory_space<vmem>>
        %dma_start3A_47 = arith.constant 0 : i32
        %dma_start3A_48 = tpu.memref_slice %arg10[%add3A_43, %dma_start3A_47] : memref<10000x128xf32, #tpu.memory_space<vmem_shared>> -> memref<8x128xf32, #tpu.memory_space<vmem_shared>>
        %dma_start3A_49 = arith.constant 0 : i32
        %dma_start3A_50 = tpu.memref_slice %arg10[%add3A_43, %dma_start3A_49] : memref<10000x128xf32, #tpu.memory_space<vmem_shared>> -> memref<8x128xf32, #tpu.memory_space<vmem_shared>>
        %dma_start3A_51 = arith.constant 0 : i32
        %dma_start3A_52 = arith.constant 0 : i32
        %dma_start3A_53 = tpu.memref_slice %arg9[%dma_start3A_51, %dma_start3A_52] : memref<104x128xf32, #tpu.memory_space<vmem>> -> memref<8x128xf32, #tpu.memory_space<vmem>>
        tpu.enqueue_dma source(%dma_start3A_53 : memref<8x128xf32, #tpu.memory_space<vmem>>) target(%dma_start3A_50 : memref<8x128xf32, #tpu.memory_space<vmem_shared>>) target_semaphore(%run_scoped3A : memref<!tpu.dma_semaphore, #tpu.memory_space<semaphore_mem>>)
        %dma_wait3A = arith.constant 0 : i32
        %dma_wait3A_54 = arith.constant 0 : i32
        %dma_wait3A_55 = tpu.memref_slice %arg9[%dma_wait3A, %dma_wait3A_54] : memref<104x128xf32, #tpu.memory_space<vmem>> -> memref<8x128xf32, #tpu.memory_space<vmem>>
        %dma_wait3A_56 = arith.constant 0 : i32
        %dma_wait3A_57 = tpu.memref_slice %arg10[%add3A_43, %dma_wait3A_56] : memref<10000x128xf32, #tpu.memory_space<vmem_shared>> -> memref<8x128xf32, #tpu.memory_space<vmem_shared>>
        %dma_wait3A_58 = arith.constant 0 : i32
        %dma_wait3A_59 = tpu.memref_slice %arg10[%add3A_43, %dma_wait3A_58] : memref<10000x128xf32, #tpu.memory_space<vmem_shared>> -> memref<8x128xf32, #tpu.memory_space<vmem_shared>>
        %dma_wait3A_60 = arith.constant 0 : i32
        %dma_wait3A_61 = arith.constant 0 : i32
        %dma_wait3A_62 = tpu.memref_slice %arg9[%dma_wait3A_60, %dma_wait3A_61] : memref<104x128xf32, #tpu.memory_space<vmem>> -> memref<8x128xf32, #tpu.memory_space<vmem>>
        tpu.wait_dma2 semaphore(%run_scoped3A : memref<!tpu.dma_semaphore, #tpu.memory_space<semaphore_mem>>) src(%dma_wait3A_62 : memref<8x128xf32, #tpu.memory_space<vmem>>) dst(%dma_wait3A_59 : memref<8x128xf32, #tpu.memory_space<vmem_shared>>)
        tpu.yield
      }) : () -> ()
    } else {
    }
    %barrier3A = arith.constant 0 : index
    tpu.barrier barrier_id(%barrier3A)
    %mul3A_17 = arith.constant 10000 : i32
    %mul3A_18 = arith.muli %arg1, %mul3A_17 : i32
    %add3A_19 = arith.constant 0 : i32
    %add3A_20 = arith.addi %mul3A_18, %add3A_19 : i32
    %dma_start3A = tpu.memref_slice %arg3[%add3A_20] : memref<160000xi32, #tpu.memory_space<hbm>> -> memref<80xi32, #tpu.memory_space<hbm>>
    %dma_start3A_21 = tpu.memref_slice %arg3[%add3A_20] : memref<160000xi32, #tpu.memory_space<hbm>> -> memref<80xi32, #tpu.memory_space<hbm>>
    tpu.enqueue_dma source(%dma_start3A_21 : memref<80xi32, #tpu.memory_space<hbm>>) target(%arg5 : memref<80xi32, #tpu.memory_space<vmem>>) target_semaphore(%arg11 : memref<!tpu.dma_semaphore, #tpu.memory_space<semaphore_mem>>)
    %mul3A_22 = arith.constant 128 : i32
    %mul3A_23 = arith.muli %arg0, %mul3A_22 : i32
    %dma_start3A_24 = tpu.memref_slice %arg2[%add3A_20, %mul3A_23] : memref<160000x256xf32, #tpu.memory_space<hbm>> -> memref<80x128xf32, #tpu.memory_space<hbm>>
    %dma_start3A_25 = tpu.memref_slice %arg2[%add3A_20, %mul3A_23] : memref<160000x256xf32, #tpu.memory_space<hbm>> -> memref<80x128xf32, #tpu.memory_space<hbm>>
    tpu.enqueue_dma source(%dma_start3A_25 : memref<80x128xf32, #tpu.memory_space<hbm>>) target(%arg7 : memref<80x128xf32, #tpu.memory_space<vmem>>) target_semaphore(%arg13 : memref<!tpu.dma_semaphore, #tpu.memory_space<semaphore_mem>>)
    %scan3A_26 = arith.constant 0 : i32
    %scan3A_27 = arith.constant 0 : i32
    %scan3A_28 = arith.constant 63 : i32
    %scan3A_29 = arith.addi %scan3A_27, %scan3A_28 : i32
    %scan3A_30 = arith.constant 1 : i32
    scf.for %scan3A_42 = %scan3A_27 to %scan3A_29 step %scan3A_30  : i32 {
      %mul3A_43 = arith.constant 2 : i32
      %mul3A_44 = arith.muli %mul3A_43, %scan3A_42 : i32
      %add3A_45 = arith.constant 0 : i32
      %add3A_46 = arith.addi %mul3A_44, %add3A_45 : i32
      %lt3A_47 = arith.constant 125 : i32
      %lt3A_48 = arith.cmpi slt, %add3A_46, %lt3A_47 : i32
      %convert_element_type3A_49 = arith.extui %lt3A_48 : i1 to i32
      %cond3A_50 = arith.constant 0 : i32
      %cond3A_51 = arith.cmpi ne, %convert_element_type3A_49, %cond3A_50 : i32
      scf.if %cond3A_51 {
        %add3A_61 = arith.constant 1 : i32
        %add3A_62 = arith.addi %add3A_46, %add3A_61 : i32
        %lt3A_63 = arith.constant 125 : i32
        %lt3A_64 = arith.cmpi slt, %add3A_62, %lt3A_63 : i32
        %convert_element_type3A_65 = arith.extui %lt3A_64 : i1 to i32
        %cond3A_66 = arith.constant 0 : i32
        %cond3A_67 = arith.cmpi ne, %convert_element_type3A_65, %cond3A_66 : i32
        scf.if %cond3A_67 {
          %add3A_76 = arith.constant 1 : i32
          %add3A_77 = arith.addi %add3A_46, %add3A_76 : i32
          %mul3A_78 = arith.constant 80 : i32
          %mul3A_79 = arith.muli %add3A_77, %mul3A_78 : i32
          %add3A_80 = arith.addi %mul3A_18, %mul3A_79 : i32
          %dma_start3A_81 = tpu.memref_slice %arg3[%add3A_80] : memref<160000xi32, #tpu.memory_space<hbm>> -> memref<80xi32, #tpu.memory_space<hbm>>
          %dma_start3A_82 = tpu.memref_slice %arg3[%add3A_80] : memref<160000xi32, #tpu.memory_space<hbm>> -> memref<80xi32, #tpu.memory_space<hbm>>
          tpu.enqueue_dma source(%dma_start3A_82 : memref<80xi32, #tpu.memory_space<hbm>>) target(%arg6 : memref<80xi32, #tpu.memory_space<vmem>>) target_semaphore(%arg12 : memref<!tpu.dma_semaphore, #tpu.memory_space<semaphore_mem>>)
          %mul3A_83 = arith.constant 128 : i32
          %mul3A_84 = arith.muli %arg0, %mul3A_83 : i32
          %dma_start3A_85 = tpu.memref_slice %arg2[%add3A_80, %mul3A_84] : memref<160000x256xf32, #tpu.memory_space<hbm>> -> memref<80x128xf32, #tpu.memory_space<hbm>>
          %dma_start3A_86 = tpu.memref_slice %arg2[%add3A_80, %mul3A_84] : memref<160000x256xf32, #tpu.memory_space<hbm>> -> memref<80x128xf32, #tpu.memory_space<hbm>>
          tpu.enqueue_dma source(%dma_start3A_86 : memref<80x128xf32, #tpu.memory_space<hbm>>) target(%arg8 : memref<80x128xf32, #tpu.memory_space<vmem>>) target_semaphore(%arg14 : memref<!tpu.dma_semaphore, #tpu.memory_space<semaphore_mem>>)
        } else {
        }
        %mul3A_68 = arith.constant 80 : i32
        %mul3A_69 = arith.muli %add3A_46, %mul3A_68 : i32
        %add3A_70 = arith.addi %mul3A_18, %mul3A_69 : i32
        %dma_wait3A = tpu.memref_slice %arg3[%add3A_70] : memref<160000xi32, #tpu.memory_space<hbm>> -> memref<80xi32, #tpu.memory_space<hbm>>
        %dma_wait3A_71 = tpu.memref_slice %arg3[%add3A_70] : memref<160000xi32, #tpu.memory_space<hbm>> -> memref<80xi32, #tpu.memory_space<hbm>>
        tpu.wait_dma2 semaphore(%arg11 : memref<!tpu.dma_semaphore, #tpu.memory_space<semaphore_mem>>) src(%dma_wait3A_71 : memref<80xi32, #tpu.memory_space<hbm>>) dst(%arg5 : memref<80xi32, #tpu.memory_space<vmem>>)
        %mul3A_72 = arith.constant 128 : i32
        %mul3A_73 = arith.muli %arg0, %mul3A_72 : i32
        %dma_wait3A_74 = tpu.memref_slice %arg2[%add3A_70, %mul3A_73] : memref<160000x256xf32, #tpu.memory_space<hbm>> -> memref<80x128xf32, #tpu.memory_space<hbm>>
        %dma_wait3A_75 = tpu.memref_slice %arg2[%add3A_70, %mul3A_73] : memref<160000x256xf32, #tpu.memory_space<hbm>> -> memref<80x128xf32, #tpu.memory_space<hbm>>
        tpu.wait_dma2 semaphore(%arg13 : memref<!tpu.dma_semaphore, #tpu.memory_space<semaphore_mem>>) src(%dma_wait3A_75 : memref<80x128xf32, #tpu.memory_space<hbm>>) dst(%arg7 : memref<80x128xf32, #tpu.memory_space<vmem>>)
        "tpu.region"() ({
          %run_scoped3A = tpu.sem_alloc : memref<!tpu.dma_semaphore, #tpu.memory_space<semaphore_mem>>
          %dma_start3A_76 = arith.constant 0 : i32
          %dma_start3A_77 = arith.constant 0 : i32
          %dma_start3A_78 = tpu.memref_slice %arg10[%dma_start3A_76, %dma_start3A_77] : memref<10000x128xf32, #tpu.memory_space<vmem_shared>> -> memref<10000x128xf32, #tpu.memory_space<vmem_shared>>
          tpu.enqueue_indirect_dma source(%arg7 : memref<80x128xf32, #tpu.memory_space<vmem>>) target(%dma_start3A_78 : memref<10000x128xf32, #tpu.memory_space<vmem_shared>>) offsets(%arg5 : memref<80xi32, #tpu.memory_space<vmem>>) semaphore(%run_scoped3A : memref<!tpu.dma_semaphore, #tpu.memory_space<semaphore_mem>>) {add = true}
          %dma_wait3A_79 = arith.constant 0 : i32
          %dma_wait3A_80 = arith.constant 0 : i32
          %dma_wait3A_81 = tpu.memref_slice %arg10[%dma_wait3A_79, %dma_wait3A_80] : memref<10000x128xf32, #tpu.memory_space<vmem_shared>> -> memref<10000x128xf32, #tpu.memory_space<vmem_shared>>
          tpu.wait_indirect_dma semaphore(%run_scoped3A : memref<!tpu.dma_semaphore, #tpu.memory_space<semaphore_mem>>) src(%arg7 : memref<80x128xf32, #tpu.memory_space<vmem>>) dst(%dma_wait3A_81 : memref<10000x128xf32, #tpu.memory_space<vmem_shared>>)
          tpu.yield
        }) : () -> ()
      } else {
      }
      %mul3A_52 = arith.constant 2 : i32
      %mul3A_53 = arith.muli %mul3A_52, %scan3A_42 : i32
      %add3A_54 = arith.constant 1 : i32
      %add3A_55 = arith.addi %mul3A_53, %add3A_54 : i32
      %lt3A_56 = arith.constant 125 : i32
      %lt3A_57 = arith.cmpi slt, %add3A_55, %lt3A_56 : i32
      %convert_element_type3A_58 = arith.extui %lt3A_57 : i1 to i32
      %cond3A_59 = arith.constant 0 : i32
      %cond3A_60 = arith.cmpi ne, %convert_element_type3A_58, %cond3A_59 : i32
      scf.if %cond3A_60 {
        %add3A_61 = arith.constant 1 : i32
        %add3A_62 = arith.addi %add3A_55, %add3A_61 : i32
        %lt3A_63 = arith.constant 125 : i32
        %lt3A_64 = arith.cmpi slt, %add3A_62, %lt3A_63 : i32
        %convert_element_type3A_65 = arith.extui %lt3A_64 : i1 to i32
        %cond3A_66 = arith.constant 0 : i32
        %cond3A_67 = arith.cmpi ne, %convert_element_type3A_65, %cond3A_66 : i32
        scf.if %cond3A_67 {
          %add3A_76 = arith.constant 1 : i32
          %add3A_77 = arith.addi %add3A_55, %add3A_76 : i32
          %mul3A_78 = arith.constant 80 : i32
          %mul3A_79 = arith.muli %add3A_77, %mul3A_78 : i32
          %add3A_80 = arith.addi %mul3A_18, %mul3A_79 : i32
          %dma_start3A_81 = tpu.memref_slice %arg3[%add3A_80] : memref<160000xi32, #tpu.memory_space<hbm>> -> memref<80xi32, #tpu.memory_space<hbm>>
          %dma_start3A_82 = tpu.memref_slice %arg3[%add3A_80] : memref<160000xi32, #tpu.memory_space<hbm>> -> memref<80xi32, #tpu.memory_space<hbm>>
          tpu.enqueue_dma source(%dma_start3A_82 : memref<80xi32, #tpu.memory_space<hbm>>) target(%arg5 : memref<80xi32, #tpu.memory_space<vmem>>) target_semaphore(%arg11 : memref<!tpu.dma_semaphore, #tpu.memory_space<semaphore_mem>>)
          %mul3A_83 = arith.constant 128 : i32
          %mul3A_84 = arith.muli %arg0, %mul3A_83 : i32
          %dma_start3A_85 = tpu.memref_slice %arg2[%add3A_80, %mul3A_84] : memref<160000x256xf32, #tpu.memory_space<hbm>> -> memref<80x128xf32, #tpu.memory_space<hbm>>
          %dma_start3A_86 = tpu.memref_slice %arg2[%add3A_80, %mul3A_84] : memref<160000x256xf32, #tpu.memory_space<hbm>> -> memref<80x128xf32, #tpu.memory_space<hbm>>
          tpu.enqueue_dma source(%dma_start3A_86 : memref<80x128xf32, #tpu.memory_space<hbm>>) target(%arg7 : memref<80x128xf32, #tpu.memory_space<vmem>>) target_semaphore(%arg13 : memref<!tpu.dma_semaphore, #tpu.memory_space<semaphore_mem>>)
        } else {
        }
        %mul3A_68 = arith.constant 80 : i32
        %mul3A_69 = arith.muli %add3A_55, %mul3A_68 : i32
        %add3A_70 = arith.addi %mul3A_18, %mul3A_69 : i32
        %dma_wait3A = tpu.memref_slice %arg3[%add3A_70] : memref<160000xi32, #tpu.memory_space<hbm>> -> memref<80xi32, #tpu.memory_space<hbm>>
        %dma_wait3A_71 = tpu.memref_slice %arg3[%add3A_70] : memref<160000xi32, #tpu.memory_space<hbm>> -> memref<80xi32, #tpu.memory_space<hbm>>
        tpu.wait_dma2 semaphore(%arg12 : memref<!tpu.dma_semaphore, #tpu.memory_space<semaphore_mem>>) src(%dma_wait3A_71 : memref<80xi32, #tpu.memory_space<hbm>>) dst(%arg6 : memref<80xi32, #tpu.memory_space<vmem>>)
        %mul3A_72 = arith.constant 128 : i32
        %mul3A_73 = arith.muli %arg0, %mul3A_72 : i32
        %dma_wait3A_74 = tpu.memref_slice %arg2[%add3A_70, %mul3A_73] : memref<160000x256xf32, #tpu.memory_space<hbm>> -> memref<80x128xf32, #tpu.memory_space<hbm>>
        %dma_wait3A_75 = tpu.memref_slice %arg2[%add3A_70, %mul3A_73] : memref<160000x256xf32, #tpu.memory_space<hbm>> -> memref<80x128xf32, #tpu.memory_space<hbm>>
        tpu.wait_dma2 semaphore(%arg14 : memref<!tpu.dma_semaphore, #tpu.memory_space<semaphore_mem>>) src(%dma_wait3A_75 : memref<80x128xf32, #tpu.memory_space<hbm>>) dst(%arg8 : memref<80x128xf32, #tpu.memory_space<vmem>>)
        "tpu.region"() ({
          %run_scoped3A = tpu.sem_alloc : memref<!tpu.dma_semaphore, #tpu.memory_space<semaphore_mem>>
          %dma_start3A_76 = arith.constant 0 : i32
          %dma_start3A_77 = arith.constant 0 : i32
          %dma_start3A_78 = tpu.memref_slice %arg10[%dma_start3A_76, %dma_start3A_77] : memref<10000x128xf32, #tpu.memory_space<vmem_shared>> -> memref<10000x128xf32, #tpu.memory_space<vmem_shared>>
          tpu.enqueue_indirect_dma source(%arg8 : memref<80x128xf32, #tpu.memory_space<vmem>>) target(%dma_start3A_78 : memref<10000x128xf32, #tpu.memory_space<vmem_shared>>) offsets(%arg6 : memref<80xi32, #tpu.memory_space<vmem>>) semaphore(%run_scoped3A : memref<!tpu.dma_semaphore, #tpu.memory_space<semaphore_mem>>) {add = true}
          %dma_wait3A_79 = arith.constant 0 : i32
          %dma_wait3A_80 = arith.constant 0 : i32
          %dma_wait3A_81 = tpu.memref_slice %arg10[%dma_wait3A_79, %dma_wait3A_80] : memref<10000x128xf32, #tpu.memory_space<vmem_shared>> -> memref<10000x128xf32, #tpu.memory_space<vmem_shared>>
          tpu.wait_indirect_dma semaphore(%run_scoped3A : memref<!tpu.dma_semaphore, #tpu.memory_space<semaphore_mem>>) src(%arg8 : memref<80x128xf32, #tpu.memory_space<vmem>>) dst(%dma_wait3A_81 : memref<10000x128xf32, #tpu.memory_space<vmem_shared>>)
          tpu.yield
        }) : () -> ()
      } else {
      }
    }
    %scan3A_31 = arith.constant 63 : i32
    %barrier3A_32 = arith.constant 0 : index
    tpu.barrier barrier_id(%barrier3A_32)
    %scan3A_33 = arith.constant 0 : i32
    %scan3A_34 = arith.constant 0 : i32
    %scan3A_35 = arith.constant 6 : i32
    %scan3A_36 = arith.addi %scan3A_34, %scan3A_35 : i32
    %scan3A_37 = arith.constant 1 : i32
    scf.for %scan3A_42 = %scan3A_34 to %scan3A_36 step %scan3A_37  : i32 {
      %mul3A_43 = arith.constant 104 : i32
      %mul3A_44 = arith.muli %scan3A_42, %mul3A_43 : i32
      %add3A_45 = arith.addi %mul3A_4, %mul3A_44 : i32
      %mul3A_46 = arith.constant 128 : i32
      %mul3A_47 = arith.muli %arg0, %mul3A_46 : i32
      "tpu.region"() ({
        %run_scoped3A = tpu.sem_alloc : memref<!tpu.dma_semaphore, #tpu.memory_space<semaphore_mem>>
        %dma_start3A_48 = tpu.memref_slice %arg4[%add3A_45, %mul3A_47] : memref<10000x256xf32, #tpu.memory_space<hbm>> -> memref<104x128xf32, #tpu.memory_space<hbm>>
        %dma_start3A_49 = arith.constant 0 : i32
        %dma_start3A_50 = tpu.memref_slice %arg10[%add3A_45, %dma_start3A_49] : memref<10000x128xf32, #tpu.memory_space<vmem_shared>> -> memref<104x128xf32, #tpu.memory_space<vmem_shared>>
        tpu.enqueue_dma source(%dma_start3A_50 : memref<104x128xf32, #tpu.memory_space<vmem_shared>>) target(%dma_start3A_48 : memref<104x128xf32, #tpu.memory_space<hbm>>) target_semaphore(%run_scoped3A : memref<!tpu.dma_semaphore, #tpu.memory_space<semaphore_mem>>)
        %dma_wait3A = tpu.memref_slice %arg4[%add3A_45, %mul3A_47] : memref<10000x256xf32, #tpu.memory_space<hbm>> -> memref<104x128xf32, #tpu.memory_space<hbm>>
        %dma_wait3A_51 = arith.constant 0 : i32
        %dma_wait3A_52 = tpu.memref_slice %arg10[%add3A_45, %dma_wait3A_51] : memref<10000x128xf32, #tpu.memory_space<vmem_shared>> -> memref<104x128xf32, #tpu.memory_space<vmem_shared>>
        tpu.wait_dma2 semaphore(%run_scoped3A : memref<!tpu.dma_semaphore, #tpu.memory_space<semaphore_mem>>) src(%dma_wait3A_52 : memref<104x128xf32, #tpu.memory_space<vmem_shared>>) dst(%dma_wait3A : memref<104x128xf32, #tpu.memory_space<hbm>>)
        tpu.yield
      }) : () -> ()
    }
    %scan3A_38 = arith.constant 6 : i32
    %convert_element_type3A_39 = arith.extui %lt3A_2 : i1 to i32
    %cond3A_40 = arith.constant 0 : i32
    %cond3A_41 = arith.cmpi ne, %convert_element_type3A_39, %cond3A_40 : i32
    scf.if %cond3A_41 {
      %add3A_42 = arith.constant 624 : i32
      %add3A_43 = arith.addi %mul3A_4, %add3A_42 : i32
      %mul3A_44 = arith.constant 128 : i32
      %mul3A_45 = arith.muli %arg0, %mul3A_44 : i32
      "tpu.region"() ({
        %run_scoped3A = tpu.sem_alloc : memref<!tpu.dma_semaphore, #tpu.memory_space<semaphore_mem>>
        %dma_start3A_46 = tpu.memref_slice %arg4[%add3A_43, %mul3A_45] : memref<10000x256xf32, #tpu.memory_space<hbm>> -> memref<8x128xf32, #tpu.memory_space<hbm>>
        %dma_start3A_47 = arith.constant 0 : i32
        %dma_start3A_48 = tpu.memref_slice %arg10[%add3A_43, %dma_start3A_47] : memref<10000x128xf32, #tpu.memory_space<vmem_shared>> -> memref<8x128xf32, #tpu.memory_space<vmem_shared>>
        tpu.enqueue_dma source(%dma_start3A_48 : memref<8x128xf32, #tpu.memory_space<vmem_shared>>) target(%dma_start3A_46 : memref<8x128xf32, #tpu.memory_space<hbm>>) target_semaphore(%run_scoped3A : memref<!tpu.dma_semaphore, #tpu.memory_space<semaphore_mem>>)
        %dma_wait3A = tpu.memref_slice %arg4[%add3A_43, %mul3A_45] : memref<10000x256xf32, #tpu.memory_space<hbm>> -> memref<8x128xf32, #tpu.memory_space<hbm>>
        %dma_wait3A_49 = arith.constant 0 : i32
        %dma_wait3A_50 = tpu.memref_slice %arg10[%add3A_43, %dma_wait3A_49] : memref<10000x128xf32, #tpu.memory_space<vmem_shared>> -> memref<8x128xf32, #tpu.memory_space<vmem_shared>>
        tpu.wait_dma2 semaphore(%run_scoped3A : memref<!tpu.dma_semaphore, #tpu.memory_space<semaphore_mem>>) src(%dma_wait3A_50 : memref<8x128xf32, #tpu.memory_space<vmem_shared>>) dst(%dma_wait3A : memref<8x128xf32, #tpu.memory_space<hbm>>)
        tpu.yield
      }) : () -> ()
    } else {
    }
    return
  }
}

module attributes {stable_mosaic.version = 14 : i64} {
  func.func @_node_proj_body(%arg0: i32, %arg1: memref<2000x128xf32, #tpu.memory_space<vmem>>, %arg2: memref<64x128xf32, #tpu.memory_space<vmem>>, %arg3: memref<2000x1xi32, #tpu.memory_space<vmem>>, %arg4: memref<9x128x128xf32, #tpu.memory_space<vmem>>, %arg5: memref<9x128xf32, #tpu.memory_space<vmem>>, %arg6: memref<2000x128xf32, #tpu.memory_space<vmem>>, %arg7: memref<2000x128xf32, #tpu.memory_space<vmem>>, %arg8: memref<2000x128xf32, #tpu.memory_space<vmem>>, %arg9: memref<2000x128xf32, #tpu.memory_space<vmem>>, %arg10: memref<2x64xi32, #tpu.memory_space<vmem>>, %arg11: memref<8x64xi32, #tpu.memory_space<vmem>>) attributes {dimension_semantics = [#tpu.dimension_semantics<arbitrary>], iteration_bounds = array<i64: 5>, scalar_prefetch = 0 : i64, scratch_operands = 1 : i64, tpu.core_type = #tpu.core_type<tc>, window_params = [{transform_indices = @transform_0, window_bounds = array<i64: 2000, 128>}, {pipeline_mode = #tpu.pipeline_mode<synchronous>, transform_indices = @transform_1, window_bounds = array<i64: 64, 128>}, {transform_indices = @transform_2, window_bounds = array<i64: 2000, 1>}, {pipeline_mode = #tpu.pipeline_mode<synchronous>, transform_indices = @transform_3, window_bounds = array<i64: 9, 128, 128>}, {pipeline_mode = #tpu.pipeline_mode<synchronous>, transform_indices = @transform_4, window_bounds = array<i64: 9, 128>}, {transform_indices = @transform_5, window_bounds = array<i64: 2000, 128>}, {transform_indices = @transform_6, window_bounds = array<i64: 2000, 128>}, {transform_indices = @transform_7, window_bounds = array<i64: 2000, 128>}, {transform_indices = @transform_8, window_bounds = array<i64: 2000, 128>}, {pipeline_mode = #tpu.pipeline_mode<synchronous>, transform_indices = @transform_9, window_bounds = array<i64: 2, 64>}]} {
    %eq3A = arith.constant 0 : i32
    %eq3A_0 = arith.cmpi eq, %arg0, %eq3A : i32
    %convert_element_type3A = arith.extui %eq3A_0 : i1 to i32
    %cond3A = arith.constant 0 : i32
    %cond3A_1 = arith.cmpi ne, %convert_element_type3A, %cond3A : i32
    scf.if %cond3A_1 {
      %broadcast_in_dim3A_129 = arith.constant 0 : i32
      %broadcast_in_dim3A_130 = vector.broadcast %broadcast_in_dim3A_129 : i32 to vector<8x64xi32>
      %swap3A_131 = arith.constant 0 : index
      %swap3A_132 = arith.constant 0 : index
      %swap3A_133 = vector.load %arg11[%swap3A_131, %swap3A_132] : memref<8x64xi32, #tpu.memory_space<vmem>>, vector<8x64xi32>
      tpu.vector_store %arg11[%swap3A_131, %swap3A_132], %broadcast_in_dim3A_130 {strides = array<i32>} : memref<8x64xi32, #tpu.memory_space<vmem>>, vector<8x64xi32>,
    } else {
    }
    %get3A = arith.constant 0 : index
    %get3A_2 = arith.constant 0 : index
    %get3A_3 = vector.load %arg1[%get3A, %get3A_2] : memref<2000x128xf32, #tpu.memory_space<vmem>>, vector<2000x128xf32>
    %get3A_4 = arith.constant 0 : index
    %get3A_5 = arith.constant 0 : index
    %get3A_6 = vector.load %arg2[%get3A_4, %get3A_5] : memref<64x128xf32, #tpu.memory_space<vmem>>, vector<64x128xf32>
    %get3A_7 = arith.constant 0 : index
    %get3A_8 = arith.constant 0 : index
    %get3A_9 = arith.constant 0 : index
    %get3A_10 = vector.load %arg4[%get3A_7, %get3A_8, %get3A_9] : memref<9x128x128xf32, #tpu.memory_space<vmem>>, vector<1x128x128xf32>
    %get3A_11 = vector.shape_cast %get3A_10 : vector<1x128x128xf32> to vector<128x128xf32>
    %dot_general3A = arith.constant dense<0.000000e+00> : vector<2000x128xf32>
    %dot_general3A_12 = tpu.matmul %get3A_3, %get3A_11, %dot_general3A {dimension_numbers = #tpu.dot_dimension_numbers<[1], [0], [0], [1], [0, 0, 1, 1], [], []>, precision = #tpu.contract_precision<fp32>, transpose_lhs_hint = false} : vector<2000x128xf32>, vector<128x128xf32>, vector<2000x128xf32> -> vector<2000x128xf32>
    %get3A_13 = arith.constant 0 : index
    %get3A_14 = arith.constant 0 : index
    %get3A_15 = vector.load %arg5[%get3A_13, %get3A_14] : memref<9x128xf32, #tpu.memory_space<vmem>>, vector<1x128xf32>
    %get3A_16 = vector.shape_cast %get3A_15 : vector<1x128xf32> to vector<128xf32>
    %broadcast_in_dim3A = vector.shape_cast %get3A_16 : vector<128xf32> to vector<1x128xf32>
    %add3A = vector.broadcast %broadcast_in_dim3A : vector<1x128xf32> to vector<2000x128xf32>
    %add3A_17 = arith.addf %dot_general3A_12, %add3A : vector<2000x128xf32>
    %get3A_18 = arith.constant 2 : index
    %get3A_19 = arith.constant 0 : index
    %get3A_20 = arith.constant 0 : index
    %get3A_21 = vector.load %arg4[%get3A_18, %get3A_19, %get3A_20] : memref<9x128x128xf32, #tpu.memory_space<vmem>>, vector<1x128x128xf32>
    %get3A_22 = vector.shape_cast %get3A_21 : vector<1x128x128xf32> to vector<128x128xf32>
    %dot_general3A_23 = arith.constant dense<0.000000e+00> : vector<64x128xf32>
    %dot_general3A_24 = tpu.matmul %get3A_6, %get3A_22, %dot_general3A_23 {dimension_numbers = #tpu.dot_dimension_numbers<[1], [0], [0], [1], [0, 0, 1, 1], [], []>, precision = #tpu.contract_precision<fp32>, transpose_lhs_hint = false} : vector<64x128xf32>, vector<128x128xf32>, vector<64x128xf32> -> vector<64x128xf32>
    %get3A_25 = arith.constant 2 : index
    %get3A_26 = arith.constant 0 : index
    %get3A_27 = vector.load %arg5[%get3A_25, %get3A_26] : memref<9x128xf32, #tpu.memory_space<vmem>>, vector<1x128xf32>
    %get3A_28 = vector.shape_cast %get3A_27 : vector<1x128xf32> to vector<128xf32>
    %broadcast_in_dim3A_29 = vector.shape_cast %get3A_28 : vector<128xf32> to vector<1x128xf32>
    %add3A_30 = vector.broadcast %broadcast_in_dim3A_29 : vector<1x128xf32> to vector<64x128xf32>
    %add3A_31 = arith.addf %dot_general3A_24, %add3A_30 : vector<64x128xf32>
    %get3A_32 = arith.constant 3 : index
    %get3A_33 = arith.constant 0 : index
    %get3A_34 = arith.constant 0 : index
    %get3A_35 = vector.load %arg4[%get3A_32, %get3A_33, %get3A_34] : memref<9x128x128xf32, #tpu.memory_space<vmem>>, vector<1x128x128xf32>
    %get3A_36 = vector.shape_cast %get3A_35 : vector<1x128x128xf32> to vector<128x128xf32>
    %dot_general3A_37 = arith.constant dense<0.000000e+00> : vector<2000x128xf32>
    %dot_general3A_38 = tpu.matmul %get3A_3, %get3A_36, %dot_general3A_37 {dimension_numbers = #tpu.dot_dimension_numbers<[1], [0], [0], [1], [0, 0, 1, 1], [], []>, precision = #tpu.contract_precision<fp32>, transpose_lhs_hint = false} : vector<2000x128xf32>, vector<128x128xf32>, vector<2000x128xf32> -> vector<2000x128xf32>
    %get3A_39 = arith.constant 3 : index
    %get3A_40 = arith.constant 0 : index
    %get3A_41 = vector.load %arg5[%get3A_39, %get3A_40] : memref<9x128xf32, #tpu.memory_space<vmem>>, vector<1x128xf32>
    %get3A_42 = vector.shape_cast %get3A_41 : vector<1x128xf32> to vector<128xf32>
    %broadcast_in_dim3A_43 = vector.shape_cast %get3A_42 : vector<128xf32> to vector<1x128xf32>
    %add3A_44 = vector.broadcast %broadcast_in_dim3A_43 : vector<1x128xf32> to vector<2000x128xf32>
    %add3A_45 = arith.addf %dot_general3A_38, %add3A_44 : vector<2000x128xf32>
    %get3A_46 = arith.constant 4 : index
    %get3A_47 = arith.constant 0 : index
    %get3A_48 = arith.constant 0 : index
    %get3A_49 = vector.load %arg4[%get3A_46, %get3A_47, %get3A_48] : memref<9x128x128xf32, #tpu.memory_space<vmem>>, vector<1x128x128xf32>
    %get3A_50 = vector.shape_cast %get3A_49 : vector<1x128x128xf32> to vector<128x128xf32>
    %dot_general3A_51 = arith.constant dense<0.000000e+00> : vector<2000x128xf32>
    %dot_general3A_52 = tpu.matmul %get3A_3, %get3A_50, %dot_general3A_51 {dimension_numbers = #tpu.dot_dimension_numbers<[1], [0], [0], [1], [0, 0, 1, 1], [], []>, precision = #tpu.contract_precision<fp32>, transpose_lhs_hint = false} : vector<2000x128xf32>, vector<128x128xf32>, vector<2000x128xf32> -> vector<2000x128xf32>
    %get3A_53 = arith.constant 4 : index
    %get3A_54 = arith.constant 0 : index
    %get3A_55 = vector.load %arg5[%get3A_53, %get3A_54] : memref<9x128xf32, #tpu.memory_space<vmem>>, vector<1x128xf32>
    %get3A_56 = vector.shape_cast %get3A_55 : vector<1x128xf32> to vector<128xf32>
    %broadcast_in_dim3A_57 = vector.shape_cast %get3A_56 : vector<128xf32> to vector<1x128xf32>
    %add3A_58 = vector.broadcast %broadcast_in_dim3A_57 : vector<1x128xf32> to vector<2000x128xf32>
    %add3A_59 = arith.addf %dot_general3A_52, %add3A_58 : vector<2000x128xf32>
    %get3A_60 = arith.constant 5 : index
    %get3A_61 = arith.constant 0 : index
    %get3A_62 = arith.constant 0 : index
    %get3A_63 = vector.load %arg4[%get3A_60, %get3A_61, %get3A_62] : memref<9x128x128xf32, #tpu.memory_space<vmem>>, vector<1x128x128xf32>
    %get3A_64 = vector.shape_cast %get3A_63 : vector<1x128x128xf32> to vector<128x128xf32>
    %dot_general3A_65 = arith.constant dense<0.000000e+00> : vector<64x128xf32>
    %dot_general3A_66 = tpu.matmul %get3A_6, %get3A_64, %dot_general3A_65 {dimension_numbers = #tpu.dot_dimension_numbers<[1], [0], [0], [1], [0, 0, 1, 1], [], []>, precision = #tpu.contract_precision<fp32>, transpose_lhs_hint = false} : vector<64x128xf32>, vector<128x128xf32>, vector<64x128xf32> -> vector<64x128xf32>
    %get3A_67 = arith.constant 5 : index
    %get3A_68 = arith.constant 0 : index
    %get3A_69 = vector.load %arg5[%get3A_67, %get3A_68] : memref<9x128xf32, #tpu.memory_space<vmem>>, vector<1x128xf32>
    %get3A_70 = vector.shape_cast %get3A_69 : vector<1x128xf32> to vector<128xf32>
    %broadcast_in_dim3A_71 = vector.shape_cast %get3A_70 : vector<128xf32> to vector<1x128xf32>
    %add3A_72 = vector.broadcast %broadcast_in_dim3A_71 : vector<1x128xf32> to vector<64x128xf32>
    %add3A_73 = arith.addf %dot_general3A_66, %add3A_72 : vector<64x128xf32>
    %get3A_74 = arith.constant 0 : index
    %get3A_75 = arith.constant 0 : index
    %get3A_76 = vector.load %arg3[%get3A_74, %get3A_75] : memref<2000x1xi32, #tpu.memory_space<vmem>>, vector<2000x1xi32>
    %iota3A = tpu.iota {dimensions = array<i32: 1>} : vector<1x64xi32>
    %eq3A_77 = vector.broadcast %get3A_76 : vector<2000x1xi32> to vector<2000x64xi32>
    %eq3A_78 = vector.broadcast %iota3A : vector<1x64xi32> to vector<2000x64xi32>
    %eq3A_79 = arith.cmpi eq, %eq3A_77, %eq3A_78 : vector<2000x64xi32>
    %convert_element_type3A_80 = arith.extui %eq3A_79 : vector<2000x64xi1> to vector<2000x64xi32>
    %convert_element_type3A_81 = arith.sitofp %convert_element_type3A_80 : vector<2000x64xi32> to vector<2000x64xf32>
    %dot_general3A_82 = arith.constant dense<0.000000e+00> : vector<2000x128xf32>
    %dot_general3A_83 = tpu.matmul %convert_element_type3A_81, %add3A_31, %dot_general3A_82 {dimension_numbers = #tpu.dot_dimension_numbers<[1], [0], [0], [1], [0, 0, 1, 1], [], []>, precision = #tpu.contract_precision<fp32>, transpose_lhs_hint = false} : vector<2000x64xf32>, vector<64x128xf32>, vector<2000x128xf32> -> vector<2000x128xf32>
    %dot_general3A_84 = arith.constant dense<0.000000e+00> : vector<2000x128xf32>
    %dot_general3A_85 = tpu.matmul %convert_element_type3A_81, %add3A_73, %dot_general3A_84 {dimension_numbers = #tpu.dot_dimension_numbers<[1], [0], [0], [1], [0, 0, 1, 1], [], []>, precision = #tpu.contract_precision<fp32>, transpose_lhs_hint = false} : vector<2000x64xf32>, vector<64x128xf32>, vector<2000x128xf32> -> vector<2000x128xf32>
    %add3A_86 = arith.addf %add3A_17, %dot_general3A_83 : vector<2000x128xf32>
    %swap3A = arith.constant 0 : index
    %swap3A_87 = arith.constant 0 : index
    %swap3A_88 = vector.load %arg6[%swap3A, %swap3A_87] : memref<2000x128xf32, #tpu.memory_space<vmem>>, vector<2000x128xf32>
    tpu.vector_store %arg6[%swap3A, %swap3A_87], %add3A_86 {strides = array<i32>} : memref<2000x128xf32, #tpu.memory_space<vmem>>, vector<2000x128xf32>,
    %swap3A_89 = arith.constant 0 : index
    %swap3A_90 = arith.constant 0 : index
    %swap3A_91 = vector.load %arg7[%swap3A_89, %swap3A_90] : memref<2000x128xf32, #tpu.memory_space<vmem>>, vector<2000x128xf32>
    tpu.vector_store %arg7[%swap3A_89, %swap3A_90], %add3A_17 {strides = array<i32>} : memref<2000x128xf32, #tpu.memory_space<vmem>>, vector<2000x128xf32>,
    %swap3A_92 = arith.constant 0 : index
    %swap3A_93 = arith.constant 0 : index
    %swap3A_94 = vector.load %arg8[%swap3A_92, %swap3A_93] : memref<2000x128xf32, #tpu.memory_space<vmem>>, vector<2000x128xf32>
    tpu.vector_store %arg8[%swap3A_92, %swap3A_93], %add3A_59 {strides = array<i32>} : memref<2000x128xf32, #tpu.memory_space<vmem>>, vector<2000x128xf32>,
    %add3A_95 = arith.addf %add3A_45, %dot_general3A_85 : vector<2000x128xf32>
    %swap3A_96 = arith.constant 0 : index
    %swap3A_97 = arith.constant 0 : index
    %swap3A_98 = vector.load %arg9[%swap3A_96, %swap3A_97] : memref<2000x128xf32, #tpu.memory_space<vmem>>, vector<2000x128xf32>
    tpu.vector_store %arg9[%swap3A_96, %swap3A_97], %add3A_95 {strides = array<i32>} : memref<2000x128xf32, #tpu.memory_space<vmem>>, vector<2000x128xf32>,
    %lt3A = vector.broadcast %get3A_76 : vector<2000x1xi32> to vector<2000x64xi32>
    %lt3A_99 = vector.broadcast %iota3A : vector<1x64xi32> to vector<2000x64xi32>
    %lt3A_100 = arith.cmpi slt, %lt3A, %lt3A_99 : vector<2000x64xi32>
    %convert_element_type3A_101 = arith.extui %lt3A_100 : vector<2000x64xi1> to vector<2000x64xi32>
    %le3A = vector.broadcast %get3A_76 : vector<2000x1xi32> to vector<2000x64xi32>
    %le3A_102 = vector.broadcast %iota3A : vector<1x64xi32> to vector<2000x64xi32>
    %le3A_103 = arith.cmpi sle, %le3A, %le3A_102 : vector<2000x64xi32>
    %convert_element_type3A_104 = arith.extui %le3A_103 : vector<2000x64xi1> to vector<2000x64xi32>
    %get3A_105 = arith.constant 0 : index
    %get3A_106 = arith.constant 0 : index
    %get3A_107 = vector.load %arg11[%get3A_105, %get3A_106] : memref<8x64xi32, #tpu.memory_space<vmem>>, vector<1x64xi32>
    %reduce_sum3A = arith.constant dense<0> : vector<64xi32>
    %reduce_sum3A_108 = vector.multi_reduction <add>, %convert_element_type3A_101, %reduce_sum3A [0] : vector<2000x64xi32> to vector<64xi32>
    %broadcast_in_dim3A_109 = vector.shape_cast %reduce_sum3A_108 : vector<64xi32> to vector<1x64xi32>
    %add3A_110 = arith.addi %get3A_107, %broadcast_in_dim3A_109 : vector<1x64xi32>
    %swap3A_111 = arith.constant 0 : index
    %swap3A_112 = arith.constant 0 : index
    %swap3A_113 = vector.load %arg11[%swap3A_111, %swap3A_112] : memref<8x64xi32, #tpu.memory_space<vmem>>, vector<1x64xi32>
    tpu.vector_store %arg11[%swap3A_111, %swap3A_112], %add3A_110 {strides = array<i32>} : memref<8x64xi32, #tpu.memory_space<vmem>>, vector<1x64xi32>,
    %get3A_114 = arith.constant 1 : index
    %get3A_115 = arith.constant 0 : index
    %get3A_116 = vector.load %arg11[%get3A_114, %get3A_115] : memref<8x64xi32, #tpu.memory_space<vmem>>, vector<1x64xi32>
    %reduce_sum3A_117 = arith.constant dense<0> : vector<64xi32>
    %reduce_sum3A_118 = vector.multi_reduction <add>, %convert_element_type3A_104, %reduce_sum3A_117 [0] : vector<2000x64xi32> to vector<64xi32>
    %broadcast_in_dim3A_119 = vector.shape_cast %reduce_sum3A_118 : vector<64xi32> to vector<1x64xi32>
    %add3A_120 = arith.addi %get3A_116, %broadcast_in_dim3A_119 : vector<1x64xi32>
    %swap3A_121 = arith.constant 1 : index
    %swap3A_122 = arith.constant 0 : index
    %swap3A_123 = vector.load %arg11[%swap3A_121, %swap3A_122] : memref<8x64xi32, #tpu.memory_space<vmem>>, vector<1x64xi32>
    tpu.vector_store %arg11[%swap3A_121, %swap3A_122], %add3A_120 {strides = array<i32>} : memref<8x64xi32, #tpu.memory_space<vmem>>, vector<1x64xi32>,
    %eq3A_124 = arith.constant 4 : i32
    %eq3A_125 = arith.cmpi eq, %arg0, %eq3A_124 : i32
    %convert_element_type3A_126 = arith.extui %eq3A_125 : i1 to i32
    %cond3A_127 = arith.constant 0 : i32
    %cond3A_128 = arith.cmpi ne, %convert_element_type3A_126, %cond3A_127 : i32
    scf.if %cond3A_128 {
      %get3A_129 = arith.constant 0 : index
      %get3A_130 = arith.constant 0 : index
      %get3A_131 = vector.load %arg11[%get3A_129, %get3A_130] : memref<8x64xi32, #tpu.memory_space<vmem>>, vector<2x64xi32>
      %swap3A_132 = arith.constant 0 : index
      %swap3A_133 = arith.constant 0 : index
      %swap3A_134 = vector.load %arg10[%swap3A_132, %swap3A_133] : memref<2x64xi32, #tpu.memory_space<vmem>>, vector<2x64xi32>
      tpu.vector_store %arg10[%swap3A_132, %swap3A_133], %get3A_131 {strides = array<i32>} : memref<2x64xi32, #tpu.memory_space<vmem>>, vector<2x64xi32>,
    } else {
    }
    return
  }
  func.func @transform_0(%arg0: i32) -> (i32, i32) {
    %c0_i32 = arith.constant 0 : i32
    %c0_i32_0 = arith.constant 0 : i32
    return %arg0, %c0_i32 : i32, i32
  }
  func.func @transform_1(%arg0: i32) -> (i32, i32) {
    %c0_i32 = arith.constant 0 : i32
    %c0_i32_0 = arith.constant 0 : i32
    %c0_i32_1 = arith.constant 0 : i32
    return %c0_i32, %c0_i32_0 : i32, i32
  }
  func.func @transform_2(%arg0: i32) -> (i32, i32) {
    %c0_i32 = arith.constant 0 : i32
    %c0_i32_0 = arith.constant 0 : i32
    return %arg0, %c0_i32 : i32, i32
  }
  func.func @transform_3(%arg0: i32) -> (i32, i32, i32) {
    %c0_i32 = arith.constant 0 : i32
    %c0_i32_0 = arith.constant 0 : i32
    %c0_i32_1 = arith.constant 0 : i32
    %c0_i32_2 = arith.constant 0 : i32
    return %c0_i32, %c0_i32_0, %c0_i32_1 : i32, i32, i32
  }
  func.func @transform_4(%arg0: i32) -> (i32, i32) {
    %c0_i32 = arith.constant 0 : i32
    %c0_i32_0 = arith.constant 0 : i32
    %c0_i32_1 = arith.constant 0 : i32
    return %c0_i32, %c0_i32_0 : i32, i32
  }
  func.func @transform_5(%arg0: i32) -> (i32, i32) {
    %c0_i32 = arith.constant 0 : i32
    %c0_i32_0 = arith.constant 0 : i32
    return %arg0, %c0_i32 : i32, i32
  }
  func.func @transform_6(%arg0: i32) -> (i32, i32) {
    %c0_i32 = arith.constant 0 : i32
    %c0_i32_0 = arith.constant 0 : i32
    return %arg0, %c0_i32 : i32, i32
  }
  func.func @transform_7(%arg0: i32) -> (i32, i32) {
    %c0_i32 = arith.constant 0 : i32
    %c0_i32_0 = arith.constant 0 : i32
    return %arg0, %c0_i32 : i32, i32
  }
  func.func @transform_8(%arg0: i32) -> (i32, i32) {
    %c0_i32 = arith.constant 0 : i32
    %c0_i32_0 = arith.constant 0 : i32
    return %arg0, %c0_i32 : i32, i32
  }
  func.func @transform_9(%arg0: i32) -> (i32, i32) {
    %c0_i32 = arith.constant 0 : i32
    %c0_i32_0 = arith.constant 0 : i32
    %c0_i32_1 = arith.constant 0 : i32
    return %c0_i32, %c0_i32_0 : i32, i32
  }
}

module attributes {stable_mosaic.version = 14 : i64} {
  func.func @_edge_pass1_body(%arg0: i32, %arg1: memref<3200x128xf32, #tpu.memory_space<vmem>>, %arg2: memref<3200x128xf32, #tpu.memory_space<vmem>>, %arg3: memref<9x128x128xf32, #tpu.memory_space<vmem>>, %arg4: memref<9x128xf32, #tpu.memory_space<vmem>>, %arg5: memref<3x128xf32, #tpu.memory_space<vmem>>, %arg6: memref<3x128xf32, #tpu.memory_space<vmem>>, %arg7: memref<2x128xf32, #tpu.memory_space<vmem>>, %arg8: memref<3200x128xf32, #tpu.memory_space<vmem>>, %arg9: memref<2x128xf32, #tpu.memory_space<vmem>>, %arg10: memref<8x128xf32, #tpu.memory_space<vmem>>) attributes {dimension_semantics = [#tpu.dimension_semantics<arbitrary>], iteration_bounds = array<i64: 50>, scalar_prefetch = 0 : i64, scratch_operands = 1 : i64, tpu.core_type = #tpu.core_type<tc>, window_params = [{transform_indices = @transform_0, window_bounds = array<i64: 3200, 128>}, {transform_indices = @transform_1, window_bounds = array<i64: 3200, 128>}, {pipeline_mode = #tpu.pipeline_mode<synchronous>, transform_indices = @transform_2, window_bounds = array<i64: 9, 128, 128>}, {pipeline_mode = #tpu.pipeline_mode<synchronous>, transform_indices = @transform_3, window_bounds = array<i64: 9, 128>}, {pipeline_mode = #tpu.pipeline_mode<synchronous>, transform_indices = @transform_4, window_bounds = array<i64: 3, 128>}, {pipeline_mode = #tpu.pipeline_mode<synchronous>, transform_indices = @transform_5, window_bounds = array<i64: 3, 128>}, {pipeline_mode = #tpu.pipeline_mode<synchronous>, transform_indices = @transform_6, window_bounds = array<i64: 2, 128>}, {transform_indices = @transform_7, window_bounds = array<i64: 3200, 128>}, {pipeline_mode = #tpu.pipeline_mode<synchronous>, transform_indices = @transform_8, window_bounds = array<i64: 2, 128>}]} {
    %eq3A = arith.constant 0 : i32
    %eq3A_0 = arith.cmpi eq, %arg0, %eq3A : i32
    %convert_element_type3A = arith.extui %eq3A_0 : i1 to i32
    %cond3A = arith.constant 0 : i32
    %cond3A_1 = arith.cmpi ne, %convert_element_type3A, %cond3A : i32
    scf.if %cond3A_1 {
      %broadcast_in_dim3A_45 = arith.constant 0.000000e+00 : f32
      %broadcast_in_dim3A_46 = vector.broadcast %broadcast_in_dim3A_45 : f32 to vector<8x128xf32>
      %swap3A_47 = arith.constant 0 : index
      %swap3A_48 = arith.constant 0 : index
      %swap3A_49 = vector.load %arg10[%swap3A_47, %swap3A_48] : memref<8x128xf32, #tpu.memory_space<vmem>>, vector<8x128xf32>
      tpu.vector_store %arg10[%swap3A_47, %swap3A_48], %broadcast_in_dim3A_46 {strides = array<i32>} : memref<8x128xf32, #tpu.memory_space<vmem>>, vector<8x128xf32>,
      %get3A_50 = arith.constant 0 : index
      %get3A_51 = arith.constant 0 : index
      %get3A_52 = vector.load %arg7[%get3A_50, %get3A_51] : memref<2x128xf32, #tpu.memory_space<vmem>>, vector<2x128xf32>
      %swap3A_53 = arith.constant 0 : index
      %swap3A_54 = arith.constant 0 : index
      %swap3A_55 = vector.load %arg10[%swap3A_53, %swap3A_54] : memref<8x128xf32, #tpu.memory_space<vmem>>, vector<2x128xf32>
      tpu.vector_store %arg10[%swap3A_53, %swap3A_54], %get3A_52 {strides = array<i32>} : memref<8x128xf32, #tpu.memory_space<vmem>>, vector<2x128xf32>,
    } else {
    }
    %get3A = arith.constant 0 : index
    %get3A_2 = arith.constant 0 : index
    %get3A_3 = vector.load %arg1[%get3A, %get3A_2] : memref<3200x128xf32, #tpu.memory_space<vmem>>, vector<3200x128xf32>
    %get3A_4 = arith.constant 1 : index
    %get3A_5 = arith.constant 0 : index
    %get3A_6 = arith.constant 0 : index
    %get3A_7 = vector.load %arg3[%get3A_4, %get3A_5, %get3A_6] : memref<9x128x128xf32, #tpu.memory_space<vmem>>, vector<1x128x128xf32>
    %get3A_8 = vector.shape_cast %get3A_7 : vector<1x128x128xf32> to vector<128x128xf32>
    %dot_general3A = arith.constant dense<0.000000e+00> : vector<3200x128xf32>
    %dot_general3A_9 = tpu.matmul %get3A_3, %get3A_8, %dot_general3A {dimension_numbers = #tpu.dot_dimension_numbers<[1], [0], [0], [1], [0, 0, 1, 1], [], []>, precision = #tpu.contract_precision<fp32>, transpose_lhs_hint = false} : vector<3200x128xf32>, vector<128x128xf32>, vector<3200x128xf32> -> vector<3200x128xf32>
    %get3A_10 = arith.constant 1 : index
    %get3A_11 = arith.constant 0 : index
    %get3A_12 = vector.load %arg4[%get3A_10, %get3A_11] : memref<9x128xf32, #tpu.memory_space<vmem>>, vector<1x128xf32>
    %get3A_13 = vector.shape_cast %get3A_12 : vector<1x128xf32> to vector<128xf32>
    %broadcast_in_dim3A = vector.shape_cast %get3A_13 : vector<128xf32> to vector<1x128xf32>
    %add3A = vector.broadcast %broadcast_in_dim3A : vector<1x128xf32> to vector<3200x128xf32>
    %add3A_14 = arith.addf %dot_general3A_9, %add3A : vector<3200x128xf32>
    %get3A_15 = arith.constant 0 : index
    %get3A_16 = arith.constant 0 : index
    %get3A_17 = vector.load %arg2[%get3A_15, %get3A_16] : memref<3200x128xf32, #tpu.memory_space<vmem>>, vector<3200x128xf32>
    %add3A_18 = arith.addf %add3A_14, %get3A_17 : vector<3200x128xf32>
    %swap3A = arith.constant 0 : index
    %swap3A_19 = arith.constant 0 : index
    %swap3A_20 = vector.load %arg8[%swap3A, %swap3A_19] : memref<3200x128xf32, #tpu.memory_space<vmem>>, vector<3200x128xf32>
    tpu.vector_store %arg8[%swap3A, %swap3A_19], %add3A_18 {strides = array<i32>} : memref<3200x128xf32, #tpu.memory_space<vmem>>, vector<3200x128xf32>,
    %get3A_21 = arith.constant 0 : index
    %get3A_22 = arith.constant 0 : index
    %get3A_23 = vector.load %arg10[%get3A_21, %get3A_22] : memref<8x128xf32, #tpu.memory_space<vmem>>, vector<1x128xf32>
    %reduce_sum3A = arith.constant dense<0.000000e+00> : vector<128xf32>
    %reduce_sum3A_24 = vector.multi_reduction <add>, %add3A_18, %reduce_sum3A [0] : vector<3200x128xf32> to vector<128xf32>
    %broadcast_in_dim3A_25 = vector.shape_cast %reduce_sum3A_24 : vector<128xf32> to vector<1x128xf32>
    %add3A_26 = arith.addf %get3A_23, %broadcast_in_dim3A_25 : vector<1x128xf32>
    %swap3A_27 = arith.constant 0 : index
    %swap3A_28 = arith.constant 0 : index
    %swap3A_29 = vector.load %arg10[%swap3A_27, %swap3A_28] : memref<8x128xf32, #tpu.memory_space<vmem>>, vector<1x128xf32>
    tpu.vector_store %arg10[%swap3A_27, %swap3A_28], %add3A_26 {strides = array<i32>} : memref<8x128xf32, #tpu.memory_space<vmem>>, vector<1x128xf32>,
    %get3A_30 = arith.constant 1 : index
    %get3A_31 = arith.constant 0 : index
    %get3A_32 = vector.load %arg10[%get3A_30, %get3A_31] : memref<8x128xf32, #tpu.memory_space<vmem>>, vector<1x128xf32>
    %mul3A = arith.mulf %add3A_18, %add3A_18 : vector<3200x128xf32>
    %reduce_sum3A_33 = arith.constant dense<0.000000e+00> : vector<128xf32>
    %reduce_sum3A_34 = vector.multi_reduction <add>, %mul3A, %reduce_sum3A_33 [0] : vector<3200x128xf32> to vector<128xf32>
    %broadcast_in_dim3A_35 = vector.shape_cast %reduce_sum3A_34 : vector<128xf32> to vector<1x128xf32>
    %add3A_36 = arith.addf %get3A_32, %broadcast_in_dim3A_35 : vector<1x128xf32>
    %swap3A_37 = arith.constant 1 : index
    %swap3A_38 = arith.constant 0 : index
    %swap3A_39 = vector.load %arg10[%swap3A_37, %swap3A_38] : memref<8x128xf32, #tpu.memory_space<vmem>>, vector<1x128xf32>
    tpu.vector_store %arg10[%swap3A_37, %swap3A_38], %add3A_36 {strides = array<i32>} : memref<8x128xf32, #tpu.memory_space<vmem>>, vector<1x128xf32>,
    %eq3A_40 = arith.constant 49 : i32
    %eq3A_41 = arith.cmpi eq, %arg0, %eq3A_40 : i32
    %convert_element_type3A_42 = arith.extui %eq3A_41 : i1 to i32
    %cond3A_43 = arith.constant 0 : i32
    %cond3A_44 = arith.cmpi ne, %convert_element_type3A_42, %cond3A_43 : i32
    scf.if %cond3A_44 {
      %get3A_45 = arith.constant 0 : index
      %get3A_46 = arith.constant 0 : index
      %get3A_47 = vector.load %arg10[%get3A_45, %get3A_46] : memref<8x128xf32, #tpu.memory_space<vmem>>, vector<2x128xf32>
      %swap3A_48 = arith.constant 0 : index
      %swap3A_49 = arith.constant 0 : index
      %swap3A_50 = vector.load %arg9[%swap3A_48, %swap3A_49] : memref<2x128xf32, #tpu.memory_space<vmem>>, vector<2x128xf32>
      tpu.vector_store %arg9[%swap3A_48, %swap3A_49], %get3A_47 {strides = array<i32>} : memref<2x128xf32, #tpu.memory_space<vmem>>, vector<2x128xf32>,
    } else {
    }
    return
  }
  func.func @transform_0(%arg0: i32) -> (i32, i32) {
    %c0_i32 = arith.constant 0 : i32
    %c0_i32_0 = arith.constant 0 : i32
    return %arg0, %c0_i32 : i32, i32
  }
  func.func @transform_1(%arg0: i32) -> (i32, i32) {
    %c0_i32 = arith.constant 0 : i32
    %c0_i32_0 = arith.constant 0 : i32
    return %arg0, %c0_i32 : i32, i32
  }
  func.func @transform_2(%arg0: i32) -> (i32, i32, i32) {
    %c0_i32 = arith.constant 0 : i32
    %c0_i32_0 = arith.constant 0 : i32
    %c0_i32_1 = arith.constant 0 : i32
    %c0_i32_2 = arith.constant 0 : i32
    return %c0_i32, %c0_i32_0, %c0_i32_1 : i32, i32, i32
  }
  func.func @transform_3(%arg0: i32) -> (i32, i32) {
    %c0_i32 = arith.constant 0 : i32
    %c0_i32_0 = arith.constant 0 : i32
    %c0_i32_1 = arith.constant 0 : i32
    return %c0_i32, %c0_i32_0 : i32, i32
  }
  func.func @transform_4(%arg0: i32) -> (i32, i32) {
    %c0_i32 = arith.constant 0 : i32
    %c0_i32_0 = arith.constant 0 : i32
    %c0_i32_1 = arith.constant 0 : i32
    return %c0_i32, %c0_i32_0 : i32, i32
  }
  func.func @transform_5(%arg0: i32) -> (i32, i32) {
    %c0_i32 = arith.constant 0 : i32
    %c0_i32_0 = arith.constant 0 : i32
    %c0_i32_1 = arith.constant 0 : i32
    return %c0_i32, %c0_i32_0 : i32, i32
  }
  func.func @transform_6(%arg0: i32) -> (i32, i32) {
    %c0_i32 = arith.constant 0 : i32
    %c0_i32_0 = arith.constant 0 : i32
    %c0_i32_1 = arith.constant 0 : i32
    return %c0_i32, %c0_i32_0 : i32, i32
  }
  func.func @transform_7(%arg0: i32) -> (i32, i32) {
    %c0_i32 = arith.constant 0 : i32
    %c0_i32_0 = arith.constant 0 : i32
    return %arg0, %c0_i32 : i32, i32
  }
  func.func @transform_8(%arg0: i32) -> (i32, i32) {
    %c0_i32 = arith.constant 0 : i32
    %c0_i32_0 = arith.constant 0 : i32
    %c0_i32_1 = arith.constant 0 : i32
    return %c0_i32, %c0_i32_0 : i32, i32
  }
}

module attributes {stable_mosaic.version = 14 : i64} {
  func.func @_edge_pass1_body(%arg0: i32, %arg1: memref<3200x128xf32, #tpu.memory_space<vmem>>, %arg2: memref<3200x128xf32, #tpu.memory_space<vmem>>, %arg3: memref<9x128x128xf32, #tpu.memory_space<vmem>>, %arg4: memref<9x128xf32, #tpu.memory_space<vmem>>, %arg5: memref<3x128xf32, #tpu.memory_space<vmem>>, %arg6: memref<3x128xf32, #tpu.memory_space<vmem>>, %arg7: memref<2x128xf32, #tpu.memory_space<vmem>>, %arg8: memref<3200x128xf32, #tpu.memory_space<vmem>>, %arg9: memref<2x128xf32, #tpu.memory_space<vmem>>, %arg10: memref<8x128xf32, #tpu.memory_space<vmem>>) attributes {dimension_semantics = [#tpu.dimension_semantics<arbitrary>], iteration_bounds = array<i64: 50>, scalar_prefetch = 0 : i64, scratch_operands = 1 : i64, tpu.core_type = #tpu.core_type<tc>, window_params = [{transform_indices = @transform_0, window_bounds = array<i64: 3200, 128>}, {transform_indices = @transform_1, window_bounds = array<i64: 3200, 128>}, {pipeline_mode = #tpu.pipeline_mode<synchronous>, transform_indices = @transform_2, window_bounds = array<i64: 9, 128, 128>}, {pipeline_mode = #tpu.pipeline_mode<synchronous>, transform_indices = @transform_3, window_bounds = array<i64: 9, 128>}, {pipeline_mode = #tpu.pipeline_mode<synchronous>, transform_indices = @transform_4, window_bounds = array<i64: 3, 128>}, {pipeline_mode = #tpu.pipeline_mode<synchronous>, transform_indices = @transform_5, window_bounds = array<i64: 3, 128>}, {pipeline_mode = #tpu.pipeline_mode<synchronous>, transform_indices = @transform_6, window_bounds = array<i64: 2, 128>}, {transform_indices = @transform_7, window_bounds = array<i64: 3200, 128>}, {pipeline_mode = #tpu.pipeline_mode<synchronous>, transform_indices = @transform_8, window_bounds = array<i64: 2, 128>}]} {
    %eq3A = arith.constant 0 : i32
    %eq3A_0 = arith.cmpi eq, %arg0, %eq3A : i32
    %convert_element_type3A = arith.extui %eq3A_0 : i1 to i32
    %cond3A = arith.constant 0 : i32
    %cond3A_1 = arith.cmpi ne, %convert_element_type3A, %cond3A : i32
    scf.if %cond3A_1 {
      %broadcast_in_dim3A_45 = arith.constant 0.000000e+00 : f32
      %broadcast_in_dim3A_46 = vector.broadcast %broadcast_in_dim3A_45 : f32 to vector<8x128xf32>
      %swap3A_47 = arith.constant 0 : index
      %swap3A_48 = arith.constant 0 : index
      %swap3A_49 = vector.load %arg10[%swap3A_47, %swap3A_48] : memref<8x128xf32, #tpu.memory_space<vmem>>, vector<8x128xf32>
      tpu.vector_store %arg10[%swap3A_47, %swap3A_48], %broadcast_in_dim3A_46 {strides = array<i32>} : memref<8x128xf32, #tpu.memory_space<vmem>>, vector<8x128xf32>,
      %get3A_50 = arith.constant 0 : index
      %get3A_51 = arith.constant 0 : index
      %get3A_52 = vector.load %arg7[%get3A_50, %get3A_51] : memref<2x128xf32, #tpu.memory_space<vmem>>, vector<2x128xf32>
      %swap3A_53 = arith.constant 0 : index
      %swap3A_54 = arith.constant 0 : index
      %swap3A_55 = vector.load %arg10[%swap3A_53, %swap3A_54] : memref<8x128xf32, #tpu.memory_space<vmem>>, vector<2x128xf32>
      tpu.vector_store %arg10[%swap3A_53, %swap3A_54], %get3A_52 {strides = array<i32>} : memref<8x128xf32, #tpu.memory_space<vmem>>, vector<2x128xf32>,
    } else {
    }
    %get3A = arith.constant 0 : index
    %get3A_2 = arith.constant 0 : index
    %get3A_3 = vector.load %arg1[%get3A, %get3A_2] : memref<3200x128xf32, #tpu.memory_space<vmem>>, vector<3200x128xf32>
    %get3A_4 = arith.constant 1 : index
    %get3A_5 = arith.constant 0 : index
    %get3A_6 = arith.constant 0 : index
    %get3A_7 = vector.load %arg3[%get3A_4, %get3A_5, %get3A_6] : memref<9x128x128xf32, #tpu.memory_space<vmem>>, vector<1x128x128xf32>
    %get3A_8 = vector.shape_cast %get3A_7 : vector<1x128x128xf32> to vector<128x128xf32>
    %dot_general3A = arith.constant dense<0.000000e+00> : vector<3200x128xf32>
    %dot_general3A_9 = tpu.matmul %get3A_3, %get3A_8, %dot_general3A {dimension_numbers = #tpu.dot_dimension_numbers<[1], [0], [0], [1], [0, 0, 1, 1], [], []>, precision = #tpu.contract_precision<fp32>, transpose_lhs_hint = false} : vector<3200x128xf32>, vector<128x128xf32>, vector<3200x128xf32> -> vector<3200x128xf32>
    %get3A_10 = arith.constant 1 : index
    %get3A_11 = arith.constant 0 : index
    %get3A_12 = vector.load %arg4[%get3A_10, %get3A_11] : memref<9x128xf32, #tpu.memory_space<vmem>>, vector<1x128xf32>
    %get3A_13 = vector.shape_cast %get3A_12 : vector<1x128xf32> to vector<128xf32>
    %broadcast_in_dim3A = vector.shape_cast %get3A_13 : vector<128xf32> to vector<1x128xf32>
    %add3A = vector.broadcast %broadcast_in_dim3A : vector<1x128xf32> to vector<3200x128xf32>
    %add3A_14 = arith.addf %dot_general3A_9, %add3A : vector<3200x128xf32>
    %get3A_15 = arith.constant 0 : index
    %get3A_16 = arith.constant 0 : index
    %get3A_17 = vector.load %arg2[%get3A_15, %get3A_16] : memref<3200x128xf32, #tpu.memory_space<vmem>>, vector<3200x128xf32>
    %add3A_18 = arith.addf %add3A_14, %get3A_17 : vector<3200x128xf32>
    %swap3A = arith.constant 0 : index
    %swap3A_19 = arith.constant 0 : index
    %swap3A_20 = vector.load %arg8[%swap3A, %swap3A_19] : memref<3200x128xf32, #tpu.memory_space<vmem>>, vector<3200x128xf32>
    tpu.vector_store %arg8[%swap3A, %swap3A_19], %add3A_18 {strides = array<i32>} : memref<3200x128xf32, #tpu.memory_space<vmem>>, vector<3200x128xf32>,
    %get3A_21 = arith.constant 0 : index
    %get3A_22 = arith.constant 0 : index
    %get3A_23 = vector.load %arg10[%get3A_21, %get3A_22] : memref<8x128xf32, #tpu.memory_space<vmem>>, vector<1x128xf32>
    %reduce_sum3A = arith.constant dense<0.000000e+00> : vector<128xf32>
    %reduce_sum3A_24 = vector.multi_reduction <add>, %add3A_18, %reduce_sum3A [0] : vector<3200x128xf32> to vector<128xf32>
    %broadcast_in_dim3A_25 = vector.shape_cast %reduce_sum3A_24 : vector<128xf32> to vector<1x128xf32>
    %add3A_26 = arith.addf %get3A_23, %broadcast_in_dim3A_25 : vector<1x128xf32>
    %swap3A_27 = arith.constant 0 : index
    %swap3A_28 = arith.constant 0 : index
    %swap3A_29 = vector.load %arg10[%swap3A_27, %swap3A_28] : memref<8x128xf32, #tpu.memory_space<vmem>>, vector<1x128xf32>
    tpu.vector_store %arg10[%swap3A_27, %swap3A_28], %add3A_26 {strides = array<i32>} : memref<8x128xf32, #tpu.memory_space<vmem>>, vector<1x128xf32>,
    %get3A_30 = arith.constant 1 : index
    %get3A_31 = arith.constant 0 : index
    %get3A_32 = vector.load %arg10[%get3A_30, %get3A_31] : memref<8x128xf32, #tpu.memory_space<vmem>>, vector<1x128xf32>
    %mul3A = arith.mulf %add3A_18, %add3A_18 : vector<3200x128xf32>
    %reduce_sum3A_33 = arith.constant dense<0.000000e+00> : vector<128xf32>
    %reduce_sum3A_34 = vector.multi_reduction <add>, %mul3A, %reduce_sum3A_33 [0] : vector<3200x128xf32> to vector<128xf32>
    %broadcast_in_dim3A_35 = vector.shape_cast %reduce_sum3A_34 : vector<128xf32> to vector<1x128xf32>
    %add3A_36 = arith.addf %get3A_32, %broadcast_in_dim3A_35 : vector<1x128xf32>
    %swap3A_37 = arith.constant 1 : index
    %swap3A_38 = arith.constant 0 : index
    %swap3A_39 = vector.load %arg10[%swap3A_37, %swap3A_38] : memref<8x128xf32, #tpu.memory_space<vmem>>, vector<1x128xf32>
    tpu.vector_store %arg10[%swap3A_37, %swap3A_38], %add3A_36 {strides = array<i32>} : memref<8x128xf32, #tpu.memory_space<vmem>>, vector<1x128xf32>,
    %eq3A_40 = arith.constant 49 : i32
    %eq3A_41 = arith.cmpi eq, %arg0, %eq3A_40 : i32
    %convert_element_type3A_42 = arith.extui %eq3A_41 : i1 to i32
    %cond3A_43 = arith.constant 0 : i32
    %cond3A_44 = arith.cmpi ne, %convert_element_type3A_42, %cond3A_43 : i32
    scf.if %cond3A_44 {
      %get3A_45 = arith.constant 0 : index
      %get3A_46 = arith.constant 0 : index
      %get3A_47 = vector.load %arg10[%get3A_45, %get3A_46] : memref<8x128xf32, #tpu.memory_space<vmem>>, vector<1x128xf32>
      %div3A = arith.constant 3.200000e+05 : f32
      %div3A_48 = vector.broadcast %div3A : f32 to vector<1x128xf32>
      %div3A_49 = arith.divf %get3A_47, %div3A_48 : vector<1x128xf32>
      %get3A_50 = arith.constant 1 : index
      %get3A_51 = arith.constant 0 : index
      %get3A_52 = vector.load %arg10[%get3A_50, %get3A_51] : memref<8x128xf32, #tpu.memory_space<vmem>>, vector<1x128xf32>
      %div3A_53 = arith.constant 3.200000e+05 : f32
      %div3A_54 = vector.broadcast %div3A_53 : f32 to vector<1x128xf32>
      %div3A_55 = arith.divf %get3A_52, %div3A_54 : vector<1x128xf32>
      %mul3A_56 = arith.mulf %div3A_49, %div3A_49 : vector<1x128xf32>
      %sub3A = arith.subf %div3A_55, %mul3A_56 : vector<1x128xf32>
      %get3A_57 = arith.constant 1 : index
      %get3A_58 = arith.constant 0 : index
      %get3A_59 = vector.load %arg5[%get3A_57, %get3A_58] : memref<3x128xf32, #tpu.memory_space<vmem>>, vector<1x128xf32>
      %add3A_60 = arith.constant 9.99999974E-6 : f32
      %add3A_61 = vector.broadcast %add3A_60 : f32 to vector<1x128xf32>
      %add3A_62 = arith.addf %sub3A, %add3A_61 : vector<1x128xf32>
      %rsqrt3A = math.rsqrt %add3A_62 : vector<1x128xf32>
      %mul3A_63 = arith.mulf %get3A_59, %rsqrt3A : vector<1x128xf32>
      %swap3A_64 = arith.constant 0 : index
      %swap3A_65 = arith.constant 0 : index
      %swap3A_66 = vector.load %arg9[%swap3A_64, %swap3A_65] : memref<2x128xf32, #tpu.memory_space<vmem>>, vector<1x128xf32>
      tpu.vector_store %arg9[%swap3A_64, %swap3A_65], %mul3A_63 {strides = array<i32>} : memref<2x128xf32, #tpu.memory_space<vmem>>, vector<1x128xf32>,
      %get3A_67 = arith.constant 1 : index
      %get3A_68 = arith.constant 0 : index
      %get3A_69 = vector.load %arg6[%get3A_67, %get3A_68] : memref<3x128xf32, #tpu.memory_space<vmem>>, vector<1x128xf32>
      %mul3A_70 = arith.mulf %div3A_49, %mul3A_63 : vector<1x128xf32>
      %sub3A_71 = arith.subf %get3A_69, %mul3A_70 : vector<1x128xf32>
      %swap3A_72 = arith.constant 1 : index
      %swap3A_73 = arith.constant 0 : index
      %swap3A_74 = vector.load %arg9[%swap3A_72, %swap3A_73] : memref<2x128xf32, #tpu.memory_space<vmem>>, vector<1x128xf32>
      tpu.vector_store %arg9[%swap3A_72, %swap3A_73], %sub3A_71 {strides = array<i32>} : memref<2x128xf32, #tpu.memory_space<vmem>>, vector<1x128xf32>,
    } else {
    }
    return
  }
  func.func @transform_0(%arg0: i32) -> (i32, i32) {
    %add3A = arith.constant 50 : i32
    %add3A_0 = arith.addi %arg0, %add3A : i32
    %c0_i32 = arith.constant 0 : i32
    %c0_i32_1 = arith.constant 0 : i32
    return %add3A_0, %c0_i32 : i32, i32
  }
  func.func @transform_1(%arg0: i32) -> (i32, i32) {
    %c0_i32 = arith.constant 0 : i32
    %c0_i32_0 = arith.constant 0 : i32
    return %arg0, %c0_i32 : i32, i32
  }
  func.func @transform_2(%arg0: i32) -> (i32, i32, i32) {
    %c0_i32 = arith.constant 0 : i32
    %c0_i32_0 = arith.constant 0 : i32
    %c0_i32_1 = arith.constant 0 : i32
    %c0_i32_2 = arith.constant 0 : i32
    return %c0_i32, %c0_i32_0, %c0_i32_1 : i32, i32, i32
  }
  func.func @transform_3(%arg0: i32) -> (i32, i32) {
    %c0_i32 = arith.constant 0 : i32
    %c0_i32_0 = arith.constant 0 : i32
    %c0_i32_1 = arith.constant 0 : i32
    return %c0_i32, %c0_i32_0 : i32, i32
  }
  func.func @transform_4(%arg0: i32) -> (i32, i32) {
    %c0_i32 = arith.constant 0 : i32
    %c0_i32_0 = arith.constant 0 : i32
    %c0_i32_1 = arith.constant 0 : i32
    return %c0_i32, %c0_i32_0 : i32, i32
  }
  func.func @transform_5(%arg0: i32) -> (i32, i32) {
    %c0_i32 = arith.constant 0 : i32
    %c0_i32_0 = arith.constant 0 : i32
    %c0_i32_1 = arith.constant 0 : i32
    return %c0_i32, %c0_i32_0 : i32, i32
  }
  func.func @transform_6(%arg0: i32) -> (i32, i32) {
    %c0_i32 = arith.constant 0 : i32
    %c0_i32_0 = arith.constant 0 : i32
    %c0_i32_1 = arith.constant 0 : i32
    return %c0_i32, %c0_i32_0 : i32, i32
  }
  func.func @transform_7(%arg0: i32) -> (i32, i32) {
    %c0_i32 = arith.constant 0 : i32
    %c0_i32_0 = arith.constant 0 : i32
    return %arg0, %c0_i32 : i32, i32
  }
  func.func @transform_8(%arg0: i32) -> (i32, i32) {
    %c0_i32 = arith.constant 0 : i32
    %c0_i32_0 = arith.constant 0 : i32
    %c0_i32_1 = arith.constant 0 : i32
    return %c0_i32, %c0_i32_0 : i32, i32
  }
}

module attributes {stable_mosaic.version = 14 : i64} {
  func.func @_edge_pass2_a(%arg0: i32, %arg1: memref<3200x128xf32, #tpu.memory_space<vmem>>, %arg2: memref<3200x128xf32, #tpu.memory_space<vmem>>, %arg3: memref<3200x128xf32, #tpu.memory_space<vmem>>, %arg4: memref<3200x1xi32, #tpu.memory_space<vmem>>, %arg5: memref<2x128xf32, #tpu.memory_space<vmem>>, %arg6: memref<2x64xi32, #tpu.memory_space<vmem>>, %arg7: memref<64x128xf32, #tpu.memory_space<vmem>>, %arg8: memref<1x64xf32, #tpu.memory_space<vmem>>, %arg9: memref<3200x128xf32, #tpu.memory_space<vmem>>, %arg10: memref<3200x256xf32, #tpu.memory_space<vmem>>, %arg11: memref<64x128xf32, #tpu.memory_space<vmem>>, %arg12: memref<1x64xf32, #tpu.memory_space<vmem>>, %arg13: memref<64x128xf32, #tpu.memory_space<vmem>>, %arg14: memref<8x64xf32, #tpu.memory_space<vmem>>) attributes {dimension_semantics = [#tpu.dimension_semantics<arbitrary>], iteration_bounds = array<i64: 50>, scalar_prefetch = 0 : i64, scratch_operands = 2 : i64, tpu.core_type = #tpu.core_type<tc>, window_params = [{transform_indices = @transform_0, window_bounds = array<i64: 3200, 128>}, {transform_indices = @transform_1, window_bounds = array<i64: 3200, 128>}, {transform_indices = @transform_2, window_bounds = array<i64: 3200, 128>}, {transform_indices = @transform_3, window_bounds = array<i64: 3200, 1>}, {pipeline_mode = #tpu.pipeline_mode<synchronous>, transform_indices = @transform_4, window_bounds = array<i64: 2, 128>}, {pipeline_mode = #tpu.pipeline_mode<synchronous>, transform_indices = @transform_5, window_bounds = array<i64: 2, 64>}, {pipeline_mode = #tpu.pipeline_mode<synchronous>, transform_indices = @transform_6, window_bounds = array<i64: 64, 128>}, {pipeline_mode = #tpu.pipeline_mode<synchronous>, transform_indices = @transform_7, window_bounds = array<i64: 1, 64>}, {transform_indices = @transform_8, window_bounds = array<i64: 3200, 128>}, {transform_indices = @transform_9, window_bounds = array<i64: 3200, 256>}, {pipeline_mode = #tpu.pipeline_mode<synchronous>, transform_indices = @transform_10, window_bounds = array<i64: 64, 128>}, {pipeline_mode = #tpu.pipeline_mode<synchronous>, transform_indices = @transform_11, window_bounds = array<i64: 1, 64>}]} {
    %eq3A = arith.constant 0 : i32
    %eq3A_0 = arith.cmpi eq, %arg0, %eq3A : i32
    %convert_element_type3A = arith.extui %eq3A_0 : i1 to i32
    %cond3A = arith.constant 0 : i32
    %cond3A_1 = arith.cmpi ne, %convert_element_type3A, %cond3A : i32
    scf.if %cond3A_1 {
      %get3A_76 = arith.constant 0 : index
      %get3A_77 = arith.constant 0 : index
      %get3A_78 = vector.load %arg7[%get3A_76, %get3A_77] : memref<64x128xf32, #tpu.memory_space<vmem>>, vector<64x128xf32>
      %swap3A_79 = arith.constant 0 : index
      %swap3A_80 = arith.constant 0 : index
      %swap3A_81 = vector.load %arg13[%swap3A_79, %swap3A_80] : memref<64x128xf32, #tpu.memory_space<vmem>>, vector<64x128xf32>
      tpu.vector_store %arg13[%swap3A_79, %swap3A_80], %get3A_78 {strides = array<i32>} : memref<64x128xf32, #tpu.memory_space<vmem>>, vector<64x128xf32>,
      %broadcast_in_dim3A_82 = arith.constant 0.000000e+00 : f32
      %broadcast_in_dim3A_83 = vector.broadcast %broadcast_in_dim3A_82 : f32 to vector<8x64xf32>
      %swap3A_84 = arith.constant 0 : index
      %swap3A_85 = arith.constant 0 : index
      %swap3A_86 = vector.load %arg14[%swap3A_84, %swap3A_85] : memref<8x64xf32, #tpu.memory_space<vmem>>, vector<8x64xf32>
      tpu.vector_store %arg14[%swap3A_84, %swap3A_85], %broadcast_in_dim3A_83 {strides = array<i32>} : memref<8x64xf32, #tpu.memory_space<vmem>>, vector<8x64xf32>,
      %get3A_87 = arith.constant 0 : index
      %get3A_88 = arith.constant 0 : index
      %get3A_89 = vector.load %arg8[%get3A_87, %get3A_88] : memref<1x64xf32, #tpu.memory_space<vmem>>, vector<1x64xf32>
      %swap3A_90 = arith.constant 0 : index
      %swap3A_91 = arith.constant 0 : index
      %swap3A_92 = vector.load %arg14[%swap3A_90, %swap3A_91] : memref<8x64xf32, #tpu.memory_space<vmem>>, vector<1x64xf32>
      tpu.vector_store %arg14[%swap3A_90, %swap3A_91], %get3A_89 {strides = array<i32>} : memref<8x64xf32, #tpu.memory_space<vmem>>, vector<1x64xf32>,
    } else {
    }
    %get3A = arith.constant 0 : index
    %get3A_2 = arith.constant 0 : index
    %get3A_3 = vector.load %arg5[%get3A, %get3A_2] : memref<2x128xf32, #tpu.memory_space<vmem>>, vector<1x128xf32>
    %get3A_4 = arith.constant 1 : index
    %get3A_5 = arith.constant 0 : index
    %get3A_6 = vector.load %arg5[%get3A_4, %get3A_5] : memref<2x128xf32, #tpu.memory_space<vmem>>, vector<1x128xf32>
    %get3A_7 = arith.constant 0 : index
    %get3A_8 = arith.constant 0 : index
    %get3A_9 = vector.load %arg2[%get3A_7, %get3A_8] : memref<3200x128xf32, #tpu.memory_space<vmem>>, vector<3200x128xf32>
    %get3A_10 = arith.constant 0 : index
    %get3A_11 = arith.constant 0 : index
    %get3A_12 = vector.load %arg1[%get3A_10, %get3A_11] : memref<3200x128xf32, #tpu.memory_space<vmem>>, vector<3200x128xf32>
    %mul3A = vector.broadcast %get3A_3 : vector<1x128xf32> to vector<3200x128xf32>
    %mul3A_13 = arith.mulf %get3A_12, %mul3A : vector<3200x128xf32>
    %add3A = vector.broadcast %get3A_6 : vector<1x128xf32> to vector<3200x128xf32>
    %add3A_14 = arith.addf %mul3A_13, %add3A : vector<3200x128xf32>
    %max3A = arith.constant 0.000000e+00 : f32
    %max3A_15 = vector.broadcast %max3A : f32 to vector<3200x128xf32>
    %max3A_16 = arith.maximumf %add3A_14, %max3A_15 : vector<3200x128xf32>
    %add3A_17 = arith.addf %get3A_9, %max3A_16 : vector<3200x128xf32>
    %swap3A = arith.constant 0 : index
    %swap3A_18 = arith.constant 0 : index
    %swap3A_19 = vector.load %arg9[%swap3A, %swap3A_18] : memref<3200x128xf32, #tpu.memory_space<vmem>>, vector<3200x128xf32>
    tpu.vector_store %arg9[%swap3A, %swap3A_18], %add3A_17 {strides = array<i32>} : memref<3200x128xf32, #tpu.memory_space<vmem>>, vector<3200x128xf32>,
    %neg3A = arith.constant 0.000000e+00 : f32
    %neg3A_20 = vector.broadcast %neg3A : f32 to vector<3200x128xf32>
    %neg3A_21 = arith.subf %neg3A_20, %add3A_17 : vector<3200x128xf32>
    %exp3A = math.exp %neg3A_21 : vector<3200x128xf32>
    %add3A_22 = arith.constant 1.000000e+00 : f32
    %add3A_23 = vector.broadcast %add3A_22 : f32 to vector<3200x128xf32>
    %add3A_24 = arith.addf %add3A_23, %exp3A : vector<3200x128xf32>
    %div3A = arith.constant 1.000000e+00 : f32
    %div3A_25 = vector.broadcast %div3A : f32 to vector<3200x128xf32>
    %div3A_26 = arith.divf %div3A_25, %add3A_24 : vector<3200x128xf32>
    %get3A_27 = arith.constant 0 : index
    %get3A_28 = arith.constant 0 : index
    %get3A_29 = vector.load %arg3[%get3A_27, %get3A_28] : memref<3200x128xf32, #tpu.memory_space<vmem>>, vector<3200x128xf32>
    %mul3A_30 = arith.mulf %div3A_26, %get3A_29 : vector<3200x128xf32>
    %swap3A_31 = arith.constant 0 : index
    %swap3A_32 = arith.constant 0 : index
    %swap3A_33 = vector.load %arg10[%swap3A_31, %swap3A_32] : memref<3200x256xf32, #tpu.memory_space<vmem>>, vector<3200x128xf32>
    tpu.vector_store %arg10[%swap3A_31, %swap3A_32], %mul3A_30 {strides = array<i32>} : memref<3200x256xf32, #tpu.memory_space<vmem>>, vector<3200x128xf32>,
    %swap3A_34 = arith.constant 0 : index
    %swap3A_35 = arith.constant 128 : index
    %swap3A_36 = vector.load %arg10[%swap3A_34, %swap3A_35] : memref<3200x256xf32, #tpu.memory_space<vmem>>, vector<3200x128xf32>
    tpu.vector_store %arg10[%swap3A_34, %swap3A_35], %div3A_26 {strides = array<i32>} : memref<3200x256xf32, #tpu.memory_space<vmem>>, vector<3200x128xf32>,
    %get3A_37 = arith.constant 0 : index
    %get3A_38 = arith.constant 0 : index
    %get3A_39 = vector.load %arg4[%get3A_37, %get3A_38] : memref<3200x1xi32, #tpu.memory_space<vmem>>, vector<3200x1xi32>
    %get3A_40 = arith.constant 0 : index
    %get3A_41 = arith.constant 0 : index
    %get3A_42 = vector.load %arg6[%get3A_40, %get3A_41] : memref<2x64xi32, #tpu.memory_space<vmem>>, vector<1x64xi32>
    %ge3A = vector.broadcast %get3A_39 : vector<3200x1xi32> to vector<3200x64xi32>
    %ge3A_43 = vector.broadcast %get3A_42 : vector<1x64xi32> to vector<3200x64xi32>
    %ge3A_44 = arith.cmpi sge, %ge3A, %ge3A_43 : vector<3200x64xi32>
    %convert_element_type3A_45 = arith.extui %ge3A_44 : vector<3200x64xi1> to vector<3200x64xi32>
    %convert_element_type3A_46 = arith.sitofp %convert_element_type3A_45 : vector<3200x64xi32> to vector<3200x64xf32>
    %get3A_47 = arith.constant 1 : index
    %get3A_48 = arith.constant 0 : index
    %get3A_49 = vector.load %arg6[%get3A_47, %get3A_48] : memref<2x64xi32, #tpu.memory_space<vmem>>, vector<1x64xi32>
    %ge3A_50 = vector.broadcast %get3A_39 : vector<3200x1xi32> to vector<3200x64xi32>
    %ge3A_51 = vector.broadcast %get3A_49 : vector<1x64xi32> to vector<3200x64xi32>
    %ge3A_52 = arith.cmpi sge, %ge3A_50, %ge3A_51 : vector<3200x64xi32>
    %convert_element_type3A_53 = arith.extui %ge3A_52 : vector<3200x64xi1> to vector<3200x64xi32>
    %convert_element_type3A_54 = arith.sitofp %convert_element_type3A_53 : vector<3200x64xi32> to vector<3200x64xf32>
    %sub3A = arith.subf %convert_element_type3A_46, %convert_element_type3A_54 : vector<3200x64xf32>
    %get3A_55 = arith.constant 0 : index
    %get3A_56 = arith.constant 0 : index
    %get3A_57 = vector.load %arg13[%get3A_55, %get3A_56] : memref<64x128xf32, #tpu.memory_space<vmem>>, vector<64x128xf32>
    %dot_general3A = arith.constant dense<0.000000e+00> : vector<64x128xf32>
    %dot_general3A_58 = tpu.matmul %sub3A, %add3A_17, %dot_general3A {dimension_numbers = #tpu.dot_dimension_numbers<[0], [0], [1], [1], [0, 1, 1, 1], [], []>, precision = #tpu.contract_precision<fp32>, transpose_lhs_hint = false} : vector<3200x64xf32>, vector<3200x128xf32>, vector<64x128xf32> -> vector<64x128xf32>
    %add3A_59 = arith.addf %get3A_57, %dot_general3A_58 : vector<64x128xf32>
    %swap3A_60 = arith.constant 0 : index
    %swap3A_61 = arith.constant 0 : index
    %swap3A_62 = vector.load %arg13[%swap3A_60, %swap3A_61] : memref<64x128xf32, #tpu.memory_space<vmem>>, vector<64x128xf32>
    tpu.vector_store %arg13[%swap3A_60, %swap3A_61], %add3A_59 {strides = array<i32>} : memref<64x128xf32, #tpu.memory_space<vmem>>, vector<64x128xf32>,
    %get3A_63 = arith.constant 0 : index
    %get3A_64 = arith.constant 0 : index
    %get3A_65 = vector.load %arg14[%get3A_63, %get3A_64] : memref<8x64xf32, #tpu.memory_space<vmem>>, vector<1x64xf32>
    %reduce_sum3A = arith.constant dense<0.000000e+00> : vector<64xf32>
    %reduce_sum3A_66 = vector.multi_reduction <add>, %sub3A, %reduce_sum3A [0] : vector<3200x64xf32> to vector<64xf32>
    %broadcast_in_dim3A = vector.shape_cast %reduce_sum3A_66 : vector<64xf32> to vector<1x64xf32>
    %add3A_67 = arith.addf %get3A_65, %broadcast_in_dim3A : vector<1x64xf32>
    %swap3A_68 = arith.constant 0 : index
    %swap3A_69 = arith.constant 0 : index
    %swap3A_70 = vector.load %arg14[%swap3A_68, %swap3A_69] : memref<8x64xf32, #tpu.memory_space<vmem>>, vector<1x64xf32>
    tpu.vector_store %arg14[%swap3A_68, %swap3A_69], %add3A_67 {strides = array<i32>} : memref<8x64xf32, #tpu.memory_space<vmem>>, vector<1x64xf32>,
    %eq3A_71 = arith.constant 49 : i32
    %eq3A_72 = arith.cmpi eq, %arg0, %eq3A_71 : i32
    %convert_element_type3A_73 = arith.extui %eq3A_72 : i1 to i32
    %cond3A_74 = arith.constant 0 : i32
    %cond3A_75 = arith.cmpi ne, %convert_element_type3A_73, %cond3A_74 : i32
    scf.if %cond3A_75 {
      %get3A_76 = arith.constant 0 : index
      %get3A_77 = arith.constant 0 : index
      %get3A_78 = vector.load %arg13[%get3A_76, %get3A_77] : memref<64x128xf32, #tpu.memory_space<vmem>>, vector<64x128xf32>
      %swap3A_79 = arith.constant 0 : index
      %swap3A_80 = arith.constant 0 : index
      %swap3A_81 = vector.load %arg11[%swap3A_79, %swap3A_80] : memref<64x128xf32, #tpu.memory_space<vmem>>, vector<64x128xf32>
      tpu.vector_store %arg11[%swap3A_79, %swap3A_80], %get3A_78 {strides = array<i32>} : memref<64x128xf32, #tpu.memory_space<vmem>>, vector<64x128xf32>,
      %get3A_82 = arith.constant 0 : index
      %get3A_83 = arith.constant 0 : index
      %get3A_84 = vector.load %arg14[%get3A_82, %get3A_83] : memref<8x64xf32, #tpu.memory_space<vmem>>, vector<1x64xf32>
      %swap3A_85 = arith.constant 0 : index
      %swap3A_86 = arith.constant 0 : index
      %swap3A_87 = vector.load %arg12[%swap3A_85, %swap3A_86] : memref<1x64xf32, #tpu.memory_space<vmem>>, vector<1x64xf32>
      tpu.vector_store %arg12[%swap3A_85, %swap3A_86], %get3A_84 {strides = array<i32>} : memref<1x64xf32, #tpu.memory_space<vmem>>, vector<1x64xf32>,
    } else {
    }
    return
  }
  func.func @transform_0(%arg0: i32) -> (i32, i32) {
    %c0_i32 = arith.constant 0 : i32
    %c0_i32_0 = arith.constant 0 : i32
    return %arg0, %c0_i32 : i32, i32
  }
  func.func @transform_1(%arg0: i32) -> (i32, i32) {
    %c0_i32 = arith.constant 0 : i32
    %c0_i32_0 = arith.constant 0 : i32
    return %arg0, %c0_i32 : i32, i32
  }
  func.func @transform_2(%arg0: i32) -> (i32, i32) {
    %c0_i32 = arith.constant 0 : i32
    %c0_i32_0 = arith.constant 0 : i32
    return %arg0, %c0_i32 : i32, i32
  }
  func.func @transform_3(%arg0: i32) -> (i32, i32) {
    %c0_i32 = arith.constant 0 : i32
    %c0_i32_0 = arith.constant 0 : i32
    return %arg0, %c0_i32 : i32, i32
  }
  func.func @transform_4(%arg0: i32) -> (i32, i32) {
    %c0_i32 = arith.constant 0 : i32
    %c0_i32_0 = arith.constant 0 : i32
    %c0_i32_1 = arith.constant 0 : i32
    return %c0_i32, %c0_i32_0 : i32, i32
  }
  func.func @transform_5(%arg0: i32) -> (i32, i32) {
    %c0_i32 = arith.constant 0 : i32
    %c0_i32_0 = arith.constant 0 : i32
    %c0_i32_1 = arith.constant 0 : i32
    return %c0_i32, %c0_i32_0 : i32, i32
  }
  func.func @transform_6(%arg0: i32) -> (i32, i32) {
    %c0_i32 = arith.constant 0 : i32
    %c0_i32_0 = arith.constant 0 : i32
    %c0_i32_1 = arith.constant 0 : i32
    return %c0_i32, %c0_i32_0 : i32, i32
  }
  func.func @transform_7(%arg0: i32) -> (i32, i32) {
    %c0_i32 = arith.constant 0 : i32
    %c0_i32_0 = arith.constant 0 : i32
    %c0_i32_1 = arith.constant 0 : i32
    return %c0_i32, %c0_i32_0 : i32, i32
  }
  func.func @transform_8(%arg0: i32) -> (i32, i32) {
    %c0_i32 = arith.constant 0 : i32
    %c0_i32_0 = arith.constant 0 : i32
    return %arg0, %c0_i32 : i32, i32
  }
  func.func @transform_9(%arg0: i32) -> (i32, i32) {
    %c0_i32 = arith.constant 0 : i32
    %c0_i32_0 = arith.constant 0 : i32
    return %arg0, %c0_i32 : i32, i32
  }
  func.func @transform_10(%arg0: i32) -> (i32, i32) {
    %c0_i32 = arith.constant 0 : i32
    %c0_i32_0 = arith.constant 0 : i32
    %c0_i32_1 = arith.constant 0 : i32
    return %c0_i32, %c0_i32_0 : i32, i32
  }
  func.func @transform_11(%arg0: i32) -> (i32, i32) {
    %c0_i32 = arith.constant 0 : i32
    %c0_i32_0 = arith.constant 0 : i32
    %c0_i32_1 = arith.constant 0 : i32
    return %c0_i32, %c0_i32_0 : i32, i32
  }
}

module attributes {stable_mosaic.version = 14 : i64} {
  func.func @_edge_pass2_b(%arg0: i32, %arg1: memref<3200x128xf32, #tpu.memory_space<vmem>>, %arg2: memref<3200x128xf32, #tpu.memory_space<vmem>>, %arg3: memref<3200x128xf32, #tpu.memory_space<vmem>>, %arg4: memref<3200x1xi32, #tpu.memory_space<vmem>>, %arg5: memref<2x128xf32, #tpu.memory_space<vmem>>, %arg6: memref<2x64xi32, #tpu.memory_space<vmem>>, %arg7: memref<64x128xf32, #tpu.memory_space<vmem>>, %arg8: memref<1x64xf32, #tpu.memory_space<vmem>>, %arg9: memref<320000x128xf32, #tpu.memory_space<any>>, %arg10: memref<3200x128xf32, #tpu.memory_space<vmem>>, %arg11: memref<3200x256xf32, #tpu.memory_space<vmem>>, %arg12: memref<64x128xf32, #tpu.memory_space<vmem>>, %arg13: memref<1x64xf32, #tpu.memory_space<vmem>>, %arg14: memref<64x128xf32, #tpu.memory_space<vmem>>, %arg15: memref<8x64xf32, #tpu.memory_space<vmem>>) attributes {dimension_semantics = [#tpu.dimension_semantics<arbitrary>], iteration_bounds = array<i64: 50>, scalar_prefetch = 0 : i64, scratch_operands = 2 : i64, tpu.core_type = #tpu.core_type<tc>, window_params = [{transform_indices = @transform_0, window_bounds = array<i64: 3200, 128>}, {transform_indices = @transform_1, window_bounds = array<i64: 3200, 128>}, {transform_indices = @transform_2, window_bounds = array<i64: 3200, 128>}, {transform_indices = @transform_3, window_bounds = array<i64: 3200, 1>}, {pipeline_mode = #tpu.pipeline_mode<synchronous>, transform_indices = @transform_4, window_bounds = array<i64: 2, 128>}, {pipeline_mode = #tpu.pipeline_mode<synchronous>, transform_indices = @transform_5, window_bounds = array<i64: 2, 64>}, {pipeline_mode = #tpu.pipeline_mode<synchronous>, transform_indices = @transform_6, window_bounds = array<i64: 64, 128>}, {pipeline_mode = #tpu.pipeline_mode<synchronous>, transform_indices = @transform_7, window_bounds = array<i64: 1, 64>}, {}, {transform_indices = @transform_9, window_bounds = array<i64: 3200, 128>}, {transform_indices = @transform_10, window_bounds = array<i64: 3200, 256>}, {pipeline_mode = #tpu.pipeline_mode<synchronous>, transform_indices = @transform_11, window_bounds = array<i64: 64, 128>}, {pipeline_mode = #tpu.pipeline_mode<synchronous>, transform_indices = @transform_12, window_bounds = array<i64: 1, 64>}]} {
    %eq3A = arith.constant 0 : i32
    %eq3A_0 = arith.cmpi eq, %arg0, %eq3A : i32
    %convert_element_type3A = arith.extui %eq3A_0 : i1 to i32
    %cond3A = arith.constant 0 : i32
    %cond3A_1 = arith.cmpi ne, %convert_element_type3A, %cond3A : i32
    scf.if %cond3A_1 {
      %get3A_76 = arith.constant 0 : index
      %get3A_77 = arith.constant 0 : index
      %get3A_78 = vector.load %arg7[%get3A_76, %get3A_77] : memref<64x128xf32, #tpu.memory_space<vmem>>, vector<64x128xf32>
      %swap3A_79 = arith.constant 0 : index
      %swap3A_80 = arith.constant 0 : index
      %swap3A_81 = vector.load %arg14[%swap3A_79, %swap3A_80] : memref<64x128xf32, #tpu.memory_space<vmem>>, vector<64x128xf32>
      tpu.vector_store %arg14[%swap3A_79, %swap3A_80], %get3A_78 {strides = array<i32>} : memref<64x128xf32, #tpu.memory_space<vmem>>, vector<64x128xf32>,
      %broadcast_in_dim3A_82 = arith.constant 0.000000e+00 : f32
      %broadcast_in_dim3A_83 = vector.broadcast %broadcast_in_dim3A_82 : f32 to vector<8x64xf32>
      %swap3A_84 = arith.constant 0 : index
      %swap3A_85 = arith.constant 0 : index
      %swap3A_86 = vector.load %arg15[%swap3A_84, %swap3A_85] : memref<8x64xf32, #tpu.memory_space<vmem>>, vector<8x64xf32>
      tpu.vector_store %arg15[%swap3A_84, %swap3A_85], %broadcast_in_dim3A_83 {strides = array<i32>} : memref<8x64xf32, #tpu.memory_space<vmem>>, vector<8x64xf32>,
      %get3A_87 = arith.constant 0 : index
      %get3A_88 = arith.constant 0 : index
      %get3A_89 = vector.load %arg8[%get3A_87, %get3A_88] : memref<1x64xf32, #tpu.memory_space<vmem>>, vector<1x64xf32>
      %swap3A_90 = arith.constant 0 : index
      %swap3A_91 = arith.constant 0 : index
      %swap3A_92 = vector.load %arg15[%swap3A_90, %swap3A_91] : memref<8x64xf32, #tpu.memory_space<vmem>>, vector<1x64xf32>
      tpu.vector_store %arg15[%swap3A_90, %swap3A_91], %get3A_89 {strides = array<i32>} : memref<8x64xf32, #tpu.memory_space<vmem>>, vector<1x64xf32>,
    } else {
    }
    %get3A = arith.constant 0 : index
    %get3A_2 = arith.constant 0 : index
    %get3A_3 = vector.load %arg5[%get3A, %get3A_2] : memref<2x128xf32, #tpu.memory_space<vmem>>, vector<1x128xf32>
    %get3A_4 = arith.constant 1 : index
    %get3A_5 = arith.constant 0 : index
    %get3A_6 = vector.load %arg5[%get3A_4, %get3A_5] : memref<2x128xf32, #tpu.memory_space<vmem>>, vector<1x128xf32>
    %get3A_7 = arith.constant 0 : index
    %get3A_8 = arith.constant 0 : index
    %get3A_9 = vector.load %arg2[%get3A_7, %get3A_8] : memref<3200x128xf32, #tpu.memory_space<vmem>>, vector<3200x128xf32>
    %get3A_10 = arith.constant 0 : index
    %get3A_11 = arith.constant 0 : index
    %get3A_12 = vector.load %arg1[%get3A_10, %get3A_11] : memref<3200x128xf32, #tpu.memory_space<vmem>>, vector<3200x128xf32>
    %mul3A = vector.broadcast %get3A_3 : vector<1x128xf32> to vector<3200x128xf32>
    %mul3A_13 = arith.mulf %get3A_12, %mul3A : vector<3200x128xf32>
    %add3A = vector.broadcast %get3A_6 : vector<1x128xf32> to vector<3200x128xf32>
    %add3A_14 = arith.addf %mul3A_13, %add3A : vector<3200x128xf32>
    %max3A = arith.constant 0.000000e+00 : f32
    %max3A_15 = vector.broadcast %max3A : f32 to vector<3200x128xf32>
    %max3A_16 = arith.maximumf %add3A_14, %max3A_15 : vector<3200x128xf32>
    %add3A_17 = arith.addf %get3A_9, %max3A_16 : vector<3200x128xf32>
    %swap3A = arith.constant 0 : index
    %swap3A_18 = arith.constant 0 : index
    %swap3A_19 = vector.load %arg10[%swap3A, %swap3A_18] : memref<3200x128xf32, #tpu.memory_space<vmem>>, vector<3200x128xf32>
    tpu.vector_store %arg10[%swap3A, %swap3A_18], %add3A_17 {strides = array<i32>} : memref<3200x128xf32, #tpu.memory_space<vmem>>, vector<3200x128xf32>,
    %neg3A = arith.constant 0.000000e+00 : f32
    %neg3A_20 = vector.broadcast %neg3A : f32 to vector<3200x128xf32>
    %neg3A_21 = arith.subf %neg3A_20, %add3A_17 : vector<3200x128xf32>
    %exp3A = math.exp %neg3A_21 : vector<3200x128xf32>
    %add3A_22 = arith.constant 1.000000e+00 : f32
    %add3A_23 = vector.broadcast %add3A_22 : f32 to vector<3200x128xf32>
    %add3A_24 = arith.addf %add3A_23, %exp3A : vector<3200x128xf32>
    %div3A = arith.constant 1.000000e+00 : f32
    %div3A_25 = vector.broadcast %div3A : f32 to vector<3200x128xf32>
    %div3A_26 = arith.divf %div3A_25, %add3A_24 : vector<3200x128xf32>
    %get3A_27 = arith.constant 0 : index
    %get3A_28 = arith.constant 0 : index
    %get3A_29 = vector.load %arg3[%get3A_27, %get3A_28] : memref<3200x128xf32, #tpu.memory_space<vmem>>, vector<3200x128xf32>
    %mul3A_30 = arith.mulf %div3A_26, %get3A_29 : vector<3200x128xf32>
    %swap3A_31 = arith.constant 0 : index
    %swap3A_32 = arith.constant 0 : index
    %swap3A_33 = vector.load %arg11[%swap3A_31, %swap3A_32] : memref<3200x256xf32, #tpu.memory_space<vmem>>, vector<3200x128xf32>
    tpu.vector_store %arg11[%swap3A_31, %swap3A_32], %mul3A_30 {strides = array<i32>} : memref<3200x256xf32, #tpu.memory_space<vmem>>, vector<3200x128xf32>,
    %swap3A_34 = arith.constant 0 : index
    %swap3A_35 = arith.constant 128 : index
    %swap3A_36 = vector.load %arg11[%swap3A_34, %swap3A_35] : memref<3200x256xf32, #tpu.memory_space<vmem>>, vector<3200x128xf32>
    tpu.vector_store %arg11[%swap3A_34, %swap3A_35], %div3A_26 {strides = array<i32>} : memref<3200x256xf32, #tpu.memory_space<vmem>>, vector<3200x128xf32>,
    %get3A_37 = arith.constant 0 : index
    %get3A_38 = arith.constant 0 : index
    %get3A_39 = vector.load %arg4[%get3A_37, %get3A_38] : memref<3200x1xi32, #tpu.memory_space<vmem>>, vector<3200x1xi32>
    %get3A_40 = arith.constant 0 : index
    %get3A_41 = arith.constant 0 : index
    %get3A_42 = vector.load %arg6[%get3A_40, %get3A_41] : memref<2x64xi32, #tpu.memory_space<vmem>>, vector<1x64xi32>
    %ge3A = vector.broadcast %get3A_39 : vector<3200x1xi32> to vector<3200x64xi32>
    %ge3A_43 = vector.broadcast %get3A_42 : vector<1x64xi32> to vector<3200x64xi32>
    %ge3A_44 = arith.cmpi sge, %ge3A, %ge3A_43 : vector<3200x64xi32>
    %convert_element_type3A_45 = arith.extui %ge3A_44 : vector<3200x64xi1> to vector<3200x64xi32>
    %convert_element_type3A_46 = arith.sitofp %convert_element_type3A_45 : vector<3200x64xi32> to vector<3200x64xf32>
    %get3A_47 = arith.constant 1 : index
    %get3A_48 = arith.constant 0 : index
    %get3A_49 = vector.load %arg6[%get3A_47, %get3A_48] : memref<2x64xi32, #tpu.memory_space<vmem>>, vector<1x64xi32>
    %ge3A_50 = vector.broadcast %get3A_39 : vector<3200x1xi32> to vector<3200x64xi32>
    %ge3A_51 = vector.broadcast %get3A_49 : vector<1x64xi32> to vector<3200x64xi32>
    %ge3A_52 = arith.cmpi sge, %ge3A_50, %ge3A_51 : vector<3200x64xi32>
    %convert_element_type3A_53 = arith.extui %ge3A_52 : vector<3200x64xi1> to vector<3200x64xi32>
    %convert_element_type3A_54 = arith.sitofp %convert_element_type3A_53 : vector<3200x64xi32> to vector<3200x64xf32>
    %sub3A = arith.subf %convert_element_type3A_46, %convert_element_type3A_54 : vector<3200x64xf32>
    %get3A_55 = arith.constant 0 : index
    %get3A_56 = arith.constant 0 : index
    %get3A_57 = vector.load %arg14[%get3A_55, %get3A_56] : memref<64x128xf32, #tpu.memory_space<vmem>>, vector<64x128xf32>
    %dot_general3A = arith.constant dense<0.000000e+00> : vector<64x128xf32>
    %dot_general3A_58 = tpu.matmul %sub3A, %add3A_17, %dot_general3A {dimension_numbers = #tpu.dot_dimension_numbers<[0], [0], [1], [1], [0, 1, 1, 1], [], []>, precision = #tpu.contract_precision<fp32>, transpose_lhs_hint = false} : vector<3200x64xf32>, vector<3200x128xf32>, vector<64x128xf32> -> vector<64x128xf32>
    %add3A_59 = arith.addf %get3A_57, %dot_general3A_58 : vector<64x128xf32>
    %swap3A_60 = arith.constant 0 : index
    %swap3A_61 = arith.constant 0 : index
    %swap3A_62 = vector.load %arg14[%swap3A_60, %swap3A_61] : memref<64x128xf32, #tpu.memory_space<vmem>>, vector<64x128xf32>
    tpu.vector_store %arg14[%swap3A_60, %swap3A_61], %add3A_59 {strides = array<i32>} : memref<64x128xf32, #tpu.memory_space<vmem>>, vector<64x128xf32>,
    %get3A_63 = arith.constant 0 : index
    %get3A_64 = arith.constant 0 : index
    %get3A_65 = vector.load %arg15[%get3A_63, %get3A_64] : memref<8x64xf32, #tpu.memory_space<vmem>>, vector<1x64xf32>
    %reduce_sum3A = arith.constant dense<0.000000e+00> : vector<64xf32>
    %reduce_sum3A_66 = vector.multi_reduction <add>, %sub3A, %reduce_sum3A [0] : vector<3200x64xf32> to vector<64xf32>
    %broadcast_in_dim3A = vector.shape_cast %reduce_sum3A_66 : vector<64xf32> to vector<1x64xf32>
    %add3A_67 = arith.addf %get3A_65, %broadcast_in_dim3A : vector<1x64xf32>
    %swap3A_68 = arith.constant 0 : index
    %swap3A_69 = arith.constant 0 : index
    %swap3A_70 = vector.load %arg15[%swap3A_68, %swap3A_69] : memref<8x64xf32, #tpu.memory_space<vmem>>, vector<1x64xf32>
    tpu.vector_store %arg15[%swap3A_68, %swap3A_69], %add3A_67 {strides = array<i32>} : memref<8x64xf32, #tpu.memory_space<vmem>>, vector<1x64xf32>,
    %eq3A_71 = arith.constant 49 : i32
    %eq3A_72 = arith.cmpi eq, %arg0, %eq3A_71 : i32
    %convert_element_type3A_73 = arith.extui %eq3A_72 : i1 to i32
    %cond3A_74 = arith.constant 0 : i32
    %cond3A_75 = arith.cmpi ne, %convert_element_type3A_73, %cond3A_74 : i32
    scf.if %cond3A_75 {
      %get3A_76 = arith.constant 0 : index
      %get3A_77 = arith.constant 0 : index
      %get3A_78 = vector.load %arg14[%get3A_76, %get3A_77] : memref<64x128xf32, #tpu.memory_space<vmem>>, vector<64x128xf32>
      %swap3A_79 = arith.constant 0 : index
      %swap3A_80 = arith.constant 0 : index
      %swap3A_81 = vector.load %arg12[%swap3A_79, %swap3A_80] : memref<64x128xf32, #tpu.memory_space<vmem>>, vector<64x128xf32>
      tpu.vector_store %arg12[%swap3A_79, %swap3A_80], %get3A_78 {strides = array<i32>} : memref<64x128xf32, #tpu.memory_space<vmem>>, vector<64x128xf32>,
      %get3A_82 = arith.constant 0 : index
      %get3A_83 = arith.constant 0 : index
      %get3A_84 = vector.load %arg15[%get3A_82, %get3A_83] : memref<8x64xf32, #tpu.memory_space<vmem>>, vector<1x64xf32>
      %swap3A_85 = arith.constant 0 : index
      %swap3A_86 = arith.constant 0 : index
      %swap3A_87 = vector.load %arg13[%swap3A_85, %swap3A_86] : memref<1x64xf32, #tpu.memory_space<vmem>>, vector<1x64xf32>
      tpu.vector_store %arg13[%swap3A_85, %swap3A_86], %get3A_84 {strides = array<i32>} : memref<1x64xf32, #tpu.memory_space<vmem>>, vector<1x64xf32>,
    } else {
    }
    return
  }
  func.func @transform_0(%arg0: i32) -> (i32, i32) {
    %c0_i32 = arith.constant 0 : i32
    %c0_i32_0 = arith.constant 0 : i32
    return %arg0, %c0_i32 : i32, i32
  }
  func.func @transform_1(%arg0: i32) -> (i32, i32) {
    %add3A = arith.constant 50 : i32
    %add3A_0 = arith.addi %arg0, %add3A : i32
    %c0_i32 = arith.constant 0 : i32
    %c0_i32_1 = arith.constant 0 : i32
    return %add3A_0, %c0_i32 : i32, i32
  }
  func.func @transform_2(%arg0: i32) -> (i32, i32) {
    %c0_i32 = arith.constant 0 : i32
    %c0_i32_0 = arith.constant 0 : i32
    return %arg0, %c0_i32 : i32, i32
  }
  func.func @transform_3(%arg0: i32) -> (i32, i32) {
    %add3A = arith.constant 50 : i32
    %add3A_0 = arith.addi %arg0, %add3A : i32
    %c0_i32 = arith.constant 0 : i32
    %c0_i32_1 = arith.constant 0 : i32
    return %add3A_0, %c0_i32 : i32, i32
  }
  func.func @transform_4(%arg0: i32) -> (i32, i32) {
    %c0_i32 = arith.constant 0 : i32
    %c0_i32_0 = arith.constant 0 : i32
    %c0_i32_1 = arith.constant 0 : i32
    return %c0_i32, %c0_i32_0 : i32, i32
  }
  func.func @transform_5(%arg0: i32) -> (i32, i32) {
    %c0_i32 = arith.constant 0 : i32
    %c0_i32_0 = arith.constant 0 : i32
    %c0_i32_1 = arith.constant 0 : i32
    return %c0_i32, %c0_i32_0 : i32, i32
  }
  func.func @transform_6(%arg0: i32) -> (i32, i32) {
    %c0_i32 = arith.constant 0 : i32
    %c0_i32_0 = arith.constant 0 : i32
    %c0_i32_1 = arith.constant 0 : i32
    return %c0_i32, %c0_i32_0 : i32, i32
  }
  func.func @transform_7(%arg0: i32) -> (i32, i32) {
    %c0_i32 = arith.constant 0 : i32
    %c0_i32_0 = arith.constant 0 : i32
    %c0_i32_1 = arith.constant 0 : i32
    return %c0_i32, %c0_i32_0 : i32, i32
  }
  func.func @transform_9(%arg0: i32) -> (i32, i32) {
    %add3A = arith.constant 50 : i32
    %add3A_0 = arith.addi %arg0, %add3A : i32
    %c0_i32 = arith.constant 0 : i32
    %c0_i32_1 = arith.constant 0 : i32
    return %add3A_0, %c0_i32 : i32, i32
  }
  func.func @transform_10(%arg0: i32) -> (i32, i32) {
    %c0_i32 = arith.constant 0 : i32
    %c0_i32_0 = arith.constant 0 : i32
    return %arg0, %c0_i32 : i32, i32
  }
  func.func @transform_11(%arg0: i32) -> (i32, i32) {
    %c0_i32 = arith.constant 0 : i32
    %c0_i32_0 = arith.constant 0 : i32
    %c0_i32_1 = arith.constant 0 : i32
    return %c0_i32, %c0_i32_0 : i32, i32
  }
  func.func @transform_12(%arg0: i32) -> (i32, i32) {
    %c0_i32 = arith.constant 0 : i32
    %c0_i32_0 = arith.constant 0 : i32
    %c0_i32_1 = arith.constant 0 : i32
    return %c0_i32, %c0_i32_0 : i32, i32
  }
}

module attributes {stable_mosaic.version = 14 : i64} {
  func.func @_node_pass1_body(%arg0: i32, %arg1: memref<2000x256xf32, #tpu.memory_space<vmem>>, %arg2: memref<2000x256xf32, #tpu.memory_space<vmem>>, %arg3: memref<2000x128xf32, #tpu.memory_space<vmem>>, %arg4: memref<3x128xf32, #tpu.memory_space<vmem>>, %arg5: memref<3x128xf32, #tpu.memory_space<vmem>>, %arg6: memref<2000x128xf32, #tpu.memory_space<vmem>>, %arg7: memref<2x128xf32, #tpu.memory_space<vmem>>, %arg8: memref<8x128xf32, #tpu.memory_space<vmem>>) attributes {dimension_semantics = [#tpu.dimension_semantics<arbitrary>], iteration_bounds = array<i64: 5>, scalar_prefetch = 0 : i64, scratch_operands = 1 : i64, tpu.core_type = #tpu.core_type<tc>, window_params = [{transform_indices = @transform_0, window_bounds = array<i64: 2000, 256>}, {transform_indices = @transform_1, window_bounds = array<i64: 2000, 256>}, {transform_indices = @transform_2, window_bounds = array<i64: 2000, 128>}, {pipeline_mode = #tpu.pipeline_mode<synchronous>, transform_indices = @transform_3, window_bounds = array<i64: 3, 128>}, {pipeline_mode = #tpu.pipeline_mode<synchronous>, transform_indices = @transform_4, window_bounds = array<i64: 3, 128>}, {transform_indices = @transform_5, window_bounds = array<i64: 2000, 128>}, {pipeline_mode = #tpu.pipeline_mode<synchronous>, transform_indices = @transform_6, window_bounds = array<i64: 2, 128>}]} {
    %eq3A = arith.constant 0 : i32
    %eq3A_0 = arith.cmpi eq, %arg0, %eq3A : i32
    %convert_element_type3A = arith.extui %eq3A_0 : i1 to i32
    %cond3A = arith.constant 0 : i32
    %cond3A_1 = arith.cmpi ne, %convert_element_type3A, %cond3A : i32
    scf.if %cond3A_1 {
      %broadcast_in_dim3A_46 = arith.constant 0.000000e+00 : f32
      %broadcast_in_dim3A_47 = vector.broadcast %broadcast_in_dim3A_46 : f32 to vector<8x128xf32>
      %swap3A_48 = arith.constant 0 : index
      %swap3A_49 = arith.constant 0 : index
      %swap3A_50 = vector.load %arg8[%swap3A_48, %swap3A_49] : memref<8x128xf32, #tpu.memory_space<vmem>>, vector<8x128xf32>
      tpu.vector_store %arg8[%swap3A_48, %swap3A_49], %broadcast_in_dim3A_47 {strides = array<i32>} : memref<8x128xf32, #tpu.memory_space<vmem>>, vector<8x128xf32>,
    } else {
    }
    %get3A = arith.constant 0 : index
    %get3A_2 = arith.constant 0 : index
    %get3A_3 = vector.load %arg1[%get3A, %get3A_2] : memref<2000x256xf32, #tpu.memory_space<vmem>>, vector<2000x128xf32>
    %get3A_4 = arith.constant 0 : index
    %get3A_5 = arith.constant 0 : index
    %get3A_6 = vector.load %arg2[%get3A_4, %get3A_5] : memref<2000x256xf32, #tpu.memory_space<vmem>>, vector<2000x128xf32>
    %add3A = arith.addf %get3A_3, %get3A_6 : vector<2000x128xf32>
    %get3A_7 = arith.constant 0 : index
    %get3A_8 = arith.constant 128 : index
    %get3A_9 = vector.load %arg1[%get3A_7, %get3A_8] : memref<2000x256xf32, #tpu.memory_space<vmem>>, vector<2000x128xf32>
    %get3A_10 = arith.constant 0 : index
    %get3A_11 = arith.constant 128 : index
    %get3A_12 = vector.load %arg2[%get3A_10, %get3A_11] : memref<2000x256xf32, #tpu.memory_space<vmem>>, vector<2000x128xf32>
    %add3A_13 = arith.addf %get3A_9, %get3A_12 : vector<2000x128xf32>
    %get3A_14 = arith.constant 0 : index
    %get3A_15 = arith.constant 0 : index
    %get3A_16 = vector.load %arg3[%get3A_14, %get3A_15] : memref<2000x128xf32, #tpu.memory_space<vmem>>, vector<2000x128xf32>
    %add3A_17 = arith.constant 9.99999997E-7 : f32
    %add3A_18 = vector.broadcast %add3A_17 : f32 to vector<2000x128xf32>
    %add3A_19 = arith.addf %add3A_13, %add3A_18 : vector<2000x128xf32>
    %div3A = arith.divf %add3A, %add3A_19 : vector<2000x128xf32>
    %add3A_20 = arith.addf %get3A_16, %div3A : vector<2000x128xf32>
    %swap3A = arith.constant 0 : index
    %swap3A_21 = arith.constant 0 : index
    %swap3A_22 = vector.load %arg6[%swap3A, %swap3A_21] : memref<2000x128xf32, #tpu.memory_space<vmem>>, vector<2000x128xf32>
    tpu.vector_store %arg6[%swap3A, %swap3A_21], %add3A_20 {strides = array<i32>} : memref<2000x128xf32, #tpu.memory_space<vmem>>, vector<2000x128xf32>,
    %get3A_23 = arith.constant 0 : index
    %get3A_24 = arith.constant 0 : index
    %get3A_25 = vector.load %arg8[%get3A_23, %get3A_24] : memref<8x128xf32, #tpu.memory_space<vmem>>, vector<1x128xf32>
    %reduce_sum3A = arith.constant dense<0.000000e+00> : vector<128xf32>
    %reduce_sum3A_26 = vector.multi_reduction <add>, %add3A_20, %reduce_sum3A [0] : vector<2000x128xf32> to vector<128xf32>
    %broadcast_in_dim3A = vector.shape_cast %reduce_sum3A_26 : vector<128xf32> to vector<1x128xf32>
    %add3A_27 = arith.addf %get3A_25, %broadcast_in_dim3A : vector<1x128xf32>
    %swap3A_28 = arith.constant 0 : index
    %swap3A_29 = arith.constant 0 : index
    %swap3A_30 = vector.load %arg8[%swap3A_28, %swap3A_29] : memref<8x128xf32, #tpu.memory_space<vmem>>, vector<1x128xf32>
    tpu.vector_store %arg8[%swap3A_28, %swap3A_29], %add3A_27 {strides = array<i32>} : memref<8x128xf32, #tpu.memory_space<vmem>>, vector<1x128xf32>,
    %get3A_31 = arith.constant 1 : index
    %get3A_32 = arith.constant 0 : index
    %get3A_33 = vector.load %arg8[%get3A_31, %get3A_32] : memref<8x128xf32, #tpu.memory_space<vmem>>, vector<1x128xf32>
    %mul3A = arith.mulf %add3A_20, %add3A_20 : vector<2000x128xf32>
    %reduce_sum3A_34 = arith.constant dense<0.000000e+00> : vector<128xf32>
    %reduce_sum3A_35 = vector.multi_reduction <add>, %mul3A, %reduce_sum3A_34 [0] : vector<2000x128xf32> to vector<128xf32>
    %broadcast_in_dim3A_36 = vector.shape_cast %reduce_sum3A_35 : vector<128xf32> to vector<1x128xf32>
    %add3A_37 = arith.addf %get3A_33, %broadcast_in_dim3A_36 : vector<1x128xf32>
    %swap3A_38 = arith.constant 1 : index
    %swap3A_39 = arith.constant 0 : index
    %swap3A_40 = vector.load %arg8[%swap3A_38, %swap3A_39] : memref<8x128xf32, #tpu.memory_space<vmem>>, vector<1x128xf32>
    tpu.vector_store %arg8[%swap3A_38, %swap3A_39], %add3A_37 {strides = array<i32>} : memref<8x128xf32, #tpu.memory_space<vmem>>, vector<1x128xf32>,
    %eq3A_41 = arith.constant 4 : i32
    %eq3A_42 = arith.cmpi eq, %arg0, %eq3A_41 : i32
    %convert_element_type3A_43 = arith.extui %eq3A_42 : i1 to i32
    %cond3A_44 = arith.constant 0 : i32
    %cond3A_45 = arith.cmpi ne, %convert_element_type3A_43, %cond3A_44 : i32
    scf.if %cond3A_45 {
      %get3A_46 = arith.constant 0 : index
      %get3A_47 = arith.constant 0 : index
      %get3A_48 = vector.load %arg8[%get3A_46, %get3A_47] : memref<8x128xf32, #tpu.memory_space<vmem>>, vector<1x128xf32>
      %div3A_49 = arith.constant 1.000000e+04 : f32
      %div3A_50 = vector.broadcast %div3A_49 : f32 to vector<1x128xf32>
      %div3A_51 = arith.divf %get3A_48, %div3A_50 : vector<1x128xf32>
      %get3A_52 = arith.constant 1 : index
      %get3A_53 = arith.constant 0 : index
      %get3A_54 = vector.load %arg8[%get3A_52, %get3A_53] : memref<8x128xf32, #tpu.memory_space<vmem>>, vector<1x128xf32>
      %div3A_55 = arith.constant 1.000000e+04 : f32
      %div3A_56 = vector.broadcast %div3A_55 : f32 to vector<1x128xf32>
      %div3A_57 = arith.divf %get3A_54, %div3A_56 : vector<1x128xf32>
      %mul3A_58 = arith.mulf %div3A_51, %div3A_51 : vector<1x128xf32>
      %sub3A = arith.subf %div3A_57, %mul3A_58 : vector<1x128xf32>
      %get3A_59 = arith.constant 0 : index
      %get3A_60 = arith.constant 0 : index
      %get3A_61 = vector.load %arg4[%get3A_59, %get3A_60] : memref<3x128xf32, #tpu.memory_space<vmem>>, vector<1x128xf32>
      %add3A_62 = arith.constant 9.99999974E-6 : f32
      %add3A_63 = vector.broadcast %add3A_62 : f32 to vector<1x128xf32>
      %add3A_64 = arith.addf %sub3A, %add3A_63 : vector<1x128xf32>
      %rsqrt3A = math.rsqrt %add3A_64 : vector<1x128xf32>
      %mul3A_65 = arith.mulf %get3A_61, %rsqrt3A : vector<1x128xf32>
      %swap3A_66 = arith.constant 0 : index
      %swap3A_67 = arith.constant 0 : index
      %swap3A_68 = vector.load %arg7[%swap3A_66, %swap3A_67] : memref<2x128xf32, #tpu.memory_space<vmem>>, vector<1x128xf32>
      tpu.vector_store %arg7[%swap3A_66, %swap3A_67], %mul3A_65 {strides = array<i32>} : memref<2x128xf32, #tpu.memory_space<vmem>>, vector<1x128xf32>,
      %get3A_69 = arith.constant 0 : index
      %get3A_70 = arith.constant 0 : index
      %get3A_71 = vector.load %arg5[%get3A_69, %get3A_70] : memref<3x128xf32, #tpu.memory_space<vmem>>, vector<1x128xf32>
      %mul3A_72 = arith.mulf %div3A_51, %mul3A_65 : vector<1x128xf32>
      %sub3A_73 = arith.subf %get3A_71, %mul3A_72 : vector<1x128xf32>
      %swap3A_74 = arith.constant 1 : index
      %swap3A_75 = arith.constant 0 : index
      %swap3A_76 = vector.load %arg7[%swap3A_74, %swap3A_75] : memref<2x128xf32, #tpu.memory_space<vmem>>, vector<1x128xf32>
      tpu.vector_store %arg7[%swap3A_74, %swap3A_75], %sub3A_73 {strides = array<i32>} : memref<2x128xf32, #tpu.memory_space<vmem>>, vector<1x128xf32>,
    } else {
    }
    return
  }
  func.func @transform_0(%arg0: i32) -> (i32, i32) {
    %c0_i32 = arith.constant 0 : i32
    %c0_i32_0 = arith.constant 0 : i32
    return %arg0, %c0_i32 : i32, i32
  }
  func.func @transform_1(%arg0: i32) -> (i32, i32) {
    %c0_i32 = arith.constant 0 : i32
    %c0_i32_0 = arith.constant 0 : i32
    return %arg0, %c0_i32 : i32, i32
  }
  func.func @transform_2(%arg0: i32) -> (i32, i32) {
    %c0_i32 = arith.constant 0 : i32
    %c0_i32_0 = arith.constant 0 : i32
    return %arg0, %c0_i32 : i32, i32
  }
  func.func @transform_3(%arg0: i32) -> (i32, i32) {
    %c0_i32 = arith.constant 0 : i32
    %c0_i32_0 = arith.constant 0 : i32
    %c0_i32_1 = arith.constant 0 : i32
    return %c0_i32, %c0_i32_0 : i32, i32
  }
  func.func @transform_4(%arg0: i32) -> (i32, i32) {
    %c0_i32 = arith.constant 0 : i32
    %c0_i32_0 = arith.constant 0 : i32
    %c0_i32_1 = arith.constant 0 : i32
    return %c0_i32, %c0_i32_0 : i32, i32
  }
  func.func @transform_5(%arg0: i32) -> (i32, i32) {
    %c0_i32 = arith.constant 0 : i32
    %c0_i32_0 = arith.constant 0 : i32
    return %arg0, %c0_i32 : i32, i32
  }
  func.func @transform_6(%arg0: i32) -> (i32, i32) {
    %c0_i32 = arith.constant 0 : i32
    %c0_i32_0 = arith.constant 0 : i32
    %c0_i32_1 = arith.constant 0 : i32
    return %c0_i32, %c0_i32_0 : i32, i32
  }
}

module attributes {stable_mosaic.version = 14 : i64} {
  func.func @_node_pass2_body(%arg0: i32, %arg1: memref<2000x128xf32, #tpu.memory_space<vmem>>, %arg2: memref<2000x128xf32, #tpu.memory_space<vmem>>, %arg3: memref<2000x1xi32, #tpu.memory_space<vmem>>, %arg4: memref<2x128xf32, #tpu.memory_space<vmem>>, %arg5: memref<64x128xf32, #tpu.memory_space<vmem>>, %arg6: memref<64x128xf32, #tpu.memory_space<vmem>>, %arg7: memref<64x1xf32, #tpu.memory_space<vmem>>, %arg8: memref<9x128x128xf32, #tpu.memory_space<vmem>>, %arg9: memref<9x128xf32, #tpu.memory_space<vmem>>, %arg10: memref<3x128xf32, #tpu.memory_space<vmem>>, %arg11: memref<3x128xf32, #tpu.memory_space<vmem>>, %arg12: memref<2000x128xf32, #tpu.memory_space<vmem>>, %arg13: memref<64x128xf32, #tpu.memory_space<vmem>>, %arg14: memref<64x128xf32, #tpu.memory_space<vmem>>, %arg15: memref<64x128xf32, #tpu.memory_space<vmem>>) attributes {dimension_semantics = [#tpu.dimension_semantics<arbitrary>], iteration_bounds = array<i64: 5>, scalar_prefetch = 0 : i64, scratch_operands = 2 : i64, tpu.core_type = #tpu.core_type<tc>, window_params = [{transform_indices = @transform_0, window_bounds = array<i64: 2000, 128>}, {transform_indices = @transform_1, window_bounds = array<i64: 2000, 128>}, {transform_indices = @transform_2, window_bounds = array<i64: 2000, 1>}, {pipeline_mode = #tpu.pipeline_mode<synchronous>, transform_indices = @transform_3, window_bounds = array<i64: 2, 128>}, {pipeline_mode = #tpu.pipeline_mode<synchronous>, transform_indices = @transform_4, window_bounds = array<i64: 64, 128>}, {pipeline_mode = #tpu.pipeline_mode<synchronous>, transform_indices = @transform_5, window_bounds = array<i64: 64, 128>}, {pipeline_mode = #tpu.pipeline_mode<synchronous>, transform_indices = @transform_6, window_bounds = array<i64: 64, 1>}, {pipeline_mode = #tpu.pipeline_mode<synchronous>, transform_indices = @transform_7, window_bounds = array<i64: 9, 128, 128>}, {pipeline_mode = #tpu.pipeline_mode<synchronous>, transform_indices = @transform_8, window_bounds = array<i64: 9, 128>}, {pipeline_mode = #tpu.pipeline_mode<synchronous>, transform_indices = @transform_9, window_bounds = array<i64: 3, 128>}, {pipeline_mode = #tpu.pipeline_mode<synchronous>, transform_indices = @transform_10, window_bounds = array<i64: 3, 128>}, {transform_indices = @transform_11, window_bounds = array<i64: 2000, 128>}, {pipeline_mode = #tpu.pipeline_mode<synchronous>, transform_indices = @transform_12, window_bounds = array<i64: 64, 128>}]} {
    %eq3A = arith.constant 0 : i32
    %eq3A_0 = arith.cmpi eq, %arg0, %eq3A : i32
    %convert_element_type3A = arith.extui %eq3A_0 : i1 to i32
    %cond3A = arith.constant 0 : i32
    %cond3A_1 = arith.cmpi ne, %convert_element_type3A, %cond3A : i32
    scf.if %cond3A_1 {
      %broadcast_in_dim3A_51 = arith.constant 0.000000e+00 : f32
      %broadcast_in_dim3A_52 = vector.broadcast %broadcast_in_dim3A_51 : f32 to vector<64x128xf32>
      %swap3A_53 = arith.constant 0 : index
      %swap3A_54 = arith.constant 0 : index
      %swap3A_55 = vector.load %arg14[%swap3A_53, %swap3A_54] : memref<64x128xf32, #tpu.memory_space<vmem>>, vector<64x128xf32>
      tpu.vector_store %arg14[%swap3A_53, %swap3A_54], %broadcast_in_dim3A_52 {strides = array<i32>} : memref<64x128xf32, #tpu.memory_space<vmem>>, vector<64x128xf32>,
      %broadcast_in_dim3A_56 = arith.constant 0.000000e+00 : f32
      %broadcast_in_dim3A_57 = vector.broadcast %broadcast_in_dim3A_56 : f32 to vector<64x128xf32>
      %swap3A_58 = arith.constant 0 : index
      %swap3A_59 = arith.constant 0 : index
      %swap3A_60 = vector.load %arg15[%swap3A_58, %swap3A_59] : memref<64x128xf32, #tpu.memory_space<vmem>>, vector<64x128xf32>
      tpu.vector_store %arg15[%swap3A_58, %swap3A_59], %broadcast_in_dim3A_57 {strides = array<i32>} : memref<64x128xf32, #tpu.memory_space<vmem>>, vector<64x128xf32>,
    } else {
    }
    %get3A = arith.constant 0 : index
    %get3A_2 = arith.constant 0 : index
    %get3A_3 = vector.load %arg4[%get3A, %get3A_2] : memref<2x128xf32, #tpu.memory_space<vmem>>, vector<1x128xf32>
    %get3A_4 = arith.constant 1 : index
    %get3A_5 = arith.constant 0 : index
    %get3A_6 = vector.load %arg4[%get3A_4, %get3A_5] : memref<2x128xf32, #tpu.memory_space<vmem>>, vector<1x128xf32>
    %get3A_7 = arith.constant 0 : index
    %get3A_8 = arith.constant 0 : index
    %get3A_9 = vector.load %arg2[%get3A_7, %get3A_8] : memref<2000x128xf32, #tpu.memory_space<vmem>>, vector<2000x128xf32>
    %get3A_10 = arith.constant 0 : index
    %get3A_11 = arith.constant 0 : index
    %get3A_12 = vector.load %arg1[%get3A_10, %get3A_11] : memref<2000x128xf32, #tpu.memory_space<vmem>>, vector<2000x128xf32>
    %mul3A = vector.broadcast %get3A_3 : vector<1x128xf32> to vector<2000x128xf32>
    %mul3A_13 = arith.mulf %get3A_12, %mul3A : vector<2000x128xf32>
    %add3A = vector.broadcast %get3A_6 : vector<1x128xf32> to vector<2000x128xf32>
    %add3A_14 = arith.addf %mul3A_13, %add3A : vector<2000x128xf32>
    %max3A = arith.constant 0.000000e+00 : f32
    %max3A_15 = vector.broadcast %max3A : f32 to vector<2000x128xf32>
    %max3A_16 = arith.maximumf %add3A_14, %max3A_15 : vector<2000x128xf32>
    %add3A_17 = arith.addf %get3A_9, %max3A_16 : vector<2000x128xf32>
    %swap3A = arith.constant 0 : index
    %swap3A_18 = arith.constant 0 : index
    %swap3A_19 = vector.load %arg12[%swap3A, %swap3A_18] : memref<2000x128xf32, #tpu.memory_space<vmem>>, vector<2000x128xf32>
    tpu.vector_store %arg12[%swap3A, %swap3A_18], %add3A_17 {strides = array<i32>} : memref<2000x128xf32, #tpu.memory_space<vmem>>, vector<2000x128xf32>,
    %get3A_20 = arith.constant 0 : index
    %get3A_21 = arith.constant 0 : index
    %get3A_22 = vector.load %arg3[%get3A_20, %get3A_21] : memref<2000x1xi32, #tpu.memory_space<vmem>>, vector<2000x1xi32>
    %iota3A = tpu.iota {dimensions = array<i32: 1>} : vector<1x64xi32>
    %eq3A_23 = vector.broadcast %get3A_22 : vector<2000x1xi32> to vector<2000x64xi32>
    %eq3A_24 = vector.broadcast %iota3A : vector<1x64xi32> to vector<2000x64xi32>
    %eq3A_25 = arith.cmpi eq, %eq3A_23, %eq3A_24 : vector<2000x64xi32>
    %convert_element_type3A_26 = arith.extui %eq3A_25 : vector<2000x64xi1> to vector<2000x64xi32>
    %convert_element_type3A_27 = arith.sitofp %convert_element_type3A_26 : vector<2000x64xi32> to vector<2000x64xf32>
    %get3A_28 = arith.constant 0 : index
    %get3A_29 = arith.constant 0 : index
    %get3A_30 = vector.load %arg14[%get3A_28, %get3A_29] : memref<64x128xf32, #tpu.memory_space<vmem>>, vector<64x128xf32>
    %dot_general3A = arith.constant dense<0.000000e+00> : vector<64x128xf32>
    %dot_general3A_31 = tpu.matmul %convert_element_type3A_27, %add3A_17, %dot_general3A {dimension_numbers = #tpu.dot_dimension_numbers<[0], [0], [1], [1], [0, 1, 1, 1], [], []>, precision = #tpu.contract_precision<fp32>, transpose_lhs_hint = false} : vector<2000x64xf32>, vector<2000x128xf32>, vector<64x128xf32> -> vector<64x128xf32>
    %add3A_32 = arith.addf %get3A_30, %dot_general3A_31 : vector<64x128xf32>
    %swap3A_33 = arith.constant 0 : index
    %swap3A_34 = arith.constant 0 : index
    %swap3A_35 = vector.load %arg14[%swap3A_33, %swap3A_34] : memref<64x128xf32, #tpu.memory_space<vmem>>, vector<64x128xf32>
    tpu.vector_store %arg14[%swap3A_33, %swap3A_34], %add3A_32 {strides = array<i32>} : memref<64x128xf32, #tpu.memory_space<vmem>>, vector<64x128xf32>,
    %get3A_36 = arith.constant 0 : index
    %get3A_37 = arith.constant 0 : index
    %get3A_38 = vector.load %arg15[%get3A_36, %get3A_37] : memref<64x128xf32, #tpu.memory_space<vmem>>, vector<64x128xf32>
    %broadcast_in_dim3A = arith.constant 1.000000e+00 : f32
    %broadcast_in_dim3A_39 = vector.broadcast %broadcast_in_dim3A : f32 to vector<2000x128xf32>
    %dot_general3A_40 = arith.constant dense<0.000000e+00> : vector<64x128xf32>
    %dot_general3A_41 = tpu.matmul %convert_element_type3A_27, %broadcast_in_dim3A_39, %dot_general3A_40 {dimension_numbers = #tpu.dot_dimension_numbers<[0], [0], [1], [1], [0, 1, 1, 1], [], []>, precision = #tpu.contract_precision<fp32>, transpose_lhs_hint = false} : vector<2000x64xf32>, vector<2000x128xf32>, vector<64x128xf32> -> vector<64x128xf32>
    %add3A_42 = arith.addf %get3A_38, %dot_general3A_41 : vector<64x128xf32>
    %swap3A_43 = arith.constant 0 : index
    %swap3A_44 = arith.constant 0 : index
    %swap3A_45 = vector.load %arg15[%swap3A_43, %swap3A_44] : memref<64x128xf32, #tpu.memory_space<vmem>>, vector<64x128xf32>
    tpu.vector_store %arg15[%swap3A_43, %swap3A_44], %add3A_42 {strides = array<i32>} : memref<64x128xf32, #tpu.memory_space<vmem>>, vector<64x128xf32>,
    %eq3A_46 = arith.constant 4 : i32
    %eq3A_47 = arith.cmpi eq, %arg0, %eq3A_46 : i32
    %convert_element_type3A_48 = arith.extui %eq3A_47 : i1 to i32
    %cond3A_49 = arith.constant 0 : i32
    %cond3A_50 = arith.cmpi ne, %convert_element_type3A_48, %cond3A_49 : i32
    scf.if %cond3A_50 {
      %get3A_51 = arith.constant 0 : index
      %get3A_52 = arith.constant 0 : index
      %get3A_53 = vector.load %arg5[%get3A_51, %get3A_52] : memref<64x128xf32, #tpu.memory_space<vmem>>, vector<64x128xf32>
      %get3A_54 = arith.constant 0 : index
      %get3A_55 = arith.constant 0 : index
      %get3A_56 = vector.load %arg15[%get3A_54, %get3A_55] : memref<64x128xf32, #tpu.memory_space<vmem>>, vector<64x128xf32>
      %get3A_57 = arith.constant 0 : index
      %get3A_58 = arith.constant 0 : index
      %get3A_59 = vector.load %arg14[%get3A_57, %get3A_58] : memref<64x128xf32, #tpu.memory_space<vmem>>, vector<64x128xf32>
      %get3A_60 = arith.constant 6 : index
      %get3A_61 = arith.constant 0 : index
      %get3A_62 = arith.constant 0 : index
      %get3A_63 = vector.load %arg8[%get3A_60, %get3A_61, %get3A_62] : memref<9x128x128xf32, #tpu.memory_space<vmem>>, vector<1x128x128xf32>
      %get3A_64 = vector.shape_cast %get3A_63 : vector<1x128x128xf32> to vector<128x128xf32>
      %dot_general3A_65 = arith.constant dense<0.000000e+00> : vector<64x128xf32>
      %dot_general3A_66 = tpu.matmul %get3A_59, %get3A_64, %dot_general3A_65 {dimension_numbers = #tpu.dot_dimension_numbers<[1], [0], [0], [1], [0, 0, 1, 1], [], []>, precision = #tpu.contract_precision<fp32>, transpose_lhs_hint = false} : vector<64x128xf32>, vector<128x128xf32>, vector<64x128xf32> -> vector<64x128xf32>
      %get3A_67 = arith.constant 6 : index
      %get3A_68 = arith.constant 0 : index
      %get3A_69 = vector.load %arg9[%get3A_67, %get3A_68] : memref<9x128xf32, #tpu.memory_space<vmem>>, vector<1x128xf32>
      %get3A_70 = vector.shape_cast %get3A_69 : vector<1x128xf32> to vector<128xf32>
      %broadcast_in_dim3A_71 = vector.shape_cast %get3A_70 : vector<128xf32> to vector<1x128xf32>
      %mul3A_72 = vector.broadcast %broadcast_in_dim3A_71 : vector<1x128xf32> to vector<64x128xf32>
      %mul3A_73 = arith.mulf %get3A_56, %mul3A_72 : vector<64x128xf32>
      %add3A_74 = arith.addf %dot_general3A_66, %mul3A_73 : vector<64x128xf32>
      %max3A_75 = arith.constant 1.000000e+00 : f32
      %max3A_76 = vector.broadcast %max3A_75 : f32 to vector<64x128xf32>
      %max3A_77 = arith.maximumf %get3A_56, %max3A_76 : vector<64x128xf32>
      %div3A = arith.divf %add3A_74, %max3A_77 : vector<64x128xf32>
      %get3A_78 = arith.constant 0 : index
      %get3A_79 = arith.constant 0 : index
      %get3A_80 = vector.load %arg6[%get3A_78, %get3A_79] : memref<64x128xf32, #tpu.memory_space<vmem>>, vector<64x128xf32>
      %get3A_81 = arith.constant 7 : index
      %get3A_82 = arith.constant 0 : index
      %get3A_83 = arith.constant 0 : index
      %get3A_84 = vector.load %arg8[%get3A_81, %get3A_82, %get3A_83] : memref<9x128x128xf32, #tpu.memory_space<vmem>>, vector<1x128x128xf32>
      %get3A_85 = vector.shape_cast %get3A_84 : vector<1x128x128xf32> to vector<128x128xf32>
      %dot_general3A_86 = arith.constant dense<0.000000e+00> : vector<64x128xf32>
      %dot_general3A_87 = tpu.matmul %get3A_80, %get3A_85, %dot_general3A_86 {dimension_numbers = #tpu.dot_dimension_numbers<[1], [0], [0], [1], [0, 0, 1, 1], [], []>, precision = #tpu.contract_precision<fp32>, transpose_lhs_hint = false} : vector<64x128xf32>, vector<128x128xf32>, vector<64x128xf32> -> vector<64x128xf32>
      %get3A_88 = arith.constant 0 : index
      %get3A_89 = arith.constant 0 : index
      %get3A_90 = vector.load %arg7[%get3A_88, %get3A_89] : memref<64x1xf32, #tpu.memory_space<vmem>>, vector<64x1xf32>
      %get3A_91 = arith.constant 7 : index
      %get3A_92 = arith.constant 0 : index
      %get3A_93 = vector.load %arg9[%get3A_91, %get3A_92] : memref<9x128xf32, #tpu.memory_space<vmem>>, vector<1x128xf32>
      %get3A_94 = vector.shape_cast %get3A_93 : vector<1x128xf32> to vector<128xf32>
      %broadcast_in_dim3A_95 = vector.shape_cast %get3A_94 : vector<128xf32> to vector<1x128xf32>
      %mul3A_96 = vector.broadcast %get3A_90 : vector<64x1xf32> to vector<64x128xf32>
      %mul3A_97 = vector.broadcast %broadcast_in_dim3A_95 : vector<1x128xf32> to vector<64x128xf32>
      %mul3A_98 = arith.mulf %mul3A_96, %mul3A_97 : vector<64x128xf32>
      %add3A_99 = arith.addf %dot_general3A_87, %mul3A_98 : vector<64x128xf32>
      %div3A_100 = arith.constant 3.200000e+05 : f32
      %div3A_101 = vector.broadcast %div3A_100 : f32 to vector<64x128xf32>
      %div3A_102 = arith.divf %add3A_99, %div3A_101 : vector<64x128xf32>
      %add3A_103 = arith.addf %div3A, %div3A_102 : vector<64x128xf32>
      %get3A_104 = arith.constant 8 : index
      %get3A_105 = arith.constant 0 : index
      %get3A_106 = arith.constant 0 : index
      %get3A_107 = vector.load %arg8[%get3A_104, %get3A_105, %get3A_106] : memref<9x128x128xf32, #tpu.memory_space<vmem>>, vector<1x128x128xf32>
      %get3A_108 = vector.shape_cast %get3A_107 : vector<1x128x128xf32> to vector<128x128xf32>
      %dot_general3A_109 = arith.constant dense<0.000000e+00> : vector<64x128xf32>
      %dot_general3A_110 = tpu.matmul %get3A_53, %get3A_108, %dot_general3A_109 {dimension_numbers = #tpu.dot_dimension_numbers<[1], [0], [0], [1], [0, 0, 1, 1], [], []>, precision = #tpu.contract_precision<fp32>, transpose_lhs_hint = false} : vector<64x128xf32>, vector<128x128xf32>, vector<64x128xf32> -> vector<64x128xf32>
      %add3A_111 = arith.addf %add3A_103, %dot_general3A_110 : vector<64x128xf32>
      %get3A_112 = arith.constant 8 : index
      %get3A_113 = arith.constant 0 : index
      %get3A_114 = vector.load %arg9[%get3A_112, %get3A_113] : memref<9x128xf32, #tpu.memory_space<vmem>>, vector<1x128xf32>
      %get3A_115 = vector.shape_cast %get3A_114 : vector<1x128xf32> to vector<128xf32>
      %broadcast_in_dim3A_116 = vector.shape_cast %get3A_115 : vector<128xf32> to vector<1x128xf32>
      %add3A_117 = vector.broadcast %broadcast_in_dim3A_116 : vector<1x128xf32> to vector<64x128xf32>
      %add3A_118 = arith.addf %add3A_111, %add3A_117 : vector<64x128xf32>
      %reduce_sum3A = arith.constant dense<0.000000e+00> : vector<128xf32>
      %reduce_sum3A_119 = vector.multi_reduction <add>, %add3A_118, %reduce_sum3A [0] : vector<64x128xf32> to vector<128xf32>
      %broadcast_in_dim3A_120 = vector.shape_cast %reduce_sum3A_119 : vector<128xf32> to vector<1x128xf32>
      %div3A_121 = arith.constant 6.400000e+01 : f32
      %div3A_122 = vector.broadcast %div3A_121 : f32 to vector<1x128xf32>
      %div3A_123 = arith.divf %broadcast_in_dim3A_120, %div3A_122 : vector<1x128xf32>
      %mul3A_124 = arith.mulf %add3A_118, %add3A_118 : vector<64x128xf32>
      %reduce_sum3A_125 = arith.constant dense<0.000000e+00> : vector<128xf32>
      %reduce_sum3A_126 = vector.multi_reduction <add>, %mul3A_124, %reduce_sum3A_125 [0] : vector<64x128xf32> to vector<128xf32>
      %broadcast_in_dim3A_127 = vector.shape_cast %reduce_sum3A_126 : vector<128xf32> to vector<1x128xf32>
      %div3A_128 = arith.constant 6.400000e+01 : f32
      %div3A_129 = vector.broadcast %div3A_128 : f32 to vector<1x128xf32>
      %div3A_130 = arith.divf %broadcast_in_dim3A_127, %div3A_129 : vector<1x128xf32>
      %mul3A_131 = arith.mulf %div3A_123, %div3A_123 : vector<1x128xf32>
      %sub3A = arith.subf %div3A_130, %mul3A_131 : vector<1x128xf32>
      %sub3A_132 = vector.broadcast %div3A_123 : vector<1x128xf32> to vector<64x128xf32>
      %sub3A_133 = arith.subf %add3A_118, %sub3A_132 : vector<64x128xf32>
      %add3A_134 = arith.constant 9.99999974E-6 : f32
      %add3A_135 = vector.broadcast %add3A_134 : f32 to vector<1x128xf32>
      %add3A_136 = arith.addf %sub3A, %add3A_135 : vector<1x128xf32>
      %rsqrt3A = math.rsqrt %add3A_136 : vector<1x128xf32>
      %mul3A_137 = vector.broadcast %rsqrt3A : vector<1x128xf32> to vector<64x128xf32>
      %mul3A_138 = arith.mulf %sub3A_133, %mul3A_137 : vector<64x128xf32>
      %get3A_139 = arith.constant 2 : index
      %get3A_140 = arith.constant 0 : index
      %get3A_141 = vector.load %arg10[%get3A_139, %get3A_140] : memref<3x128xf32, #tpu.memory_space<vmem>>, vector<1x128xf32>
      %mul3A_142 = vector.broadcast %get3A_141 : vector<1x128xf32> to vector<64x128xf32>
      %mul3A_143 = arith.mulf %mul3A_138, %mul3A_142 : vector<64x128xf32>
      %get3A_144 = arith.constant 2 : index
      %get3A_145 = arith.constant 0 : index
      %get3A_146 = vector.load %arg11[%get3A_144, %get3A_145] : memref<3x128xf32, #tpu.memory_space<vmem>>, vector<1x128xf32>
      %add3A_147 = vector.broadcast %get3A_146 : vector<1x128xf32> to vector<64x128xf32>
      %add3A_148 = arith.addf %mul3A_143, %add3A_147 : vector<64x128xf32>
      %max3A_149 = arith.constant 0.000000e+00 : f32
      %max3A_150 = vector.broadcast %max3A_149 : f32 to vector<64x128xf32>
      %max3A_151 = arith.maximumf %add3A_148, %max3A_150 : vector<64x128xf32>
      %add3A_152 = arith.addf %get3A_53, %max3A_151 : vector<64x128xf32>
      %swap3A_153 = arith.constant 0 : index
      %swap3A_154 = arith.constant 0 : index
      %swap3A_155 = vector.load %arg13[%swap3A_153, %swap3A_154] : memref<64x128xf32, #tpu.memory_space<vmem>>, vector<64x128xf32>
      tpu.vector_store %arg13[%swap3A_153, %swap3A_154], %add3A_152 {strides = array<i32>} : memref<64x128xf32, #tpu.memory_space<vmem>>, vector<64x128xf32>,
    } else {
    }
    return
  }
  func.func @transform_0(%arg0: i32) -> (i32, i32) {
    %c0_i32 = arith.constant 0 : i32
    %c0_i32_0 = arith.constant 0 : i32
    return %arg0, %c0_i32 : i32, i32
  }
  func.func @transform_1(%arg0: i32) -> (i32, i32) {
    %c0_i32 = arith.constant 0 : i32
    %c0_i32_0 = arith.constant 0 : i32
    return %arg0, %c0_i32 : i32, i32
  }
  func.func @transform_2(%arg0: i32) -> (i32, i32) {
    %c0_i32 = arith.constant 0 : i32
    %c0_i32_0 = arith.constant 0 : i32
    return %arg0, %c0_i32 : i32, i32
  }
  func.func @transform_3(%arg0: i32) -> (i32, i32) {
    %c0_i32 = arith.constant 0 : i32
    %c0_i32_0 = arith.constant 0 : i32
    %c0_i32_1 = arith.constant 0 : i32
    return %c0_i32, %c0_i32_0 : i32, i32
  }
  func.func @transform_4(%arg0: i32) -> (i32, i32) {
    %c0_i32 = arith.constant 0 : i32
    %c0_i32_0 = arith.constant 0 : i32
    %c0_i32_1 = arith.constant 0 : i32
    return %c0_i32, %c0_i32_0 : i32, i32
  }
  func.func @transform_5(%arg0: i32) -> (i32, i32) {
    %c0_i32 = arith.constant 0 : i32
    %c0_i32_0 = arith.constant 0 : i32
    %c0_i32_1 = arith.constant 0 : i32
    return %c0_i32, %c0_i32_0 : i32, i32
  }
  func.func @transform_6(%arg0: i32) -> (i32, i32) {
    %c0_i32 = arith.constant 0 : i32
    %c0_i32_0 = arith.constant 0 : i32
    %c0_i32_1 = arith.constant 0 : i32
    return %c0_i32, %c0_i32_0 : i32, i32
  }
  func.func @transform_7(%arg0: i32) -> (i32, i32, i32) {
    %c0_i32 = arith.constant 0 : i32
    %c0_i32_0 = arith.constant 0 : i32
    %c0_i32_1 = arith.constant 0 : i32
    %c0_i32_2 = arith.constant 0 : i32
    return %c0_i32, %c0_i32_0, %c0_i32_1 : i32, i32, i32
  }
  func.func @transform_8(%arg0: i32) -> (i32, i32) {
    %c0_i32 = arith.constant 0 : i32
    %c0_i32_0 = arith.constant 0 : i32
    %c0_i32_1 = arith.constant 0 : i32
    return %c0_i32, %c0_i32_0 : i32, i32
  }
  func.func @transform_9(%arg0: i32) -> (i32, i32) {
    %c0_i32 = arith.constant 0 : i32
    %c0_i32_0 = arith.constant 0 : i32
    %c0_i32_1 = arith.constant 0 : i32
    return %c0_i32, %c0_i32_0 : i32, i32
  }
  func.func @transform_10(%arg0: i32) -> (i32, i32) {
    %c0_i32 = arith.constant 0 : i32
    %c0_i32_0 = arith.constant 0 : i32
    %c0_i32_1 = arith.constant 0 : i32
    return %c0_i32, %c0_i32_0 : i32, i32
  }
  func.func @transform_11(%arg0: i32) -> (i32, i32) {
    %c0_i32 = arith.constant 0 : i32
    %c0_i32_0 = arith.constant 0 : i32
    return %arg0, %c0_i32 : i32, i32
  }
  func.func @transform_12(%arg0: i32) -> (i32, i32) {
    %c0_i32 = arith.constant 0 : i32
    %c0_i32_0 = arith.constant 0 : i32
    %c0_i32_1 = arith.constant 0 : i32
    return %c0_i32, %c0_i32_0 : i32, i32
  }
}

</mosaic_0001>

<sc_bundles>
// kernel: kernel.15.cloned.1.call-start
scs
__scs_entry_jumppad:
0x0: {  	(pc) =	sbr.rel $0x88, $3  }
0x1: {  	(tag) =	ssettag $0x0;
	lr =	simm.s32 $0x1  }
0x2: {  	[smem:$0x3F98] =	sst lr;
	_ =	strace $0xD0000000  }
0x3: {  	_ = 	snop  }
0x4: {  	_ = 	snop  }
0x5: {  	_ = 	snop  }
0x6: {  	_ = 	snop  }
0x7: {  	_ = 	snop  }
__scs_overlays_trampoline_lowered:
0x8: {  	[smem:$0x3FA7] =	sst s0  }
0x9: {  	[smem:$0x3FA8] =	sst s1  }
0xa: {  	[smem:$0x3FA9] =	sst s2  }
0xb: {  	[smem:$0x3FAA] =	sst s3  }
0xc: {  	[smem:$0x3FAB] =	sst s4  }
0xd: {  	[smem:$0x3FAC] =	sst s5  }
0xe: {  	[smem:$0x3FAD] =	sst s6  }
0xf: {  	[smem:$0x3FAE] =	sst s7  }
0x10: {  	[smem:$0x3FAF] =	sst s8  }
0x11: {  	[smem:$0x3FB0] =	sst s9;
	s0 =	simm.s32 @!p0 $0x0  }
0x12: {  	s1 =	sld [smem:$0x3F96];
	s0 =	simm.s32 @p0 $0x1  }
0x13: {  	[smem:$0x3FB1] =	sst s0;
	s0 =	simm.s32 @!p1 $0x0  }
0x14: {  	s2 =	sld [smem:$0x3F95];
	s0 =	simm.s32 @p1 $0x1  }
0x15: {  	[smem:$0x3FB2] =	sst s0;
	s0 =	simm.s32 @!p2 $0x0  }
0x16: {  	s3 =	sld [smem:$0x3FDB];
	s0 =	simm.s32 @p2 $0x1  }
0x17: {  	s4 =	simm.s32 $0x1BF5;
	[smem:$0x3FB4] =	sst s0  }
0x18: {  	s0 =	sld [smem:$0x3F97];
	_ =	swait.ge [sflag:s4], $0x0  }
0x19: {  	s7 =	sld [smem:$0x3F98]  }
0x1a: {  	s8 =	sadd.s32 $0xFFFFE003, lr  }
0x1b: {  	s9 =	sadd.s32 $0xFFFFFEF7, lr;
	s5 =	simm.s32 $0xFFFFFFFF;
	p2 =	slt.u32 s8, $0xFFFFF086  }
0x1c: {  	p1 =	slt.u32 s9, $0xF7A;
	s5 =	simm.s32 @!p2 $0x0  }
0x1d: {  	s5 =	simm.s32 @p1 $0x1;
	p0 =	seq.s32 s7, s2  }
0x1e: {  	s7 =	smul.u32 @!p0 $0xF7A, s2;
	p2 =	seq.s32 @!p0 s5, $0x0  }
0x1f: {  	s9 =	smul.u32 $0xF7A, s1;
	s8 =	simm.s32 @!p0 $0x1BF5;
	p2 =	por !p2, p0  }
0x20: {  	[sflag:s8] =	ssyncset.s32 @!p0 $0xFFFFF086;
	s6 =	sadd.s32 @!p0 s3, s7;
	s7 =	simm.s32 @!p0 $0x108  }
0x21: {  	s3 =	sadd.s32 s3, s9;
	s6 =	sadd.s32 @!p0 $0x88, s6;
	s7 =	simm.s32 @p2 $0x1082  }
0x22: {  	[simem:s7], [sflag:s8] =	dma.local @!p0 [hbm:s6], $0xF7A  }
0x23: {  	s9 =	sor.u32 $0xD0000000, s2;
	s6 =	simm.s32 $0x108;
	_ =	swait.ge @!p0 [sflag:s8], $0x0  }
0x24: {  	s3 =	sadd.s32 $0x88, s3;
	s6 =	simm.s32 @!p1 $0x1082;
	[sflag:s4] =	ssyncset.s32 $0xFFFFF086  }
0x25: {  	[simem:s6], [sflag:s4] =	dma.local [hbm:s3], $0xF7A  }
0x26: {  	[smem:$0x3F98] =	sst s1;
	(tag) =	ssettag s2;
	_ =	strace s9  }
0x27: {  	s1 =	sld [smem:$0x3FA8]  }
0x28: {  	s2 =	sld [smem:$0x3FA9]  }
0x29: {  	s4 =	sld [smem:$0x3FAB]  }
0x2a: {  	p0 =	seq.s32 s5, $0x0;
	s5 =	sld [smem:$0x3FAC]  }
0x2b: {  	s6 =	sld [smem:$0x3FAD]  }
0x2c: {  	s7 =	sld [smem:$0x3FAE]  }
0x2d: {  	s3 =	simm.s32 $0x108;
	s8 =	sld [smem:$0x3FAF]  }
0x2e: {  	s3 =	simm.s32 @!p0 $0x1082;
	s9 =	sld [smem:$0x3FB0]  }
0x2f: {  	lr =	sadd.s32 s0, s3;
	s0 =	sld [smem:$0x3FA7]  }
0x30: {  	s3 =	sld [smem:$0x3FAA]  }
0x31: {  	[smem:$0x3FB3] =	sst s10  }
0x32: {  	s10 =	sld [smem:$0x3FB1];
	_ =	sdelay $0x3  }
0x33: {  	p0 =	seq.s32 s10, $0x1;
	s10 =	sld [smem:$0x3FB3];
	_ =	sdelay $0x3  }
0x34: {  	[smem:$0x3FB3] =	sst s10  }
0x35: {  	s10 =	sld [smem:$0x3FB2];
	_ =	sdelay $0x3  }
0x36: {  	p1 =	seq.s32 s10, $0x1;
	s10 =	sld [smem:$0x3FB3];
	_ =	sdelay $0x3  }
0x37: {  	[smem:$0x3FB3] =	sst s10  }
0x38: {  	s10 =	sld [smem:$0x3FB4]  }
0x39: {  	_ = 	snop;
	(pc) =	sbr.ind lr, $3  }
0x3a: {  	_ = 	snop  }
0x3b: {  	_ = 	snop  }
0x3c: {  	p2 =	seq.s32 s10, $0x1;
	s10 =	sld [smem:$0x3FB3]  }
0x3d: {  	_ =	shalt  }
0x3e: {  	_ =	shalt  }
0x3f: {  	_ =	shalt  }
0x40: {  	_ =	shalt  }
0x41: {  	_ =	shalt  }
0x42: {  	_ =	shalt  }
0x43: {  	_ =	shalt  }
0x44: {  	_ =	shalt  }
0x45: {  	_ =	shalt  }
0x46: {  	_ =	shalt  }
0x47: {  	_ =	shalt  }
0x48: {  	_ =	shalt  }
0x49: {  	_ =	shalt  }
0x4a: {  	_ =	shalt  }
0x4b: {  	_ =	shalt  }
0x4c: {  	_ =	shalt  }
0x4d: {  	_ =	shalt  }
0x4e: {  	_ =	shalt  }
0x4f: {  	_ =	shalt  }
0x50: {  	_ =	shalt  }
0x51: {  	_ =	shalt  }
0x52: {  	_ =	shalt  }
0x53: {  	_ =	shalt  }
0x54: {  	_ =	shalt  }
0x55: {  	_ =	shalt  }
0x56: {  	_ =	shalt  }
0x57: {  	_ =	shalt  }
0x58: {  	_ =	shalt  }
0x59: {  	_ =	shalt  }
0x5a: {  	_ =	shalt  }
0x5b: {  	_ =	shalt  }
0x5c: {  	_ =	shalt  }
0x5d: {  	_ =	shalt  }
0x5e: {  	_ =	shalt  }
0x5f: {  	_ =	shalt  }
0x60: {  	_ =	shalt  }
0x61: {  	_ =	shalt  }
0x62: {  	_ =	shalt  }
0x63: {  	_ =	shalt  }
0x64: {  	_ =	shalt  }
0x65: {  	_ =	shalt  }
0x66: {  	_ =	shalt  }
0x67: {  	_ =	shalt  }
0x68: {  	_ =	shalt  }
0x69: {  	_ =	shalt  }
0x6a: {  	_ =	shalt  }
0x6b: {  	_ =	shalt  }
0x6c: {  	_ =	shalt  }
0x6d: {  	_ =	shalt  }
0x6e: {  	_ =	shalt  }
0x6f: {  	_ =	shalt  }
0x70: {  	_ =	shalt  }
0x71: {  	_ =	shalt  }
0x72: {  	_ =	shalt  }
0x73: {  	_ =	shalt  }
0x74: {  	_ =	shalt  }
0x75: {  	_ =	shalt  }
0x76: {  	_ =	shalt  }
0x77: {  	_ =	shalt  }
0x78: {  	_ =	shalt  }
0x79: {  	_ =	shalt  }
0x7a: {  	_ =	shalt  }
0x7b: {  	_ =	shalt  }
0x7c: {  	_ =	shalt  }
0x7d: {  	_ =	shalt  }
0x7e: {  	_ =	shalt  }
0x7f: {  	_ =	shalt  }
0x80: {  	_ =	shalt  }
0x81: {  	_ =	shalt  }
0x82: {  	_ =	shalt  }
0x83: {  	_ =	shalt  }
0x84: {  	_ =	shalt  }
0x85: {  	_ =	shalt  }
0x86: {  	_ =	shalt  }
0x87: {  	_ =	shalt  }
.Lfunc_end0:
.L_simem_size_0:
called_computation_lowered:
.L_overlay_start_0:
0x88: {  	s2 =	sld [smem:$0x3FD9]  }
0x89: {  	s3 =	sld [smem:$0x3FFE];
	_ =	sdelay $0x1  }
0x8a: {  	s1 =	srdreg.scid  }
0x8b: {  	s0 =	sand.u32 $0x1, s1  }
0x8c: {  	s16 =	sshll.u32 s0, $0xA;
	s2 =	sadd.s32 s3, s2  }
0x8d: {  	s2 =	sadd.s32 s2, s16  }
0x8e: {  	[smem:$0x3FBF] =	sst s2  }
0x8f: {  	_ = 	snop  }
0x90: {  	(tm) =	ssettm $0x1  }
0x91: {  	s17 =	sld [smem:$0x3FFB];
	_ =	sdelay $0x3  }
0x92: {  	_ =	strace s17  }
0x93: {  	s2 =	sld [smem:$0x3FFC];
	_ =	sdelay $0x3  }
0x94: {  	_ =	strace s2  }
0x95: {  	s2 =	sld [smem:$0x3FFD];
	_ =	sdelay $0x3  }
0x96: {  	_ =	strace s2  }
0x97: {  	_ =	strace $0x8FFFFFFF  }
0x98: {  	s18 =	sld [smem:$0x3FDB];
	_ =	sdelay $0x1  }
0x99: {  	s19 =	simm.s32 $_scs_section_size  }
0x9a: {  	s4 =	simm.s32 $_size__tile_overlayer_lowered;
	s5 =	simm.s32 $_tile_overlayer_lowered  }
0x9b: {  	s22 =	simm.s32 $0x1BFF;
	s21 =	sshll.u32 s5, $0x1;
	s2 =	sadd.s32 s19, s18  }
0x9c: {  	s6 =	simm.s32 $0x0;
	s20 =	sshll.u32 s4, $0x1;
	s4 =	sadd.s32 s21, s2  }
0x9d: {  	[timem:s6], [sflag:s22] =	dma.local [hbm:s4], s20  }
0x9e: {  	_ =	swait.ge [sflag:s22], s20  }
0x9f: {  	s3 =	ssub.s32 $0x0, s20;
	[sflag:s22] =	ssyncset.done $0x0  }
0xa0: {  	[sflag:s22] =	ssyncadd.s32 s3;
	_ =	sdelay $0x1  }
0xa1: {  	s23 =	simm.s32 $0x1B8B  }
0xa2: {  	_ =	swait.ge [sflag:s23], $0x1  }
0xa3: {  	[sflag:s23] =	ssyncset.done $0x0  }
0xa4: {  	s25 =	simm.s32 $0x1B8E;
	s24 =	sld [smem:$0x3FFE];
	[sflag:s23] =	ssyncadd.s32 $0xFFFFFFFF  }
0xa5: {  	s26 =	simm.s32 $execute0_lowered;
	[smem:$0x3FD2] =	sst s25  }
0xa6: {  	s4 =	sshll.u32 s26, $0x1;
	_ =	strace $0x80000046;
	[dreg:$0x1] =	wrdreg $0xFFFFFFFF  }
0xa7: {  	s28 =	simm.s32 $_size_execute0_lowered;
	s2 =	sadd.s32 s2, s4;
	[dreg:$0x0] =	wrdreg $0x0  }
0xa8: {  	s4 =	sshll.u32 s28, $0x1;
	[dreg:$0x2] =	wrdreg s2  }
0xa9: {  	[dreg:$0x3] =	wrdreg s4  }
0xaa: {  	[dreg:$0x4] =	wrdreg $0xC0  }
0xab: {  	_ =	task [dreg:s6], $0x5FFFF  }
0xac: {  	[dreg:$0x1] =	wrdreg $0xFFFFFFFF  }
0xad: {  	[dreg:$0x0] =	wrdreg $0x60  }
0xae: {  	[dreg:$0x2] =	wrdreg s24  }
0xaf: {  	[dreg:$0x3] =	wrdreg $0xA  }
0xb0: {  	_ =	task.clear_ibuf [dreg:s6], $0x4FFFF;
	_ =	strace $0x90000046  }
0xb1: {  	s29 =	simm.s32 $0xA;
	_ =	strace $0x80000048  }
0xb2: {  	_ =	swait.ge [sflag:s29], $0x1  }
0xb3: {  	[sflag:s29] =	ssyncadd.s32 $0xFFFFFFFF  }
0xb4: {  	_ =	strace $0x90000048  }
0xb5: {  	_ =	sfence  }
0xb6: {  	s30 =	sld [smem:$0x0];
	_ =	sdelay $0x2  }
0xb7: {  	s31 =	sshll.u32 s1, $0xD;
	s1 =	sshrl.u32 s1, $0x2  }
0xb8: {  	s3 =	sand.u32 $0x4000, s31;
	s1 =	sadd.s32 s1, s30  }
0xb9: {  	s0 =	sor.u32 s3, s0;
	s1 =	sshll.u32 s1, $0x11  }
0xba: {  	s0 =	sor.u32 s1, s0  }
0xbb: {  	s0 =	sadd.s32 $0x8F2B, s0  }
0xbc: {  	[sflag:s0] =	ssyncadd.remote.s32 $0x1  }
0xbd: {  	_ =	sfence.sel $0xFFFF  }
0xbe: {  	[dreg:$0x0] =	wrdreg $0xFFFFFFFF;
	(pc) =	sbr.abs _section_cstart, $3  }
0xbf: {  	[dreg:$0x1] =	wrdreg $0xFFFFFFFF  }
0xc0: {  	_ =	task.clear_ibuf [dreg:s6], $0x2FFFF;
	_ =	strace $0x9FFFFFFF  }
0xc1: {  	(tm) =	ssettm $0x7FFFFFFF  }
tec
execute0_lowered:
.L_overlay_start_1:
0x0: {  	(tag) =	ssettag $0x1  }
0x1: {  	s1 =	srdreg.scid;
	s0 =	stileid.u32  }
0x2: {  	s6 =	rddreg [dreg:$0x0];
	s2 =	simm.s32 $0x0;
	s10 =	simm.s32 $0x5  }
0x3: {  	s11 =	simm.s32 $0x1400;
	s12 =	simm.s32 $0x28;
	s13 =	simm.s32 $0x2800  }
0x4: {  	s14 =	simm.s32 $0x5000;
	s15 =	simm.s32 $0x1;
	s16 =	simm.s32 $0x3  }
0x5: {  	s17 =	simm.s32 $0x6;
	s4 =	sand.u32 $0x1, s1;
	s31 =	sshll.u32 s0, $0x1  }
0x6: {  	s18 =	simm.s32 $0x2;
	s19 =	simm.s32 $0x4;
	s3 =	sor.u32 s4, s31  }
0x7: {  	s20 =	simm.s32 $0x3C00;
	s21 =	simm.s32 $0x0;
	s3 =	smul.u32 $0x1388, s3  }
.Ltmp0:
0x8: {  	[smem:$0x7FF] =	sst s2;
	s7 =	ssub.s32 $0x2, s4;
	(pc) =	sbr.rel .LBB2_1-.Ltmp0, $4  }
0x9: {  	s1 =	rddreg [dreg:$0x1];
	_ =	strace $0x80000047;
	s9 =	sshrl.u32 s7, $0x1  }
0xa: {  	s4 =	sadd.s32 $0xEC00, s6;
	s9 =	ssub.s32 s7, s9;
	s5 =	sshrl.u32 s3, $0x3  }
0xb: {  	s9 =	smax.u32 s9, $0x1;
	s8 =	sadd.s32 s5, s6;
	s5 =	sadd.s32 $0x35E00, s6  }
0xc: {  	s6 =	sadd.s32 $0xAB400, s6;
	s7 =	sadd.s32 $0x4C00, s8;
	s8 =	sadd.s32 $0x9C00, s8  }
.LBB2_9:
0xd: {  	s21 =	sadd.s32 $0x1, s21  }
0xe: {  	p0 =	sne.s32 s21, s9  }
.Ltmp1:
0xf: {  	_ = 	snop;
	(pc) =	sbr.rel @!p0 .LBB2_10-.Ltmp1, $1  }
0x10: {  	_ =	sdelay $0x3  }
.LBB2_1:
0x11: {  	[tilespmem:s2], [sflag:$0x5] =	stream.linear.gather [hbm4b:s7+s2], $0x1388, $0x38;
	[tilespmem:$0x7800] =	vst v63  }
0x12: {  	_ =	swait.ge [sflag:s10], $0x1388  }
0x13: {  	[sflag:s10] =	ssyncset.done $0x0  }
0x14: {  	[sflag:s10] =	ssyncadd.s32 $0xFFFFEC78  }
0x15: {  	[tilespmem:s11], [sflag:$0x5] =	stream.linear.gather [hbm4b:s8+s2], $0x1388, $0x38;
	[tilespmem:$0x7800] =	vst v63  }
0x16: {  	_ =	swait.ge [sflag:s10], $0x1388  }
.Ltmp2:
0x17: {  	[sflag:s10] =	ssyncset.done $0x0;
	(pc) =	sbr.rel .LBB2_2-.Ltmp2, $4  }
0x18: {  	[sflag:s10] =	ssyncadd.s32 $0xFFFFEC78  }
0x19: {  	[tilespmem:s13], [sflag:$0x1] =	stream.indirect.gather [hbm4b:s4+s12], $0x80, s2, s12, $0xb8;
	[tilespmem:$0x7800] =	vst v63  }
0x1a: {  	s22 =	simm.s32 $0x0  }
0x1b: {  	[tilespmem:s14], [sflag:$0x3] =	stream.indirect.gather [hbm4b:s5+s12], $0x80, s11, s12, $0xb8;
	[tilespmem:$0x7800] =	vst v63  }
.LBB2_8:
0x1c: {  	s22 =	sadd.s32 $0x1, s22  }
0x1d: {  	p0 =	sne.s32 s22, $0x3F  }
.Ltmp3:
0x1e: {  	_ = 	snop;
	(pc) =	sbr.rel @!p0 .LBB2_9-.Ltmp3, $1  }
0x1f: {  	_ =	sdelay $0x3  }
.LBB2_2:
0x20: {  	s23 =	sshllo.u32 s22, $0x1  }
0x21: {  	p0 =	sgt.u32 s23, $0x7C  }
0x22: {  	s24 =	smul.u32 @!p0 $0x28, s23  }
0x23: {  	s25 =	simm.s32 @!p0 $0x28;
	s26 =	simm.s32 @!p0 $0x3C00  }
0x24: {  	[tilespmem:s26], [sflag:$0x2] =	stream.indirect.gather @!p0 [hbm4b:s4+s25], $0x80, s24, s25, $0xb8;
	[tilespmem:$0x7800] =	vst v63  }
0x25: {  	s24 =	sadd.s32 @!p0 $0x1400, s24;
	s26 =	simm.s32 @!p0 $0x6400  }
0x26: {  	[tilespmem:s26], [sflag:$0x4] =	stream.indirect.gather @!p0 [hbm4b:s5+s25], $0x80, s24, s25, $0xb8;
	[tilespmem:$0x7800] =	vst v63  }
0x27: {  	_ =	swait.ge [sflag:s15], $0x1400  }
0x28: {  	[sflag:s15] =	ssyncset.done $0x0  }
0x29: {  	[sflag:s15] =	ssyncadd.s32 $0xFFFFEC00  }
0x2a: {  	_ =	swait.ge [sflag:s16], $0x1400  }
0x2b: {  	[sflag:s16] =	ssyncset.done $0x0  }
0x2c: {  	s24 =	simm.s32 $0x0;
	[sflag:s16] =	ssyncadd.s32 $0xFFFFEC00  }
0x2d: {  	v6 =	vld [tilespmem:s24+$0x5000]  }
0x2e: {  	v11 =	vld [tilespmem:s24+$0x5010]  }
0x2f: {  	v5 =	vld [tilespmem:s24+$0x5020]  }
0x30: {  	v4 =	vld [tilespmem:s24+$0x5030]  }
0x31: {  	v3 =	vld [tilespmem:s24+$0x5040]  }
0x32: {  	v2 =	vld [tilespmem:s24+$0x5050]  }
0x33: {  	v1 =	vld [tilespmem:s24+$0x5060]  }
0x34: {  	v0 =	vld [tilespmem:s24+$0x5070]  }
0x35: {  	v12 =	vld [tilespmem:s24+$0x2800]  }
0x36: {  	v13 =	vld [tilespmem:s24+$0x2810]  }
0x37: {  	v10 =	vld [tilespmem:s24+$0x2820]  }
0x38: {  	v9 =	vld [tilespmem:s24+$0x2830]  }
0x39: {  	v8 =	vld [tilespmem:s24+$0x2840]  }
0x3a: {  	v7 =	vld [tilespmem:s24+$0x2850];
	v12 =	vadd.f32 v6, v12  }
0x3b: {  	s25 =	simm.s32 $0x200;
	v11 =	vadd.f32 v11, v13;
	v6 =	vld [tilespmem:s24+$0x2860]  }
.LBB2_3:
0x3c: {  	s26 =	sshra.s32 s25, $0x2;
	p1 =	sne.s32 s25, $0x4E00;
	[tilespmem:s24+$0x2800] =	vst v12;
	v5 =	vadd.f32 v5, v10;
	v10 =	vld [tilespmem:s24+$0x2870]  }
0x3d: {  	v12 =	vld [tilespmem:s26+$0x5000];
	[tilespmem:s24+$0x2810] =	vst v11;
	v4 =	vadd.f32 v4, v9  }
0x3e: {  	v11 =	vld [tilespmem:s26+$0x5010];
	[tilespmem:s24+$0x2820] =	vst v5;
	v3 =	vadd.f32 v3, v8  }
0x3f: {  	v5 =	vld [tilespmem:s26+$0x5020];
	[tilespmem:s24+$0x2830] =	vst v4;
	v2 =	vadd.f32 v2, v7  }
0x40: {  	v4 =	vld [tilespmem:s26+$0x5030];
	[tilespmem:s24+$0x2840] =	vst v3;
	v1 =	vadd.f32 v1, v6  }
0x41: {  	v3 =	vld [tilespmem:s26+$0x5040];
	[tilespmem:s24+$0x2850] =	vst v2;
	v0 =	vadd.f32 v0, v10  }
0x42: {  	v2 =	vld [tilespmem:s26+$0x5050];
	[tilespmem:s24+$0x2860] =	vst v1  }
0x43: {  	v1 =	vld [tilespmem:s26+$0x5060];
	[tilespmem:s24+$0x2870] =	vst v0;
	s24 =	smov.u32 s26  }
0x44: {  	v0 =	vld [tilespmem:s24+$0x5070]  }
0x45: {  	v6 =	vld [tilespmem:s24+$0x2800]  }
0x46: {  	v13 =	vld [tilespmem:s24+$0x2810]  }
.Ltmp4:
0x47: {  	v10 =	vld [tilespmem:s24+$0x2820];
	(pc) =	sbr.rel @p1 .LBB2_3-.Ltmp4, $4  }
0x48: {  	v9 =	vld [tilespmem:s24+$0x2830]  }
0x49: {  	v8 =	vld [tilespmem:s24+$0x2840]  }
0x4a: {  	v12 =	vadd.f32 v12, v6;
	v7 =	vld [tilespmem:s24+$0x2850]  }
0x4b: {  	s25 =	sadd.s32 $0x200, s25;
	v11 =	vadd.f32 v11, v13;
	v6 =	vld [tilespmem:s24+$0x2860]  }
0x4c: {  	[tilespmem:s24+$0x2800] =	vst v12;
	v5 =	vadd.f32 v5, v10;
	v63 =	vld [tilespmem:s24+$0x2870]  }
0x4d: {  	[tilespmem:s24+$0x2810] =	vst v11;
	v4 =	vadd.f32 v4, v9  }
0x4e: {  	[tilespmem:s24+$0x2820] =	vst v5;
	v3 =	vadd.f32 v3, v8  }
0x4f: {  	s25 =	smul.u32 $0x50, s22;
	[tilespmem:s24+$0x2830] =	vst v4;
	v2 =	vadd.f32 v2, v7  }
0x50: {  	[tilespmem:s24+$0x2840] =	vst v3;
	v1 =	vadd.f32 v1, v6  }
0x51: {  	s26 =	sadd.s32 s3, s25;
	[tilespmem:s24+$0x2850] =	vst v2;
	v0 =	vadd.f32 v0, v63  }
0x52: {  	s26 =	sshll.u32 s26, $0x4;
	[tilespmem:s24+$0x2860] =	vst v1  }
.Ltmp5:
0x53: {  	s31 =	sadd.s32 s6, s26;
	[tilespmem:s24+$0x2870] =	vst v0;
	(pc) =	sbr.rel @p0 .LBB2_8-.Ltmp5, $4  }
0x54: {  	[hbm4b:s31+s2] =	stream.linear.scatter [tilespmem:s13], [sflag:$0x6], $0x1400, $0x38;
	[tilespmem:$0x7800] =	vst v63  }
0x55: {  	_ =	swait.ge [sflag:s17], $0x1400  }
0x56: {  	[sflag:s17] =	ssyncset.done $0x0  }
0x57: {  	[sflag:s17] =	ssyncadd.s32 $0xFFFFEC00  }
0x58: {  	s24 =	sadd.s32 $0x50, s25  }
0x59: {  	[tilespmem:s13], [sflag:$0x1] =	stream.indirect.gather [hbm4b:s4+s12], $0x80, s24, s12, $0xb8;
	[tilespmem:$0x7800] =	vst v63  }
0x5a: {  	s31 =	sadd.s32 $0x1450, s25  }
0x5b: {  	[tilespmem:s14], [sflag:$0x3] =	stream.indirect.gather [hbm4b:s5+s12], $0x80, s31, s12, $0xb8;
	[tilespmem:$0x7800] =	vst v63  }
0x5c: {  	_ =	swait.ge [sflag:s18], $0x1400  }
0x5d: {  	[sflag:s18] =	ssyncset.done $0x0  }
0x5e: {  	[sflag:s18] =	ssyncadd.s32 $0xFFFFEC00  }
0x5f: {  	_ =	swait.ge [sflag:s19], $0x1400  }
0x60: {  	[sflag:s19] =	ssyncset.done $0x0  }
0x61: {  	s24 =	simm.s32 $0x0;
	[sflag:s19] =	ssyncadd.s32 $0xFFFFEC00  }
0x62: {  	v6 =	vld [tilespmem:s24+$0x6400]  }
0x63: {  	v11 =	vld [tilespmem:s24+$0x6410]  }
0x64: {  	v5 =	vld [tilespmem:s24+$0x6420]  }
0x65: {  	v4 =	vld [tilespmem:s24+$0x6430]  }
0x66: {  	v3 =	vld [tilespmem:s24+$0x6440]  }
0x67: {  	v2 =	vld [tilespmem:s24+$0x6450]  }
0x68: {  	v1 =	vld [tilespmem:s24+$0x6460]  }
0x69: {  	v0 =	vld [tilespmem:s24+$0x6470]  }
0x6a: {  	v12 =	vld [tilespmem:s24+$0x3C00]  }
0x6b: {  	v13 =	vld [tilespmem:s24+$0x3C10]  }
0x6c: {  	v10 =	vld [tilespmem:s24+$0x3C20]  }
0x6d: {  	v9 =	vld [tilespmem:s24+$0x3C30]  }
0x6e: {  	v8 =	vld [tilespmem:s24+$0x3C40]  }
0x6f: {  	v7 =	vld [tilespmem:s24+$0x3C50];
	v12 =	vadd.f32 v6, v12  }
0x70: {  	s25 =	simm.s32 $0x200;
	v11 =	vadd.f32 v11, v13;
	v6 =	vld [tilespmem:s24+$0x3C60]  }
.LBB2_6:
0x71: {  	s26 =	sshra.s32 s25, $0x2;
	p0 =	sne.s32 s25, $0x4E00;
	[tilespmem:s24+$0x3C00] =	vst v12;
	v5 =	vadd.f32 v5, v10;
	v10 =	vld [tilespmem:s24+$0x3C70]  }
0x72: {  	v12 =	vld [tilespmem:s26+$0x6400];
	[tilespmem:s24+$0x3C10] =	vst v11;
	v4 =	vadd.f32 v4, v9  }
0x73: {  	v11 =	vld [tilespmem:s26+$0x6410];
	[tilespmem:s24+$0x3C20] =	vst v5;
	v3 =	vadd.f32 v3, v8  }
0x74: {  	v5 =	vld [tilespmem:s26+$0x6420];
	[tilespmem:s24+$0x3C30] =	vst v4;
	v2 =	vadd.f32 v2, v7  }
0x75: {  	v4 =	vld [tilespmem:s26+$0x6430];
	[tilespmem:s24+$0x3C40] =	vst v3;
	v1 =	vadd.f32 v1, v6  }
0x76: {  	v3 =	vld [tilespmem:s26+$0x6440];
	[tilespmem:s24+$0x3C50] =	vst v2;
	v0 =	vadd.f32 v0, v10  }
0x77: {  	v2 =	vld [tilespmem:s26+$0x6450];
	[tilespmem:s24+$0x3C60] =	vst v1  }
0x78: {  	v1 =	vld [tilespmem:s26+$0x6460];
	[tilespmem:s24+$0x3C70] =	vst v0;
	s24 =	smov.u32 s26  }
0x79: {  	v0 =	vld [tilespmem:s24+$0x6470]  }
0x7a: {  	v6 =	vld [tilespmem:s24+$0x3C00]  }
0x7b: {  	v13 =	vld [tilespmem:s24+$0x3C10]  }
.Ltmp6:
0x7c: {  	v10 =	vld [tilespmem:s24+$0x3C20];
	(pc) =	sbr.rel @p0 .LBB2_6-.Ltmp6, $4  }
0x7d: {  	v9 =	vld [tilespmem:s24+$0x3C30]  }
0x7e: {  	v8 =	vld [tilespmem:s24+$0x3C40]  }
0x7f: {  	v12 =	vadd.f32 v12, v6;
	v7 =	vld [tilespmem:s24+$0x3C50]  }
0x80: {  	s25 =	sadd.s32 $0x200, s25;
	v11 =	vadd.f32 v11, v13;
	v6 =	vld [tilespmem:s24+$0x3C60]  }
0x81: {  	[tilespmem:s24+$0x3C00] =	vst v12;
	v5 =	vadd.f32 v5, v10;
	v63 =	vld [tilespmem:s24+$0x3C70]  }
0x82: {  	[tilespmem:s24+$0x3C10] =	vst v11;
	v4 =	vadd.f32 v4, v9  }
0x83: {  	[tilespmem:s24+$0x3C20] =	vst v5;
	v3 =	vadd.f32 v3, v8  }
0x84: {  	s23 =	smul.u32 $0x28, s23;
	[tilespmem:s24+$0x3C30] =	vst v4;
	v2 =	vadd.f32 v2, v7  }
0x85: {  	[tilespmem:s24+$0x3C40] =	vst v3;
	v1 =	vadd.f32 v1, v6  }
0x86: {  	s23 =	sadd.s32 s3, s23;
	[tilespmem:s24+$0x3C50] =	vst v2;
	v0 =	vadd.f32 v0, v63  }
0x87: {  	s23 =	sshll.u32 s23, $0x4;
	[tilespmem:s24+$0x3C60] =	vst v1  }
.Ltmp7:
0x88: {  	s23 =	sadd.s32 s6, s23;
	[tilespmem:s24+$0x3C70] =	vst v0;
	(pc) =	sbr.rel .LBB2_8-.Ltmp7, $4  }
0x89: {  	[hbm4b:s23+s2] =	stream.linear.scatter [tilespmem:s20], [sflag:$0x5], $0x1400, $0x38;
	[tilespmem:$0x7800] =	vst v63  }
0x8a: {  	_ =	swait.ge [sflag:s10], $0x1400  }
0x8b: {  	[sflag:s10] =	ssyncset.done $0x0  }
0x8c: {  	[sflag:s10] =	ssyncadd.s32 $0xFFFFEC00  }
.LBB2_10:
0x8d: {  	_ =	sfence.sel $0x180000  }
0x8e: {  	[bflag:$0x0] =	sbarrier.arrive $0xFFFF  }
0x8f: {  	p0 =	sne.s32 s0, $0x0;
	_ =	strace $0x90000047  }
0x90: {  	s0 =	sadd.s32 @!p0 $0x100000, s1;
	[bflag:$0x2] =	sbarrier.arrive $0xFFFF  }
0x91: {  	[sflag:s0] =	ssyncadd.tile.s32 @!p0 $0x1;
	_ =	shalt  }
.Lfunc_end2:
_tile_overlayer_lowered:
.L_overlay_start_2:
0x92: {  	(tag) =	ssettag $0x2  }
0x93: {  	s0 =	rddreg [dreg:$0x0];
	s2 =	stileid.u32  }
0x94: {  	s1 =	rddreg [dreg:$0x1];
	p0 =	sne.s32 s2, $0x0  }
0x95: {  	s3 =	rddreg [dreg:$0x2];
	[bflag:$0x3] =	sbarrier.arrive $0xFFFF;
	s2 =	simm.s32 @!p0 $0x1C05  }
0x96: {  	[timem:s3], [sflag:s2] =	dma.local @!p0 [hbm:s0], s1  }
0x97: {  	s0 =	simm.s32 @!p0 $0x5  }
0x98: {  	_ =	swait.ge @!p0 [sflag:s0], s1  }
0x99: {  	s1 =	ssub.s32 @!p0 $0x0, s1;
	[sflag:s0] =	ssyncset.done @!p0 $0x0  }
0x9a: {  	[sflag:s0] =	ssyncadd.s32 @!p0 s1  }
0x9b: {  	[bflag:$0x3] =	sbarrier.arrive $0xFFFF  }
0x9c: {  	_ =	shalt  }

// kernel: kernel.18.cloned.1.call-start
scs
__scs_entry_jumppad:
0x0: {  	(pc) =	sbr.rel $0x88, $3  }
0x1: {  	(tag) =	ssettag $0x0;
	lr =	simm.s32 $0x1  }
0x2: {  	[smem:$0x3F98] =	sst lr;
	_ =	strace $0xD0000000  }
0x3: {  	_ = 	snop  }
0x4: {  	_ = 	snop  }
0x5: {  	_ = 	snop  }
0x6: {  	_ = 	snop  }
0x7: {  	_ = 	snop  }
__scs_overlays_trampoline_lowered:
0x8: {  	[smem:$0x3FA7] =	sst s0  }
0x9: {  	[smem:$0x3FA8] =	sst s1  }
0xa: {  	[smem:$0x3FA9] =	sst s2  }
0xb: {  	[smem:$0x3FAA] =	sst s3  }
0xc: {  	[smem:$0x3FAB] =	sst s4  }
0xd: {  	[smem:$0x3FAC] =	sst s5  }
0xe: {  	[smem:$0x3FAD] =	sst s6  }
0xf: {  	[smem:$0x3FAE] =	sst s7  }
0x10: {  	[smem:$0x3FAF] =	sst s8  }
0x11: {  	[smem:$0x3FB0] =	sst s9;
	s0 =	simm.s32 @!p0 $0x0  }
0x12: {  	s1 =	sld [smem:$0x3F96];
	s0 =	simm.s32 @p0 $0x1  }
0x13: {  	[smem:$0x3FB1] =	sst s0;
	s0 =	simm.s32 @!p1 $0x0  }
0x14: {  	s2 =	sld [smem:$0x3F95];
	s0 =	simm.s32 @p1 $0x1  }
0x15: {  	[smem:$0x3FB2] =	sst s0;
	s0 =	simm.s32 @!p2 $0x0  }
0x16: {  	s3 =	sld [smem:$0x3FDB];
	s0 =	simm.s32 @p2 $0x1  }
0x17: {  	s4 =	simm.s32 $0x1BF5;
	[smem:$0x3FB4] =	sst s0  }
0x18: {  	s0 =	sld [smem:$0x3F97];
	_ =	swait.ge [sflag:s4], $0x0  }
0x19: {  	s7 =	sld [smem:$0x3F98]  }
0x1a: {  	s8 =	sadd.s32 $0xFFFFE003, lr  }
0x1b: {  	s9 =	sadd.s32 $0xFFFFFEF7, lr;
	s5 =	simm.s32 $0xFFFFFFFF;
	p2 =	slt.u32 s8, $0xFFFFF086  }
0x1c: {  	p1 =	slt.u32 s9, $0xF7A;
	s5 =	simm.s32 @!p2 $0x0  }
0x1d: {  	s5 =	simm.s32 @p1 $0x1;
	p0 =	seq.s32 s7, s2  }
0x1e: {  	s7 =	smul.u32 @!p0 $0xF7A, s2;
	p2 =	seq.s32 @!p0 s5, $0x0  }
0x1f: {  	s9 =	smul.u32 $0xF7A, s1;
	s8 =	simm.s32 @!p0 $0x1BF5;
	p2 =	por !p2, p0  }
0x20: {  	[sflag:s8] =	ssyncset.s32 @!p0 $0xFFFFF086;
	s6 =	sadd.s32 @!p0 s3, s7;
	s7 =	simm.s32 @!p0 $0x108  }
0x21: {  	s3 =	sadd.s32 s3, s9;
	s6 =	sadd.s32 @!p0 $0x88, s6;
	s7 =	simm.s32 @p2 $0x1082  }
0x22: {  	[simem:s7], [sflag:s8] =	dma.local @!p0 [hbm:s6], $0xF7A  }
0x23: {  	s9 =	sor.u32 $0xD0000000, s2;
	s6 =	simm.s32 $0x108;
	_ =	swait.ge @!p0 [sflag:s8], $0x0  }
0x24: {  	s3 =	sadd.s32 $0x88, s3;
	s6 =	simm.s32 @!p1 $0x1082;
	[sflag:s4] =	ssyncset.s32 $0xFFFFF086  }
0x25: {  	[simem:s6], [sflag:s4] =	dma.local [hbm:s3], $0xF7A  }
0x26: {  	[smem:$0x3F98] =	sst s1;
	(tag) =	ssettag s2;
	_ =	strace s9  }
0x27: {  	s1 =	sld [smem:$0x3FA8]  }
0x28: {  	s2 =	sld [smem:$0x3FA9]  }
0x29: {  	s4 =	sld [smem:$0x3FAB]  }
0x2a: {  	p0 =	seq.s32 s5, $0x0;
	s5 =	sld [smem:$0x3FAC]  }
0x2b: {  	s6 =	sld [smem:$0x3FAD]  }
0x2c: {  	s7 =	sld [smem:$0x3FAE]  }
0x2d: {  	s3 =	simm.s32 $0x108;
	s8 =	sld [smem:$0x3FAF]  }
0x2e: {  	s3 =	simm.s32 @!p0 $0x1082;
	s9 =	sld [smem:$0x3FB0]  }
0x2f: {  	lr =	sadd.s32 s0, s3;
	s0 =	sld [smem:$0x3FA7]  }
0x30: {  	s3 =	sld [smem:$0x3FAA]  }
0x31: {  	[smem:$0x3FB3] =	sst s10  }
0x32: {  	s10 =	sld [smem:$0x3FB1];
	_ =	sdelay $0x3  }
0x33: {  	p0 =	seq.s32 s10, $0x1;
	s10 =	sld [smem:$0x3FB3];
	_ =	sdelay $0x3  }
0x34: {  	[smem:$0x3FB3] =	sst s10  }
0x35: {  	s10 =	sld [smem:$0x3FB2];
	_ =	sdelay $0x3  }
0x36: {  	p1 =	seq.s32 s10, $0x1;
	s10 =	sld [smem:$0x3FB3];
	_ =	sdelay $0x3  }
0x37: {  	[smem:$0x3FB3] =	sst s10  }
0x38: {  	s10 =	sld [smem:$0x3FB4]  }
0x39: {  	_ = 	snop;
	(pc) =	sbr.ind lr, $3  }
0x3a: {  	_ = 	snop  }
0x3b: {  	_ = 	snop  }
0x3c: {  	p2 =	seq.s32 s10, $0x1;
	s10 =	sld [smem:$0x3FB3]  }
0x3d: {  	_ =	shalt  }
0x3e: {  	_ =	shalt  }
0x3f: {  	_ =	shalt  }
0x40: {  	_ =	shalt  }
0x41: {  	_ =	shalt  }
0x42: {  	_ =	shalt  }
0x43: {  	_ =	shalt  }
0x44: {  	_ =	shalt  }
0x45: {  	_ =	shalt  }
0x46: {  	_ =	shalt  }
0x47: {  	_ =	shalt  }
0x48: {  	_ =	shalt  }
0x49: {  	_ =	shalt  }
0x4a: {  	_ =	shalt  }
0x4b: {  	_ =	shalt  }
0x4c: {  	_ =	shalt  }
0x4d: {  	_ =	shalt  }
0x4e: {  	_ =	shalt  }
0x4f: {  	_ =	shalt  }
0x50: {  	_ =	shalt  }
0x51: {  	_ =	shalt  }
0x52: {  	_ =	shalt  }
0x53: {  	_ =	shalt  }
0x54: {  	_ =	shalt  }
0x55: {  	_ =	shalt  }
0x56: {  	_ =	shalt  }
0x57: {  	_ =	shalt  }
0x58: {  	_ =	shalt  }
0x59: {  	_ =	shalt  }
0x5a: {  	_ =	shalt  }
0x5b: {  	_ =	shalt  }
0x5c: {  	_ =	shalt  }
0x5d: {  	_ =	shalt  }
0x5e: {  	_ =	shalt  }
0x5f: {  	_ =	shalt  }
0x60: {  	_ =	shalt  }
0x61: {  	_ =	shalt  }
0x62: {  	_ =	shalt  }
0x63: {  	_ =	shalt  }
0x64: {  	_ =	shalt  }
0x65: {  	_ =	shalt  }
0x66: {  	_ =	shalt  }
0x67: {  	_ =	shalt  }
0x68: {  	_ =	shalt  }
0x69: {  	_ =	shalt  }
0x6a: {  	_ =	shalt  }
0x6b: {  	_ =	shalt  }
0x6c: {  	_ =	shalt  }
0x6d: {  	_ =	shalt  }
0x6e: {  	_ =	shalt  }
0x6f: {  	_ =	shalt  }
0x70: {  	_ =	shalt  }
0x71: {  	_ =	shalt  }
0x72: {  	_ =	shalt  }
0x73: {  	_ =	shalt  }
0x74: {  	_ =	shalt  }
0x75: {  	_ =	shalt  }
0x76: {  	_ =	shalt  }
0x77: {  	_ =	shalt  }
0x78: {  	_ =	shalt  }
0x79: {  	_ =	shalt  }
0x7a: {  	_ =	shalt  }
0x7b: {  	_ =	shalt  }
0x7c: {  	_ =	shalt  }
0x7d: {  	_ =	shalt  }
0x7e: {  	_ =	shalt  }
0x7f: {  	_ =	shalt  }
0x80: {  	_ =	shalt  }
0x81: {  	_ =	shalt  }
0x82: {  	_ =	shalt  }
0x83: {  	_ =	shalt  }
0x84: {  	_ =	shalt  }
0x85: {  	_ =	shalt  }
0x86: {  	_ =	shalt  }
0x87: {  	_ =	shalt  }
.Lfunc_end0:
.L_simem_size_0:
called_computation.1_lowered:
.L_overlay_start_0:
0x88: {  	s2 =	sld [smem:$0x3FD9]  }
0x89: {  	s3 =	sld [smem:$0x3FFE];
	_ =	sdelay $0x1  }
0x8a: {  	s1 =	srdreg.scid  }
0x8b: {  	s0 =	sand.u32 $0x1, s1  }
0x8c: {  	s15 =	sshll.u32 s0, $0xA;
	s2 =	sadd.s32 s3, s2  }
0x8d: {  	s2 =	sadd.s32 s2, s15  }
0x8e: {  	[smem:$0x3FBF] =	sst s2  }
0x8f: {  	_ = 	snop  }
0x90: {  	s2 =	sld [smem:$0x3FD0];
	_ =	sdelay $0x2  }
0x91: {  	s16 =	simm.s32 $0xD;
	s4 =	simm.s32 $0x10  }
0x92: {  	[smem:s4], [sflag:s16] =	dma.local [hbm:s2], $0x1  }
0x93: {  	_ =	swait.eq [sflag:s16], $0x1  }
0x94: {  	[sflag:s16] =	ssyncset.done $0x0  }
0x95: {  	[sflag:s16] =	ssyncadd.s32 $0xFFFFFFFF  }
0x96: {  	s17 =	sld [smem:$0x11];
	(tm) =	ssettm $0x1  }
0x97: {  	s18 =	sld [smem:$0x3FFB];
	_ =	sdelay $0x3  }
0x98: {  	_ =	strace s18  }
0x99: {  	s2 =	sld [smem:$0x3FFC];
	_ =	sdelay $0x3  }
0x9a: {  	_ =	strace s2  }
0x9b: {  	s2 =	sld [smem:$0x3FFD];
	_ =	sdelay $0x3  }
0x9c: {  	_ =	strace s2  }
0x9d: {  	_ =	strace $0x8FFFFFFF  }
0x9e: {  	s19 =	sld [smem:$0x3FDB];
	_ =	sdelay $0x1  }
0x9f: {  	s20 =	simm.s32 $_scs_section_size  }
0xa0: {  	s5 =	simm.s32 $_size__tile_overlayer_lowered;
	s6 =	simm.s32 $_tile_overlayer_lowered  }
0xa1: {  	s7 =	simm.s32 $0x1BFF;
	s21 =	sshll.u32 s6, $0x1;
	s4 =	sadd.s32 s20, s19  }
0xa2: {  	s22 =	simm.s32 $0x0;
	s5 =	sshll.u32 s5, $0x1;
	s6 =	sadd.s32 s21, s4  }
0xa3: {  	[timem:s22], [sflag:s7] =	dma.local [hbm:s6], s5  }
0xa4: {  	_ =	swait.ge [sflag:s7], s5  }
0xa5: {  	s5 =	ssub.s32 $0x0, s5;
	[sflag:s7] =	ssyncset.done $0x0  }
0xa6: {  	[sflag:s7] =	ssyncadd.s32 s5;
	_ =	sdelay $0x1  }
0xa7: {  	s23 =	simm.s32 $0x1B8B  }
0xa8: {  	_ =	swait.ge [sflag:s23], $0x1  }
0xa9: {  	[sflag:s23] =	ssyncset.done $0x0  }
0xaa: {  	[sflag:s23] =	ssyncadd.s32 $0xFFFFFFFF  }
0xab: {  	s5 =	sld [smem:$0x0]  }
0xac: {  	s6 =	sand.u32 $0xFFFFFFFE, s1  }
0xad: {  	p0 =	sne.s32 s1, s6  }
0xae: {  	s6 =	sshll.u32 @p0 s6, $0xE  }
0xaf: {  	s6 =	sadd.s32 @p0 $0x11B8D, s6;
	s7 =	sshll.u32 @p0 s5, $0x11  }
0xb0: {  	s6 =	sor.u32 @p0 s7, s6  }
0xb1: {  	[sflag:s6] =	ssyncadd.remote.s32 @p0 $0x1;
	_ =	sdelay $0x1  }
0xb2: {  	s6 =	simm.s32 @p0 $0x1B8D  }
0xb3: {  	_ =	swait.eq @p0 [sflag:s6], $0x1  }
0xb4: {  	[sflag:s6] =	ssyncadd.s32 @p0 $0xFFFFFFFF  }
0xb5: {  	s7 =	sshll.u32 @!p0 s1, $0xE  }
0xb6: {  	s7 =	sor.u32 @!p0 $0x4000, s7;
	s6 =	simm.s32 @!p0 $0x1B8D  }
0xb7: {  	s5 =	sshll.u32 @!p0 s5, $0x11;
	s7 =	sadd.s32 @!p0 $0x11B8D, s7;
	_ =	swait.eq @!p0 [sflag:s6], $0x1  }
0xb8: {  	s5 =	sor.u32 @!p0 s5, s7;
	[sflag:s6] =	ssyncadd.s32 @!p0 $0xFFFFFFFF  }
0xb9: {  	s25 =	simm.s32 $0x1B8E;
	s24 =	sld [smem:$0x3FFE];
	[sflag:s5] =	ssyncadd.remote.s32 @!p0 $0x1  }
0xba: {  	s26 =	simm.s32 $execute0_lowered;
	[smem:$0x3FD2] =	sst s25  }
0xbb: {  	s6 =	sshll.u32 s26, $0x1;
	_ =	strace $0x80000049;
	[dreg:$0x1] =	wrdreg $0xFFFFFFFF  }
0xbc: {  	s28 =	simm.s32 $_size_execute0_lowered;
	s4 =	sadd.s32 s4, s6;
	[dreg:$0x0] =	wrdreg $0x0  }
0xbd: {  	s6 =	sshll.u32 s28, $0x1;
	[dreg:$0x2] =	wrdreg s4  }
0xbe: {  	[dreg:$0x3] =	wrdreg s6  }
0xbf: {  	[dreg:$0x4] =	wrdreg $0xC0  }
0xc0: {  	_ =	task [dreg:s22], $0x5FFFF  }
0xc1: {  	[dreg:$0x1] =	wrdreg $0xFFFFFFFF  }
0xc2: {  	[dreg:$0x0] =	wrdreg $0x60  }
0xc3: {  	[dreg:$0x2] =	wrdreg s24  }
0xc4: {  	[dreg:$0x3] =	wrdreg s17  }
0xc5: {  	[dreg:$0x4] =	wrdreg $0xB  }
0xc6: {  	_ =	task.clear_ibuf [dreg:s22], $0x5FFFF;
	_ =	strace $0x90000049  }
0xc7: {  	s29 =	simm.s32 $0xB;
	_ =	strace $0x8000004B  }
0xc8: {  	_ =	swait.ge [sflag:s29], $0x1  }
0xc9: {  	[sflag:s29] =	ssyncadd.s32 $0xFFFFFFFF  }
0xca: {  	_ =	strace $0x9000004B  }
0xcb: {  	_ =	sfence  }
0xcc: {  	s30 =	sld [smem:$0x0];
	_ =	sdelay $0x2  }
0xcd: {  	s31 =	sshll.u32 s1, $0xD;
	s1 =	sshrl.u32 s1, $0x2  }
0xce: {  	s4 =	sand.u32 $0x4000, s31;
	s1 =	sadd.s32 s1, s30  }
0xcf: {  	s0 =	sor.u32 s4, s0;
	s1 =	sshll.u32 s1, $0x11  }
0xd0: {  	s0 =	sor.u32 s1, s0  }
0xd1: {  	s0 =	sadd.s32 $0x8F2B, s0  }
0xd2: {  	[sflag:s0] =	ssyncadd.remote.s32 $0x1  }
0xd3: {  	_ =	sfence.sel $0xFFFF  }
0xd4: {  	[dreg:$0x0] =	wrdreg $0xFFFFFFFF;
	(pc) =	sbr.abs _section_cstart, $3  }
0xd5: {  	[dreg:$0x1] =	wrdreg $0xFFFFFFFF  }
0xd6: {  	_ =	task.clear_ibuf [dreg:s22], $0x2FFFF;
	_ =	strace $0x9FFFFFFF  }
0xd7: {  	(tm) =	ssettm $0x7FFFFFFF  }
tec
execute0_lowered:
.L_overlay_start_1:
0x0: {  	(tag) =	ssettag $0x1  }
0x1: {  	s1 =	srdreg.scid;
	s6 =	rddreg [dreg:$0x0]  }
0x2: {  	s0 =	stileid.u32;
	s2 =	rddreg [dreg:$0x1];
	s4 =	simm.s32 $0x0  }
0x3: {  	s11 =	simm.s32 $0x1400;
	s12 =	simm.s32 $0x28;
	s13 =	simm.s32 $0x2800  }
0x4: {  	s14 =	simm.s32 $0x5000;
	s15 =	simm.s32 $0x1;
	s16 =	simm.s32 $0x3  }
0x5: {  	s17 =	simm.s32 $0x6;
	s5 =	sand.u32 $0x1, s1;
	s30 =	sshll.u32 s0, $0x1  }
0x6: {  	s18 =	simm.s32 $0x2;
	s19 =	simm.s32 $0x4;
	s1 =	sor.u32 s5, s30  }
0x7: {  	s20 =	simm.s32 $0x3C00;
	s21 =	simm.s32 $0x0;
	s3 =	smul.u32 $0x1388, s1  }
.Ltmp0:
0x8: {  	[smem:$0x7FF] =	sst s4;
	s8 =	ssub.s32 $0x2, s5;
	(pc) =	sbr.rel .LBB2_1-.Ltmp0, $4  }
0x9: {  	s5 =	sadd.s32 $0xEC00, s6;
	s1 =	rddreg [dreg:$0x2];
	s7 =	sshrl.u32 s3, $0x3  }
0xa: {  	_ =	strace $0x8000004A;
	s31 =	sshrl.u32 s8, $0x1;
	s9 =	sadd.s32 s7, s6  }
0xb: {  	s10 =	ssub.s32 s8, s31;
	s6 =	sadd.s32 $0x35E00, s6;
	s7 =	sadd.s32 $0x326200, s9  }
0xc: {  	s8 =	sadd.s32 $0x32B200, s9;
	s9 =	smax.u32 s10, $0x1;
	s10 =	simm.s32 $0x5  }
.LBB2_9:
0xd: {  	s21 =	sadd.s32 $0x1, s21  }
0xe: {  	p0 =	sne.s32 s21, s9  }
.Ltmp1:
0xf: {  	_ = 	snop;
	(pc) =	sbr.rel @!p0 .LBB2_10-.Ltmp1, $1  }
0x10: {  	_ =	sdelay $0x3  }
.LBB2_1:
0x11: {  	[tilespmem:s4], [sflag:$0x5] =	stream.linear.gather [hbm4b:s7+s4], $0x1388, $0x38;
	[tilespmem:$0x7800] =	vst v63  }
0x12: {  	_ =	swait.ge [sflag:s10], $0x1388  }
0x13: {  	[sflag:s10] =	ssyncset.done $0x0  }
0x14: {  	[sflag:s10] =	ssyncadd.s32 $0xFFFFEC78  }
0x15: {  	[tilespmem:s11], [sflag:$0x5] =	stream.linear.gather [hbm4b:s8+s4], $0x1388, $0x38;
	[tilespmem:$0x7800] =	vst v63  }
0x16: {  	_ =	swait.ge [sflag:s10], $0x1388  }
.Ltmp2:
0x17: {  	[sflag:s10] =	ssyncset.done $0x0;
	(pc) =	sbr.rel .LBB2_2-.Ltmp2, $4  }
0x18: {  	[sflag:s10] =	ssyncadd.s32 $0xFFFFEC78  }
0x19: {  	[tilespmem:s13], [sflag:$0x1] =	stream.indirect.gather [hbm4b:s5+s12], $0x80, s4, s12, $0xb8;
	[tilespmem:$0x7800] =	vst v63  }
0x1a: {  	s22 =	simm.s32 $0x0  }
0x1b: {  	[tilespmem:s14], [sflag:$0x3] =	stream.indirect.gather [hbm4b:s6+s12], $0x80, s11, s12, $0xb8;
	[tilespmem:$0x7800] =	vst v63  }
.LBB2_8:
0x1c: {  	s22 =	sadd.s32 $0x1, s22  }
0x1d: {  	p0 =	sne.s32 s22, $0x3F  }
.Ltmp3:
0x1e: {  	_ = 	snop;
	(pc) =	sbr.rel @!p0 .LBB2_9-.Ltmp3, $1  }
0x1f: {  	_ =	sdelay $0x3  }
.LBB2_2:
0x20: {  	s23 =	sshllo.u32 s22, $0x1  }
0x21: {  	p0 =	sgt.u32 s23, $0x7C  }
0x22: {  	s24 =	smul.u32 @!p0 $0x28, s23  }
0x23: {  	s25 =	simm.s32 @!p0 $0x28;
	s26 =	simm.s32 @!p0 $0x3C00  }
0x24: {  	[tilespmem:s26], [sflag:$0x2] =	stream.indirect.gather @!p0 [hbm4b:s5+s25], $0x80, s24, s25, $0xb8;
	[tilespmem:$0x7800] =	vst v63  }
0x25: {  	s24 =	sadd.s32 @!p0 $0x1400, s24;
	s26 =	simm.s32 @!p0 $0x6400  }
0x26: {  	[tilespmem:s26], [sflag:$0x4] =	stream.indirect.gather @!p0 [hbm4b:s6+s25], $0x80, s24, s25, $0xb8;
	[tilespmem:$0x7800] =	vst v63  }
0x27: {  	_ =	swait.ge [sflag:s15], $0x1400  }
0x28: {  	[sflag:s15] =	ssyncset.done $0x0  }
0x29: {  	[sflag:s15] =	ssyncadd.s32 $0xFFFFEC00  }
0x2a: {  	_ =	swait.ge [sflag:s16], $0x1400  }
0x2b: {  	[sflag:s16] =	ssyncset.done $0x0  }
0x2c: {  	s24 =	simm.s32 $0x0;
	[sflag:s16] =	ssyncadd.s32 $0xFFFFEC00  }
0x2d: {  	v6 =	vld [tilespmem:s24+$0x5000]  }
0x2e: {  	v11 =	vld [tilespmem:s24+$0x5010]  }
0x2f: {  	v5 =	vld [tilespmem:s24+$0x5020]  }
0x30: {  	v4 =	vld [tilespmem:s24+$0x5030]  }
0x31: {  	v3 =	vld [tilespmem:s24+$0x5040]  }
0x32: {  	v2 =	vld [tilespmem:s24+$0x5050]  }
0x33: {  	v1 =	vld [tilespmem:s24+$0x5060]  }
0x34: {  	v0 =	vld [tilespmem:s24+$0x5070]  }
0x35: {  	v12 =	vld [tilespmem:s24+$0x2800]  }
0x36: {  	v13 =	vld [tilespmem:s24+$0x2810]  }
0x37: {  	v10 =	vld [tilespmem:s24+$0x2820]  }
0x38: {  	v9 =	vld [tilespmem:s24+$0x2830]  }
0x39: {  	v8 =	vld [tilespmem:s24+$0x2840]  }
0x3a: {  	v7 =	vld [tilespmem:s24+$0x2850];
	v12 =	vadd.f32 v6, v12  }
0x3b: {  	s25 =	simm.s32 $0x200;
	v11 =	vadd.f32 v11, v13;
	v6 =	vld [tilespmem:s24+$0x2860]  }
.LBB2_3:
0x3c: {  	s26 =	sshra.s32 s25, $0x2;
	p1 =	sne.s32 s25, $0x4E00;
	[tilespmem:s24+$0x2800] =	vst v12;
	v5 =	vadd.f32 v5, v10;
	v10 =	vld [tilespmem:s24+$0x2870]  }
0x3d: {  	v12 =	vld [tilespmem:s26+$0x5000];
	[tilespmem:s24+$0x2810] =	vst v11;
	v4 =	vadd.f32 v4, v9  }
0x3e: {  	v11 =	vld [tilespmem:s26+$0x5010];
	[tilespmem:s24+$0x2820] =	vst v5;
	v3 =	vadd.f32 v3, v8  }
0x3f: {  	v5 =	vld [tilespmem:s26+$0x5020];
	[tilespmem:s24+$0x2830] =	vst v4;
	v2 =	vadd.f32 v2, v7  }
0x40: {  	v4 =	vld [tilespmem:s26+$0x5030];
	[tilespmem:s24+$0x2840] =	vst v3;
	v1 =	vadd.f32 v1, v6  }
0x41: {  	v3 =	vld [tilespmem:s26+$0x5040];
	[tilespmem:s24+$0x2850] =	vst v2;
	v0 =	vadd.f32 v0, v10  }
0x42: {  	v2 =	vld [tilespmem:s26+$0x5050];
	[tilespmem:s24+$0x2860] =	vst v1  }
0x43: {  	v1 =	vld [tilespmem:s26+$0x5060];
	[tilespmem:s24+$0x2870] =	vst v0;
	s24 =	smov.u32 s26  }
0x44: {  	v0 =	vld [tilespmem:s24+$0x5070]  }
0x45: {  	v6 =	vld [tilespmem:s24+$0x2800]  }
0x46: {  	v13 =	vld [tilespmem:s24+$0x2810]  }
.Ltmp4:
0x47: {  	v10 =	vld [tilespmem:s24+$0x2820];
	(pc) =	sbr.rel @p1 .LBB2_3-.Ltmp4, $4  }
0x48: {  	v9 =	vld [tilespmem:s24+$0x2830]  }
0x49: {  	v8 =	vld [tilespmem:s24+$0x2840]  }
0x4a: {  	v12 =	vadd.f32 v12, v6;
	v7 =	vld [tilespmem:s24+$0x2850]  }
0x4b: {  	s25 =	sadd.s32 $0x200, s25;
	v11 =	vadd.f32 v11, v13;
	v6 =	vld [tilespmem:s24+$0x2860]  }
0x4c: {  	[tilespmem:s24+$0x2800] =	vst v12;
	v5 =	vadd.f32 v5, v10;
	v63 =	vld [tilespmem:s24+$0x2870]  }
0x4d: {  	[tilespmem:s24+$0x2810] =	vst v11;
	v4 =	vadd.f32 v4, v9  }
0x4e: {  	[tilespmem:s24+$0x2820] =	vst v5;
	v3 =	vadd.f32 v3, v8  }
0x4f: {  	s25 =	smul.u32 $0x50, s22;
	[tilespmem:s24+$0x2830] =	vst v4;
	v2 =	vadd.f32 v2, v7  }
0x50: {  	[tilespmem:s24+$0x2840] =	vst v3;
	v1 =	vadd.f32 v1, v6  }
0x51: {  	s26 =	sadd.s32 s3, s25;
	[tilespmem:s24+$0x2850] =	vst v2;
	v0 =	vadd.f32 v0, v63  }
0x52: {  	s26 =	sshll.u32 s26, $0x4;
	[tilespmem:s24+$0x2860] =	vst v1  }
.Ltmp5:
0x53: {  	s31 =	sadd.s32 s2, s26;
	[tilespmem:s24+$0x2870] =	vst v0;
	(pc) =	sbr.rel @p0 .LBB2_8-.Ltmp5, $4  }
0x54: {  	[hbm4b:s31+s4] =	stream.linear.scatter [tilespmem:s13], [sflag:$0x6], $0x1400, $0x38;
	[tilespmem:$0x7800] =	vst v63  }
0x55: {  	_ =	swait.ge [sflag:s17], $0x1400  }
0x56: {  	[sflag:s17] =	ssyncset.done $0x0  }
0x57: {  	[sflag:s17] =	ssyncadd.s32 $0xFFFFEC00  }
0x58: {  	s24 =	sadd.s32 $0x50, s25  }
0x59: {  	[tilespmem:s13], [sflag:$0x1] =	stream.indirect.gather [hbm4b:s5+s12], $0x80, s24, s12, $0xb8;
	[tilespmem:$0x7800] =	vst v63  }
0x5a: {  	s31 =	sadd.s32 $0x1450, s25  }
0x5b: {  	[tilespmem:s14], [sflag:$0x3] =	stream.indirect.gather [hbm4b:s6+s12], $0x80, s31, s12, $0xb8;
	[tilespmem:$0x7800] =	vst v63  }
0x5c: {  	_ =	swait.ge [sflag:s18], $0x1400  }
0x5d: {  	[sflag:s18] =	ssyncset.done $0x0  }
0x5e: {  	[sflag:s18] =	ssyncadd.s32 $0xFFFFEC00  }
0x5f: {  	_ =	swait.ge [sflag:s19], $0x1400  }
0x60: {  	[sflag:s19] =	ssyncset.done $0x0  }
0x61: {  	s24 =	simm.s32 $0x0;
	[sflag:s19] =	ssyncadd.s32 $0xFFFFEC00  }
0x62: {  	v6 =	vld [tilespmem:s24+$0x6400]  }
0x63: {  	v11 =	vld [tilespmem:s24+$0x6410]  }
0x64: {  	v5 =	vld [tilespmem:s24+$0x6420]  }
0x65: {  	v4 =	vld [tilespmem:s24+$0x6430]  }
0x66: {  	v3 =	vld [tilespmem:s24+$0x6440]  }
0x67: {  	v2 =	vld [tilespmem:s24+$0x6450]  }
0x68: {  	v1 =	vld [tilespmem:s24+$0x6460]  }
0x69: {  	v0 =	vld [tilespmem:s24+$0x6470]  }
0x6a: {  	v12 =	vld [tilespmem:s24+$0x3C00]  }
0x6b: {  	v13 =	vld [tilespmem:s24+$0x3C10]  }
0x6c: {  	v10 =	vld [tilespmem:s24+$0x3C20]  }
0x6d: {  	v9 =	vld [tilespmem:s24+$0x3C30]  }
0x6e: {  	v8 =	vld [tilespmem:s24+$0x3C40]  }
0x6f: {  	v7 =	vld [tilespmem:s24+$0x3C50];
	v12 =	vadd.f32 v6, v12  }
0x70: {  	s25 =	simm.s32 $0x200;
	v11 =	vadd.f32 v11, v13;
	v6 =	vld [tilespmem:s24+$0x3C60]  }
.LBB2_6:
0x71: {  	s26 =	sshra.s32 s25, $0x2;
	p0 =	sne.s32 s25, $0x4E00;
	[tilespmem:s24+$0x3C00] =	vst v12;
	v5 =	vadd.f32 v5, v10;
	v10 =	vld [tilespmem:s24+$0x3C70]  }
0x72: {  	v12 =	vld [tilespmem:s26+$0x6400];
	[tilespmem:s24+$0x3C10] =	vst v11;
	v4 =	vadd.f32 v4, v9  }
0x73: {  	v11 =	vld [tilespmem:s26+$0x6410];
	[tilespmem:s24+$0x3C20] =	vst v5;
	v3 =	vadd.f32 v3, v8  }
0x74: {  	v5 =	vld [tilespmem:s26+$0x6420];
	[tilespmem:s24+$0x3C30] =	vst v4;
	v2 =	vadd.f32 v2, v7  }
0x75: {  	v4 =	vld [tilespmem:s26+$0x6430];
	[tilespmem:s24+$0x3C40] =	vst v3;
	v1 =	vadd.f32 v1, v6  }
0x76: {  	v3 =	vld [tilespmem:s26+$0x6440];
	[tilespmem:s24+$0x3C50] =	vst v2;
	v0 =	vadd.f32 v0, v10  }
0x77: {  	v2 =	vld [tilespmem:s26+$0x6450];
	[tilespmem:s24+$0x3C60] =	vst v1  }
0x78: {  	v1 =	vld [tilespmem:s26+$0x6460];
	[tilespmem:s24+$0x3C70] =	vst v0;
	s24 =	smov.u32 s26  }
0x79: {  	v0 =	vld [tilespmem:s24+$0x6470]  }
0x7a: {  	v6 =	vld [tilespmem:s24+$0x3C00]  }
0x7b: {  	v13 =	vld [tilespmem:s24+$0x3C10]  }
.Ltmp6:
0x7c: {  	v10 =	vld [tilespmem:s24+$0x3C20];
	(pc) =	sbr.rel @p0 .LBB2_6-.Ltmp6, $4  }
0x7d: {  	v9 =	vld [tilespmem:s24+$0x3C30]  }
0x7e: {  	v8 =	vld [tilespmem:s24+$0x3C40]  }
0x7f: {  	v12 =	vadd.f32 v12, v6;
	v7 =	vld [tilespmem:s24+$0x3C50]  }
0x80: {  	s25 =	sadd.s32 $0x200, s25;
	v11 =	vadd.f32 v11, v13;
	v6 =	vld [tilespmem:s24+$0x3C60]  }
0x81: {  	[tilespmem:s24+$0x3C00] =	vst v12;
	v5 =	vadd.f32 v5, v10;
	v63 =	vld [tilespmem:s24+$0x3C70]  }
0x82: {  	[tilespmem:s24+$0x3C10] =	vst v11;
	v4 =	vadd.f32 v4, v9  }
0x83: {  	[tilespmem:s24+$0x3C20] =	vst v5;
	v3 =	vadd.f32 v3, v8  }
0x84: {  	s23 =	smul.u32 $0x28, s23;
	[tilespmem:s24+$0x3C30] =	vst v4;
	v2 =	vadd.f32 v2, v7  }
0x85: {  	[tilespmem:s24+$0x3C40] =	vst v3;
	v1 =	vadd.f32 v1, v6  }
0x86: {  	s23 =	sadd.s32 s3, s23;
	[tilespmem:s24+$0x3C50] =	vst v2;
	v0 =	vadd.f32 v0, v63  }
0x87: {  	s23 =	sshll.u32 s23, $0x4;
	[tilespmem:s24+$0x3C60] =	vst v1  }
.Ltmp7:
0x88: {  	s23 =	sadd.s32 s2, s23;
	[tilespmem:s24+$0x3C70] =	vst v0;
	(pc) =	sbr.rel .LBB2_8-.Ltmp7, $4  }
0x89: {  	[hbm4b:s23+s4] =	stream.linear.scatter [tilespmem:s20], [sflag:$0x5], $0x1400, $0x38;
	[tilespmem:$0x7800] =	vst v63  }
0x8a: {  	_ =	swait.ge [sflag:s10], $0x1400  }
0x8b: {  	[sflag:s10] =	ssyncset.done $0x0  }
0x8c: {  	[sflag:s10] =	ssyncadd.s32 $0xFFFFEC00  }
.LBB2_10:
0x8d: {  	_ =	sfence.sel $0x180000  }
0x8e: {  	[bflag:$0x0] =	sbarrier.arrive $0xFFFF  }
0x8f: {  	p0 =	sne.s32 s0, $0x0;
	_ =	strace $0x9000004A  }
0x90: {  	s0 =	sadd.s32 @!p0 $0x100000, s1;
	[bflag:$0x2] =	sbarrier.arrive $0xFFFF  }
0x91: {  	[sflag:s0] =	ssyncadd.tile.s32 @!p0 $0x1;
	_ =	shalt  }
.Lfunc_end2:
_tile_overlayer_lowered:
.L_overlay_start_2:
0x92: {  	(tag) =	ssettag $0x2  }
0x93: {  	s0 =	rddreg [dreg:$0x0];
	s2 =	stileid.u32  }
0x94: {  	s1 =	rddreg [dreg:$0x1];
	p0 =	sne.s32 s2, $0x0  }
0x95: {  	s3 =	rddreg [dreg:$0x2];
	[bflag:$0x3] =	sbarrier.arrive $0xFFFF;
	s2 =	simm.s32 @!p0 $0x1C05  }
0x96: {  	[timem:s3], [sflag:s2] =	dma.local @!p0 [hbm:s0], s1  }
0x97: {  	s0 =	simm.s32 @!p0 $0x5  }
0x98: {  	_ =	swait.ge @!p0 [sflag:s0], s1  }
0x99: {  	s1 =	ssub.s32 @!p0 $0x0, s1;
	[sflag:s0] =	ssyncset.done @!p0 $0x0  }
0x9a: {  	[sflag:s0] =	ssyncadd.s32 @!p0 s1  }
0x9b: {  	[bflag:$0x3] =	sbarrier.arrive $0xFFFF  }
0x9c: {  	_ =	shalt  }

// kernel: kernel.21.cloned.1.call-start
scs
__scs_entry_jumppad:
0x0: {  	(pc) =	sbr.rel $0x88, $3  }
0x1: {  	(tag) =	ssettag $0x0;
	lr =	simm.s32 $0x1  }
0x2: {  	[smem:$0x3F98] =	sst lr;
	_ =	strace $0xD0000000  }
0x3: {  	_ = 	snop  }
0x4: {  	_ = 	snop  }
0x5: {  	_ = 	snop  }
0x6: {  	_ = 	snop  }
0x7: {  	_ = 	snop  }
__scs_overlays_trampoline_lowered:
0x8: {  	[smem:$0x3FA7] =	sst s0  }
0x9: {  	[smem:$0x3FA8] =	sst s1  }
0xa: {  	[smem:$0x3FA9] =	sst s2  }
0xb: {  	[smem:$0x3FAA] =	sst s3  }
0xc: {  	[smem:$0x3FAB] =	sst s4  }
0xd: {  	[smem:$0x3FAC] =	sst s5  }
0xe: {  	[smem:$0x3FAD] =	sst s6  }
0xf: {  	[smem:$0x3FAE] =	sst s7  }
0x10: {  	[smem:$0x3FAF] =	sst s8  }
0x11: {  	[smem:$0x3FB0] =	sst s9;
	s0 =	simm.s32 @!p0 $0x0  }
0x12: {  	s1 =	sld [smem:$0x3F96];
	s0 =	simm.s32 @p0 $0x1  }
0x13: {  	[smem:$0x3FB1] =	sst s0;
	s0 =	simm.s32 @!p1 $0x0  }
0x14: {  	s2 =	sld [smem:$0x3F95];
	s0 =	simm.s32 @p1 $0x1  }
0x15: {  	[smem:$0x3FB2] =	sst s0;
	s0 =	simm.s32 @!p2 $0x0  }
0x16: {  	s3 =	sld [smem:$0x3FDB];
	s0 =	simm.s32 @p2 $0x1  }
0x17: {  	s4 =	simm.s32 $0x1BF5;
	[smem:$0x3FB4] =	sst s0  }
0x18: {  	s0 =	sld [smem:$0x3F97];
	_ =	swait.ge [sflag:s4], $0x0  }
0x19: {  	s7 =	sld [smem:$0x3F98]  }
0x1a: {  	s8 =	sadd.s32 $0xFFFFE003, lr  }
0x1b: {  	s9 =	sadd.s32 $0xFFFFFEF7, lr;
	s5 =	simm.s32 $0xFFFFFFFF;
	p2 =	slt.u32 s8, $0xFFFFF086  }
0x1c: {  	p1 =	slt.u32 s9, $0xF7A;
	s5 =	simm.s32 @!p2 $0x0  }
0x1d: {  	s5 =	simm.s32 @p1 $0x1;
	p0 =	seq.s32 s7, s2  }
0x1e: {  	s7 =	smul.u32 @!p0 $0xF7A, s2;
	p2 =	seq.s32 @!p0 s5, $0x0  }
0x1f: {  	s9 =	smul.u32 $0xF7A, s1;
	s8 =	simm.s32 @!p0 $0x1BF5;
	p2 =	por !p2, p0  }
0x20: {  	[sflag:s8] =	ssyncset.s32 @!p0 $0xFFFFF086;
	s6 =	sadd.s32 @!p0 s3, s7;
	s7 =	simm.s32 @!p0 $0x108  }
0x21: {  	s3 =	sadd.s32 s3, s9;
	s6 =	sadd.s32 @!p0 $0x88, s6;
	s7 =	simm.s32 @p2 $0x1082  }
0x22: {  	[simem:s7], [sflag:s8] =	dma.local @!p0 [hbm:s6], $0xF7A  }
0x23: {  	s9 =	sor.u32 $0xD0000000, s2;
	s6 =	simm.s32 $0x108;
	_ =	swait.ge @!p0 [sflag:s8], $0x0  }
0x24: {  	s3 =	sadd.s32 $0x88, s3;
	s6 =	simm.s32 @!p1 $0x1082;
	[sflag:s4] =	ssyncset.s32 $0xFFFFF086  }
0x25: {  	[simem:s6], [sflag:s4] =	dma.local [hbm:s3], $0xF7A  }
0x26: {  	[smem:$0x3F98] =	sst s1;
	(tag) =	ssettag s2;
	_ =	strace s9  }
0x27: {  	s1 =	sld [smem:$0x3FA8]  }
0x28: {  	s2 =	sld [smem:$0x3FA9]  }
0x29: {  	s4 =	sld [smem:$0x3FAB]  }
0x2a: {  	p0 =	seq.s32 s5, $0x0;
	s5 =	sld [smem:$0x3FAC]  }
0x2b: {  	s6 =	sld [smem:$0x3FAD]  }
0x2c: {  	s7 =	sld [smem:$0x3FAE]  }
0x2d: {  	s3 =	simm.s32 $0x108;
	s8 =	sld [smem:$0x3FAF]  }
0x2e: {  	s3 =	simm.s32 @!p0 $0x1082;
	s9 =	sld [smem:$0x3FB0]  }
0x2f: {  	lr =	sadd.s32 s0, s3;
	s0 =	sld [smem:$0x3FA7]  }
0x30: {  	s3 =	sld [smem:$0x3FAA]  }
0x31: {  	[smem:$0x3FB3] =	sst s10  }
0x32: {  	s10 =	sld [smem:$0x3FB1];
	_ =	sdelay $0x3  }
0x33: {  	p0 =	seq.s32 s10, $0x1;
	s10 =	sld [smem:$0x3FB3];
	_ =	sdelay $0x3  }
0x34: {  	[smem:$0x3FB3] =	sst s10  }
0x35: {  	s10 =	sld [smem:$0x3FB2];
	_ =	sdelay $0x3  }
0x36: {  	p1 =	seq.s32 s10, $0x1;
	s10 =	sld [smem:$0x3FB3];
	_ =	sdelay $0x3  }
0x37: {  	[smem:$0x3FB3] =	sst s10  }
0x38: {  	s10 =	sld [smem:$0x3FB4]  }
0x39: {  	_ = 	snop;
	(pc) =	sbr.ind lr, $3  }
0x3a: {  	_ = 	snop  }
0x3b: {  	_ = 	snop  }
0x3c: {  	p2 =	seq.s32 s10, $0x1;
	s10 =	sld [smem:$0x3FB3]  }
0x3d: {  	_ =	shalt  }
0x3e: {  	_ =	shalt  }
0x3f: {  	_ =	shalt  }
0x40: {  	_ =	shalt  }
0x41: {  	_ =	shalt  }
0x42: {  	_ =	shalt  }
0x43: {  	_ =	shalt  }
0x44: {  	_ =	shalt  }
0x45: {  	_ =	shalt  }
0x46: {  	_ =	shalt  }
0x47: {  	_ =	shalt  }
0x48: {  	_ =	shalt  }
0x49: {  	_ =	shalt  }
0x4a: {  	_ =	shalt  }
0x4b: {  	_ =	shalt  }
0x4c: {  	_ =	shalt  }
0x4d: {  	_ =	shalt  }
0x4e: {  	_ =	shalt  }
0x4f: {  	_ =	shalt  }
0x50: {  	_ =	shalt  }
0x51: {  	_ =	shalt  }
0x52: {  	_ =	shalt  }
0x53: {  	_ =	shalt  }
0x54: {  	_ =	shalt  }
0x55: {  	_ =	shalt  }
0x56: {  	_ =	shalt  }
0x57: {  	_ =	shalt  }
0x58: {  	_ =	shalt  }
0x59: {  	_ =	shalt  }
0x5a: {  	_ =	shalt  }
0x5b: {  	_ =	shalt  }
0x5c: {  	_ =	shalt  }
0x5d: {  	_ =	shalt  }
0x5e: {  	_ =	shalt  }
0x5f: {  	_ =	shalt  }
0x60: {  	_ =	shalt  }
0x61: {  	_ =	shalt  }
0x62: {  	_ =	shalt  }
0x63: {  	_ =	shalt  }
0x64: {  	_ =	shalt  }
0x65: {  	_ =	shalt  }
0x66: {  	_ =	shalt  }
0x67: {  	_ =	shalt  }
0x68: {  	_ =	shalt  }
0x69: {  	_ =	shalt  }
0x6a: {  	_ =	shalt  }
0x6b: {  	_ =	shalt  }
0x6c: {  	_ =	shalt  }
0x6d: {  	_ =	shalt  }
0x6e: {  	_ =	shalt  }
0x6f: {  	_ =	shalt  }
0x70: {  	_ =	shalt  }
0x71: {  	_ =	shalt  }
0x72: {  	_ =	shalt  }
0x73: {  	_ =	shalt  }
0x74: {  	_ =	shalt  }
0x75: {  	_ =	shalt  }
0x76: {  	_ =	shalt  }
0x77: {  	_ =	shalt  }
0x78: {  	_ =	shalt  }
0x79: {  	_ =	shalt  }
0x7a: {  	_ =	shalt  }
0x7b: {  	_ =	shalt  }
0x7c: {  	_ =	shalt  }
0x7d: {  	_ =	shalt  }
0x7e: {  	_ =	shalt  }
0x7f: {  	_ =	shalt  }
0x80: {  	_ =	shalt  }
0x81: {  	_ =	shalt  }
0x82: {  	_ =	shalt  }
0x83: {  	_ =	shalt  }
0x84: {  	_ =	shalt  }
0x85: {  	_ =	shalt  }
0x86: {  	_ =	shalt  }
0x87: {  	_ =	shalt  }
.Lfunc_end0:
.L_simem_size_0:
called_computation.2_lowered:
.L_overlay_start_0:
0x88: {  	s2 =	sld [smem:$0x3FD9]  }
0x89: {  	s3 =	sld [smem:$0x3FFE];
	_ =	sdelay $0x1  }
0x8a: {  	s1 =	srdreg.scid  }
0x8b: {  	s0 =	sand.u32 $0x1, s1  }
0x8c: {  	s17 =	sshll.u32 s0, $0xA;
	s2 =	sadd.s32 s3, s2  }
0x8d: {  	s2 =	sadd.s32 s2, s17  }
0x8e: {  	[smem:$0x3FBF] =	sst s2  }
0x8f: {  	_ = 	snop  }
0x90: {  	(tm) =	ssettm $0x1  }
0x91: {  	s18 =	sld [smem:$0x3FFB];
	_ =	sdelay $0x3  }
0x92: {  	_ =	strace s18  }
0x93: {  	s2 =	sld [smem:$0x3FFC];
	_ =	sdelay $0x3  }
0x94: {  	_ =	strace s2  }
0x95: {  	s2 =	sld [smem:$0x3FFD];
	_ =	sdelay $0x3  }
0x96: {  	_ =	strace s2  }
0x97: {  	_ =	strace $0x8FFFFFFF  }
0x98: {  	s19 =	sld [smem:$0x3FDB];
	_ =	sdelay $0x1  }
0x99: {  	s20 =	simm.s32 $_scs_section_size  }
0x9a: {  	s4 =	simm.s32 $_size__tile_overlayer_lowered;
	s5 =	simm.s32 $_tile_overlayer_lowered  }
0x9b: {  	s6 =	simm.s32 $0x1BFF;
	s21 =	sshll.u32 s5, $0x1;
	s3 =	sadd.s32 s20, s19  }
0x9c: {  	s22 =	simm.s32 $0x0;
	s4 =	sshll.u32 s4, $0x1;
	s5 =	sadd.s32 s21, s3  }
0x9d: {  	[timem:s22], [sflag:s6] =	dma.local [hbm:s5], s4  }
0x9e: {  	_ =	swait.ge [sflag:s6], s4  }
0x9f: {  	s4 =	ssub.s32 $0x0, s4;
	[sflag:s6] =	ssyncset.done $0x0  }
0xa0: {  	[sflag:s6] =	ssyncadd.s32 s4;
	_ =	sdelay $0x1  }
0xa1: {  	s23 =	simm.s32 $0x1B8B  }
0xa2: {  	_ =	swait.ge [sflag:s23], $0x1  }
0xa3: {  	[sflag:s23] =	ssyncset.done $0x0  }
0xa4: {  	[sflag:s23] =	ssyncadd.s32 $0xFFFFFFFF  }
0xa5: {  	s4 =	sld [smem:$0x0]  }
0xa6: {  	s5 =	sand.u32 $0xFFFFFFFE, s1  }
0xa7: {  	p0 =	sne.s32 s1, s5  }
0xa8: {  	s5 =	sshll.u32 @p0 s5, $0xE  }
0xa9: {  	s5 =	sadd.s32 @p0 $0x11B8D, s5;
	s6 =	sshll.u32 @p0 s4, $0x11  }
0xaa: {  	s5 =	sor.u32 @p0 s6, s5  }
0xab: {  	[sflag:s5] =	ssyncadd.remote.s32 @p0 $0x1;
	_ =	sdelay $0x1  }
0xac: {  	s5 =	simm.s32 @p0 $0x1B8D  }
0xad: {  	_ =	swait.eq @p0 [sflag:s5], $0x1  }
0xae: {  	[sflag:s5] =	ssyncadd.s32 @p0 $0xFFFFFFFF  }
0xaf: {  	s6 =	sshll.u32 @!p0 s1, $0xE  }
0xb0: {  	s6 =	sor.u32 @!p0 $0x4000, s6;
	s5 =	simm.s32 @!p0 $0x1B8D  }
0xb1: {  	s4 =	sshll.u32 @!p0 s4, $0x11;
	s6 =	sadd.s32 @!p0 $0x11B8D, s6;
	_ =	swait.eq @!p0 [sflag:s5], $0x1  }
0xb2: {  	s4 =	sor.u32 @!p0 s4, s6;
	[sflag:s5] =	ssyncadd.s32 @!p0 $0xFFFFFFFF  }
0xb3: {  	s25 =	simm.s32 $0x1B8E;
	s24 =	sld [smem:$0x3FFE];
	[sflag:s4] =	ssyncadd.remote.s32 @!p0 $0x1  }
0xb4: {  	s26 =	simm.s32 $execute0_lowered;
	[smem:$0x3FD2] =	sst s25  }
0xb5: {  	s5 =	sshll.u32 s26, $0x1;
	_ =	strace $0x8000004C;
	[dreg:$0x1] =	wrdreg $0xFFFFFFFF  }
0xb6: {  	s28 =	simm.s32 $_size_execute0_lowered;
	s3 =	sadd.s32 s3, s5;
	[dreg:$0x0] =	wrdreg $0x0  }
0xb7: {  	s5 =	sshll.u32 s28, $0x1;
	[dreg:$0x2] =	wrdreg s3  }
0xb8: {  	[dreg:$0x3] =	wrdreg s5  }
0xb9: {  	[dreg:$0x4] =	wrdreg $0xC0  }
0xba: {  	_ =	task [dreg:s22], $0x5FFFF  }
0xbb: {  	[dreg:$0x1] =	wrdreg $0xFFFFFFFF  }
0xbc: {  	[dreg:$0x0] =	wrdreg $0x60  }
0xbd: {  	[dreg:$0x2] =	wrdreg s24  }
0xbe: {  	[dreg:$0x3] =	wrdreg $0xC  }
0xbf: {  	_ =	task.clear_ibuf [dreg:s22], $0x4FFFF;
	_ =	strace $0x9000004C  }
0xc0: {  	s29 =	simm.s32 $0xC;
	_ =	strace $0x8000004E  }
0xc1: {  	_ =	swait.ge [sflag:s29], $0x1  }
0xc2: {  	[sflag:s29] =	ssyncadd.s32 $0xFFFFFFFF  }
0xc3: {  	_ =	strace $0x9000004E  }
0xc4: {  	_ =	sfence  }
0xc5: {  	s30 =	sld [smem:$0x0];
	_ =	sdelay $0x2  }
0xc6: {  	s31 =	sshll.u32 s1, $0xD;
	s1 =	sshrl.u32 s1, $0x2  }
0xc7: {  	s4 =	sand.u32 $0x4000, s31;
	s1 =	sadd.s32 s1, s30  }
0xc8: {  	s0 =	sor.u32 s4, s0;
	s1 =	sshll.u32 s1, $0x11  }
0xc9: {  	s0 =	sor.u32 s1, s0  }
0xca: {  	s0 =	sadd.s32 $0x8F2B, s0  }
0xcb: {  	[sflag:s0] =	ssyncadd.remote.s32 $0x1  }
0xcc: {  	_ =	sfence.sel $0xFFFF  }
0xcd: {  	[dreg:$0x0] =	wrdreg $0xFFFFFFFF;
	(pc) =	sbr.abs _section_cstart, $3  }
0xce: {  	[dreg:$0x1] =	wrdreg $0xFFFFFFFF  }
0xcf: {  	_ =	task.clear_ibuf [dreg:s22], $0x2FFFF;
	_ =	strace $0x9FFFFFFF  }
0xd0: {  	(tm) =	ssettm $0x7FFFFFFF  }
0xd1: {  	_ =	shalt  }
tec
execute0_lowered:
.L_overlay_start_1:
0x0: {  	(tag) =	ssettag $0x1  }
0x1: {  	s1 =	srdreg.scid;
	s0 =	stileid.u32  }
0x2: {  	s6 =	rddreg [dreg:$0x0];
	s2 =	simm.s32 $0x0;
	s12 =	simm.s32 $0x1  }
0x3: {  	s13 =	simm.s32 $0x4;
	s14 =	simm.s32 $0x2;
	s15 =	simm.s32 $0x0  }
0x4: {  	s5 =	sand.u32 $0x1, s1;
	s25 =	sshll.u32 s0, $0x1;
	s1 =	rddreg [dreg:$0x1]  }
0x5: {  	[smem:$0x7FF] =	sst s2;
	s11 =	sadd.s32 $0x330200, s6;
	s28 =	smul.u32 $0x27100, s0  }
0x6: {  	s4 =	sor.u32 s5, s25;
	s8 =	ssub.s32 $0x2, s5;
	s30 =	smul.u32 $0x13880, s5  }
0x7: {  	_ =	strace $0x8000004D;
	s3 =	smul.u32 $0x1388, s4;
	s9 =	sshrl.u32 s8, $0x1  }
0x8: {  	s10 =	smul.u32 $0x13880, s4;
	s31 =	sadd.s32 s28, s11;
	s26 =	ssub.s32 s8, s9  }
0x9: {  	s8 =	simm.s32 $0x3;
	s9 =	simm.s32 $0x1400;
	s3 =	sshrl.u32 s3, $0x3  }
0xa: {  	s29 =	sadd.s32 s11, s10;
	s5 =	smax.u32 s26, $0x1;
	s10 =	simm.s32 $0x28  }
0xb: {  	s11 =	simm.s32 $0x2800;
	s7 =	sadd.s32 s3, s6;
	s3 =	sadd.s32 $0x5D000, s6  }
0xc: {  	s6 =	sadd.s32 $0x13600, s29;
	s4 =	sadd.s32 $0x4C00, s7;
	s7 =	sadd.s32 s30, s31  }
.LBB2_1:
0xd: {  	[tilespmem:s2], [sflag:$0x3] =	stream.linear.gather [hbm4b:s4+s2], $0x1388, $0x38;
	[tilespmem:$0x3C00] =	vst v63  }
0xe: {  	_ =	swait.ge [sflag:s8], $0x1388  }
0xf: {  	[sflag:s8] =	ssyncset.done $0x0  }
0x10: {  	[sflag:s8] =	ssyncadd.s32 $0xFFFFEC78  }
0x11: {  	[tilespmem:s9], [sflag:$0x1] =	stream.indirect.gather [hbm4b:s3+s10], $0x80, s2, s10, $0xb8;
	[tilespmem:$0x3C00] =	vst v63  }
0x12: {  	_ = 	snop  }
0x13: {  	[tilespmem:s11], [sflag:$0x2] =	stream.indirect.gather [hbm4b:s3+s10], $0x80, s10, s10, $0xb8;
	[tilespmem:$0x3C00] =	vst v63  }
0x14: {  	_ =	swait.ge [sflag:s12], $0x1400  }
0x15: {  	[sflag:s12] =	ssyncset.done $0x0  }
0x16: {  	s16 =	sadd.s32 $0x0, s7;
	[sflag:s12] =	ssyncadd.s32 $0xFFFFEC00  }
0x17: {  	[hbm4b:s16+s2] =	stream.linear.scatter [tilespmem:s9], [sflag:$0x4], $0x1400, $0x38;
	[tilespmem:$0x3C00] =	vst v63  }
0x18: {  	_ =	swait.ge [sflag:s13], $0x1400  }
0x19: {  	[sflag:s13] =	ssyncset.done $0x0  }
0x1a: {  	s17 =	simm.s32 $0x50;
	[sflag:s13] =	ssyncadd.s32 $0xFFFFEC00  }
0x1b: {  	[tilespmem:s9], [sflag:$0x1] =	stream.indirect.gather [hbm4b:s3+s10], $0x80, s17, s10, $0xb8;
	[tilespmem:$0x3C00] =	vst v63  }
0x1c: {  	_ =	swait.ge [sflag:s14], $0x1400  }
0x1d: {  	[sflag:s14] =	ssyncset.done $0x0  }
0x1e: {  	s16 =	sadd.s32 $0x280, s16;
	[sflag:s14] =	ssyncadd.s32 $0xFFFFEC00  }
0x1f: {  	[hbm4b:s16+s2] =	stream.linear.scatter [tilespmem:s11], [sflag:$0x3], $0x1400, $0x38;
	[tilespmem:$0x3C00] =	vst v63  }
0x20: {  	_ =	swait.ge [sflag:s8], $0x1400  }
0x21: {  	s17 =	simm.s32 $0x28;
	s16 =	simm.s32 $0x500;
	[sflag:s8] =	ssyncset.done $0x0  }
.LBB2_2:
0x22: {  	p0 =	sne.s32 s16, $0x13100;
	[sflag:s8] =	ssyncadd.s32 $0xFFFFEC00;
	s17 =	sadd.s32 $0x50, s17  }
0x23: {  	[tilespmem:s11], [sflag:$0x2] =	stream.indirect.gather [hbm4b:s3+s10], $0x80, s17, s10, $0xb8;
	[tilespmem:$0x3C00] =	vst v63  }
0x24: {  	s18 =	smov.u32 s16;
	s16 =	sadd.s32 $0x500, s16;
	_ =	swait.ge [sflag:s12], $0x1400  }
0x25: {  	[sflag:s12] =	ssyncset.done $0x0  }
0x26: {  	s18 =	sadd.s32 s18, s7;
	[sflag:s12] =	ssyncadd.s32 $0xFFFFEC00  }
0x27: {  	[hbm4b:s18+s2] =	stream.linear.scatter [tilespmem:s9], [sflag:$0x4], $0x1400, $0x38;
	[tilespmem:$0x3C00] =	vst v63  }
0x28: {  	_ =	swait.ge [sflag:s13], $0x1400  }
0x29: {  	[sflag:s13] =	ssyncset.done $0x0  }
0x2a: {  	s19 =	sadd.s32 $0x28, s17;
	[sflag:s13] =	ssyncadd.s32 $0xFFFFEC00  }
0x2b: {  	[tilespmem:s9], [sflag:$0x1] =	stream.indirect.gather [hbm4b:s3+s10], $0x80, s19, s10, $0xb8;
	[tilespmem:$0x3C00] =	vst v63  }
0x2c: {  	_ =	swait.ge [sflag:s14], $0x1400  }
.Ltmp0:
0x2d: {  	[sflag:s14] =	ssyncset.done $0x0;
	(pc) =	sbr.rel @p0 .LBB2_2-.Ltmp0, $4  }
0x2e: {  	s18 =	sadd.s32 $0x280, s18;
	[sflag:s14] =	ssyncadd.s32 $0xFFFFEC00  }
0x2f: {  	[hbm4b:s18+s2] =	stream.linear.scatter [tilespmem:s11], [sflag:$0x3], $0x1400, $0x38;
	[tilespmem:$0x3C00] =	vst v63  }
0x30: {  	_ =	swait.ge [sflag:s8], $0x1400  }
0x31: {  	[sflag:s8] =	ssyncset.done $0x0  }
0x32: {  	[sflag:s8] =	ssyncadd.s32 $0xFFFFEC00  }
0x33: {  	s15 =	sadd.s32 $0x1, s15;
	_ =	swait.ge [sflag:s12], $0x1400  }
0x34: {  	p0 =	sne.s32 s15, s5;
	[sflag:s12] =	ssyncset.done $0x0  }
.Ltmp1:
0x35: {  	[sflag:s12] =	ssyncadd.s32 $0xFFFFEC00;
	(pc) =	sbr.rel @p0 .LBB2_1-.Ltmp1, $4  }
0x36: {  	[hbm4b:s6+s2] =	stream.linear.scatter [tilespmem:s9], [sflag:$0x4], $0x1400, $0x38;
	[tilespmem:$0x3C00] =	vst v63  }
0x37: {  	_ =	swait.ge [sflag:s13], $0x1400  }
0x38: {  	[sflag:s13] =	ssyncset.done $0x0  }
0x39: {  	[sflag:s13] =	ssyncadd.s32 $0xFFFFEC00  }
0x3a: {  	_ =	sfence.sel $0x180000  }
0x3b: {  	[bflag:$0x0] =	sbarrier.arrive $0xFFFF  }
0x3c: {  	p0 =	sne.s32 s0, $0x0;
	_ =	strace $0x9000004D  }
0x3d: {  	s0 =	sadd.s32 @!p0 $0x100000, s1;
	[bflag:$0x2] =	sbarrier.arrive $0xFFFF  }
0x3e: {  	[sflag:s0] =	ssyncadd.tile.s32 @!p0 $0x1;
	_ =	shalt  }
.Lfunc_end2:
_tile_overlayer_lowered:
.L_overlay_start_2:
0x3f: {  	(tag) =	ssettag $0x2  }
0x40: {  	s0 =	rddreg [dreg:$0x0];
	s2 =	stileid.u32  }
0x41: {  	s1 =	rddreg [dreg:$0x1];
	p0 =	sne.s32 s2, $0x0  }
0x42: {  	s3 =	rddreg [dreg:$0x2];
	[bflag:$0x3] =	sbarrier.arrive $0xFFFF;
	s2 =	simm.s32 @!p0 $0x1C03  }
0x43: {  	[timem:s3], [sflag:s2] =	dma.local @!p0 [hbm:s0], s1  }
0x44: {  	s0 =	simm.s32 @!p0 $0x3  }
0x45: {  	_ =	swait.ge @!p0 [sflag:s0], s1  }
0x46: {  	s1 =	ssub.s32 @!p0 $0x0, s1;
	[sflag:s0] =	ssyncset.done @!p0 $0x0  }
0x47: {  	[sflag:s0] =	ssyncadd.s32 @!p0 s1  }
0x48: {  	[bflag:$0x3] =	sbarrier.arrive $0xFFFF  }
0x49: {  	_ =	shalt  }

// kernel: kernel.24.cloned.1.call-start
scs
__scs_entry_jumppad:
0x0: {  	(pc) =	sbr.rel $0x88, $3  }
0x1: {  	(tag) =	ssettag $0x0;
	lr =	simm.s32 $0x1  }
0x2: {  	[smem:$0x3F98] =	sst lr;
	_ =	strace $0xD0000000  }
0x3: {  	_ = 	snop  }
0x4: {  	_ = 	snop  }
0x5: {  	_ = 	snop  }
0x6: {  	_ = 	snop  }
0x7: {  	_ = 	snop  }
__scs_overlays_trampoline_lowered:
0x8: {  	[smem:$0x3FA7] =	sst s0  }
0x9: {  	[smem:$0x3FA8] =	sst s1  }
0xa: {  	[smem:$0x3FA9] =	sst s2  }
0xb: {  	[smem:$0x3FAA] =	sst s3  }
0xc: {  	[smem:$0x3FAB] =	sst s4  }
0xd: {  	[smem:$0x3FAC] =	sst s5  }
0xe: {  	[smem:$0x3FAD] =	sst s6  }
0xf: {  	[smem:$0x3FAE] =	sst s7  }
0x10: {  	[smem:$0x3FAF] =	sst s8  }
0x11: {  	[smem:$0x3FB0] =	sst s9;
	s0 =	simm.s32 @!p0 $0x0  }
0x12: {  	s1 =	sld [smem:$0x3F96];
	s0 =	simm.s32 @p0 $0x1  }
0x13: {  	[smem:$0x3FB1] =	sst s0;
	s0 =	simm.s32 @!p1 $0x0  }
0x14: {  	s2 =	sld [smem:$0x3F95];
	s0 =	simm.s32 @p1 $0x1  }
0x15: {  	[smem:$0x3FB2] =	sst s0;
	s0 =	simm.s32 @!p2 $0x0  }
0x16: {  	s3 =	sld [smem:$0x3FDB];
	s0 =	simm.s32 @p2 $0x1  }
0x17: {  	s4 =	simm.s32 $0x1BF5;
	[smem:$0x3FB4] =	sst s0  }
0x18: {  	s0 =	sld [smem:$0x3F97];
	_ =	swait.ge [sflag:s4], $0x0  }
0x19: {  	s7 =	sld [smem:$0x3F98]  }
0x1a: {  	s8 =	sadd.s32 $0xFFFFE003, lr  }
0x1b: {  	s9 =	sadd.s32 $0xFFFFFEF7, lr;
	s5 =	simm.s32 $0xFFFFFFFF;
	p2 =	slt.u32 s8, $0xFFFFF086  }
0x1c: {  	p1 =	slt.u32 s9, $0xF7A;
	s5 =	simm.s32 @!p2 $0x0  }
0x1d: {  	s5 =	simm.s32 @p1 $0x1;
	p0 =	seq.s32 s7, s2  }
0x1e: {  	s7 =	smul.u32 @!p0 $0xF7A, s2;
	p2 =	seq.s32 @!p0 s5, $0x0  }
0x1f: {  	s9 =	smul.u32 $0xF7A, s1;
	s8 =	simm.s32 @!p0 $0x1BF5;
	p2 =	por !p2, p0  }
0x20: {  	[sflag:s8] =	ssyncset.s32 @!p0 $0xFFFFF086;
	s6 =	sadd.s32 @!p0 s3, s7;
	s7 =	simm.s32 @!p0 $0x108  }
0x21: {  	s3 =	sadd.s32 s3, s9;
	s6 =	sadd.s32 @!p0 $0x88, s6;
	s7 =	simm.s32 @p2 $0x1082  }
0x22: {  	[simem:s7], [sflag:s8] =	dma.local @!p0 [hbm:s6], $0xF7A  }
0x23: {  	s9 =	sor.u32 $0xD0000000, s2;
	s6 =	simm.s32 $0x108;
	_ =	swait.ge @!p0 [sflag:s8], $0x0  }
0x24: {  	s3 =	sadd.s32 $0x88, s3;
	s6 =	simm.s32 @!p1 $0x1082;
	[sflag:s4] =	ssyncset.s32 $0xFFFFF086  }
0x25: {  	[simem:s6], [sflag:s4] =	dma.local [hbm:s3], $0xF7A  }
0x26: {  	[smem:$0x3F98] =	sst s1;
	(tag) =	ssettag s2;
	_ =	strace s9  }
0x27: {  	s1 =	sld [smem:$0x3FA8]  }
0x28: {  	s2 =	sld [smem:$0x3FA9]  }
0x29: {  	s4 =	sld [smem:$0x3FAB]  }
0x2a: {  	p0 =	seq.s32 s5, $0x0;
	s5 =	sld [smem:$0x3FAC]  }
0x2b: {  	s6 =	sld [smem:$0x3FAD]  }
0x2c: {  	s7 =	sld [smem:$0x3FAE]  }
0x2d: {  	s3 =	simm.s32 $0x108;
	s8 =	sld [smem:$0x3FAF]  }
0x2e: {  	s3 =	simm.s32 @!p0 $0x1082;
	s9 =	sld [smem:$0x3FB0]  }
0x2f: {  	lr =	sadd.s32 s0, s3;
	s0 =	sld [smem:$0x3FA7]  }
0x30: {  	s3 =	sld [smem:$0x3FAA]  }
0x31: {  	[smem:$0x3FB3] =	sst s10  }
0x32: {  	s10 =	sld [smem:$0x3FB1];
	_ =	sdelay $0x3  }
0x33: {  	p0 =	seq.s32 s10, $0x1;
	s10 =	sld [smem:$0x3FB3];
	_ =	sdelay $0x3  }
0x34: {  	[smem:$0x3FB3] =	sst s10  }
0x35: {  	s10 =	sld [smem:$0x3FB2];
	_ =	sdelay $0x3  }
0x36: {  	p1 =	seq.s32 s10, $0x1;
	s10 =	sld [smem:$0x3FB3];
	_ =	sdelay $0x3  }
0x37: {  	[smem:$0x3FB3] =	sst s10  }
0x38: {  	s10 =	sld [smem:$0x3FB4]  }
0x39: {  	_ = 	snop;
	(pc) =	sbr.ind lr, $3  }
0x3a: {  	_ = 	snop  }
0x3b: {  	_ = 	snop  }
0x3c: {  	p2 =	seq.s32 s10, $0x1;
	s10 =	sld [smem:$0x3FB3]  }
0x3d: {  	_ =	shalt  }
0x3e: {  	_ =	shalt  }
0x3f: {  	_ =	shalt  }
0x40: {  	_ =	shalt  }
0x41: {  	_ =	shalt  }
0x42: {  	_ =	shalt  }
0x43: {  	_ =	shalt  }
0x44: {  	_ =	shalt  }
0x45: {  	_ =	shalt  }
0x46: {  	_ =	shalt  }
0x47: {  	_ =	shalt  }
0x48: {  	_ =	shalt  }
0x49: {  	_ =	shalt  }
0x4a: {  	_ =	shalt  }
0x4b: {  	_ =	shalt  }
0x4c: {  	_ =	shalt  }
0x4d: {  	_ =	shalt  }
0x4e: {  	_ =	shalt  }
0x4f: {  	_ =	shalt  }
0x50: {  	_ =	shalt  }
0x51: {  	_ =	shalt  }
0x52: {  	_ =	shalt  }
0x53: {  	_ =	shalt  }
0x54: {  	_ =	shalt  }
0x55: {  	_ =	shalt  }
0x56: {  	_ =	shalt  }
0x57: {  	_ =	shalt  }
0x58: {  	_ =	shalt  }
0x59: {  	_ =	shalt  }
0x5a: {  	_ =	shalt  }
0x5b: {  	_ =	shalt  }
0x5c: {  	_ =	shalt  }
0x5d: {  	_ =	shalt  }
0x5e: {  	_ =	shalt  }
0x5f: {  	_ =	shalt  }
0x60: {  	_ =	shalt  }
0x61: {  	_ =	shalt  }
0x62: {  	_ =	shalt  }
0x63: {  	_ =	shalt  }
0x64: {  	_ =	shalt  }
0x65: {  	_ =	shalt  }
0x66: {  	_ =	shalt  }
0x67: {  	_ =	shalt  }
0x68: {  	_ =	shalt  }
0x69: {  	_ =	shalt  }
0x6a: {  	_ =	shalt  }
0x6b: {  	_ =	shalt  }
0x6c: {  	_ =	shalt  }
0x6d: {  	_ =	shalt  }
0x6e: {  	_ =	shalt  }
0x6f: {  	_ =	shalt  }
0x70: {  	_ =	shalt  }
0x71: {  	_ =	shalt  }
0x72: {  	_ =	shalt  }
0x73: {  	_ =	shalt  }
0x74: {  	_ =	shalt  }
0x75: {  	_ =	shalt  }
0x76: {  	_ =	shalt  }
0x77: {  	_ =	shalt  }
0x78: {  	_ =	shalt  }
0x79: {  	_ =	shalt  }
0x7a: {  	_ =	shalt  }
0x7b: {  	_ =	shalt  }
0x7c: {  	_ =	shalt  }
0x7d: {  	_ =	shalt  }
0x7e: {  	_ =	shalt  }
0x7f: {  	_ =	shalt  }
0x80: {  	_ =	shalt  }
0x81: {  	_ =	shalt  }
0x82: {  	_ =	shalt  }
0x83: {  	_ =	shalt  }
0x84: {  	_ =	shalt  }
0x85: {  	_ =	shalt  }
0x86: {  	_ =	shalt  }
0x87: {  	_ =	shalt  }
.Lfunc_end0:
.L_simem_size_0:
called_computation.3_lowered:
.L_overlay_start_0:
0x88: {  	s2 =	sld [smem:$0x3FD9]  }
0x89: {  	s3 =	sld [smem:$0x3FFE];
	_ =	sdelay $0x1  }
0x8a: {  	s1 =	srdreg.scid  }
0x8b: {  	s0 =	sand.u32 $0x1, s1  }
0x8c: {  	s17 =	sshll.u32 s0, $0xA;
	s2 =	sadd.s32 s3, s2  }
0x8d: {  	s2 =	sadd.s32 s2, s17  }
0x8e: {  	[smem:$0x3FBF] =	sst s2  }
0x8f: {  	_ = 	snop  }
0x90: {  	(tm) =	ssettm $0x1  }
0x91: {  	s18 =	sld [smem:$0x3FFB];
	_ =	sdelay $0x3  }
0x92: {  	_ =	strace s18  }
0x93: {  	s2 =	sld [smem:$0x3FFC];
	_ =	sdelay $0x3  }
0x94: {  	_ =	strace s2  }
0x95: {  	s2 =	sld [smem:$0x3FFD];
	_ =	sdelay $0x3  }
0x96: {  	_ =	strace s2  }
0x97: {  	_ =	strace $0x8FFFFFFF  }
0x98: {  	s19 =	sld [smem:$0x3FDB];
	_ =	sdelay $0x1  }
0x99: {  	s20 =	simm.s32 $_scs_section_size  }
0x9a: {  	s4 =	simm.s32 $_size__tile_overlayer_lowered;
	s5 =	simm.s32 $_tile_overlayer_lowered  }
0x9b: {  	s6 =	simm.s32 $0x1BFF;
	s21 =	sshll.u32 s5, $0x1;
	s3 =	sadd.s32 s20, s19  }
0x9c: {  	s22 =	simm.s32 $0x0;
	s4 =	sshll.u32 s4, $0x1;
	s5 =	sadd.s32 s21, s3  }
0x9d: {  	[timem:s22], [sflag:s6] =	dma.local [hbm:s5], s4  }
0x9e: {  	_ =	swait.ge [sflag:s6], s4  }
0x9f: {  	s4 =	ssub.s32 $0x0, s4;
	[sflag:s6] =	ssyncset.done $0x0  }
0xa0: {  	[sflag:s6] =	ssyncadd.s32 s4;
	_ =	sdelay $0x1  }
0xa1: {  	s23 =	simm.s32 $0x1B8B  }
0xa2: {  	_ =	swait.ge [sflag:s23], $0x1  }
0xa3: {  	[sflag:s23] =	ssyncset.done $0x0  }
0xa4: {  	[sflag:s23] =	ssyncadd.s32 $0xFFFFFFFF  }
0xa5: {  	s4 =	sld [smem:$0x0]  }
0xa6: {  	s5 =	sand.u32 $0xFFFFFFFE, s1  }
0xa7: {  	p0 =	sne.s32 s1, s5  }
0xa8: {  	s5 =	sshll.u32 @p0 s5, $0xE  }
0xa9: {  	s5 =	sadd.s32 @p0 $0x11B8D, s5;
	s6 =	sshll.u32 @p0 s4, $0x11  }
0xaa: {  	s5 =	sor.u32 @p0 s6, s5  }
0xab: {  	[sflag:s5] =	ssyncadd.remote.s32 @p0 $0x1;
	_ =	sdelay $0x1  }
0xac: {  	s5 =	simm.s32 @p0 $0x1B8D  }
0xad: {  	_ =	swait.eq @p0 [sflag:s5], $0x1  }
0xae: {  	[sflag:s5] =	ssyncadd.s32 @p0 $0xFFFFFFFF  }
0xaf: {  	s6 =	sshll.u32 @!p0 s1, $0xE  }
0xb0: {  	s6 =	sor.u32 @!p0 $0x4000, s6;
	s5 =	simm.s32 @!p0 $0x1B8D  }
0xb1: {  	s4 =	sshll.u32 @!p0 s4, $0x11;
	s6 =	sadd.s32 @!p0 $0x11B8D, s6;
	_ =	swait.eq @!p0 [sflag:s5], $0x1  }
0xb2: {  	s4 =	sor.u32 @!p0 s4, s6;
	[sflag:s5] =	ssyncadd.s32 @!p0 $0xFFFFFFFF  }
0xb3: {  	s25 =	simm.s32 $0x1B8E;
	s24 =	sld [smem:$0x3FFE];
	[sflag:s4] =	ssyncadd.remote.s32 @!p0 $0x1  }
0xb4: {  	s26 =	simm.s32 $execute0_lowered;
	[smem:$0x3FD2] =	sst s25  }
0xb5: {  	s5 =	sshll.u32 s26, $0x1;
	_ =	strace $0x8000004F;
	[dreg:$0x1] =	wrdreg $0xFFFFFFFF  }
0xb6: {  	s28 =	simm.s32 $_size_execute0_lowered;
	s3 =	sadd.s32 s3, s5;
	[dreg:$0x0] =	wrdreg $0x0  }
0xb7: {  	s5 =	sshll.u32 s28, $0x1;
	[dreg:$0x2] =	wrdreg s3  }
0xb8: {  	[dreg:$0x3] =	wrdreg s5  }
0xb9: {  	[dreg:$0x4] =	wrdreg $0xC0  }
0xba: {  	_ =	task [dreg:s22], $0x5FFFF  }
0xbb: {  	[dreg:$0x1] =	wrdreg $0xFFFFFFFF  }
0xbc: {  	[dreg:$0x0] =	wrdreg $0x60  }
0xbd: {  	[dreg:$0x2] =	wrdreg s24  }
0xbe: {  	[dreg:$0x3] =	wrdreg $0x9  }
0xbf: {  	_ =	task.clear_ibuf [dreg:s22], $0x4FFFF;
	_ =	strace $0x9000004F  }
0xc0: {  	s29 =	simm.s32 $0x9;
	_ =	strace $0x80000051  }
0xc1: {  	_ =	swait.ge [sflag:s29], $0x1  }
0xc2: {  	[sflag:s29] =	ssyncadd.s32 $0xFFFFFFFF  }
0xc3: {  	_ =	strace $0x90000051  }
0xc4: {  	_ =	sfence  }
0xc5: {  	s30 =	sld [smem:$0x0];
	_ =	sdelay $0x2  }
0xc6: {  	s31 =	sshll.u32 s1, $0xD;
	s1 =	sshrl.u32 s1, $0x2  }
0xc7: {  	s4 =	sand.u32 $0x4000, s31;
	s1 =	sadd.s32 s1, s30  }
0xc8: {  	s0 =	sor.u32 s4, s0;
	s1 =	sshll.u32 s1, $0x11  }
0xc9: {  	s0 =	sor.u32 s1, s0  }
0xca: {  	s0 =	sadd.s32 $0x8F2B, s0  }
0xcb: {  	[sflag:s0] =	ssyncadd.remote.s32 $0x1  }
0xcc: {  	_ =	sfence.sel $0xFFFF  }
0xcd: {  	[dreg:$0x0] =	wrdreg $0xFFFFFFFF;
	(pc) =	sbr.abs _section_cstart, $3  }
0xce: {  	[dreg:$0x1] =	wrdreg $0xFFFFFFFF  }
0xcf: {  	_ =	task.clear_ibuf [dreg:s22], $0x2FFFF;
	_ =	strace $0x9FFFFFFF  }
0xd0: {  	(tm) =	ssettm $0x7FFFFFFF  }
0xd1: {  	_ =	shalt  }
tec
execute0_lowered:
.L_overlay_start_1:
0x0: {  	(tag) =	ssettag $0x1  }
0x1: {  	s1 =	srdreg.scid;
	s0 =	stileid.u32  }
0x2: {  	s6 =	rddreg [dreg:$0x0];
	s2 =	simm.s32 $0x0;
	s12 =	simm.s32 $0x1  }
0x3: {  	s13 =	simm.s32 $0x4;
	s14 =	simm.s32 $0x2;
	s15 =	simm.s32 $0x0  }
0x4: {  	s5 =	sand.u32 $0x1, s1;
	s25 =	sshll.u32 s0, $0x1;
	s1 =	rddreg [dreg:$0x1]  }
0x5: {  	[smem:$0x7FF] =	sst s2;
	s11 =	sadd.s32 $0x5A1200, s6;
	s28 =	smul.u32 $0x27100, s0  }
0x6: {  	s4 =	sor.u32 s5, s25;
	s8 =	ssub.s32 $0x2, s5;
	s30 =	smul.u32 $0x13880, s5  }
0x7: {  	_ =	strace $0x80000050;
	s3 =	smul.u32 $0x1388, s4;
	s9 =	sshrl.u32 s8, $0x1  }
0x8: {  	s10 =	smul.u32 $0x13880, s4;
	s31 =	sadd.s32 s28, s11;
	s26 =	ssub.s32 s8, s9  }
0x9: {  	s8 =	simm.s32 $0x3;
	s9 =	simm.s32 $0x1400;
	s3 =	sshrl.u32 s3, $0x3  }
0xa: {  	s29 =	sadd.s32 s11, s10;
	s5 =	smax.u32 s26, $0x1;
	s10 =	simm.s32 $0x28  }
0xb: {  	s11 =	simm.s32 $0x2800;
	s7 =	sadd.s32 s3, s6;
	s3 =	sadd.s32 $0x5D000, s6  }
0xc: {  	s6 =	sadd.s32 $0x13600, s29;
	s4 =	sadd.s32 $0x326200, s7;
	s7 =	sadd.s32 s30, s31  }
.LBB2_1:
0xd: {  	[tilespmem:s2], [sflag:$0x3] =	stream.linear.gather [hbm4b:s4+s2], $0x1388, $0x38;
	[tilespmem:$0x3C00] =	vst v63  }
0xe: {  	_ =	swait.ge [sflag:s8], $0x1388  }
0xf: {  	[sflag:s8] =	ssyncset.done $0x0  }
0x10: {  	[sflag:s8] =	ssyncadd.s32 $0xFFFFEC78  }
0x11: {  	[tilespmem:s9], [sflag:$0x1] =	stream.indirect.gather [hbm4b:s3+s10], $0x80, s2, s10, $0xb8;
	[tilespmem:$0x3C00] =	vst v63  }
0x12: {  	_ = 	snop  }
0x13: {  	[tilespmem:s11], [sflag:$0x2] =	stream.indirect.gather [hbm4b:s3+s10], $0x80, s10, s10, $0xb8;
	[tilespmem:$0x3C00] =	vst v63  }
0x14: {  	_ =	swait.ge [sflag:s12], $0x1400  }
0x15: {  	[sflag:s12] =	ssyncset.done $0x0  }
0x16: {  	s16 =	sadd.s32 $0x0, s7;
	[sflag:s12] =	ssyncadd.s32 $0xFFFFEC00  }
0x17: {  	[hbm4b:s16+s2] =	stream.linear.scatter [tilespmem:s9], [sflag:$0x4], $0x1400, $0x38;
	[tilespmem:$0x3C00] =	vst v63  }
0x18: {  	_ =	swait.ge [sflag:s13], $0x1400  }
0x19: {  	[sflag:s13] =	ssyncset.done $0x0  }
0x1a: {  	s17 =	simm.s32 $0x50;
	[sflag:s13] =	ssyncadd.s32 $0xFFFFEC00  }
0x1b: {  	[tilespmem:s9], [sflag:$0x1] =	stream.indirect.gather [hbm4b:s3+s10], $0x80, s17, s10, $0xb8;
	[tilespmem:$0x3C00] =	vst v63  }
0x1c: {  	_ =	swait.ge [sflag:s14], $0x1400  }
0x1d: {  	[sflag:s14] =	ssyncset.done $0x0  }
0x1e: {  	s16 =	sadd.s32 $0x280, s16;
	[sflag:s14] =	ssyncadd.s32 $0xFFFFEC00  }
0x1f: {  	[hbm4b:s16+s2] =	stream.linear.scatter [tilespmem:s11], [sflag:$0x3], $0x1400, $0x38;
	[tilespmem:$0x3C00] =	vst v63  }
0x20: {  	_ =	swait.ge [sflag:s8], $0x1400  }
0x21: {  	s17 =	simm.s32 $0x28;
	s16 =	simm.s32 $0x500;
	[sflag:s8] =	ssyncset.done $0x0  }
.LBB2_2:
0x22: {  	p0 =	sne.s32 s16, $0x13100;
	[sflag:s8] =	ssyncadd.s32 $0xFFFFEC00;
	s17 =	sadd.s32 $0x50, s17  }
0x23: {  	[tilespmem:s11], [sflag:$0x2] =	stream.indirect.gather [hbm4b:s3+s10], $0x80, s17, s10, $0xb8;
	[tilespmem:$0x3C00] =	vst v63  }
0x24: {  	s18 =	smov.u32 s16;
	s16 =	sadd.s32 $0x500, s16;
	_ =	swait.ge [sflag:s12], $0x1400  }
0x25: {  	[sflag:s12] =	ssyncset.done $0x0  }
0x26: {  	s18 =	sadd.s32 s18, s7;
	[sflag:s12] =	ssyncadd.s32 $0xFFFFEC00  }
0x27: {  	[hbm4b:s18+s2] =	stream.linear.scatter [tilespmem:s9], [sflag:$0x4], $0x1400, $0x38;
	[tilespmem:$0x3C00] =	vst v63  }
0x28: {  	_ =	swait.ge [sflag:s13], $0x1400  }
0x29: {  	[sflag:s13] =	ssyncset.done $0x0  }
0x2a: {  	s19 =	sadd.s32 $0x28, s17;
	[sflag:s13] =	ssyncadd.s32 $0xFFFFEC00  }
0x2b: {  	[tilespmem:s9], [sflag:$0x1] =	stream.indirect.gather [hbm4b:s3+s10], $0x80, s19, s10, $0xb8;
	[tilespmem:$0x3C00] =	vst v63  }
0x2c: {  	_ =	swait.ge [sflag:s14], $0x1400  }
.Ltmp0:
0x2d: {  	[sflag:s14] =	ssyncset.done $0x0;
	(pc) =	sbr.rel @p0 .LBB2_2-.Ltmp0, $4  }
0x2e: {  	s18 =	sadd.s32 $0x280, s18;
	[sflag:s14] =	ssyncadd.s32 $0xFFFFEC00  }
0x2f: {  	[hbm4b:s18+s2] =	stream.linear.scatter [tilespmem:s11], [sflag:$0x3], $0x1400, $0x38;
	[tilespmem:$0x3C00] =	vst v63  }
0x30: {  	_ =	swait.ge [sflag:s8], $0x1400  }
0x31: {  	[sflag:s8] =	ssyncset.done $0x0  }
0x32: {  	[sflag:s8] =	ssyncadd.s32 $0xFFFFEC00  }
0x33: {  	s15 =	sadd.s32 $0x1, s15;
	_ =	swait.ge [sflag:s12], $0x1400  }
0x34: {  	p0 =	sne.s32 s15, s5;
	[sflag:s12] =	ssyncset.done $0x0  }
.Ltmp1:
0x35: {  	[sflag:s12] =	ssyncadd.s32 $0xFFFFEC00;
	(pc) =	sbr.rel @p0 .LBB2_1-.Ltmp1, $4  }
0x36: {  	[hbm4b:s6+s2] =	stream.linear.scatter [tilespmem:s9], [sflag:$0x4], $0x1400, $0x38;
	[tilespmem:$0x3C00] =	vst v63  }
0x37: {  	_ =	swait.ge [sflag:s13], $0x1400  }
0x38: {  	[sflag:s13] =	ssyncset.done $0x0  }
0x39: {  	[sflag:s13] =	ssyncadd.s32 $0xFFFFEC00  }
0x3a: {  	_ =	sfence.sel $0x180000  }
0x3b: {  	[bflag:$0x0] =	sbarrier.arrive $0xFFFF  }
0x3c: {  	p0 =	sne.s32 s0, $0x0;
	_ =	strace $0x90000050  }
0x3d: {  	s0 =	sadd.s32 @!p0 $0x100000, s1;
	[bflag:$0x2] =	sbarrier.arrive $0xFFFF  }
0x3e: {  	[sflag:s0] =	ssyncadd.tile.s32 @!p0 $0x1;
	_ =	shalt  }
.Lfunc_end2:
_tile_overlayer_lowered:
.L_overlay_start_2:
0x3f: {  	(tag) =	ssettag $0x2  }
0x40: {  	s0 =	rddreg [dreg:$0x0];
	s2 =	stileid.u32  }
0x41: {  	s1 =	rddreg [dreg:$0x1];
	p0 =	sne.s32 s2, $0x0  }
0x42: {  	s3 =	rddreg [dreg:$0x2];
	[bflag:$0x3] =	sbarrier.arrive $0xFFFF;
	s2 =	simm.s32 @!p0 $0x1C03  }
0x43: {  	[timem:s3], [sflag:s2] =	dma.local @!p0 [hbm:s0], s1  }
0x44: {  	s0 =	simm.s32 @!p0 $0x3  }
0x45: {  	_ =	swait.ge @!p0 [sflag:s0], s1  }
0x46: {  	s1 =	ssub.s32 @!p0 $0x0, s1;
	[sflag:s0] =	ssyncset.done @!p0 $0x0  }
0x47: {  	[sflag:s0] =	ssyncadd.s32 @!p0 s1  }
0x48: {  	[bflag:$0x3] =	sbarrier.arrive $0xFFFF  }
0x49: {  	_ =	shalt  }

// kernel: kernel.27.cloned.1.call-start
scs
__scs_entry_jumppad:
0x0: {  	(pc) =	sbr.rel $0x88, $3  }
0x1: {  	(tag) =	ssettag $0x0;
	lr =	simm.s32 $0x1  }
0x2: {  	[smem:$0x3F98] =	sst lr;
	_ =	strace $0xD0000000  }
0x3: {  	_ = 	snop  }
0x4: {  	_ = 	snop  }
0x5: {  	_ = 	snop  }
0x6: {  	_ = 	snop  }
0x7: {  	_ = 	snop  }
__scs_overlays_trampoline_lowered:
0x8: {  	[smem:$0x3FA7] =	sst s0  }
0x9: {  	[smem:$0x3FA8] =	sst s1  }
0xa: {  	[smem:$0x3FA9] =	sst s2  }
0xb: {  	[smem:$0x3FAA] =	sst s3  }
0xc: {  	[smem:$0x3FAB] =	sst s4  }
0xd: {  	[smem:$0x3FAC] =	sst s5  }
0xe: {  	[smem:$0x3FAD] =	sst s6  }
0xf: {  	[smem:$0x3FAE] =	sst s7  }
0x10: {  	[smem:$0x3FAF] =	sst s8  }
0x11: {  	[smem:$0x3FB0] =	sst s9;
	s0 =	simm.s32 @!p0 $0x0  }
0x12: {  	s1 =	sld [smem:$0x3F96];
	s0 =	simm.s32 @p0 $0x1  }
0x13: {  	[smem:$0x3FB1] =	sst s0;
	s0 =	simm.s32 @!p1 $0x0  }
0x14: {  	s2 =	sld [smem:$0x3F95];
	s0 =	simm.s32 @p1 $0x1  }
0x15: {  	[smem:$0x3FB2] =	sst s0;
	s0 =	simm.s32 @!p2 $0x0  }
0x16: {  	s3 =	sld [smem:$0x3FDB];
	s0 =	simm.s32 @p2 $0x1  }
0x17: {  	s4 =	simm.s32 $0x1BF5;
	[smem:$0x3FB4] =	sst s0  }
0x18: {  	s0 =	sld [smem:$0x3F97];
	_ =	swait.ge [sflag:s4], $0x0  }
0x19: {  	s7 =	sld [smem:$0x3F98]  }
0x1a: {  	s8 =	sadd.s32 $0xFFFFE003, lr  }
0x1b: {  	s9 =	sadd.s32 $0xFFFFFEF7, lr;
	s5 =	simm.s32 $0xFFFFFFFF;
	p2 =	slt.u32 s8, $0xFFFFF086  }
0x1c: {  	p1 =	slt.u32 s9, $0xF7A;
	s5 =	simm.s32 @!p2 $0x0  }
0x1d: {  	s5 =	simm.s32 @p1 $0x1;
	p0 =	seq.s32 s7, s2  }
0x1e: {  	s7 =	smul.u32 @!p0 $0xF7A, s2;
	p2 =	seq.s32 @!p0 s5, $0x0  }
0x1f: {  	s9 =	smul.u32 $0xF7A, s1;
	s8 =	simm.s32 @!p0 $0x1BF5;
	p2 =	por !p2, p0  }
0x20: {  	[sflag:s8] =	ssyncset.s32 @!p0 $0xFFFFF086;
	s6 =	sadd.s32 @!p0 s3, s7;
	s7 =	simm.s32 @!p0 $0x108  }
0x21: {  	s3 =	sadd.s32 s3, s9;
	s6 =	sadd.s32 @!p0 $0x88, s6;
	s7 =	simm.s32 @p2 $0x1082  }
0x22: {  	[simem:s7], [sflag:s8] =	dma.local @!p0 [hbm:s6], $0xF7A  }
0x23: {  	s9 =	sor.u32 $0xD0000000, s2;
	s6 =	simm.s32 $0x108;
	_ =	swait.ge @!p0 [sflag:s8], $0x0  }
0x24: {  	s3 =	sadd.s32 $0x88, s3;
	s6 =	simm.s32 @!p1 $0x1082;
	[sflag:s4] =	ssyncset.s32 $0xFFFFF086  }
0x25: {  	[simem:s6], [sflag:s4] =	dma.local [hbm:s3], $0xF7A  }
0x26: {  	[smem:$0x3F98] =	sst s1;
	(tag) =	ssettag s2;
	_ =	strace s9  }
0x27: {  	s1 =	sld [smem:$0x3FA8]  }
0x28: {  	s2 =	sld [smem:$0x3FA9]  }
0x29: {  	s4 =	sld [smem:$0x3FAB]  }
0x2a: {  	p0 =	seq.s32 s5, $0x0;
	s5 =	sld [smem:$0x3FAC]  }
0x2b: {  	s6 =	sld [smem:$0x3FAD]  }
0x2c: {  	s7 =	sld [smem:$0x3FAE]  }
0x2d: {  	s3 =	simm.s32 $0x108;
	s8 =	sld [smem:$0x3FAF]  }
0x2e: {  	s3 =	simm.s32 @!p0 $0x1082;
	s9 =	sld [smem:$0x3FB0]  }
0x2f: {  	lr =	sadd.s32 s0, s3;
	s0 =	sld [smem:$0x3FA7]  }
0x30: {  	s3 =	sld [smem:$0x3FAA]  }
0x31: {  	[smem:$0x3FB3] =	sst s10  }
0x32: {  	s10 =	sld [smem:$0x3FB1];
	_ =	sdelay $0x3  }
0x33: {  	p0 =	seq.s32 s10, $0x1;
	s10 =	sld [smem:$0x3FB3];
	_ =	sdelay $0x3  }
0x34: {  	[smem:$0x3FB3] =	sst s10  }
0x35: {  	s10 =	sld [smem:$0x3FB2];
	_ =	sdelay $0x3  }
0x36: {  	p1 =	seq.s32 s10, $0x1;
	s10 =	sld [smem:$0x3FB3];
	_ =	sdelay $0x3  }
0x37: {  	[smem:$0x3FB3] =	sst s10  }
0x38: {  	s10 =	sld [smem:$0x3FB4]  }
0x39: {  	_ = 	snop;
	(pc) =	sbr.ind lr, $3  }
0x3a: {  	_ = 	snop  }
0x3b: {  	_ = 	snop  }
0x3c: {  	p2 =	seq.s32 s10, $0x1;
	s10 =	sld [smem:$0x3FB3]  }
0x3d: {  	_ =	shalt  }
0x3e: {  	_ =	shalt  }
0x3f: {  	_ =	shalt  }
0x40: {  	_ =	shalt  }
0x41: {  	_ =	shalt  }
0x42: {  	_ =	shalt  }
0x43: {  	_ =	shalt  }
0x44: {  	_ =	shalt  }
0x45: {  	_ =	shalt  }
0x46: {  	_ =	shalt  }
0x47: {  	_ =	shalt  }
0x48: {  	_ =	shalt  }
0x49: {  	_ =	shalt  }
0x4a: {  	_ =	shalt  }
0x4b: {  	_ =	shalt  }
0x4c: {  	_ =	shalt  }
0x4d: {  	_ =	shalt  }
0x4e: {  	_ =	shalt  }
0x4f: {  	_ =	shalt  }
0x50: {  	_ =	shalt  }
0x51: {  	_ =	shalt  }
0x52: {  	_ =	shalt  }
0x53: {  	_ =	shalt  }
0x54: {  	_ =	shalt  }
0x55: {  	_ =	shalt  }
0x56: {  	_ =	shalt  }
0x57: {  	_ =	shalt  }
0x58: {  	_ =	shalt  }
0x59: {  	_ =	shalt  }
0x5a: {  	_ =	shalt  }
0x5b: {  	_ =	shalt  }
0x5c: {  	_ =	shalt  }
0x5d: {  	_ =	shalt  }
0x5e: {  	_ =	shalt  }
0x5f: {  	_ =	shalt  }
0x60: {  	_ =	shalt  }
0x61: {  	_ =	shalt  }
0x62: {  	_ =	shalt  }
0x63: {  	_ =	shalt  }
0x64: {  	_ =	shalt  }
0x65: {  	_ =	shalt  }
0x66: {  	_ =	shalt  }
0x67: {  	_ =	shalt  }
0x68: {  	_ =	shalt  }
0x69: {  	_ =	shalt  }
0x6a: {  	_ =	shalt  }
0x6b: {  	_ =	shalt  }
0x6c: {  	_ =	shalt  }
0x6d: {  	_ =	shalt  }
0x6e: {  	_ =	shalt  }
0x6f: {  	_ =	shalt  }
0x70: {  	_ =	shalt  }
0x71: {  	_ =	shalt  }
0x72: {  	_ =	shalt  }
0x73: {  	_ =	shalt  }
0x74: {  	_ =	shalt  }
0x75: {  	_ =	shalt  }
0x76: {  	_ =	shalt  }
0x77: {  	_ =	shalt  }
0x78: {  	_ =	shalt  }
0x79: {  	_ =	shalt  }
0x7a: {  	_ =	shalt  }
0x7b: {  	_ =	shalt  }
0x7c: {  	_ =	shalt  }
0x7d: {  	_ =	shalt  }
0x7e: {  	_ =	shalt  }
0x7f: {  	_ =	shalt  }
0x80: {  	_ =	shalt  }
0x81: {  	_ =	shalt  }
0x82: {  	_ =	shalt  }
0x83: {  	_ =	shalt  }
0x84: {  	_ =	shalt  }
0x85: {  	_ =	shalt  }
0x86: {  	_ =	shalt  }
0x87: {  	_ =	shalt  }
.Lfunc_end0:
.L_simem_size_0:
called_computation.4_lowered:
.L_overlay_start_0:
0x88: {  	s2 =	sld [smem:$0x3FD9]  }
0x89: {  	s3 =	sld [smem:$0x3FFE];
	_ =	sdelay $0x1  }
0x8a: {  	s1 =	srdreg.scid  }
0x8b: {  	s0 =	sand.u32 $0x1, s1  }
0x8c: {  	s17 =	sshll.u32 s0, $0xA;
	s2 =	sadd.s32 s3, s2  }
0x8d: {  	s2 =	sadd.s32 s2, s17  }
0x8e: {  	[smem:$0x3FBF] =	sst s2  }
0x8f: {  	_ = 	snop  }
0x90: {  	(tm) =	ssettm $0x1  }
0x91: {  	s18 =	sld [smem:$0x3FFB];
	_ =	sdelay $0x3  }
0x92: {  	_ =	strace s18  }
0x93: {  	s2 =	sld [smem:$0x3FFC];
	_ =	sdelay $0x3  }
0x94: {  	_ =	strace s2  }
0x95: {  	s2 =	sld [smem:$0x3FFD];
	_ =	sdelay $0x3  }
0x96: {  	_ =	strace s2  }
0x97: {  	_ =	strace $0x8FFFFFFF  }
0x98: {  	s19 =	sld [smem:$0x3FDB];
	_ =	sdelay $0x1  }
0x99: {  	s20 =	simm.s32 $_scs_section_size  }
0x9a: {  	s4 =	simm.s32 $_size__tile_overlayer_lowered;
	s5 =	simm.s32 $_tile_overlayer_lowered  }
0x9b: {  	s6 =	simm.s32 $0x1BFF;
	s21 =	sshll.u32 s5, $0x1;
	s3 =	sadd.s32 s20, s19  }
0x9c: {  	s22 =	simm.s32 $0x0;
	s4 =	sshll.u32 s4, $0x1;
	s5 =	sadd.s32 s21, s3  }
0x9d: {  	[timem:s22], [sflag:s6] =	dma.local [hbm:s5], s4  }
0x9e: {  	_ =	swait.ge [sflag:s6], s4  }
0x9f: {  	s4 =	ssub.s32 $0x0, s4;
	[sflag:s6] =	ssyncset.done $0x0  }
0xa0: {  	[sflag:s6] =	ssyncadd.s32 s4;
	_ =	sdelay $0x1  }
0xa1: {  	s23 =	simm.s32 $0x1B8B  }
0xa2: {  	_ =	swait.ge [sflag:s23], $0x1  }
0xa3: {  	[sflag:s23] =	ssyncset.done $0x0  }
0xa4: {  	[sflag:s23] =	ssyncadd.s32 $0xFFFFFFFF  }
0xa5: {  	s4 =	sld [smem:$0x0]  }
0xa6: {  	s5 =	sand.u32 $0xFFFFFFFE, s1  }
0xa7: {  	p0 =	sne.s32 s1, s5  }
0xa8: {  	s5 =	sshll.u32 @p0 s5, $0xE  }
0xa9: {  	s5 =	sadd.s32 @p0 $0x11B8D, s5;
	s6 =	sshll.u32 @p0 s4, $0x11  }
0xaa: {  	s5 =	sor.u32 @p0 s6, s5  }
0xab: {  	[sflag:s5] =	ssyncadd.remote.s32 @p0 $0x1;
	_ =	sdelay $0x1  }
0xac: {  	s5 =	simm.s32 @p0 $0x1B8D  }
0xad: {  	_ =	swait.eq @p0 [sflag:s5], $0x1  }
0xae: {  	[sflag:s5] =	ssyncadd.s32 @p0 $0xFFFFFFFF  }
0xaf: {  	s6 =	sshll.u32 @!p0 s1, $0xE  }
0xb0: {  	s6 =	sor.u32 @!p0 $0x4000, s6;
	s5 =	simm.s32 @!p0 $0x1B8D  }
0xb1: {  	s4 =	sshll.u32 @!p0 s4, $0x11;
	s6 =	sadd.s32 @!p0 $0x11B8D, s6;
	_ =	swait.eq @!p0 [sflag:s5], $0x1  }
0xb2: {  	s4 =	sor.u32 @!p0 s4, s6;
	[sflag:s5] =	ssyncadd.s32 @!p0 $0xFFFFFFFF  }
0xb3: {  	s25 =	simm.s32 $0x1B8E;
	s24 =	sld [smem:$0x3FFE];
	[sflag:s4] =	ssyncadd.remote.s32 @!p0 $0x1  }
0xb4: {  	s26 =	simm.s32 $execute0_lowered;
	[smem:$0x3FD2] =	sst s25  }
0xb5: {  	s5 =	sshll.u32 s26, $0x1;
	_ =	strace $0x80000052;
	[dreg:$0x1] =	wrdreg $0xFFFFFFFF  }
0xb6: {  	s28 =	simm.s32 $_size_execute0_lowered;
	s3 =	sadd.s32 s3, s5;
	[dreg:$0x0] =	wrdreg $0x0  }
0xb7: {  	s5 =	sshll.u32 s28, $0x1;
	[dreg:$0x2] =	wrdreg s3  }
0xb8: {  	[dreg:$0x3] =	wrdreg s5  }
0xb9: {  	[dreg:$0x4] =	wrdreg $0xC0  }
0xba: {  	_ =	task [dreg:s22], $0x5FFFF  }
0xbb: {  	[dreg:$0x1] =	wrdreg $0xFFFFFFFF  }
0xbc: {  	[dreg:$0x0] =	wrdreg $0x60  }
0xbd: {  	[dreg:$0x2] =	wrdreg s24  }
0xbe: {  	[dreg:$0x3] =	wrdreg $0x85000  }
0xbf: {  	[dreg:$0x4] =	wrdreg $0xA  }
0xc0: {  	_ =	task.clear_ibuf [dreg:s22], $0x5FFFF;
	_ =	strace $0x90000052  }
0xc1: {  	s29 =	simm.s32 $0xA;
	_ =	strace $0x80000054  }
0xc2: {  	_ =	swait.ge [sflag:s29], $0x1  }
0xc3: {  	[sflag:s29] =	ssyncadd.s32 $0xFFFFFFFF  }
0xc4: {  	_ =	strace $0x90000054  }
0xc5: {  	_ =	sfence  }
0xc6: {  	s30 =	sld [smem:$0x0];
	_ =	sdelay $0x2  }
0xc7: {  	s31 =	sshll.u32 s1, $0xD;
	s1 =	sshrl.u32 s1, $0x2  }
0xc8: {  	s4 =	sand.u32 $0x4000, s31;
	s1 =	sadd.s32 s1, s30  }
0xc9: {  	s0 =	sor.u32 s4, s0;
	s1 =	sshll.u32 s1, $0x11  }
0xca: {  	s0 =	sor.u32 s1, s0  }
0xcb: {  	s0 =	sadd.s32 $0x8F2B, s0  }
0xcc: {  	[sflag:s0] =	ssyncadd.remote.s32 $0x1  }
0xcd: {  	_ =	sfence.sel $0xFFFF  }
0xce: {  	[dreg:$0x0] =	wrdreg $0xFFFFFFFF;
	(pc) =	sbr.abs _section_cstart, $3  }
0xcf: {  	[dreg:$0x1] =	wrdreg $0xFFFFFFFF  }
0xd0: {  	_ =	task.clear_ibuf [dreg:s22], $0x2FFFF;
	_ =	strace $0x9FFFFFFF  }
0xd1: {  	(tm) =	ssettm $0x7FFFFFFF  }
tec
execute0_lowered:
.L_overlay_start_1:
0x0: {  	(tag) =	ssettag $0x1  }
0x1: {  	s1 =	rddreg [dreg:$0x0]  }
0x2: {  	s2 =	rddreg [dreg:$0x1];
	s3 =	simm.s32 $0x0  }
0x3: {  	s23 =	stileid.u32;
	s6 =	srdreg.scid;
	s28 =	simm.s32 $0x5  }
0x4: {  	s29 =	simm.s32 $0x400;
	s30 =	simm.s32 $0x800;
	s31 =	simm.s32 $0x100  }
0x5: {  	[smem:$0x7FF] =	sst s3;
	s5 =	smul.u32 $0x4E, s23;
	s4 =	sadd.s32 $0xF65200, s1  }
0x6: {  	s7 =	smin.u32 s23, $0x2;
	s0 =	sadd.s32 $0x9C00, s1;
	s10 =	smul.u32 $0x2710, s23  }
0x7: {  	s6 =	sand.u32 $0x1, s6;
	s1 =	sadd.s32 $0xEC00, s1;
	s11 =	smul.u32 $0x271000, s23  }
0x8: {  	p0 =	sgt.u32 s23, $0x1;
	_ =	strace $0x80000053;
	s8 =	ssub.s32 $0x2, s6  }
0x9: {  	s6 =	sshll.u32 s6, $0xA;
	s7 =	sadd.s32 s7, s5;
	s9 =	sshrl.u32 s8, $0x1  }
0xa: {  	s10 =	sshrl.u32 s10, $0x3;
	s13 =	sor.u32 s6, s11;
	s5 =	sshll.u32 s7, $0xA  }
0xb: {  	s8 =	ssub.s32 s8, s9;
	s20 =	sshll.u32 s7, $0x3;
	s21 =	sadd.s32 s0, s10  }
0xc: {  	s7 =	sshll.u32 s7, $0xB;
	s24 =	sshrl.u32 s13, $0x3;
	s25 =	sadd.s32 s5, s2  }
0xd: {  	s12 =	sadd.s32 $0x270, s20;
	[dreg:$0x4] =	wrdreg s21;
	s11 =	sadd.s32 $0x68, s20  }
0xe: {  	s14 =	sadd.s32 $0xD0, s20;
	s15 =	sadd.s32 $0x138, s20;
	s16 =	sadd.s32 $0x1A0, s20  }
0xf: {  	s9 =	sadd.s32 $0x208, s20;
	s7 =	sor.u32 s6, s7;
	s26 =	sadd.s32 s4, s24  }
0x10: {  	s8 =	smax.u32 s8, $0x1;
	s5 =	sadd.s32 $0x13800, s25;
	s22 =	sshll.u32 s12, $0x8  }
0x11: {  	s17 =	sshll.u32 s11, $0x8;
	s18 =	sshll.u32 s14, $0x8;
	s19 =	sshll.u32 s15, $0x8  }
0x12: {  	s20 =	sshll.u32 s16, $0x8;
	s21 =	sshll.u32 s9, $0x8;
	s12 =	sshll.u32 s12, $0x7  }
0x13: {  	[dreg:$0x5] =	wrdreg s26;
	s24 =	sshll.u32 s11, $0x7;
	s26 =	sshll.u32 s14, $0x7  }
0x14: {  	[dreg:$0x7] =	wrdreg s8;
	s8 =	sshll.u32 s15, $0x7;
	s7 =	sshrl.u32 s7, $0x3  }
0x15: {  	[dreg:$0x3] =	wrdreg s5;
	s10 =	sor.u32 s6, s22;
	s17 =	sor.u32 s6, s17  }
0x16: {  	s18 =	sor.u32 s6, s18;
	s19 =	sor.u32 s6, s19;
	s20 =	sor.u32 s6, s20  }
0x17: {  	s6 =	sor.u32 s6, s21;
	s22 =	sadd.s32 s12, s2;
	s11 =	sadd.s32 s24, s2  }
0x18: {  	s14 =	sadd.s32 s26, s2;
	s10 =	sshrl.u32 s10, $0x3;
	[dreg:$0x8] =	wrdreg s11  }
0x19: {  	[dreg:$0x9] =	wrdreg s14;
	s24 =	sshrl.u32 s17, $0x3;
	s26 =	sshrl.u32 s18, $0x3  }
0x1a: {  	s14 =	sshrl.u32 s19, $0x3;
	s6 =	sshrl.u32 s6, $0x3;
	s18 =	smul.u32 $0x4E2, s23  }
0x1b: {  	s19 =	sadd.s32 s8, s2;
	s8 =	simm.s32 $0x50;
	s21 =	sadd.s32 s1, s10  }
0x1c: {  	s10 =	sshll.u32 s16, $0x7;
	s11 =	sadd.s32 s1, s24;
	s12 =	sadd.s32 s1, s26  }
0x1d: {  	s15 =	sadd.s32 s1, s14;
	s16 =	sshrl.u32 s20, $0x3;
	[dreg:$0x6] =	wrdreg s21  }
0x1e: {  	s24 =	sshll.u32 s9, $0x7;
	s26 =	sadd.s32 $0x5000, s13;
	[dreg:$0xb] =	wrdreg s11  }
0x1f: {  	s9 =	simm.s32 $0x6;
	s14 =	simm.s32 $0x8;
	[dreg:$0xc] =	wrdreg s12  }
0x20: {  	s21 =	sadd.s32 s1, s7;
	[dreg:$0xd] =	wrdreg s15;
	s17 =	sadd.s32 s1, s16  }
0x21: {  	s1 =	sadd.s32 s1, s6;
	s20 =	sadd.s32 s10, s2;
	s0 =	sadd.s32 s18, s0  }
0x22: {  	s6 =	simm.s32 $0x1;
	s7 =	simm.s32 $0x3;
	[dreg:$0xa] =	wrdreg s21  }
0x23: {  	s10 =	simm.s32 $0x2;
	s15 =	simm.s32 $0x0;
	[dreg:$0xe] =	wrdreg s17  }
0x24: {  	[dreg:$0xf] =	wrdreg s1;
	s21 =	sadd.s32 s24, s2;
	s17 =	sadd.s32 $0xA000, s13  }
0x25: {  	s1 =	sshrl.u32 s26, $0x3;
	s23 =	sadd.s32 $0x14, s0;
	s0 =	sshrl.u32 @!p0 s22, $0x3  }
0x26: {  	s26 =	simm.s32 $0x5100;
	s13 =	simm.s32 $0x4;
	s24 =	sadd.s32 s1, s4  }
0x27: {  	v0 =	vimm.f32 $0.0e+00;
	[dreg:$0x10] =	wrdreg s0;
	s0 =	simm.s32 $0x80;
	s1 =	simm.s32 $0x2900  }
.LBB2_1:
0x28: {  	s16 =	simm.s32 $0x0;
	s18 =	simm.s32 $0x200  }
.LBB2_2:
0x29: {  	p1 =	sne.s32 s18, $0xCE00;
	[tilespmem:s16+$0x5170] =	vst v0  }
0x2a: {  	[tilespmem:s16+$0x5100] =	vst v0  }
0x2b: {  	[tilespmem:s16+$0x5110] =	vst v0  }
.Ltmp0:
0x2c: {  	[tilespmem:s16+$0x5120] =	vst v0;
	(pc) =	sbr.rel @p1 .LBB2_2-.Ltmp0, $4  }
0x2d: {  	[tilespmem:s16+$0x5130] =	vst v0  }
0x2e: {  	[tilespmem:s16+$0x5140] =	vst v0  }
0x2f: {  	[tilespmem:s16+$0x5150] =	vst v0  }
0x30: {  	[tilespmem:s16+$0x5160] =	vst v0;
	s16 =	sshra.s32 s18, $0x2;
	s18 =	sadd.s32 $0x200, s18  }
0x31: {  	[tilespmem:s16+$0x5170] =	vst v0  }
0x32: {  	[tilespmem:s16+$0x5100] =	vst v0  }
0x33: {  	[tilespmem:s16+$0x5110] =	vst v0  }
0x34: {  	[tilespmem:s16+$0x5120] =	vst v0  }
0x35: {  	[tilespmem:s16+$0x5130] =	vst v0  }
0x36: {  	[tilespmem:s16+$0x5140] =	vst v0  }
0x37: {  	[tilespmem:s16+$0x5150] =	vst v0  }
0x38: {  	[tilespmem:s16+$0x5160] =	vst v0  }
0x39: {  	[spmem:s25] =	stream.linear.scatter [tilespmem:s26], [sflag:$0x5], $0x3400, $0x38;
	[tilespmem:$0x1BD80] =	vst v63  }
0x3a: {  	_ =	swait.ge [sflag:s28], $0x3400  }
0x3b: {  	[sflag:s28] =	ssyncset.done $0x0  }
0x3c: {  	s5 =	rddreg [dreg:$0x8];
	[sflag:s28] =	ssyncadd.s32 $0xFFFFCC00  }
0x3d: {  	[spmem:s5] =	stream.linear.scatter [tilespmem:s26], [sflag:$0x5], $0x3400, $0x38;
	[tilespmem:$0x1BD80] =	vst v63  }
0x3e: {  	_ =	swait.ge [sflag:s28], $0x3400  }
0x3f: {  	[sflag:s28] =	ssyncset.done $0x0  }
0x40: {  	s12 =	smov.u32 s25;
	s25 =	rddreg [dreg:$0x9];
	[sflag:s28] =	ssyncadd.s32 $0xFFFFCC00  }
0x41: {  	[spmem:s25] =	stream.linear.scatter [tilespmem:s26], [sflag:$0x5], $0x3400, $0x38;
	[tilespmem:$0x1BD80] =	vst v63  }
0x42: {  	_ =	swait.ge [sflag:s28], $0x3400  }
0x43: {  	[sflag:s28] =	ssyncset.done $0x0  }
0x44: {  	[sflag:s28] =	ssyncadd.s32 $0xFFFFCC00  }
0x45: {  	[spmem:s19] =	stream.linear.scatter [tilespmem:s26], [sflag:$0x5], $0x3400, $0x38;
	[tilespmem:$0x1BD80] =	vst v63  }
0x46: {  	_ =	swait.ge [sflag:s28], $0x3400  }
0x47: {  	[sflag:s28] =	ssyncset.done $0x0  }
0x48: {  	[sflag:s28] =	ssyncadd.s32 $0xFFFFCC00  }
0x49: {  	[spmem:s20] =	stream.linear.scatter [tilespmem:s26], [sflag:$0x5], $0x3400, $0x38;
	[tilespmem:$0x1BD80] =	vst v63  }
0x4a: {  	_ =	swait.ge [sflag:s28], $0x3400  }
0x4b: {  	[sflag:s28] =	ssyncset.done $0x0  }
0x4c: {  	[sflag:s28] =	ssyncadd.s32 $0xFFFFCC00  }
0x4d: {  	[spmem:s21] =	stream.linear.scatter [tilespmem:s26], [sflag:$0x5], $0x3400, $0x38;
	[tilespmem:$0x1BD80] =	vst v63  }
0x4e: {  	_ =	swait.ge [sflag:s28], $0x3400  }
0x4f: {  	[sflag:s28] =	ssyncset.done $0x0  }
0x50: {  	s16 =	simm.s32 @!p0 $0x5100;
	s5 =	rddreg [dreg:$0x3];
	[sflag:s28] =	ssyncadd.s32 $0xFFFFCC00  }
0x51: {  	[spmem:s5] =	stream.linear.scatter @!p0 [tilespmem:s16], [sflag:$0x5], $0x400, $0x38;
	[tilespmem:$0x1BD80] =	vst v63  }
0x52: {  	s16 =	simm.s32 @!p0 $0x5  }
0x53: {  	_ =	swait.ge @!p0 [sflag:s16], $0x400  }
0x54: {  	[sflag:s16] =	ssyncset.done @!p0 $0x0  }
0x55: {  	[sflag:s16] =	ssyncadd.s32 @!p0 $0xFFFFFC00  }
0x56: {  	[bflag:$0x0] =	sbarrier.arrive $0xFFFF  }
0x57: {  	s5 =	simm.s32 $0x0;
	s11 =	rddreg [dreg:$0x4]  }
0x58: {  	[tilespmem:s5], [sflag:$0x1] =	stream.linear.gather [hbm4b:s11+s5], $0x50, $0x38;
	[tilespmem:$0x1BD80] =	vst v63  }
0x59: {  	s16 =	rddreg [dreg:$0x5]  }
0x5a: {  	[tilespmem:s31], [sflag:$0x3] =	stream.strided.gather [hbm4b:s16+s29], $0x2800, s30, s29, $0x38;
	[tilespmem:$0x1BD80] =	vst v63  }
0x5b: {  	s18 =	sadd.s32 $0xFFFFFFF6, s23  }
0x5c: {  	[tilespmem:s0], [sflag:$0x2] =	stream.linear.gather [hbm4b:s18+s3], $0x50, $0x38;
	[tilespmem:$0x1BD80] =	vst v63  }
0x5d: {  	s22 =	sadd.s32 $0x0, s24  }
0x5e: {  	[tilespmem:s1], [sflag:$0x4] =	stream.strided.gather [hbm4b:s22+s29], $0x2800, s30, s29, $0x38;
	[tilespmem:$0x1BD80] =	vst v63  }
0x5f: {  	_ =	swait.ge [sflag:s6], $0x50  }
0x60: {  	[sflag:s6] =	ssyncset.done $0x0  }
0x61: {  	[sflag:s6] =	ssyncadd.s32 $0xFFFFFFB0  }
0x62: {  	_ =	swait.ge [sflag:s7], $0x2800  }
0x63: {  	[sflag:s7] =	ssyncset.done $0x0  }
0x64: {  	[sflag:s7] =	ssyncadd.s32 $0xFFFFD800  }
0x65: {  	[spmem:s2] =	stream.indirect.scatter.add.f32 [tilespmem:s31], [sflag:$0x6], $0x80, s3, s8, $0xb8;
	[tilespmem:$0x1BD80] =	vst v63  }
0x66: {  	_ =	swait.ge [sflag:s9], $0x2800  }
0x67: {  	[sflag:s9] =	ssyncset.done $0x0  }
0x68: {  	s25 =	sshrl.u32 s17, $0x3;
	[sflag:s9] =	ssyncadd.s32 $0xFFFFD800  }
0x69: {  	[tilespmem:s3], [sflag:$0x1] =	stream.linear.gather [hbm4b:s23+s3], $0x50, $0x38;
	[tilespmem:$0x1BD80] =	vst v63  }
0x6a: {  	s16 =	sadd.s32 s4, s25  }
0x6b: {  	[tilespmem:s31], [sflag:$0x3] =	stream.strided.gather [hbm4b:s16+s29], $0x2800, s30, s29, $0x38;
	[tilespmem:$0x1BD80] =	vst v63  }
0x6c: {  	_ =	swait.ge [sflag:s10], $0x50  }
0x6d: {  	[sflag:s10] =	ssyncset.done $0x0  }
0x6e: {  	[sflag:s10] =	ssyncadd.s32 $0xFFFFFFB0  }
0x6f: {  	_ =	swait.ge [sflag:s13], $0x2800  }
0x70: {  	[sflag:s13] =	ssyncset.done $0x0  }
0x71: {  	[sflag:s13] =	ssyncadd.s32 $0xFFFFD800  }
0x72: {  	[spmem:s2] =	stream.indirect.scatter.add.f32 [tilespmem:s1], [sflag:$0x5], $0x80, s0, s8, $0xb8;
	[tilespmem:$0x1BD80] =	vst v63  }
0x73: {  	s25 =	simm.s32 $0x2800;
	s18 =	simm.s32 $0x1400;
	_ =	swait.ge [sflag:s28], $0x2800  }
0x74: {  	s22 =	smov.u32 s17;
	s16 =	sadd.s32 $0x14, s23;
	[sflag:s28] =	ssyncset.done $0x0  }
.LBB2_4:
0x75: {  	s5 =	sadd.s32 $0xFFFFFFF6, s16  }
0x76: {  	[sflag:s28] =	ssyncadd.s32 $0xFFFFD800;
	s22 =	sadd.s32 $0xA000, s22;
	s11 =	smov.u32 s25  }
0x77: {  	[tilespmem:s0], [sflag:$0x2] =	stream.linear.gather [hbm4b:s5+s3], $0x50, $0x38;
	[tilespmem:$0x1BD80] =	vst v63  }
0x78: {  	p1 =	sne.s32 s25, $0x4C400;
	s25 =	sadd.s32 $0x1400, s25;
	s5 =	sadd.s32 s18, s24  }
0x79: {  	[tilespmem:s1], [sflag:$0x4] =	stream.strided.gather [hbm4b:s5+s29], $0x2800, s30, s29, $0x38;
	[tilespmem:$0x1BD80] =	vst v63  }
0x7a: {  	s18 =	smov.u32 s11;
	_ =	swait.ge [sflag:s6], $0x50  }
0x7b: {  	[sflag:s6] =	ssyncset.done $0x0  }
0x7c: {  	[sflag:s6] =	ssyncadd.s32 $0xFFFFFFB0  }
0x7d: {  	_ =	swait.ge [sflag:s7], $0x2800  }
0x7e: {  	[sflag:s7] =	ssyncset.done $0x0  }
0x7f: {  	[sflag:s7] =	ssyncadd.s32 $0xFFFFD800  }
0x80: {  	[spmem:s2] =	stream.indirect.scatter.add.f32 [tilespmem:s31], [sflag:$0x6], $0x80, s3, s8, $0xb8;
	[tilespmem:$0x1BD80] =	vst v63  }
0x81: {  	_ =	swait.ge [sflag:s9], $0x2800  }
0x82: {  	[sflag:s9] =	ssyncset.done $0x0  }
0x83: {  	s5 =	sshrl.u32 s22, $0x3;
	[sflag:s9] =	ssyncadd.s32 $0xFFFFD800  }
0x84: {  	[tilespmem:s3], [sflag:$0x1] =	stream.linear.gather [hbm4b:s16+s3], $0x50, $0x38;
	[tilespmem:$0x1BD80] =	vst v63  }
0x85: {  	s5 =	sadd.s32 s4, s5  }
0x86: {  	[tilespmem:s31], [sflag:$0x3] =	stream.strided.gather [hbm4b:s5+s29], $0x2800, s30, s29, $0x38;
	[tilespmem:$0x1BD80] =	vst v63  }
0x87: {  	_ =	swait.ge [sflag:s10], $0x50  }
0x88: {  	[sflag:s10] =	ssyncset.done $0x0  }
0x89: {  	[sflag:s10] =	ssyncadd.s32 $0xFFFFFFB0  }
0x8a: {  	_ =	swait.ge [sflag:s13], $0x2800  }
.Ltmp1:
0x8b: {  	[sflag:s13] =	ssyncset.done $0x0;
	(pc) =	sbr.rel @p1 .LBB2_4-.Ltmp1, $4  }
0x8c: {  	[sflag:s13] =	ssyncadd.s32 $0xFFFFD800  }
0x8d: {  	[spmem:s2] =	stream.indirect.scatter.add.f32 [tilespmem:s1], [sflag:$0x5], $0x80, s0, s8, $0xb8;
	[tilespmem:$0x1BD80] =	vst v63  }
0x8e: {  	_ =	swait.ge [sflag:s28], $0x2800  }
0x8f: {  	s16 =	sadd.s32 $0x14, s16;
	[sflag:s28] =	ssyncset.done $0x0  }
0x90: {  	s5 =	sadd.s32 $0xFFFFFFF6, s16;
	[sflag:s28] =	ssyncadd.s32 $0xFFFFD800  }
0x91: {  	[tilespmem:s0], [sflag:$0x2] =	stream.linear.gather [hbm4b:s5+s3], $0x50, $0x38;
	[tilespmem:$0x1BD80] =	vst v63  }
0x92: {  	s25 =	sadd.s32 s18, s24  }
0x93: {  	[tilespmem:s1], [sflag:$0x4] =	stream.strided.gather [hbm4b:s25+s29], $0x2800, s30, s29, $0x38;
	[tilespmem:$0x1BD80] =	vst v63  }
0x94: {  	_ =	swait.ge [sflag:s6], $0x50  }
0x95: {  	[sflag:s6] =	ssyncset.done $0x0  }
0x96: {  	[sflag:s6] =	ssyncadd.s32 $0xFFFFFFB0  }
0x97: {  	_ =	swait.ge [sflag:s7], $0x2800  }
0x98: {  	[sflag:s7] =	ssyncset.done $0x0  }
0x99: {  	[sflag:s7] =	ssyncadd.s32 $0xFFFFD800  }
0x9a: {  	[spmem:s2] =	stream.indirect.scatter.add.f32 [tilespmem:s31], [sflag:$0x6], $0x80, s3, s8, $0xb8;
	[tilespmem:$0x1BD80] =	vst v63  }
0x9b: {  	_ =	swait.ge [sflag:s9], $0x2800  }
0x9c: {  	s11 =	sadd.s32 $0xA000, s22;
	[sflag:s9] =	ssyncset.done $0x0  }
0x9d: {  	s5 =	sshrl.u32 s11, $0x3;
	[sflag:s9] =	ssyncadd.s32 $0xFFFFD800  }
0x9e: {  	[tilespmem:s3], [sflag:$0x1] =	stream.linear.gather [hbm4b:s16+s3], $0x50, $0x38;
	[tilespmem:$0x1BD80] =	vst v63  }
0x9f: {  	s5 =	sadd.s32 s4, s5  }
0xa0: {  	[tilespmem:s31], [sflag:$0x3] =	stream.strided.gather [hbm4b:s5+s29], $0x2800, s30, s29, $0x38;
	[tilespmem:$0x1BD80] =	vst v63  }
0xa1: {  	_ =	swait.ge [sflag:s10], $0x50  }
0xa2: {  	[sflag:s10] =	ssyncset.done $0x0  }
0xa3: {  	[sflag:s10] =	ssyncadd.s32 $0xFFFFFFB0  }
0xa4: {  	_ =	swait.ge [sflag:s13], $0x2800  }
0xa5: {  	[sflag:s13] =	ssyncset.done $0x0  }
0xa6: {  	[sflag:s13] =	ssyncadd.s32 $0xFFFFD800  }
0xa7: {  	[spmem:s2] =	stream.indirect.scatter.add.f32 [tilespmem:s1], [sflag:$0x5], $0x80, s0, s8, $0xb8;
	[tilespmem:$0x1BD80] =	vst v63  }
0xa8: {  	_ =	swait.ge [sflag:s28], $0x2800  }
0xa9: {  	[sflag:s28] =	ssyncset.done $0x0  }
0xaa: {  	[sflag:s28] =	ssyncadd.s32 $0xFFFFD800  }
0xab: {  	_ =	swait.ge [sflag:s6], $0x50  }
0xac: {  	[sflag:s6] =	ssyncset.done $0x0  }
0xad: {  	[sflag:s6] =	ssyncadd.s32 $0xFFFFFFB0  }
0xae: {  	_ =	swait.ge [sflag:s7], $0x2800  }
0xaf: {  	[sflag:s7] =	ssyncset.done $0x0  }
0xb0: {  	[sflag:s7] =	ssyncadd.s32 $0xFFFFD800  }
0xb1: {  	[spmem:s2] =	stream.indirect.scatter.add.f32 [tilespmem:s31], [sflag:$0x6], $0x80, s3, s8, $0xb8;
	[tilespmem:$0x1BD80] =	vst v63  }
0xb2: {  	_ =	swait.ge [sflag:s9], $0x2800  }
0xb3: {  	[sflag:s9] =	ssyncset.done $0x0  }
0xb4: {  	s18 =	stileid.u32;
	[sflag:s9] =	ssyncadd.s32 $0xFFFFD800  }
0xb5: {  	s5 =	sshll.u32 s18, $0x6;
	[bflag:$0x0] =	sbarrier.arrive $0xFFFF  }
0xb6: {  	s11 =	sshrl.u32 s12, $0x3;
	s5 =	sor.u32 $0x1C05, s5;
	s22 =	rddreg [dreg:$0xa]  }
0xb7: {  	[hbm:s22@s31], [sflag:s5] =	dma.strided [spmem:s11@s0], $0x680, s14, $0x10   }
0xb8: {  	_ =	swait.ge [sflag:s28], $0x680  }
0xb9: {  	s25 =	smov.u32 s12;
	[sflag:s28] =	ssyncset.done $0x0;
	s12 =	rddreg [dreg:$0x8]  }
0xba: {  	s16 =	rddreg [dreg:$0xb];
	[sflag:s28] =	ssyncadd.s32 $0xFFFFF980;
	s11 =	sshrl.u32 s12, $0x3  }
0xbb: {  	[hbm:s16@s31], [sflag:s5] =	dma.strided [spmem:s11@s0], $0x680, s14, $0x10   }
0xbc: {  	_ =	swait.ge [sflag:s28], $0x680  }
0xbd: {  	[sflag:s28] =	ssyncset.done $0x0;
	s18 =	rddreg [dreg:$0x9]  }
0xbe: {  	s22 =	rddreg [dreg:$0xc];
	[sflag:s28] =	ssyncadd.s32 $0xFFFFF980;
	s11 =	sshrl.u32 s18, $0x3  }
0xbf: {  	[hbm:s22@s31], [sflag:s5] =	dma.strided [spmem:s11@s0], $0x680, s14, $0x10   }
0xc0: {  	_ =	swait.ge [sflag:s28], $0x680  }
0xc1: {  	[sflag:s28] =	ssyncset.done $0x0  }
0xc2: {  	s12 =	sshrl.u32 s19, $0x3;
	s16 =	rddreg [dreg:$0xd];
	[sflag:s28] =	ssyncadd.s32 $0xFFFFF980  }
0xc3: {  	[hbm:s16@s31], [sflag:s5] =	dma.strided [spmem:s12@s0], $0x680, s14, $0x10   }
0xc4: {  	_ =	swait.ge [sflag:s28], $0x680  }
0xc5: {  	[sflag:s28] =	ssyncset.done $0x0  }
0xc6: {  	s18 =	sshrl.u32 s20, $0x3;
	s22 =	rddreg [dreg:$0xe];
	[sflag:s28] =	ssyncadd.s32 $0xFFFFF980  }
0xc7: {  	[hbm:s22@s31], [sflag:s5] =	dma.strided [spmem:s18@s0], $0x680, s14, $0x10   }
0xc8: {  	_ =	swait.ge [sflag:s28], $0x680  }
0xc9: {  	[sflag:s28] =	ssyncset.done $0x0  }
0xca: {  	s16 =	sshrl.u32 s21, $0x3;
	s18 =	rddreg [dreg:$0xf];
	[sflag:s28] =	ssyncadd.s32 $0xFFFFF980  }
0xcb: {  	[hbm:s18@s31], [sflag:s5] =	dma.strided [spmem:s16@s0], $0x680, s14, $0x10   }
0xcc: {  	_ =	swait.ge [sflag:s28], $0x680  }
0xcd: {  	[sflag:s28] =	ssyncset.done $0x0;
	s11 =	rddreg [dreg:$0x6]  }
0xce: {  	s12 =	rddreg [dreg:$0x10];
	[sflag:s28] =	ssyncadd.s32 $0xFFFFF980  }
0xcf: {  	[hbm:s11], [sflag:s5] =	dma.local @!p0 [spmem:s12], $0x80  }
0xd0: {  	s5 =	simm.s32 @!p0 $0x5  }
0xd1: {  	_ =	swait.ge @!p0 [sflag:s5], $0x80  }
0xd2: {  	s15 =	sadd.s32 $0x1, s15;
	s22 =	rddreg [dreg:$0x7]  }
0xd3: {  	p1 =	sne.s32 s15, s22  }
.Ltmp2:
0xd4: {  	_ = 	snop;
	(pc) =	sbr.rel @p1 .LBB2_1-.Ltmp2, $3  }
0xd5: {  	_ =	sdelay $0x1  }
0xd6: {  	[sflag:s5] =	ssyncset.done @!p0 $0x0  }
0xd7: {  	[sflag:s5] =	ssyncadd.s32 @!p0 $0xFFFFFF80  }
0xd8: {  	_ =	sfence.sel $0x180000  }
0xd9: {  	[bflag:$0x0] =	sbarrier.arrive $0xFFFF  }
0xda: {  	_ =	strace $0x90000053  }
0xdb: {  	s0 =	stileid.u32;
	[bflag:$0x2] =	sbarrier.arrive $0xFFFF  }
0xdc: {  	p0 =	sne.s32 s0, $0x0;
	s0 =	rddreg [dreg:$0x2]  }
0xdd: {  	s0 =	sadd.s32 @!p0 $0x100000, s0  }
0xde: {  	[sflag:s0] =	ssyncadd.tile.s32 @!p0 $0x1;
	_ =	shalt  }
.Lfunc_end2:
_tile_overlayer_lowered:
.L_overlay_start_2:
0xdf: {  	(tag) =	ssettag $0x2  }
0xe0: {  	s0 =	rddreg [dreg:$0x0];
	s2 =	stileid.u32  }
0xe1: {  	s1 =	rddreg [dreg:$0x1];
	p0 =	sne.s32 s2, $0x0  }
0xe2: {  	s3 =	rddreg [dreg:$0x2];
	[bflag:$0x3] =	sbarrier.arrive $0xFFFF;
	s2 =	simm.s32 @!p0 $0x1C05  }
0xe3: {  	[timem:s3], [sflag:s2] =	dma.local @!p0 [hbm:s0], s1  }
0xe4: {  	s0 =	simm.s32 @!p0 $0x5  }
0xe5: {  	_ =	swait.ge @!p0 [sflag:s0], s1  }
0xe6: {  	s1 =	ssub.s32 @!p0 $0x0, s1;
	[sflag:s0] =	ssyncset.done @!p0 $0x0  }
0xe7: {  	[sflag:s0] =	ssyncadd.s32 @!p0 s1  }
0xe8: {  	[bflag:$0x3] =	sbarrier.arrive $0xFFFF  }
0xe9: {  	_ =	shalt  }

// kernel: kernel.30.cloned.1.call-start
scs
__scs_entry_jumppad:
0x0: {  	(pc) =	sbr.rel $0x88, $3  }
0x1: {  	(tag) =	ssettag $0x0;
	lr =	simm.s32 $0x1  }
0x2: {  	[smem:$0x3F98] =	sst lr;
	_ =	strace $0xD0000000  }
0x3: {  	_ = 	snop  }
0x4: {  	_ = 	snop  }
0x5: {  	_ = 	snop  }
0x6: {  	_ = 	snop  }
0x7: {  	_ = 	snop  }
__scs_overlays_trampoline_lowered:
0x8: {  	[smem:$0x3FA7] =	sst s0  }
0x9: {  	[smem:$0x3FA8] =	sst s1  }
0xa: {  	[smem:$0x3FA9] =	sst s2  }
0xb: {  	[smem:$0x3FAA] =	sst s3  }
0xc: {  	[smem:$0x3FAB] =	sst s4  }
0xd: {  	[smem:$0x3FAC] =	sst s5  }
0xe: {  	[smem:$0x3FAD] =	sst s6  }
0xf: {  	[smem:$0x3FAE] =	sst s7  }
0x10: {  	[smem:$0x3FAF] =	sst s8  }
0x11: {  	[smem:$0x3FB0] =	sst s9;
	s0 =	simm.s32 @!p0 $0x0  }
0x12: {  	s1 =	sld [smem:$0x3F96];
	s0 =	simm.s32 @p0 $0x1  }
0x13: {  	[smem:$0x3FB1] =	sst s0;
	s0 =	simm.s32 @!p1 $0x0  }
0x14: {  	s2 =	sld [smem:$0x3F95];
	s0 =	simm.s32 @p1 $0x1  }
0x15: {  	[smem:$0x3FB2] =	sst s0;
	s0 =	simm.s32 @!p2 $0x0  }
0x16: {  	s3 =	sld [smem:$0x3FDB];
	s0 =	simm.s32 @p2 $0x1  }
0x17: {  	s4 =	simm.s32 $0x1BF5;
	[smem:$0x3FB4] =	sst s0  }
0x18: {  	s0 =	sld [smem:$0x3F97];
	_ =	swait.ge [sflag:s4], $0x0  }
0x19: {  	s7 =	sld [smem:$0x3F98]  }
0x1a: {  	s8 =	sadd.s32 $0xFFFFE003, lr  }
0x1b: {  	s9 =	sadd.s32 $0xFFFFFEF7, lr;
	s5 =	simm.s32 $0xFFFFFFFF;
	p2 =	slt.u32 s8, $0xFFFFF086  }
0x1c: {  	p1 =	slt.u32 s9, $0xF7A;
	s5 =	simm.s32 @!p2 $0x0  }
0x1d: {  	s5 =	simm.s32 @p1 $0x1;
	p0 =	seq.s32 s7, s2  }
0x1e: {  	s7 =	smul.u32 @!p0 $0xF7A, s2;
	p2 =	seq.s32 @!p0 s5, $0x0  }
0x1f: {  	s9 =	smul.u32 $0xF7A, s1;
	s8 =	simm.s32 @!p0 $0x1BF5;
	p2 =	por !p2, p0  }
0x20: {  	[sflag:s8] =	ssyncset.s32 @!p0 $0xFFFFF086;
	s6 =	sadd.s32 @!p0 s3, s7;
	s7 =	simm.s32 @!p0 $0x108  }
0x21: {  	s3 =	sadd.s32 s3, s9;
	s6 =	sadd.s32 @!p0 $0x88, s6;
	s7 =	simm.s32 @p2 $0x1082  }
0x22: {  	[simem:s7], [sflag:s8] =	dma.local @!p0 [hbm:s6], $0xF7A  }
0x23: {  	s9 =	sor.u32 $0xD0000000, s2;
	s6 =	simm.s32 $0x108;
	_ =	swait.ge @!p0 [sflag:s8], $0x0  }
0x24: {  	s3 =	sadd.s32 $0x88, s3;
	s6 =	simm.s32 @!p1 $0x1082;
	[sflag:s4] =	ssyncset.s32 $0xFFFFF086  }
0x25: {  	[simem:s6], [sflag:s4] =	dma.local [hbm:s3], $0xF7A  }
0x26: {  	[smem:$0x3F98] =	sst s1;
	(tag) =	ssettag s2;
	_ =	strace s9  }
0x27: {  	s1 =	sld [smem:$0x3FA8]  }
0x28: {  	s2 =	sld [smem:$0x3FA9]  }
0x29: {  	s4 =	sld [smem:$0x3FAB]  }
0x2a: {  	p0 =	seq.s32 s5, $0x0;
	s5 =	sld [smem:$0x3FAC]  }
0x2b: {  	s6 =	sld [smem:$0x3FAD]  }
0x2c: {  	s7 =	sld [smem:$0x3FAE]  }
0x2d: {  	s3 =	simm.s32 $0x108;
	s8 =	sld [smem:$0x3FAF]  }
0x2e: {  	s3 =	simm.s32 @!p0 $0x1082;
	s9 =	sld [smem:$0x3FB0]  }
0x2f: {  	lr =	sadd.s32 s0, s3;
	s0 =	sld [smem:$0x3FA7]  }
0x30: {  	s3 =	sld [smem:$0x3FAA]  }
0x31: {  	[smem:$0x3FB3] =	sst s10  }
0x32: {  	s10 =	sld [smem:$0x3FB1];
	_ =	sdelay $0x3  }
0x33: {  	p0 =	seq.s32 s10, $0x1;
	s10 =	sld [smem:$0x3FB3];
	_ =	sdelay $0x3  }
0x34: {  	[smem:$0x3FB3] =	sst s10  }
0x35: {  	s10 =	sld [smem:$0x3FB2];
	_ =	sdelay $0x3  }
0x36: {  	p1 =	seq.s32 s10, $0x1;
	s10 =	sld [smem:$0x3FB3];
	_ =	sdelay $0x3  }
0x37: {  	[smem:$0x3FB3] =	sst s10  }
0x38: {  	s10 =	sld [smem:$0x3FB4]  }
0x39: {  	_ = 	snop;
	(pc) =	sbr.ind lr, $3  }
0x3a: {  	_ = 	snop  }
0x3b: {  	_ = 	snop  }
0x3c: {  	p2 =	seq.s32 s10, $0x1;
	s10 =	sld [smem:$0x3FB3]  }
0x3d: {  	_ =	shalt  }
0x3e: {  	_ =	shalt  }
0x3f: {  	_ =	shalt  }
0x40: {  	_ =	shalt  }
0x41: {  	_ =	shalt  }
0x42: {  	_ =	shalt  }
0x43: {  	_ =	shalt  }
0x44: {  	_ =	shalt  }
0x45: {  	_ =	shalt  }
0x46: {  	_ =	shalt  }
0x47: {  	_ =	shalt  }
0x48: {  	_ =	shalt  }
0x49: {  	_ =	shalt  }
0x4a: {  	_ =	shalt  }
0x4b: {  	_ =	shalt  }
0x4c: {  	_ =	shalt  }
0x4d: {  	_ =	shalt  }
0x4e: {  	_ =	shalt  }
0x4f: {  	_ =	shalt  }
0x50: {  	_ =	shalt  }
0x51: {  	_ =	shalt  }
0x52: {  	_ =	shalt  }
0x53: {  	_ =	shalt  }
0x54: {  	_ =	shalt  }
0x55: {  	_ =	shalt  }
0x56: {  	_ =	shalt  }
0x57: {  	_ =	shalt  }
0x58: {  	_ =	shalt  }
0x59: {  	_ =	shalt  }
0x5a: {  	_ =	shalt  }
0x5b: {  	_ =	shalt  }
0x5c: {  	_ =	shalt  }
0x5d: {  	_ =	shalt  }
0x5e: {  	_ =	shalt  }
0x5f: {  	_ =	shalt  }
0x60: {  	_ =	shalt  }
0x61: {  	_ =	shalt  }
0x62: {  	_ =	shalt  }
0x63: {  	_ =	shalt  }
0x64: {  	_ =	shalt  }
0x65: {  	_ =	shalt  }
0x66: {  	_ =	shalt  }
0x67: {  	_ =	shalt  }
0x68: {  	_ =	shalt  }
0x69: {  	_ =	shalt  }
0x6a: {  	_ =	shalt  }
0x6b: {  	_ =	shalt  }
0x6c: {  	_ =	shalt  }
0x6d: {  	_ =	shalt  }
0x6e: {  	_ =	shalt  }
0x6f: {  	_ =	shalt  }
0x70: {  	_ =	shalt  }
0x71: {  	_ =	shalt  }
0x72: {  	_ =	shalt  }
0x73: {  	_ =	shalt  }
0x74: {  	_ =	shalt  }
0x75: {  	_ =	shalt  }
0x76: {  	_ =	shalt  }
0x77: {  	_ =	shalt  }
0x78: {  	_ =	shalt  }
0x79: {  	_ =	shalt  }
0x7a: {  	_ =	shalt  }
0x7b: {  	_ =	shalt  }
0x7c: {  	_ =	shalt  }
0x7d: {  	_ =	shalt  }
0x7e: {  	_ =	shalt  }
0x7f: {  	_ =	shalt  }
0x80: {  	_ =	shalt  }
0x81: {  	_ =	shalt  }
0x82: {  	_ =	shalt  }
0x83: {  	_ =	shalt  }
0x84: {  	_ =	shalt  }
0x85: {  	_ =	shalt  }
0x86: {  	_ =	shalt  }
0x87: {  	_ =	shalt  }
.Lfunc_end0:
.L_simem_size_0:
called_computation.5_lowered:
.L_overlay_start_0:
0x88: {  	s2 =	sld [smem:$0x3FD9]  }
0x89: {  	s3 =	sld [smem:$0x3FFE];
	_ =	sdelay $0x1  }
0x8a: {  	s1 =	srdreg.scid  }
0x8b: {  	s0 =	sand.u32 $0x1, s1  }
0x8c: {  	s17 =	sshll.u32 s0, $0xA;
	s2 =	sadd.s32 s3, s2  }
0x8d: {  	s2 =	sadd.s32 s2, s17  }
0x8e: {  	[smem:$0x3FBF] =	sst s2  }
0x8f: {  	_ = 	snop  }
0x90: {  	(tm) =	ssettm $0x1  }
0x91: {  	s18 =	sld [smem:$0x3FFB];
	_ =	sdelay $0x3  }
0x92: {  	_ =	strace s18  }
0x93: {  	s2 =	sld [smem:$0x3FFC];
	_ =	sdelay $0x3  }
0x94: {  	_ =	strace s2  }
0x95: {  	s2 =	sld [smem:$0x3FFD];
	_ =	sdelay $0x3  }
0x96: {  	_ =	strace s2  }
0x97: {  	_ =	strace $0x8FFFFFFF  }
0x98: {  	s19 =	sld [smem:$0x3FDB];
	_ =	sdelay $0x1  }
0x99: {  	s20 =	simm.s32 $_scs_section_size  }
0x9a: {  	s4 =	simm.s32 $_size__tile_overlayer_lowered;
	s5 =	simm.s32 $_tile_overlayer_lowered  }
0x9b: {  	s6 =	simm.s32 $0x1BFF;
	s21 =	sshll.u32 s5, $0x1;
	s3 =	sadd.s32 s20, s19  }
0x9c: {  	s22 =	simm.s32 $0x0;
	s4 =	sshll.u32 s4, $0x1;
	s5 =	sadd.s32 s21, s3  }
0x9d: {  	[timem:s22], [sflag:s6] =	dma.local [hbm:s5], s4  }
0x9e: {  	_ =	swait.ge [sflag:s6], s4  }
0x9f: {  	s4 =	ssub.s32 $0x0, s4;
	[sflag:s6] =	ssyncset.done $0x0  }
0xa0: {  	[sflag:s6] =	ssyncadd.s32 s4;
	_ =	sdelay $0x1  }
0xa1: {  	s23 =	simm.s32 $0x1B8B  }
0xa2: {  	_ =	swait.ge [sflag:s23], $0x1  }
0xa3: {  	[sflag:s23] =	ssyncset.done $0x0  }
0xa4: {  	[sflag:s23] =	ssyncadd.s32 $0xFFFFFFFF  }
0xa5: {  	s4 =	sld [smem:$0x0]  }
0xa6: {  	s5 =	sand.u32 $0xFFFFFFFE, s1  }
0xa7: {  	p0 =	sne.s32 s1, s5  }
0xa8: {  	s5 =	sshll.u32 @p0 s5, $0xE  }
0xa9: {  	s5 =	sadd.s32 @p0 $0x11B8D, s5;
	s6 =	sshll.u32 @p0 s4, $0x11  }
0xaa: {  	s5 =	sor.u32 @p0 s6, s5  }
0xab: {  	[sflag:s5] =	ssyncadd.remote.s32 @p0 $0x1;
	_ =	sdelay $0x1  }
0xac: {  	s5 =	simm.s32 @p0 $0x1B8D  }
0xad: {  	_ =	swait.eq @p0 [sflag:s5], $0x1  }
0xae: {  	[sflag:s5] =	ssyncadd.s32 @p0 $0xFFFFFFFF  }
0xaf: {  	s6 =	sshll.u32 @!p0 s1, $0xE  }
0xb0: {  	s6 =	sor.u32 @!p0 $0x4000, s6;
	s5 =	simm.s32 @!p0 $0x1B8D  }
0xb1: {  	s4 =	sshll.u32 @!p0 s4, $0x11;
	s6 =	sadd.s32 @!p0 $0x11B8D, s6;
	_ =	swait.eq @!p0 [sflag:s5], $0x1  }
0xb2: {  	s4 =	sor.u32 @!p0 s4, s6;
	[sflag:s5] =	ssyncadd.s32 @!p0 $0xFFFFFFFF  }
0xb3: {  	s25 =	simm.s32 $0x1B8E;
	s24 =	sld [smem:$0x3FFE];
	[sflag:s4] =	ssyncadd.remote.s32 @!p0 $0x1  }
0xb4: {  	s26 =	simm.s32 $execute0_lowered;
	[smem:$0x3FD2] =	sst s25  }
0xb5: {  	s5 =	sshll.u32 s26, $0x1;
	_ =	strace $0x80000055;
	[dreg:$0x1] =	wrdreg $0xFFFFFFFF  }
0xb6: {  	s28 =	simm.s32 $_size_execute0_lowered;
	s3 =	sadd.s32 s3, s5;
	[dreg:$0x0] =	wrdreg $0x0  }
0xb7: {  	s5 =	sshll.u32 s28, $0x1;
	[dreg:$0x2] =	wrdreg s3  }
0xb8: {  	[dreg:$0x3] =	wrdreg s5  }
0xb9: {  	[dreg:$0x4] =	wrdreg $0xC0  }
0xba: {  	_ =	task [dreg:s22], $0x5FFFF  }
0xbb: {  	[dreg:$0x1] =	wrdreg $0xFFFFFFFF  }
0xbc: {  	[dreg:$0x0] =	wrdreg $0x60  }
0xbd: {  	[dreg:$0x2] =	wrdreg s24  }
0xbe: {  	[dreg:$0x3] =	wrdreg $0x85000  }
0xbf: {  	[dreg:$0x4] =	wrdreg $0x9  }
0xc0: {  	_ =	task.clear_ibuf [dreg:s22], $0x5FFFF;
	_ =	strace $0x90000055  }
0xc1: {  	s29 =	simm.s32 $0x9;
	_ =	strace $0x80000057  }
0xc2: {  	_ =	swait.ge [sflag:s29], $0x1  }
0xc3: {  	[sflag:s29] =	ssyncadd.s32 $0xFFFFFFFF  }
0xc4: {  	_ =	strace $0x90000057  }
0xc5: {  	_ =	sfence  }
0xc6: {  	s30 =	sld [smem:$0x0];
	_ =	sdelay $0x2  }
0xc7: {  	s31 =	sshll.u32 s1, $0xD;
	s1 =	sshrl.u32 s1, $0x2  }
0xc8: {  	s4 =	sand.u32 $0x4000, s31;
	s1 =	sadd.s32 s1, s30  }
0xc9: {  	s0 =	sor.u32 s4, s0;
	s1 =	sshll.u32 s1, $0x11  }
0xca: {  	s0 =	sor.u32 s1, s0  }
0xcb: {  	s0 =	sadd.s32 $0x8F2B, s0  }
0xcc: {  	[sflag:s0] =	ssyncadd.remote.s32 $0x1  }
0xcd: {  	_ =	sfence.sel $0xFFFF  }
0xce: {  	[dreg:$0x0] =	wrdreg $0xFFFFFFFF;
	(pc) =	sbr.abs _section_cstart, $3  }
0xcf: {  	[dreg:$0x1] =	wrdreg $0xFFFFFFFF  }
0xd0: {  	_ =	task.clear_ibuf [dreg:s22], $0x2FFFF;
	_ =	strace $0x9FFFFFFF  }
0xd1: {  	(tm) =	ssettm $0x7FFFFFFF  }
tec
execute0_lowered:
.L_overlay_start_1:
0x0: {  	(tag) =	ssettag $0x1  }
0x1: {  	s1 =	rddreg [dreg:$0x0]  }
0x2: {  	s2 =	rddreg [dreg:$0x1];
	s3 =	simm.s32 $0x0  }
0x3: {  	s23 =	stileid.u32;
	s6 =	srdreg.scid;
	s28 =	simm.s32 $0x5  }
0x4: {  	s29 =	simm.s32 $0x400;
	s30 =	simm.s32 $0x800;
	s31 =	simm.s32 $0x100  }
0x5: {  	[smem:$0x7FF] =	sst s3;
	s5 =	smul.u32 $0x4E, s23;
	s4 =	sadd.s32 $0x1447200, s1  }
0x6: {  	s7 =	smin.u32 s23, $0x2;
	s0 =	sadd.s32 $0x32B200, s1;
	s10 =	smul.u32 $0x2710, s23  }
0x7: {  	s6 =	sand.u32 $0x1, s6;
	s1 =	sadd.s32 $0xAB400, s1;
	s11 =	smul.u32 $0x271000, s23  }
0x8: {  	p0 =	sgt.u32 s23, $0x1;
	_ =	strace $0x80000056;
	s8 =	ssub.s32 $0x2, s6  }
0x9: {  	s6 =	sshll.u32 s6, $0xA;
	s7 =	sadd.s32 s7, s5;
	s9 =	sshrl.u32 s8, $0x1  }
0xa: {  	s10 =	sshrl.u32 s10, $0x3;
	s13 =	sor.u32 s6, s11;
	s5 =	sshll.u32 s7, $0xA  }
0xb: {  	s8 =	ssub.s32 s8, s9;
	s20 =	sshll.u32 s7, $0x3;
	s21 =	sadd.s32 s0, s10  }
0xc: {  	s7 =	sshll.u32 s7, $0xB;
	s24 =	sshrl.u32 s13, $0x3;
	s25 =	sadd.s32 s5, s2  }
0xd: {  	s12 =	sadd.s32 $0x270, s20;
	[dreg:$0x4] =	wrdreg s21;
	s11 =	sadd.s32 $0x68, s20  }
0xe: {  	s14 =	sadd.s32 $0xD0, s20;
	s15 =	sadd.s32 $0x138, s20;
	s16 =	sadd.s32 $0x1A0, s20  }
0xf: {  	s9 =	sadd.s32 $0x208, s20;
	s7 =	sor.u32 s6, s7;
	s26 =	sadd.s32 s4, s24  }
0x10: {  	s8 =	smax.u32 s8, $0x1;
	s5 =	sadd.s32 $0x13800, s25;
	s22 =	sshll.u32 s12, $0x8  }
0x11: {  	s17 =	sshll.u32 s11, $0x8;
	s18 =	sshll.u32 s14, $0x8;
	s19 =	sshll.u32 s15, $0x8  }
0x12: {  	s20 =	sshll.u32 s16, $0x8;
	s21 =	sshll.u32 s9, $0x8;
	s12 =	sshll.u32 s12, $0x7  }
0x13: {  	[dreg:$0x5] =	wrdreg s26;
	s24 =	sshll.u32 s11, $0x7;
	s26 =	sshll.u32 s14, $0x7  }
0x14: {  	[dreg:$0x7] =	wrdreg s8;
	s8 =	sshll.u32 s15, $0x7;
	s7 =	sshrl.u32 s7, $0x3  }
0x15: {  	[dreg:$0x3] =	wrdreg s5;
	s10 =	sor.u32 s6, s22;
	s17 =	sor.u32 s6, s17  }
0x16: {  	s18 =	sor.u32 s6, s18;
	s19 =	sor.u32 s6, s19;
	s20 =	sor.u32 s6, s20  }
0x17: {  	s6 =	sor.u32 s6, s21;
	s22 =	sadd.s32 s12, s2;
	s11 =	sadd.s32 s24, s2  }
0x18: {  	s14 =	sadd.s32 s26, s2;
	s10 =	sshrl.u32 s10, $0x3;
	[dreg:$0x8] =	wrdreg s11  }
0x19: {  	[dreg:$0x9] =	wrdreg s14;
	s24 =	sshrl.u32 s17, $0x3;
	s26 =	sshrl.u32 s18, $0x3  }
0x1a: {  	s14 =	sshrl.u32 s19, $0x3;
	s6 =	sshrl.u32 s6, $0x3;
	s18 =	smul.u32 $0x4E2, s23  }
0x1b: {  	s19 =	sadd.s32 s8, s2;
	s8 =	simm.s32 $0x50;
	s21 =	sadd.s32 s1, s10  }
0x1c: {  	s10 =	sshll.u32 s16, $0x7;
	s11 =	sadd.s32 s1, s24;
	s12 =	sadd.s32 s1, s26  }
0x1d: {  	s15 =	sadd.s32 s1, s14;
	s16 =	sshrl.u32 s20, $0x3;
	[dreg:$0x6] =	wrdreg s21  }
0x1e: {  	s24 =	sshll.u32 s9, $0x7;
	s26 =	sadd.s32 $0x5000, s13;
	[dreg:$0xb] =	wrdreg s11  }
0x1f: {  	s9 =	simm.s32 $0x6;
	s14 =	simm.s32 $0x8;
	[dreg:$0xc] =	wrdreg s12  }
0x20: {  	s21 =	sadd.s32 s1, s7;
	[dreg:$0xd] =	wrdreg s15;
	s17 =	sadd.s32 s1, s16  }
0x21: {  	s1 =	sadd.s32 s1, s6;
	s20 =	sadd.s32 s10, s2;
	s0 =	sadd.s32 s18, s0  }
0x22: {  	s6 =	simm.s32 $0x1;
	s7 =	simm.s32 $0x3;
	[dreg:$0xa] =	wrdreg s21  }
0x23: {  	s10 =	simm.s32 $0x2;
	s15 =	simm.s32 $0x0;
	[dreg:$0xe] =	wrdreg s17  }
0x24: {  	[dreg:$0xf] =	wrdreg s1;
	s21 =	sadd.s32 s24, s2;
	s17 =	sadd.s32 $0xA000, s13  }
0x25: {  	s1 =	sshrl.u32 s26, $0x3;
	s23 =	sadd.s32 $0x14, s0;
	s0 =	sshrl.u32 @!p0 s22, $0x3  }
0x26: {  	s26 =	simm.s32 $0x5100;
	s13 =	simm.s32 $0x4;
	s24 =	sadd.s32 s1, s4  }
0x27: {  	v0 =	vimm.f32 $0.0e+00;
	[dreg:$0x10] =	wrdreg s0;
	s0 =	simm.s32 $0x80;
	s1 =	simm.s32 $0x2900  }
.LBB2_1:
0x28: {  	s16 =	simm.s32 $0x0;
	s18 =	simm.s32 $0x200  }
.LBB2_2:
0x29: {  	p1 =	sne.s32 s18, $0xCE00;
	[tilespmem:s16+$0x5170] =	vst v0  }
0x2a: {  	[tilespmem:s16+$0x5100] =	vst v0  }
0x2b: {  	[tilespmem:s16+$0x5110] =	vst v0  }
.Ltmp0:
0x2c: {  	[tilespmem:s16+$0x5120] =	vst v0;
	(pc) =	sbr.rel @p1 .LBB2_2-.Ltmp0, $4  }
0x2d: {  	[tilespmem:s16+$0x5130] =	vst v0  }
0x2e: {  	[tilespmem:s16+$0x5140] =	vst v0  }
0x2f: {  	[tilespmem:s16+$0x5150] =	vst v0  }
0x30: {  	[tilespmem:s16+$0x5160] =	vst v0;
	s16 =	sshra.s32 s18, $0x2;
	s18 =	sadd.s32 $0x200, s18  }
0x31: {  	[tilespmem:s16+$0x5170] =	vst v0  }
0x32: {  	[tilespmem:s16+$0x5100] =	vst v0  }
0x33: {  	[tilespmem:s16+$0x5110] =	vst v0  }
0x34: {  	[tilespmem:s16+$0x5120] =	vst v0  }
0x35: {  	[tilespmem:s16+$0x5130] =	vst v0  }
0x36: {  	[tilespmem:s16+$0x5140] =	vst v0  }
0x37: {  	[tilespmem:s16+$0x5150] =	vst v0  }
0x38: {  	[tilespmem:s16+$0x5160] =	vst v0  }
0x39: {  	[spmem:s25] =	stream.linear.scatter [tilespmem:s26], [sflag:$0x5], $0x3400, $0x38;
	[tilespmem:$0x1BD80] =	vst v63  }
0x3a: {  	_ =	swait.ge [sflag:s28], $0x3400  }
0x3b: {  	[sflag:s28] =	ssyncset.done $0x0  }
0x3c: {  	s5 =	rddreg [dreg:$0x8];
	[sflag:s28] =	ssyncadd.s32 $0xFFFFCC00  }
0x3d: {  	[spmem:s5] =	stream.linear.scatter [tilespmem:s26], [sflag:$0x5], $0x3400, $0x38;
	[tilespmem:$0x1BD80] =	vst v63  }
0x3e: {  	_ =	swait.ge [sflag:s28], $0x3400  }
0x3f: {  	[sflag:s28] =	ssyncset.done $0x0  }
0x40: {  	s12 =	smov.u32 s25;
	s25 =	rddreg [dreg:$0x9];
	[sflag:s28] =	ssyncadd.s32 $0xFFFFCC00  }
0x41: {  	[spmem:s25] =	stream.linear.scatter [tilespmem:s26], [sflag:$0x5], $0x3400, $0x38;
	[tilespmem:$0x1BD80] =	vst v63  }
0x42: {  	_ =	swait.ge [sflag:s28], $0x3400  }
0x43: {  	[sflag:s28] =	ssyncset.done $0x0  }
0x44: {  	[sflag:s28] =	ssyncadd.s32 $0xFFFFCC00  }
0x45: {  	[spmem:s19] =	stream.linear.scatter [tilespmem:s26], [sflag:$0x5], $0x3400, $0x38;
	[tilespmem:$0x1BD80] =	vst v63  }
0x46: {  	_ =	swait.ge [sflag:s28], $0x3400  }
0x47: {  	[sflag:s28] =	ssyncset.done $0x0  }
0x48: {  	[sflag:s28] =	ssyncadd.s32 $0xFFFFCC00  }
0x49: {  	[spmem:s20] =	stream.linear.scatter [tilespmem:s26], [sflag:$0x5], $0x3400, $0x38;
	[tilespmem:$0x1BD80] =	vst v63  }
0x4a: {  	_ =	swait.ge [sflag:s28], $0x3400  }
0x4b: {  	[sflag:s28] =	ssyncset.done $0x0  }
0x4c: {  	[sflag:s28] =	ssyncadd.s32 $0xFFFFCC00  }
0x4d: {  	[spmem:s21] =	stream.linear.scatter [tilespmem:s26], [sflag:$0x5], $0x3400, $0x38;
	[tilespmem:$0x1BD80] =	vst v63  }
0x4e: {  	_ =	swait.ge [sflag:s28], $0x3400  }
0x4f: {  	[sflag:s28] =	ssyncset.done $0x0  }
0x50: {  	s16 =	simm.s32 @!p0 $0x5100;
	s5 =	rddreg [dreg:$0x3];
	[sflag:s28] =	ssyncadd.s32 $0xFFFFCC00  }
0x51: {  	[spmem:s5] =	stream.linear.scatter @!p0 [tilespmem:s16], [sflag:$0x5], $0x400, $0x38;
	[tilespmem:$0x1BD80] =	vst v63  }
0x52: {  	s16 =	simm.s32 @!p0 $0x5  }
0x53: {  	_ =	swait.ge @!p0 [sflag:s16], $0x400  }
0x54: {  	[sflag:s16] =	ssyncset.done @!p0 $0x0  }
0x55: {  	[sflag:s16] =	ssyncadd.s32 @!p0 $0xFFFFFC00  }
0x56: {  	[bflag:$0x0] =	sbarrier.arrive $0xFFFF  }
0x57: {  	s5 =	simm.s32 $0x0;
	s11 =	rddreg [dreg:$0x4]  }
0x58: {  	[tilespmem:s5], [sflag:$0x1] =	stream.linear.gather [hbm4b:s11+s5], $0x50, $0x38;
	[tilespmem:$0x1BD80] =	vst v63  }
0x59: {  	s16 =	rddreg [dreg:$0x5]  }
0x5a: {  	[tilespmem:s31], [sflag:$0x3] =	stream.strided.gather [hbm4b:s16+s29], $0x2800, s30, s29, $0x38;
	[tilespmem:$0x1BD80] =	vst v63  }
0x5b: {  	s18 =	sadd.s32 $0xFFFFFFF6, s23  }
0x5c: {  	[tilespmem:s0], [sflag:$0x2] =	stream.linear.gather [hbm4b:s18+s3], $0x50, $0x38;
	[tilespmem:$0x1BD80] =	vst v63  }
0x5d: {  	s22 =	sadd.s32 $0x0, s24  }
0x5e: {  	[tilespmem:s1], [sflag:$0x4] =	stream.strided.gather [hbm4b:s22+s29], $0x2800, s30, s29, $0x38;
	[tilespmem:$0x1BD80] =	vst v63  }
0x5f: {  	_ =	swait.ge [sflag:s6], $0x50  }
0x60: {  	[sflag:s6] =	ssyncset.done $0x0  }
0x61: {  	[sflag:s6] =	ssyncadd.s32 $0xFFFFFFB0  }
0x62: {  	_ =	swait.ge [sflag:s7], $0x2800  }
0x63: {  	[sflag:s7] =	ssyncset.done $0x0  }
0x64: {  	[sflag:s7] =	ssyncadd.s32 $0xFFFFD800  }
0x65: {  	[spmem:s2] =	stream.indirect.scatter.add.f32 [tilespmem:s31], [sflag:$0x6], $0x80, s3, s8, $0xb8;
	[tilespmem:$0x1BD80] =	vst v63  }
0x66: {  	_ =	swait.ge [sflag:s9], $0x2800  }
0x67: {  	[sflag:s9] =	ssyncset.done $0x0  }
0x68: {  	s25 =	sshrl.u32 s17, $0x3;
	[sflag:s9] =	ssyncadd.s32 $0xFFFFD800  }
0x69: {  	[tilespmem:s3], [sflag:$0x1] =	stream.linear.gather [hbm4b:s23+s3], $0x50, $0x38;
	[tilespmem:$0x1BD80] =	vst v63  }
0x6a: {  	s16 =	sadd.s32 s4, s25  }
0x6b: {  	[tilespmem:s31], [sflag:$0x3] =	stream.strided.gather [hbm4b:s16+s29], $0x2800, s30, s29, $0x38;
	[tilespmem:$0x1BD80] =	vst v63  }
0x6c: {  	_ =	swait.ge [sflag:s10], $0x50  }
0x6d: {  	[sflag:s10] =	ssyncset.done $0x0  }
0x6e: {  	[sflag:s10] =	ssyncadd.s32 $0xFFFFFFB0  }
0x6f: {  	_ =	swait.ge [sflag:s13], $0x2800  }
0x70: {  	[sflag:s13] =	ssyncset.done $0x0  }
0x71: {  	[sflag:s13] =	ssyncadd.s32 $0xFFFFD800  }
0x72: {  	[spmem:s2] =	stream.indirect.scatter.add.f32 [tilespmem:s1], [sflag:$0x5], $0x80, s0, s8, $0xb8;
	[tilespmem:$0x1BD80] =	vst v63  }
0x73: {  	s25 =	simm.s32 $0x2800;
	s18 =	simm.s32 $0x1400;
	_ =	swait.ge [sflag:s28], $0x2800  }
0x74: {  	s22 =	smov.u32 s17;
	s16 =	sadd.s32 $0x14, s23;
	[sflag:s28] =	ssyncset.done $0x0  }
.LBB2_4:
0x75: {  	s5 =	sadd.s32 $0xFFFFFFF6, s16  }
0x76: {  	[sflag:s28] =	ssyncadd.s32 $0xFFFFD800;
	s22 =	sadd.s32 $0xA000, s22;
	s11 =	smov.u32 s25  }
0x77: {  	[tilespmem:s0], [sflag:$0x2] =	stream.linear.gather [hbm4b:s5+s3], $0x50, $0x38;
	[tilespmem:$0x1BD80] =	vst v63  }
0x78: {  	p1 =	sne.s32 s25, $0x4C400;
	s25 =	sadd.s32 $0x1400, s25;
	s5 =	sadd.s32 s18, s24  }
0x79: {  	[tilespmem:s1], [sflag:$0x4] =	stream.strided.gather [hbm4b:s5+s29], $0x2800, s30, s29, $0x38;
	[tilespmem:$0x1BD80] =	vst v63  }
0x7a: {  	s18 =	smov.u32 s11;
	_ =	swait.ge [sflag:s6], $0x50  }
0x7b: {  	[sflag:s6] =	ssyncset.done $0x0  }
0x7c: {  	[sflag:s6] =	ssyncadd.s32 $0xFFFFFFB0  }
0x7d: {  	_ =	swait.ge [sflag:s7], $0x2800  }
0x7e: {  	[sflag:s7] =	ssyncset.done $0x0  }
0x7f: {  	[sflag:s7] =	ssyncadd.s32 $0xFFFFD800  }
0x80: {  	[spmem:s2] =	stream.indirect.scatter.add.f32 [tilespmem:s31], [sflag:$0x6], $0x80, s3, s8, $0xb8;
	[tilespmem:$0x1BD80] =	vst v63  }
0x81: {  	_ =	swait.ge [sflag:s9], $0x2800  }
0x82: {  	[sflag:s9] =	ssyncset.done $0x0  }
0x83: {  	s5 =	sshrl.u32 s22, $0x3;
	[sflag:s9] =	ssyncadd.s32 $0xFFFFD800  }
0x84: {  	[tilespmem:s3], [sflag:$0x1] =	stream.linear.gather [hbm4b:s16+s3], $0x50, $0x38;
	[tilespmem:$0x1BD80] =	vst v63  }
0x85: {  	s5 =	sadd.s32 s4, s5  }
0x86: {  	[tilespmem:s31], [sflag:$0x3] =	stream.strided.gather [hbm4b:s5+s29], $0x2800, s30, s29, $0x38;
	[tilespmem:$0x1BD80] =	vst v63  }
0x87: {  	_ =	swait.ge [sflag:s10], $0x50  }
0x88: {  	[sflag:s10] =	ssyncset.done $0x0  }
0x89: {  	[sflag:s10] =	ssyncadd.s32 $0xFFFFFFB0  }
0x8a: {  	_ =	swait.ge [sflag:s13], $0x2800  }
.Ltmp1:
0x8b: {  	[sflag:s13] =	ssyncset.done $0x0;
	(pc) =	sbr.rel @p1 .LBB2_4-.Ltmp1, $4  }
0x8c: {  	[sflag:s13] =	ssyncadd.s32 $0xFFFFD800  }
0x8d: {  	[spmem:s2] =	stream.indirect.scatter.add.f32 [tilespmem:s1], [sflag:$0x5], $0x80, s0, s8, $0xb8;
	[tilespmem:$0x1BD80] =	vst v63  }
0x8e: {  	_ =	swait.ge [sflag:s28], $0x2800  }
0x8f: {  	s16 =	sadd.s32 $0x14, s16;
	[sflag:s28] =	ssyncset.done $0x0  }
0x90: {  	s5 =	sadd.s32 $0xFFFFFFF6, s16;
	[sflag:s28] =	ssyncadd.s32 $0xFFFFD800  }
0x91: {  	[tilespmem:s0], [sflag:$0x2] =	stream.linear.gather [hbm4b:s5+s3], $0x50, $0x38;
	[tilespmem:$0x1BD80] =	vst v63  }
0x92: {  	s25 =	sadd.s32 s18, s24  }
0x93: {  	[tilespmem:s1], [sflag:$0x4] =	stream.strided.gather [hbm4b:s25+s29], $0x2800, s30, s29, $0x38;
	[tilespmem:$0x1BD80] =	vst v63  }
0x94: {  	_ =	swait.ge [sflag:s6], $0x50  }
0x95: {  	[sflag:s6] =	ssyncset.done $0x0  }
0x96: {  	[sflag:s6] =	ssyncadd.s32 $0xFFFFFFB0  }
0x97: {  	_ =	swait.ge [sflag:s7], $0x2800  }
0x98: {  	[sflag:s7] =	ssyncset.done $0x0  }
0x99: {  	[sflag:s7] =	ssyncadd.s32 $0xFFFFD800  }
0x9a: {  	[spmem:s2] =	stream.indirect.scatter.add.f32 [tilespmem:s31], [sflag:$0x6], $0x80, s3, s8, $0xb8;
	[tilespmem:$0x1BD80] =	vst v63  }
0x9b: {  	_ =	swait.ge [sflag:s9], $0x2800  }
0x9c: {  	s11 =	sadd.s32 $0xA000, s22;
	[sflag:s9] =	ssyncset.done $0x0  }
0x9d: {  	s5 =	sshrl.u32 s11, $0x3;
	[sflag:s9] =	ssyncadd.s32 $0xFFFFD800  }
0x9e: {  	[tilespmem:s3], [sflag:$0x1] =	stream.linear.gather [hbm4b:s16+s3], $0x50, $0x38;
	[tilespmem:$0x1BD80] =	vst v63  }
0x9f: {  	s5 =	sadd.s32 s4, s5  }
0xa0: {  	[tilespmem:s31], [sflag:$0x3] =	stream.strided.gather [hbm4b:s5+s29], $0x2800, s30, s29, $0x38;
	[tilespmem:$0x1BD80] =	vst v63  }
0xa1: {  	_ =	swait.ge [sflag:s10], $0x50  }
0xa2: {  	[sflag:s10] =	ssyncset.done $0x0  }
0xa3: {  	[sflag:s10] =	ssyncadd.s32 $0xFFFFFFB0  }
0xa4: {  	_ =	swait.ge [sflag:s13], $0x2800  }
0xa5: {  	[sflag:s13] =	ssyncset.done $0x0  }
0xa6: {  	[sflag:s13] =	ssyncadd.s32 $0xFFFFD800  }
0xa7: {  	[spmem:s2] =	stream.indirect.scatter.add.f32 [tilespmem:s1], [sflag:$0x5], $0x80, s0, s8, $0xb8;
	[tilespmem:$0x1BD80] =	vst v63  }
0xa8: {  	_ =	swait.ge [sflag:s28], $0x2800  }
0xa9: {  	[sflag:s28] =	ssyncset.done $0x0  }
0xaa: {  	[sflag:s28] =	ssyncadd.s32 $0xFFFFD800  }
0xab: {  	_ =	swait.ge [sflag:s6], $0x50  }
0xac: {  	[sflag:s6] =	ssyncset.done $0x0  }
0xad: {  	[sflag:s6] =	ssyncadd.s32 $0xFFFFFFB0  }
0xae: {  	_ =	swait.ge [sflag:s7], $0x2800  }
0xaf: {  	[sflag:s7] =	ssyncset.done $0x0  }
0xb0: {  	[sflag:s7] =	ssyncadd.s32 $0xFFFFD800  }
0xb1: {  	[spmem:s2] =	stream.indirect.scatter.add.f32 [tilespmem:s31], [sflag:$0x6], $0x80, s3, s8, $0xb8;
	[tilespmem:$0x1BD80] =	vst v63  }
0xb2: {  	_ =	swait.ge [sflag:s9], $0x2800  }
0xb3: {  	[sflag:s9] =	ssyncset.done $0x0  }
0xb4: {  	s18 =	stileid.u32;
	[sflag:s9] =	ssyncadd.s32 $0xFFFFD800  }
0xb5: {  	s5 =	sshll.u32 s18, $0x6;
	[bflag:$0x0] =	sbarrier.arrive $0xFFFF  }
0xb6: {  	s11 =	sshrl.u32 s12, $0x3;
	s5 =	sor.u32 $0x1C05, s5;
	s22 =	rddreg [dreg:$0xa]  }
0xb7: {  	[hbm:s22@s31], [sflag:s5] =	dma.strided [spmem:s11@s0], $0x680, s14, $0x10   }
0xb8: {  	_ =	swait.ge [sflag:s28], $0x680  }
0xb9: {  	s25 =	smov.u32 s12;
	[sflag:s28] =	ssyncset.done $0x0;
	s12 =	rddreg [dreg:$0x8]  }
0xba: {  	s16 =	rddreg [dreg:$0xb];
	[sflag:s28] =	ssyncadd.s32 $0xFFFFF980;
	s11 =	sshrl.u32 s12, $0x3  }
0xbb: {  	[hbm:s16@s31], [sflag:s5] =	dma.strided [spmem:s11@s0], $0x680, s14, $0x10   }
0xbc: {  	_ =	swait.ge [sflag:s28], $0x680  }
0xbd: {  	[sflag:s28] =	ssyncset.done $0x0;
	s18 =	rddreg [dreg:$0x9]  }
0xbe: {  	s22 =	rddreg [dreg:$0xc];
	[sflag:s28] =	ssyncadd.s32 $0xFFFFF980;
	s11 =	sshrl.u32 s18, $0x3  }
0xbf: {  	[hbm:s22@s31], [sflag:s5] =	dma.strided [spmem:s11@s0], $0x680, s14, $0x10   }
0xc0: {  	_ =	swait.ge [sflag:s28], $0x680  }
0xc1: {  	[sflag:s28] =	ssyncset.done $0x0  }
0xc2: {  	s12 =	sshrl.u32 s19, $0x3;
	s16 =	rddreg [dreg:$0xd];
	[sflag:s28] =	ssyncadd.s32 $0xFFFFF980  }
0xc3: {  	[hbm:s16@s31], [sflag:s5] =	dma.strided [spmem:s12@s0], $0x680, s14, $0x10   }
0xc4: {  	_ =	swait.ge [sflag:s28], $0x680  }
0xc5: {  	[sflag:s28] =	ssyncset.done $0x0  }
0xc6: {  	s18 =	sshrl.u32 s20, $0x3;
	s22 =	rddreg [dreg:$0xe];
	[sflag:s28] =	ssyncadd.s32 $0xFFFFF980  }
0xc7: {  	[hbm:s22@s31], [sflag:s5] =	dma.strided [spmem:s18@s0], $0x680, s14, $0x10   }
0xc8: {  	_ =	swait.ge [sflag:s28], $0x680  }
0xc9: {  	[sflag:s28] =	ssyncset.done $0x0  }
0xca: {  	s16 =	sshrl.u32 s21, $0x3;
	s18 =	rddreg [dreg:$0xf];
	[sflag:s28] =	ssyncadd.s32 $0xFFFFF980  }
0xcb: {  	[hbm:s18@s31], [sflag:s5] =	dma.strided [spmem:s16@s0], $0x680, s14, $0x10   }
0xcc: {  	_ =	swait.ge [sflag:s28], $0x680  }
0xcd: {  	[sflag:s28] =	ssyncset.done $0x0;
	s11 =	rddreg [dreg:$0x6]  }
0xce: {  	s12 =	rddreg [dreg:$0x10];
	[sflag:s28] =	ssyncadd.s32 $0xFFFFF980  }
0xcf: {  	[hbm:s11], [sflag:s5] =	dma.local @!p0 [spmem:s12], $0x80  }
0xd0: {  	s5 =	simm.s32 @!p0 $0x5  }
0xd1: {  	_ =	swait.ge @!p0 [sflag:s5], $0x80  }
0xd2: {  	s15 =	sadd.s32 $0x1, s15;
	s22 =	rddreg [dreg:$0x7]  }
0xd3: {  	p1 =	sne.s32 s15, s22  }
.Ltmp2:
0xd4: {  	_ = 	snop;
	(pc) =	sbr.rel @p1 .LBB2_1-.Ltmp2, $3  }
0xd5: {  	_ =	sdelay $0x1  }
0xd6: {  	[sflag:s5] =	ssyncset.done @!p0 $0x0  }
0xd7: {  	[sflag:s5] =	ssyncadd.s32 @!p0 $0xFFFFFF80  }
0xd8: {  	_ =	sfence.sel $0x180000  }
0xd9: {  	[bflag:$0x0] =	sbarrier.arrive $0xFFFF  }
0xda: {  	_ =	strace $0x90000056  }
0xdb: {  	s0 =	stileid.u32;
	[bflag:$0x2] =	sbarrier.arrive $0xFFFF  }
0xdc: {  	p0 =	sne.s32 s0, $0x0;
	s0 =	rddreg [dreg:$0x2]  }
0xdd: {  	s0 =	sadd.s32 @!p0 $0x100000, s0  }
0xde: {  	[sflag:s0] =	ssyncadd.tile.s32 @!p0 $0x1;
	_ =	shalt  }
.Lfunc_end2:
_tile_overlayer_lowered:
.L_overlay_start_2:
0xdf: {  	(tag) =	ssettag $0x2  }
0xe0: {  	s0 =	rddreg [dreg:$0x0];
	s2 =	stileid.u32  }
0xe1: {  	s1 =	rddreg [dreg:$0x1];
	p0 =	sne.s32 s2, $0x0  }
0xe2: {  	s3 =	rddreg [dreg:$0x2];
	[bflag:$0x3] =	sbarrier.arrive $0xFFFF;
	s2 =	simm.s32 @!p0 $0x1C05  }
0xe3: {  	[timem:s3], [sflag:s2] =	dma.local @!p0 [hbm:s0], s1  }
0xe4: {  	s0 =	simm.s32 @!p0 $0x5  }
0xe5: {  	_ =	swait.ge @!p0 [sflag:s0], s1  }
0xe6: {  	s1 =	ssub.s32 @!p0 $0x0, s1;
	[sflag:s0] =	ssyncset.done @!p0 $0x0  }
0xe7: {  	[sflag:s0] =	ssyncadd.s32 @!p0 s1  }
0xe8: {  	[bflag:$0x3] =	sbarrier.arrive $0xFFFF  }
0xe9: {  	_ =	shalt  }

</sc_bundles>
